<compile_context>
chip_gen: v7x
topology: tpu7x:2x2x1
jax: 0.10.2.dev20260603
libtpu: 0.0.44.dev20260713+nightly
codegen_flags: <defaults>
</compile_context>

<pallas_src>
import functools

import jax
import jax.numpy as jnp
from jax import lax
from jax.experimental import pallas as pl
from jax.experimental.pallas import tpu as pltpu
from jax.experimental.pallas import tpu_sc as plsc

B = 16384
D = 64
NC = 2
NS = 16
NW = NC * NS
BPW = B // NW
IDXW = 128
PASSW = 16
NPASS = BPW // PASSW
NTILE = 1000000 // 8
LANES = 16

_mesh = plsc.VectorSubcoreMesh(core_axis_name="c", subcore_axis_name="s")


@functools.partial(
    pl.kernel,
    mesh=_mesh,
    out_type=jax.ShapeDtypeStruct((B, D), jnp.float32),
    scratch_types=[
        pltpu.VMEM((BPW // IDXW, IDXW), jnp.int32),
        pltpu.VMEM((PASSW, 8, D), jnp.float32),
        pltpu.VMEM((PASSW, 8, D), jnp.float32),
        pltpu.VMEM((BPW, D), jnp.float32),
        pltpu.SemaphoreType.DMA,
        pltpu.SemaphoreType.DMA,
        pltpu.SemaphoreType.DMA,
    ],
)
def _embed_add(ctx_hbm, labels_hbm, table_hbm, out_hbm, lab_v, gat_a, gat_b,
               ctx_v, sem_a, sem_b, csem):
    wid = lax.axis_index("s") * NC + lax.axis_index("c")
    base = wid * BPW

    pltpu.sync_copy(labels_hbm.at[wid], lab_v)
    ctx_cp = pltpu.async_copy(ctx_hbm.at[pl.ds(base, BPW)], ctx_v, csem)

    def lab16_of(p):
        return lab_v[p // 8, pl.ds((p % 8) * PASSW, LANES)]

    def fire(p, buf, sem):
        lab16 = lab16_of(p)
        for i in range(LANES):
            pltpu.make_async_copy(
                table_hbm.at[lab16[i] >> 3], buf.at[i], sem
            ).start()

    def extract(p, buf, sem):
        pltpu.make_async_copy(table_hbm.at[pl.ds(0, PASSW)], buf, sem).wait()
        lab16 = lab16_of(p)
        for i in range(LANES):
            s = lab16[i] & 7
            r = p * PASSW + i
            for c in range(D // LANES):
                sl = pl.ds(c * LANES, LANES)
                plsc.addupdate(ctx_v.at[r, sl], buf[i, s, sl])

    fire(0, gat_a, sem_a)
    ctx_cp.wait()

    def body(k, carry):
        p0 = 2 * k
        fire(p0 + 1, gat_b, sem_b)
        extract(p0, gat_a, sem_a)

        @pl.when(p0 + 2 < NPASS)
        def _():
            fire(p0 + 2, gat_a, sem_a)

        extract(p0 + 1, gat_b, sem_b)
        return carry

    lax.fori_loop(0, NPASS // 2, body, 0)

    pltpu.sync_copy(ctx_v, out_hbm.at[pl.ds(base, BPW)])


def kernel(ctx_vec, labels, emb_weight):
    labels_r = labels.astype(jnp.int32).reshape(NW, BPW // IDXW, IDXW)
    table_t = emb_weight.reshape(NTILE, 8, D)
    return _embed_add(ctx_vec, labels_r, table_t)

# --- scband reference (transcript-rebuilt; emitter-appended) ---
"""Pipeline reference for scband-class-embedder-2336462209031 (READ-ONLY COPY).

The authoritative reference and input builder live on the scoring server;
editing this copy changes nothing except your own understanding.
"""

import jax, jax.numpy as jnp
import numpy as np

NUM_CLASSES = 1000000
D_CTX = 64
BATCH = 16384

def setup_inputs(seed: int = 0) -> dict:
    key = jax.random.key(seed)
    k1, k2, k3 = jax.random.split(key, 3)
    ctx_vec = jax.random.normal(k1, (BATCH, D_CTX), dtype=jnp.float32)
    labels = jax.random.randint(k2, (BATCH,), 0, NUM_CLASSES, dtype=jnp.int64 if jax.config.read('jax_enable_x64') else jnp.int32)
    emb_weight = jax.random.normal(k3, (NUM_CLASSES, D_CTX), dtype=jnp.float32) * 0.02
    return {"ctx_vec": ctx_vec, "labels": labels, "emb_weight": emb_weight}

def reference(ctx_vec, labels, emb_weight):
    # eval mode: p_drop not applied (self.training == False)
    # ctx_vec is 2D -> cls = emb(labels), shape [B, d_ctx]
    cls = jnp.take(emb_weight, labels, axis=0)
    return ctx_vec + cls

if __name__ == "__main__":
    import jax
    _d = setup_inputs()
    print(jax.jit(kernel)(*tuple(_d.values())))

</pallas_src>

<mosaic_0001>
#map = affine_map<(d0, d1) -> (0, 0)>
#map1 = affine_map<(d0, d1) -> (0, 0, 0)>
module attributes {stable_mosaic.version = 14 : i64} {
  func.func @_embed_add(%arg0: i32, %arg1: i32, %arg2: memref<16384x64xf32, #tpu.memory_space<hbm>>, %arg3: memref<32x4x128xi32, #tpu.memory_space<hbm>>, %arg4: memref<125000x8x64xf32, #tpu.memory_space<hbm>>, %arg5: memref<16384x64xf32, #tpu.memory_space<hbm>>, %arg6: memref<4x128xi32, #tpu.memory_space<vmem>>, %arg7: memref<16x8x64xf32, #tpu.memory_space<vmem>>, %arg8: memref<16x8x64xf32, #tpu.memory_space<vmem>>, %arg9: memref<512x64xf32, #tpu.memory_space<vmem>>, %arg10: memref<!tpu.dma_semaphore, #tpu.memory_space<semaphore_mem>>, %arg11: memref<!tpu.dma_semaphore, #tpu.memory_space<semaphore_mem>>, %arg12: memref<!tpu.dma_semaphore, #tpu.memory_space<semaphore_mem>>) attributes {dimension_semantics = [#tpu.dimension_semantics<core_parallel>, #tpu.dimension_semantics<subcore_parallel>], iteration_bounds = array<i64: 2, 16>, scalar_prefetch = 0 : i64, scratch_operands = 7 : i64, tpu.core_type = #tpu.core_type<sc_vector_subcore>, window_params = [{transform_indices = #map}, {transform_indices = #map1}, {transform_indices = #map1}, {transform_indices = #map}]} {
    %mul3A = arith.constant 2 : i32
    %mul3A_0 = arith.muli %arg1, %mul3A : i32
    %add3A = arith.addi %mul3A_0, %arg0 : i32
    %mul3A_1 = arith.constant 512 : i32
    %mul3A_2 = arith.muli %add3A, %mul3A_1 : i32
    "tpu.region"() ({
      %run_scoped3A = tpu.sem_alloc : memref<!tpu.dma_semaphore, #tpu.memory_space<semaphore_mem>>
      %dma_start3A_351 = arith.constant 0 : i32
      %dma_start3A_352 = arith.constant 0 : i32
      %dma_start3A_353 = tpu.memref_slice %arg3[%add3A, %dma_start3A_351, %dma_start3A_352] : memref<32x4x128xi32, #tpu.memory_space<hbm>> -> memref<1x4x128xi32, #tpu.memory_space<hbm>>
      %dma_start3A_354 = tpu.memref_squeeze %dma_start3A_353 : memref<1x4x128xi32, #tpu.memory_space<hbm>> -> memref<4x128xi32, #tpu.memory_space<hbm>>
      %dma_start3A_355 = arith.constant 0 : i32
      %dma_start3A_356 = arith.constant 0 : i32
      %dma_start3A_357 = tpu.memref_slice %arg3[%add3A, %dma_start3A_355, %dma_start3A_356] : memref<32x4x128xi32, #tpu.memory_space<hbm>> -> memref<1x4x128xi32, #tpu.memory_space<hbm>>
      %dma_start3A_358 = tpu.memref_squeeze %dma_start3A_357 : memref<1x4x128xi32, #tpu.memory_space<hbm>> -> memref<4x128xi32, #tpu.memory_space<hbm>>
      tpu.enqueue_dma source(%dma_start3A_358 : memref<4x128xi32, #tpu.memory_space<hbm>>) target(%arg6 : memref<4x128xi32, #tpu.memory_space<vmem>>) target_semaphore(%run_scoped3A : memref<!tpu.dma_semaphore, #tpu.memory_space<semaphore_mem>>)
      %dma_wait3A_359 = arith.constant 0 : i32
      %dma_wait3A_360 = arith.constant 0 : i32
      %dma_wait3A_361 = tpu.memref_slice %arg3[%add3A, %dma_wait3A_359, %dma_wait3A_360] : memref<32x4x128xi32, #tpu.memory_space<hbm>> -> memref<1x4x128xi32, #tpu.memory_space<hbm>>
      %dma_wait3A_362 = tpu.memref_squeeze %dma_wait3A_361 : memref<1x4x128xi32, #tpu.memory_space<hbm>> -> memref<4x128xi32, #tpu.memory_space<hbm>>
      %dma_wait3A_363 = arith.constant 0 : i32
      %dma_wait3A_364 = arith.constant 0 : i32
      %dma_wait3A_365 = tpu.memref_slice %arg3[%add3A, %dma_wait3A_363, %dma_wait3A_364] : memref<32x4x128xi32, #tpu.memory_space<hbm>> -> memref<1x4x128xi32, #tpu.memory_space<hbm>>
      %dma_wait3A_366 = tpu.memref_squeeze %dma_wait3A_365 : memref<1x4x128xi32, #tpu.memory_space<hbm>> -> memref<4x128xi32, #tpu.memory_space<hbm>>
      tpu.wait_dma2 semaphore(%run_scoped3A : memref<!tpu.dma_semaphore, #tpu.memory_space<semaphore_mem>>) src(%dma_wait3A_366 : memref<4x128xi32, #tpu.memory_space<hbm>>) dst(%arg6 : memref<4x128xi32, #tpu.memory_space<vmem>>)
      tpu.yield
    }) : () -> ()
    %dma_start3A = arith.constant 0 : i32
    %dma_start3A_3 = tpu.memref_slice %arg2[%mul3A_2, %dma_start3A] : memref<16384x64xf32, #tpu.memory_space<hbm>> -> memref<512x64xf32, #tpu.memory_space<hbm>>
    %dma_start3A_4 = arith.constant 0 : i32
    %dma_start3A_5 = tpu.memref_slice %arg2[%mul3A_2, %dma_start3A_4] : memref<16384x64xf32, #tpu.memory_space<hbm>> -> memref<512x64xf32, #tpu.memory_space<hbm>>
    tpu.enqueue_dma source(%dma_start3A_5 : memref<512x64xf32, #tpu.memory_space<hbm>>) target(%arg9 : memref<512x64xf32, #tpu.memory_space<vmem>>) target_semaphore(%arg12 : memref<!tpu.dma_semaphore, #tpu.memory_space<semaphore_mem>>)
    %get3A = arith.constant 0 : i32
    %get3A_6 = arith.index_cast %get3A : i32 to index
    %get3A_7 = arith.constant 0 : index
    %get3A_8 = tpu.vector_load %arg6[%get3A_6, %get3A_7] {strides = array<i32>} : memref<4x128xi32, #tpu.memory_space<vmem>>, vector<1x16xi32>,
    %get3A_9 = vector.shape_cast %get3A_8 : vector<1x16xi32> to vector<16xi32>
    %slice3A = vector.extract_strided_slice %get3A_9 {offsets = [0], sizes = [1], strides = [1]} : vector<16xi32> to vector<1xi32>
    %squeeze3A = vector.extract %slice3A[0] : i32 from vector<1xi32>
    %shift_right_arithmetic3A = arith.constant 3 : i32
    %shift_right_arithmetic3A_10 = arith.shrsi %squeeze3A, %shift_right_arithmetic3A : i32
    %dma_start3A_11 = arith.constant 0 : i32
    %dma_start3A_12 = arith.constant 0 : i32
    %dma_start3A_13 = arith.constant 0 : i32
    %dma_start3A_14 = tpu.memref_slice %arg7[%dma_start3A_11, %dma_start3A_12, %dma_start3A_13] : memref<16x8x64xf32, #tpu.memory_space<vmem>> -> memref<1x8x64xf32, #tpu.memory_space<vmem>>
    %dma_start3A_15 = tpu.memref_squeeze %dma_start3A_14 : memref<1x8x64xf32, #tpu.memory_space<vmem>> -> memref<8x64xf32, #tpu.memory_space<vmem>>
    %dma_start3A_16 = arith.constant 0 : i32
    %dma_start3A_17 = arith.constant 0 : i32
    %dma_start3A_18 = tpu.memref_slice %arg4[%shift_right_arithmetic3A_10, %dma_start3A_16, %dma_start3A_17] : memref<125000x8x64xf32, #tpu.memory_space<hbm>> -> memref<1x8x64xf32, #tpu.memory_space<hbm>>
    %dma_start3A_19 = tpu.memref_squeeze %dma_start3A_18 : memref<1x8x64xf32, #tpu.memory_space<hbm>> -> memref<8x64xf32, #tpu.memory_space<hbm>>
    %dma_start3A_20 = arith.constant 0 : i32
    %dma_start3A_21 = arith.constant 0 : i32
    %dma_start3A_22 = tpu.memref_slice %arg7[%dma_start3A_11, %dma_start3A_20, %dma_start3A_21] : memref<16x8x64xf32, #tpu.memory_space<vmem>> -> memref<1x8x64xf32, #tpu.memory_space<vmem>>
    %dma_start3A_23 = tpu.memref_squeeze %dma_start3A_22 : memref<1x8x64xf32, #tpu.memory_space<vmem>> -> memref<8x64xf32, #tpu.memory_space<vmem>>
    %dma_start3A_24 = arith.constant 0 : i32
    %dma_start3A_25 = arith.constant 0 : i32
    %dma_start3A_26 = tpu.memref_slice %arg4[%shift_right_arithmetic3A_10, %dma_start3A_24, %dma_start3A_25] : memref<125000x8x64xf32, #tpu.memory_space<hbm>> -> memref<1x8x64xf32, #tpu.memory_space<hbm>>
    %dma_start3A_27 = tpu.memref_squeeze %dma_start3A_26 : memref<1x8x64xf32, #tpu.memory_space<hbm>> -> memref<8x64xf32, #tpu.memory_space<hbm>>
    tpu.enqueue_dma source(%dma_start3A_27 : memref<8x64xf32, #tpu.memory_space<hbm>>) target(%dma_start3A_23 : memref<8x64xf32, #tpu.memory_space<vmem>>) target_semaphore(%arg10 : memref<!tpu.dma_semaphore, #tpu.memory_space<semaphore_mem>>)
    %slice3A_28 = vector.extract_strided_slice %get3A_9 {offsets = [1], sizes = [1], strides = [1]} : vector<16xi32> to vector<1xi32>
    %squeeze3A_29 = vector.extract %slice3A_28[0] : i32 from vector<1xi32>
    %shift_right_arithmetic3A_30 = arith.constant 3 : i32
    %shift_right_arithmetic3A_31 = arith.shrsi %squeeze3A_29, %shift_right_arithmetic3A_30 : i32
    %dma_start3A_32 = arith.constant 1 : i32
    %dma_start3A_33 = arith.constant 0 : i32
    %dma_start3A_34 = arith.constant 0 : i32
    %dma_start3A_35 = tpu.memref_slice %arg7[%dma_start3A_32, %dma_start3A_33, %dma_start3A_34] : memref<16x8x64xf32, #tpu.memory_space<vmem>> -> memref<1x8x64xf32, #tpu.memory_space<vmem>>
    %dma_start3A_36 = tpu.memref_squeeze %dma_start3A_35 : memref<1x8x64xf32, #tpu.memory_space<vmem>> -> memref<8x64xf32, #tpu.memory_space<vmem>>
    %dma_start3A_37 = arith.constant 0 : i32
    %dma_start3A_38 = arith.constant 0 : i32
    %dma_start3A_39 = tpu.memref_slice %arg4[%shift_right_arithmetic3A_31, %dma_start3A_37, %dma_start3A_38] : memref<125000x8x64xf32, #tpu.memory_space<hbm>> -> memref<1x8x64xf32, #tpu.memory_space<hbm>>
    %dma_start3A_40 = tpu.memref_squeeze %dma_start3A_39 : memref<1x8x64xf32, #tpu.memory_space<hbm>> -> memref<8x64xf32, #tpu.memory_space<hbm>>
    %dma_start3A_41 = arith.constant 0 : i32
    %dma_start3A_42 = arith.constant 0 : i32
    %dma_start3A_43 = tpu.memref_slice %arg7[%dma_start3A_32, %dma_start3A_41, %dma_start3A_42] : memref<16x8x64xf32, #tpu.memory_space<vmem>> -> memref<1x8x64xf32, #tpu.memory_space<vmem>>
    %dma_start3A_44 = tpu.memref_squeeze %dma_start3A_43 : memref<1x8x64xf32, #tpu.memory_space<vmem>> -> memref<8x64xf32, #tpu.memory_space<vmem>>
    %dma_start3A_45 = arith.constant 0 : i32
    %dma_start3A_46 = arith.constant 0 : i32
    %dma_start3A_47 = tpu.memref_slice %arg4[%shift_right_arithmetic3A_31, %dma_start3A_45, %dma_start3A_46] : memref<125000x8x64xf32, #tpu.memory_space<hbm>> -> memref<1x8x64xf32, #tpu.memory_space<hbm>>
    %dma_start3A_48 = tpu.memref_squeeze %dma_start3A_47 : memref<1x8x64xf32, #tpu.memory_space<hbm>> -> memref<8x64xf32, #tpu.memory_space<hbm>>
    tpu.enqueue_dma source(%dma_start3A_48 : memref<8x64xf32, #tpu.memory_space<hbm>>) target(%dma_start3A_44 : memref<8x64xf32, #tpu.memory_space<vmem>>) target_semaphore(%arg10 : memref<!tpu.dma_semaphore, #tpu.memory_space<semaphore_mem>>)
    %slice3A_49 = vector.extract_strided_slice %get3A_9 {offsets = [2], sizes = [1], strides = [1]} : vector<16xi32> to vector<1xi32>
    %squeeze3A_50 = vector.extract %slice3A_49[0] : i32 from vector<1xi32>
    %shift_right_arithmetic3A_51 = arith.constant 3 : i32
    %shift_right_arithmetic3A_52 = arith.shrsi %squeeze3A_50, %shift_right_arithmetic3A_51 : i32
    %dma_start3A_53 = arith.constant 2 : i32
    %dma_start3A_54 = arith.constant 0 : i32
    %dma_start3A_55 = arith.constant 0 : i32
    %dma_start3A_56 = tpu.memref_slice %arg7[%dma_start3A_53, %dma_start3A_54, %dma_start3A_55] : memref<16x8x64xf32, #tpu.memory_space<vmem>> -> memref<1x8x64xf32, #tpu.memory_space<vmem>>
    %dma_start3A_57 = tpu.memref_squeeze %dma_start3A_56 : memref<1x8x64xf32, #tpu.memory_space<vmem>> -> memref<8x64xf32, #tpu.memory_space<vmem>>
    %dma_start3A_58 = arith.constant 0 : i32
    %dma_start3A_59 = arith.constant 0 : i32
    %dma_start3A_60 = tpu.memref_slice %arg4[%shift_right_arithmetic3A_52, %dma_start3A_58, %dma_start3A_59] : memref<125000x8x64xf32, #tpu.memory_space<hbm>> -> memref<1x8x64xf32, #tpu.memory_space<hbm>>
    %dma_start3A_61 = tpu.memref_squeeze %dma_start3A_60 : memref<1x8x64xf32, #tpu.memory_space<hbm>> -> memref<8x64xf32, #tpu.memory_space<hbm>>
    %dma_start3A_62 = arith.constant 0 : i32
    %dma_start3A_63 = arith.constant 0 : i32
    %dma_start3A_64 = tpu.memref_slice %arg7[%dma_start3A_53, %dma_start3A_62, %dma_start3A_63] : memref<16x8x64xf32, #tpu.memory_space<vmem>> -> memref<1x8x64xf32, #tpu.memory_space<vmem>>
    %dma_start3A_65 = tpu.memref_squeeze %dma_start3A_64 : memref<1x8x64xf32, #tpu.memory_space<vmem>> -> memref<8x64xf32, #tpu.memory_space<vmem>>
    %dma_start3A_66 = arith.constant 0 : i32
    %dma_start3A_67 = arith.constant 0 : i32
    %dma_start3A_68 = tpu.memref_slice %arg4[%shift_right_arithmetic3A_52, %dma_start3A_66, %dma_start3A_67] : memref<125000x8x64xf32, #tpu.memory_space<hbm>> -> memref<1x8x64xf32, #tpu.memory_space<hbm>>
    %dma_start3A_69 = tpu.memref_squeeze %dma_start3A_68 : memref<1x8x64xf32, #tpu.memory_space<hbm>> -> memref<8x64xf32, #tpu.memory_space<hbm>>
    tpu.enqueue_dma source(%dma_start3A_69 : memref<8x64xf32, #tpu.memory_space<hbm>>) target(%dma_start3A_65 : memref<8x64xf32, #tpu.memory_space<vmem>>) target_semaphore(%arg10 : memref<!tpu.dma_semaphore, #tpu.memory_space<semaphore_mem>>)
    %slice3A_70 = vector.extract_strided_slice %get3A_9 {offsets = [3], sizes = [1], strides = [1]} : vector<16xi32> to vector<1xi32>
    %squeeze3A_71 = vector.extract %slice3A_70[0] : i32 from vector<1xi32>
    %shift_right_arithmetic3A_72 = arith.constant 3 : i32
    %shift_right_arithmetic3A_73 = arith.shrsi %squeeze3A_71, %shift_right_arithmetic3A_72 : i32
    %dma_start3A_74 = arith.constant 3 : i32
    %dma_start3A_75 = arith.constant 0 : i32
    %dma_start3A_76 = arith.constant 0 : i32
    %dma_start3A_77 = tpu.memref_slice %arg7[%dma_start3A_74, %dma_start3A_75, %dma_start3A_76] : memref<16x8x64xf32, #tpu.memory_space<vmem>> -> memref<1x8x64xf32, #tpu.memory_space<vmem>>
    %dma_start3A_78 = tpu.memref_squeeze %dma_start3A_77 : memref<1x8x64xf32, #tpu.memory_space<vmem>> -> memref<8x64xf32, #tpu.memory_space<vmem>>
    %dma_start3A_79 = arith.constant 0 : i32
    %dma_start3A_80 = arith.constant 0 : i32
    %dma_start3A_81 = tpu.memref_slice %arg4[%shift_right_arithmetic3A_73, %dma_start3A_79, %dma_start3A_80] : memref<125000x8x64xf32, #tpu.memory_space<hbm>> -> memref<1x8x64xf32, #tpu.memory_space<hbm>>
    %dma_start3A_82 = tpu.memref_squeeze %dma_start3A_81 : memref<1x8x64xf32, #tpu.memory_space<hbm>> -> memref<8x64xf32, #tpu.memory_space<hbm>>
    %dma_start3A_83 = arith.constant 0 : i32
    %dma_start3A_84 = arith.constant 0 : i32
    %dma_start3A_85 = tpu.memref_slice %arg7[%dma_start3A_74, %dma_start3A_83, %dma_start3A_84] : memref<16x8x64xf32, #tpu.memory_space<vmem>> -> memref<1x8x64xf32, #tpu.memory_space<vmem>>
    %dma_start3A_86 = tpu.memref_squeeze %dma_start3A_85 : memref<1x8x64xf32, #tpu.memory_space<vmem>> -> memref<8x64xf32, #tpu.memory_space<vmem>>
    %dma_start3A_87 = arith.constant 0 : i32
    %dma_start3A_88 = arith.constant 0 : i32
    %dma_start3A_89 = tpu.memref_slice %arg4[%shift_right_arithmetic3A_73, %dma_start3A_87, %dma_start3A_88] : memref<125000x8x64xf32, #tpu.memory_space<hbm>> -> memref<1x8x64xf32, #tpu.memory_space<hbm>>
    %dma_start3A_90 = tpu.memref_squeeze %dma_start3A_89 : memref<1x8x64xf32, #tpu.memory_space<hbm>> -> memref<8x64xf32, #tpu.memory_space<hbm>>
    tpu.enqueue_dma source(%dma_start3A_90 : memref<8x64xf32, #tpu.memory_space<hbm>>) target(%dma_start3A_86 : memref<8x64xf32, #tpu.memory_space<vmem>>) target_semaphore(%arg10 : memref<!tpu.dma_semaphore, #tpu.memory_space<semaphore_mem>>)
    %slice3A_91 = vector.extract_strided_slice %get3A_9 {offsets = [4], sizes = [1], strides = [1]} : vector<16xi32> to vector<1xi32>
    %squeeze3A_92 = vector.extract %slice3A_91[0] : i32 from vector<1xi32>
    %shift_right_arithmetic3A_93 = arith.constant 3 : i32
    %shift_right_arithmetic3A_94 = arith.shrsi %squeeze3A_92, %shift_right_arithmetic3A_93 : i32
    %dma_start3A_95 = arith.constant 4 : i32
    %dma_start3A_96 = arith.constant 0 : i32
    %dma_start3A_97 = arith.constant 0 : i32
    %dma_start3A_98 = tpu.memref_slice %arg7[%dma_start3A_95, %dma_start3A_96, %dma_start3A_97] : memref<16x8x64xf32, #tpu.memory_space<vmem>> -> memref<1x8x64xf32, #tpu.memory_space<vmem>>
    %dma_start3A_99 = tpu.memref_squeeze %dma_start3A_98 : memref<1x8x64xf32, #tpu.memory_space<vmem>> -> memref<8x64xf32, #tpu.memory_space<vmem>>
    %dma_start3A_100 = arith.constant 0 : i32
    %dma_start3A_101 = arith.constant 0 : i32
    %dma_start3A_102 = tpu.memref_slice %arg4[%shift_right_arithmetic3A_94, %dma_start3A_100, %dma_start3A_101] : memref<125000x8x64xf32, #tpu.memory_space<hbm>> -> memref<1x8x64xf32, #tpu.memory_space<hbm>>
    %dma_start3A_103 = tpu.memref_squeeze %dma_start3A_102 : memref<1x8x64xf32, #tpu.memory_space<hbm>> -> memref<8x64xf32, #tpu.memory_space<hbm>>
    %dma_start3A_104 = arith.constant 0 : i32
    %dma_start3A_105 = arith.constant 0 : i32
    %dma_start3A_106 = tpu.memref_slice %arg7[%dma_start3A_95, %dma_start3A_104, %dma_start3A_105] : memref<16x8x64xf32, #tpu.memory_space<vmem>> -> memref<1x8x64xf32, #tpu.memory_space<vmem>>
    %dma_start3A_107 = tpu.memref_squeeze %dma_start3A_106 : memref<1x8x64xf32, #tpu.memory_space<vmem>> -> memref<8x64xf32, #tpu.memory_space<vmem>>
    %dma_start3A_108 = arith.constant 0 : i32
    %dma_start3A_109 = arith.constant 0 : i32
    %dma_start3A_110 = tpu.memref_slice %arg4[%shift_right_arithmetic3A_94, %dma_start3A_108, %dma_start3A_109] : memref<125000x8x64xf32, #tpu.memory_space<hbm>> -> memref<1x8x64xf32, #tpu.memory_space<hbm>>
    %dma_start3A_111 = tpu.memref_squeeze %dma_start3A_110 : memref<1x8x64xf32, #tpu.memory_space<hbm>> -> memref<8x64xf32, #tpu.memory_space<hbm>>
    tpu.enqueue_dma source(%dma_start3A_111 : memref<8x64xf32, #tpu.memory_space<hbm>>) target(%dma_start3A_107 : memref<8x64xf32, #tpu.memory_space<vmem>>) target_semaphore(%arg10 : memref<!tpu.dma_semaphore, #tpu.memory_space<semaphore_mem>>)
    %slice3A_112 = vector.extract_strided_slice %get3A_9 {offsets = [5], sizes = [1], strides = [1]} : vector<16xi32> to vector<1xi32>
    %squeeze3A_113 = vector.extract %slice3A_112[0] : i32 from vector<1xi32>
    %shift_right_arithmetic3A_114 = arith.constant 3 : i32
    %shift_right_arithmetic3A_115 = arith.shrsi %squeeze3A_113, %shift_right_arithmetic3A_114 : i32
    %dma_start3A_116 = arith.constant 5 : i32
    %dma_start3A_117 = arith.constant 0 : i32
    %dma_start3A_118 = arith.constant 0 : i32
    %dma_start3A_119 = tpu.memref_slice %arg7[%dma_start3A_116, %dma_start3A_117, %dma_start3A_118] : memref<16x8x64xf32, #tpu.memory_space<vmem>> -> memref<1x8x64xf32, #tpu.memory_space<vmem>>
    %dma_start3A_120 = tpu.memref_squeeze %dma_start3A_119 : memref<1x8x64xf32, #tpu.memory_space<vmem>> -> memref<8x64xf32, #tpu.memory_space<vmem>>
    %dma_start3A_121 = arith.constant 0 : i32
    %dma_start3A_122 = arith.constant 0 : i32
    %dma_start3A_123 = tpu.memref_slice %arg4[%shift_right_arithmetic3A_115, %dma_start3A_121, %dma_start3A_122] : memref<125000x8x64xf32, #tpu.memory_space<hbm>> -> memref<1x8x64xf32, #tpu.memory_space<hbm>>
    %dma_start3A_124 = tpu.memref_squeeze %dma_start3A_123 : memref<1x8x64xf32, #tpu.memory_space<hbm>> -> memref<8x64xf32, #tpu.memory_space<hbm>>
    %dma_start3A_125 = arith.constant 0 : i32
    %dma_start3A_126 = arith.constant 0 : i32
    %dma_start3A_127 = tpu.memref_slice %arg7[%dma_start3A_116, %dma_start3A_125, %dma_start3A_126] : memref<16x8x64xf32, #tpu.memory_space<vmem>> -> memref<1x8x64xf32, #tpu.memory_space<vmem>>
    %dma_start3A_128 = tpu.memref_squeeze %dma_start3A_127 : memref<1x8x64xf32, #tpu.memory_space<vmem>> -> memref<8x64xf32, #tpu.memory_space<vmem>>
    %dma_start3A_129 = arith.constant 0 : i32
    %dma_start3A_130 = arith.constant 0 : i32
    %dma_start3A_131 = tpu.memref_slice %arg4[%shift_right_arithmetic3A_115, %dma_start3A_129, %dma_start3A_130] : memref<125000x8x64xf32, #tpu.memory_space<hbm>> -> memref<1x8x64xf32, #tpu.memory_space<hbm>>
    %dma_start3A_132 = tpu.memref_squeeze %dma_start3A_131 : memref<1x8x64xf32, #tpu.memory_space<hbm>> -> memref<8x64xf32, #tpu.memory_space<hbm>>
    tpu.enqueue_dma source(%dma_start3A_132 : memref<8x64xf32, #tpu.memory_space<hbm>>) target(%dma_start3A_128 : memref<8x64xf32, #tpu.memory_space<vmem>>) target_semaphore(%arg10 : memref<!tpu.dma_semaphore, #tpu.memory_space<semaphore_mem>>)
    %slice3A_133 = vector.extract_strided_slice %get3A_9 {offsets = [6], sizes = [1], strides = [1]} : vector<16xi32> to vector<1xi32>
    %squeeze3A_134 = vector.extract %slice3A_133[0] : i32 from vector<1xi32>
    %shift_right_arithmetic3A_135 = arith.constant 3 : i32
    %shift_right_arithmetic3A_136 = arith.shrsi %squeeze3A_134, %shift_right_arithmetic3A_135 : i32
    %dma_start3A_137 = arith.constant 6 : i32
    %dma_start3A_138 = arith.constant 0 : i32
    %dma_start3A_139 = arith.constant 0 : i32
    %dma_start3A_140 = tpu.memref_slice %arg7[%dma_start3A_137, %dma_start3A_138, %dma_start3A_139] : memref<16x8x64xf32, #tpu.memory_space<vmem>> -> memref<1x8x64xf32, #tpu.memory_space<vmem>>
    %dma_start3A_141 = tpu.memref_squeeze %dma_start3A_140 : memref<1x8x64xf32, #tpu.memory_space<vmem>> -> memref<8x64xf32, #tpu.memory_space<vmem>>
    %dma_start3A_142 = arith.constant 0 : i32
    %dma_start3A_143 = arith.constant 0 : i32
    %dma_start3A_144 = tpu.memref_slice %arg4[%shift_right_arithmetic3A_136, %dma_start3A_142, %dma_start3A_143] : memref<125000x8x64xf32, #tpu.memory_space<hbm>> -> memref<1x8x64xf32, #tpu.memory_space<hbm>>
    %dma_start3A_145 = tpu.memref_squeeze %dma_start3A_144 : memref<1x8x64xf32, #tpu.memory_space<hbm>> -> memref<8x64xf32, #tpu.memory_space<hbm>>
    %dma_start3A_146 = arith.constant 0 : i32
    %dma_start3A_147 = arith.constant 0 : i32
    %dma_start3A_148 = tpu.memref_slice %arg7[%dma_start3A_137, %dma_start3A_146, %dma_start3A_147] : memref<16x8x64xf32, #tpu.memory_space<vmem>> -> memref<1x8x64xf32, #tpu.memory_space<vmem>>
    %dma_start3A_149 = tpu.memref_squeeze %dma_start3A_148 : memref<1x8x64xf32, #tpu.memory_space<vmem>> -> memref<8x64xf32, #tpu.memory_space<vmem>>
    %dma_start3A_150 = arith.constant 0 : i32
    %dma_start3A_151 = arith.constant 0 : i32
    %dma_start3A_152 = tpu.memref_slice %arg4[%shift_right_arithmetic3A_136, %dma_start3A_150, %dma_start3A_151] : memref<125000x8x64xf32, #tpu.memory_space<hbm>> -> memref<1x8x64xf32, #tpu.memory_space<hbm>>
    %dma_start3A_153 = tpu.memref_squeeze %dma_start3A_152 : memref<1x8x64xf32, #tpu.memory_space<hbm>> -> memref<8x64xf32, #tpu.memory_space<hbm>>
    tpu.enqueue_dma source(%dma_start3A_153 : memref<8x64xf32, #tpu.memory_space<hbm>>) target(%dma_start3A_149 : memref<8x64xf32, #tpu.memory_space<vmem>>) target_semaphore(%arg10 : memref<!tpu.dma_semaphore, #tpu.memory_space<semaphore_mem>>)
    %slice3A_154 = vector.extract_strided_slice %get3A_9 {offsets = [7], sizes = [1], strides = [1]} : vector<16xi32> to vector<1xi32>
    %squeeze3A_155 = vector.extract %slice3A_154[0] : i32 from vector<1xi32>
    %shift_right_arithmetic3A_156 = arith.constant 3 : i32
    %shift_right_arithmetic3A_157 = arith.shrsi %squeeze3A_155, %shift_right_arithmetic3A_156 : i32
    %dma_start3A_158 = arith.constant 7 : i32
    %dma_start3A_159 = arith.constant 0 : i32
    %dma_start3A_160 = arith.constant 0 : i32
    %dma_start3A_161 = tpu.memref_slice %arg7[%dma_start3A_158, %dma_start3A_159, %dma_start3A_160] : memref<16x8x64xf32, #tpu.memory_space<vmem>> -> memref<1x8x64xf32, #tpu.memory_space<vmem>>
    %dma_start3A_162 = tpu.memref_squeeze %dma_start3A_161 : memref<1x8x64xf32, #tpu.memory_space<vmem>> -> memref<8x64xf32, #tpu.memory_space<vmem>>
    %dma_start3A_163 = arith.constant 0 : i32
    %dma_start3A_164 = arith.constant 0 : i32
    %dma_start3A_165 = tpu.memref_slice %arg4[%shift_right_arithmetic3A_157, %dma_start3A_163, %dma_start3A_164] : memref<125000x8x64xf32, #tpu.memory_space<hbm>> -> memref<1x8x64xf32, #tpu.memory_space<hbm>>
    %dma_start3A_166 = tpu.memref_squeeze %dma_start3A_165 : memref<1x8x64xf32, #tpu.memory_space<hbm>> -> memref<8x64xf32, #tpu.memory_space<hbm>>
    %dma_start3A_167 = arith.constant 0 : i32
    %dma_start3A_168 = arith.constant 0 : i32
    %dma_start3A_169 = tpu.memref_slice %arg7[%dma_start3A_158, %dma_start3A_167, %dma_start3A_168] : memref<16x8x64xf32, #tpu.memory_space<vmem>> -> memref<1x8x64xf32, #tpu.memory_space<vmem>>
    %dma_start3A_170 = tpu.memref_squeeze %dma_start3A_169 : memref<1x8x64xf32, #tpu.memory_space<vmem>> -> memref<8x64xf32, #tpu.memory_space<vmem>>
    %dma_start3A_171 = arith.constant 0 : i32
    %dma_start3A_172 = arith.constant 0 : i32
    %dma_start3A_173 = tpu.memref_slice %arg4[%shift_right_arithmetic3A_157, %dma_start3A_171, %dma_start3A_172] : memref<125000x8x64xf32, #tpu.memory_space<hbm>> -> memref<1x8x64xf32, #tpu.memory_space<hbm>>
    %dma_start3A_174 = tpu.memref_squeeze %dma_start3A_173 : memref<1x8x64xf32, #tpu.memory_space<hbm>> -> memref<8x64xf32, #tpu.memory_space<hbm>>
    tpu.enqueue_dma source(%dma_start3A_174 : memref<8x64xf32, #tpu.memory_space<hbm>>) target(%dma_start3A_170 : memref<8x64xf32, #tpu.memory_space<vmem>>) target_semaphore(%arg10 : memref<!tpu.dma_semaphore, #tpu.memory_space<semaphore_mem>>)
    %slice3A_175 = vector.extract_strided_slice %get3A_9 {offsets = [8], sizes = [1], strides = [1]} : vector<16xi32> to vector<1xi32>
    %squeeze3A_176 = vector.extract %slice3A_175[0] : i32 from vector<1xi32>
    %shift_right_arithmetic3A_177 = arith.constant 3 : i32
    %shift_right_arithmetic3A_178 = arith.shrsi %squeeze3A_176, %shift_right_arithmetic3A_177 : i32
    %dma_start3A_179 = arith.constant 8 : i32
    %dma_start3A_180 = arith.constant 0 : i32
    %dma_start3A_181 = arith.constant 0 : i32
    %dma_start3A_182 = tpu.memref_slice %arg7[%dma_start3A_179, %dma_start3A_180, %dma_start3A_181] : memref<16x8x64xf32, #tpu.memory_space<vmem>> -> memref<1x8x64xf32, #tpu.memory_space<vmem>>
    %dma_start3A_183 = tpu.memref_squeeze %dma_start3A_182 : memref<1x8x64xf32, #tpu.memory_space<vmem>> -> memref<8x64xf32, #tpu.memory_space<vmem>>
    %dma_start3A_184 = arith.constant 0 : i32
    %dma_start3A_185 = arith.constant 0 : i32
    %dma_start3A_186 = tpu.memref_slice %arg4[%shift_right_arithmetic3A_178, %dma_start3A_184, %dma_start3A_185] : memref<125000x8x64xf32, #tpu.memory_space<hbm>> -> memref<1x8x64xf32, #tpu.memory_space<hbm>>
    %dma_start3A_187 = tpu.memref_squeeze %dma_start3A_186 : memref<1x8x64xf32, #tpu.memory_space<hbm>> -> memref<8x64xf32, #tpu.memory_space<hbm>>
    %dma_start3A_188 = arith.constant 0 : i32
    %dma_start3A_189 = arith.constant 0 : i32
    %dma_start3A_190 = tpu.memref_slice %arg7[%dma_start3A_179, %dma_start3A_188, %dma_start3A_189] : memref<16x8x64xf32, #tpu.memory_space<vmem>> -> memref<1x8x64xf32, #tpu.memory_space<vmem>>
    %dma_start3A_191 = tpu.memref_squeeze %dma_start3A_190 : memref<1x8x64xf32, #tpu.memory_space<vmem>> -> memref<8x64xf32, #tpu.memory_space<vmem>>
    %dma_start3A_192 = arith.constant 0 : i32
    %dma_start3A_193 = arith.constant 0 : i32
    %dma_start3A_194 = tpu.memref_slice %arg4[%shift_right_arithmetic3A_178, %dma_start3A_192, %dma_start3A_193] : memref<125000x8x64xf32, #tpu.memory_space<hbm>> -> memref<1x8x64xf32, #tpu.memory_space<hbm>>
    %dma_start3A_195 = tpu.memref_squeeze %dma_start3A_194 : memref<1x8x64xf32, #tpu.memory_space<hbm>> -> memref<8x64xf32, #tpu.memory_space<hbm>>
    tpu.enqueue_dma source(%dma_start3A_195 : memref<8x64xf32, #tpu.memory_space<hbm>>) target(%dma_start3A_191 : memref<8x64xf32, #tpu.memory_space<vmem>>) target_semaphore(%arg10 : memref<!tpu.dma_semaphore, #tpu.memory_space<semaphore_mem>>)
    %slice3A_196 = vector.extract_strided_slice %get3A_9 {offsets = [9], sizes = [1], strides = [1]} : vector<16xi32> to vector<1xi32>
    %squeeze3A_197 = vector.extract %slice3A_196[0] : i32 from vector<1xi32>
    %shift_right_arithmetic3A_198 = arith.constant 3 : i32
    %shift_right_arithmetic3A_199 = arith.shrsi %squeeze3A_197, %shift_right_arithmetic3A_198 : i32
    %dma_start3A_200 = arith.constant 9 : i32
    %dma_start3A_201 = arith.constant 0 : i32
    %dma_start3A_202 = arith.constant 0 : i32
    %dma_start3A_203 = tpu.memref_slice %arg7[%dma_start3A_200, %dma_start3A_201, %dma_start3A_202] : memref<16x8x64xf32, #tpu.memory_space<vmem>> -> memref<1x8x64xf32, #tpu.memory_space<vmem>>
    %dma_start3A_204 = tpu.memref_squeeze %dma_start3A_203 : memref<1x8x64xf32, #tpu.memory_space<vmem>> -> memref<8x64xf32, #tpu.memory_space<vmem>>
    %dma_start3A_205 = arith.constant 0 : i32
    %dma_start3A_206 = arith.constant 0 : i32
    %dma_start3A_207 = tpu.memref_slice %arg4[%shift_right_arithmetic3A_199, %dma_start3A_205, %dma_start3A_206] : memref<125000x8x64xf32, #tpu.memory_space<hbm>> -> memref<1x8x64xf32, #tpu.memory_space<hbm>>
    %dma_start3A_208 = tpu.memref_squeeze %dma_start3A_207 : memref<1x8x64xf32, #tpu.memory_space<hbm>> -> memref<8x64xf32, #tpu.memory_space<hbm>>
    %dma_start3A_209 = arith.constant 0 : i32
    %dma_start3A_210 = arith.constant 0 : i32
    %dma_start3A_211 = tpu.memref_slice %arg7[%dma_start3A_200, %dma_start3A_209, %dma_start3A_210] : memref<16x8x64xf32, #tpu.memory_space<vmem>> -> memref<1x8x64xf32, #tpu.memory_space<vmem>>
    %dma_start3A_212 = tpu.memref_squeeze %dma_start3A_211 : memref<1x8x64xf32, #tpu.memory_space<vmem>> -> memref<8x64xf32, #tpu.memory_space<vmem>>
    %dma_start3A_213 = arith.constant 0 : i32
    %dma_start3A_214 = arith.constant 0 : i32
    %dma_start3A_215 = tpu.memref_slice %arg4[%shift_right_arithmetic3A_199, %dma_start3A_213, %dma_start3A_214] : memref<125000x8x64xf32, #tpu.memory_space<hbm>> -> memref<1x8x64xf32, #tpu.memory_space<hbm>>
    %dma_start3A_216 = tpu.memref_squeeze %dma_start3A_215 : memref<1x8x64xf32, #tpu.memory_space<hbm>> -> memref<8x64xf32, #tpu.memory_space<hbm>>
    tpu.enqueue_dma source(%dma_start3A_216 : memref<8x64xf32, #tpu.memory_space<hbm>>) target(%dma_start3A_212 : memref<8x64xf32, #tpu.memory_space<vmem>>) target_semaphore(%arg10 : memref<!tpu.dma_semaphore, #tpu.memory_space<semaphore_mem>>)
    %slice3A_217 = vector.extract_strided_slice %get3A_9 {offsets = [10], sizes = [1], strides = [1]} : vector<16xi32> to vector<1xi32>
    %squeeze3A_218 = vector.extract %slice3A_217[0] : i32 from vector<1xi32>
    %shift_right_arithmetic3A_219 = arith.constant 3 : i32
    %shift_right_arithmetic3A_220 = arith.shrsi %squeeze3A_218, %shift_right_arithmetic3A_219 : i32
    %dma_start3A_221 = arith.constant 10 : i32
    %dma_start3A_222 = arith.constant 0 : i32
    %dma_start3A_223 = arith.constant 0 : i32
    %dma_start3A_224 = tpu.memref_slice %arg7[%dma_start3A_221, %dma_start3A_222, %dma_start3A_223] : memref<16x8x64xf32, #tpu.memory_space<vmem>> -> memref<1x8x64xf32, #tpu.memory_space<vmem>>
    %dma_start3A_225 = tpu.memref_squeeze %dma_start3A_224 : memref<1x8x64xf32, #tpu.memory_space<vmem>> -> memref<8x64xf32, #tpu.memory_space<vmem>>
    %dma_start3A_226 = arith.constant 0 : i32
    %dma_start3A_227 = arith.constant 0 : i32
    %dma_start3A_228 = tpu.memref_slice %arg4[%shift_right_arithmetic3A_220, %dma_start3A_226, %dma_start3A_227] : memref<125000x8x64xf32, #tpu.memory_space<hbm>> -> memref<1x8x64xf32, #tpu.memory_space<hbm>>
    %dma_start3A_229 = tpu.memref_squeeze %dma_start3A_228 : memref<1x8x64xf32, #tpu.memory_space<hbm>> -> memref<8x64xf32, #tpu.memory_space<hbm>>
    %dma_start3A_230 = arith.constant 0 : i32
    %dma_start3A_231 = arith.constant 0 : i32
    %dma_start3A_232 = tpu.memref_slice %arg7[%dma_start3A_221, %dma_start3A_230, %dma_start3A_231] : memref<16x8x64xf32, #tpu.memory_space<vmem>> -> memref<1x8x64xf32, #tpu.memory_space<vmem>>
    %dma_start3A_233 = tpu.memref_squeeze %dma_start3A_232 : memref<1x8x64xf32, #tpu.memory_space<vmem>> -> memref<8x64xf32, #tpu.memory_space<vmem>>
    %dma_start3A_234 = arith.constant 0 : i32
    %dma_start3A_235 = arith.constant 0 : i32
    %dma_start3A_236 = tpu.memref_slice %arg4[%shift_right_arithmetic3A_220, %dma_start3A_234, %dma_start3A_235] : memref<125000x8x64xf32, #tpu.memory_space<hbm>> -> memref<1x8x64xf32, #tpu.memory_space<hbm>>
    %dma_start3A_237 = tpu.memref_squeeze %dma_start3A_236 : memref<1x8x64xf32, #tpu.memory_space<hbm>> -> memref<8x64xf32, #tpu.memory_space<hbm>>
    tpu.enqueue_dma source(%dma_start3A_237 : memref<8x64xf32, #tpu.memory_space<hbm>>) target(%dma_start3A_233 : memref<8x64xf32, #tpu.memory_space<vmem>>) target_semaphore(%arg10 : memref<!tpu.dma_semaphore, #tpu.memory_space<semaphore_mem>>)
    %slice3A_238 = vector.extract_strided_slice %get3A_9 {offsets = [11], sizes = [1], strides = [1]} : vector<16xi32> to vector<1xi32>
    %squeeze3A_239 = vector.extract %slice3A_238[0] : i32 from vector<1xi32>
    %shift_right_arithmetic3A_240 = arith.constant 3 : i32
    %shift_right_arithmetic3A_241 = arith.shrsi %squeeze3A_239, %shift_right_arithmetic3A_240 : i32
    %dma_start3A_242 = arith.constant 11 : i32
    %dma_start3A_243 = arith.constant 0 : i32
    %dma_start3A_244 = arith.constant 0 : i32
    %dma_start3A_245 = tpu.memref_slice %arg7[%dma_start3A_242, %dma_start3A_243, %dma_start3A_244] : memref<16x8x64xf32, #tpu.memory_space<vmem>> -> memref<1x8x64xf32, #tpu.memory_space<vmem>>
    %dma_start3A_246 = tpu.memref_squeeze %dma_start3A_245 : memref<1x8x64xf32, #tpu.memory_space<vmem>> -> memref<8x64xf32, #tpu.memory_space<vmem>>
    %dma_start3A_247 = arith.constant 0 : i32
    %dma_start3A_248 = arith.constant 0 : i32
    %dma_start3A_249 = tpu.memref_slice %arg4[%shift_right_arithmetic3A_241, %dma_start3A_247, %dma_start3A_248] : memref<125000x8x64xf32, #tpu.memory_space<hbm>> -> memref<1x8x64xf32, #tpu.memory_space<hbm>>
    %dma_start3A_250 = tpu.memref_squeeze %dma_start3A_249 : memref<1x8x64xf32, #tpu.memory_space<hbm>> -> memref<8x64xf32, #tpu.memory_space<hbm>>
    %dma_start3A_251 = arith.constant 0 : i32
    %dma_start3A_252 = arith.constant 0 : i32
    %dma_start3A_253 = tpu.memref_slice %arg7[%dma_start3A_242, %dma_start3A_251, %dma_start3A_252] : memref<16x8x64xf32, #tpu.memory_space<vmem>> -> memref<1x8x64xf32, #tpu.memory_space<vmem>>
    %dma_start3A_254 = tpu.memref_squeeze %dma_start3A_253 : memref<1x8x64xf32, #tpu.memory_space<vmem>> -> memref<8x64xf32, #tpu.memory_space<vmem>>
    %dma_start3A_255 = arith.constant 0 : i32
    %dma_start3A_256 = arith.constant 0 : i32
    %dma_start3A_257 = tpu.memref_slice %arg4[%shift_right_arithmetic3A_241, %dma_start3A_255, %dma_start3A_256] : memref<125000x8x64xf32, #tpu.memory_space<hbm>> -> memref<1x8x64xf32, #tpu.memory_space<hbm>>
    %dma_start3A_258 = tpu.memref_squeeze %dma_start3A_257 : memref<1x8x64xf32, #tpu.memory_space<hbm>> -> memref<8x64xf32, #tpu.memory_space<hbm>>
    tpu.enqueue_dma source(%dma_start3A_258 : memref<8x64xf32, #tpu.memory_space<hbm>>) target(%dma_start3A_254 : memref<8x64xf32, #tpu.memory_space<vmem>>) target_semaphore(%arg10 : memref<!tpu.dma_semaphore, #tpu.memory_space<semaphore_mem>>)
    %slice3A_259 = vector.extract_strided_slice %get3A_9 {offsets = [12], sizes = [1], strides = [1]} : vector<16xi32> to vector<1xi32>
    %squeeze3A_260 = vector.extract %slice3A_259[0] : i32 from vector<1xi32>
    %shift_right_arithmetic3A_261 = arith.constant 3 : i32
    %shift_right_arithmetic3A_262 = arith.shrsi %squeeze3A_260, %shift_right_arithmetic3A_261 : i32
    %dma_start3A_263 = arith.constant 12 : i32
    %dma_start3A_264 = arith.constant 0 : i32
    %dma_start3A_265 = arith.constant 0 : i32
    %dma_start3A_266 = tpu.memref_slice %arg7[%dma_start3A_263, %dma_start3A_264, %dma_start3A_265] : memref<16x8x64xf32, #tpu.memory_space<vmem>> -> memref<1x8x64xf32, #tpu.memory_space<vmem>>
    %dma_start3A_267 = tpu.memref_squeeze %dma_start3A_266 : memref<1x8x64xf32, #tpu.memory_space<vmem>> -> memref<8x64xf32, #tpu.memory_space<vmem>>
    %dma_start3A_268 = arith.constant 0 : i32
    %dma_start3A_269 = arith.constant 0 : i32
    %dma_start3A_270 = tpu.memref_slice %arg4[%shift_right_arithmetic3A_262, %dma_start3A_268, %dma_start3A_269] : memref<125000x8x64xf32, #tpu.memory_space<hbm>> -> memref<1x8x64xf32, #tpu.memory_space<hbm>>
    %dma_start3A_271 = tpu.memref_squeeze %dma_start3A_270 : memref<1x8x64xf32, #tpu.memory_space<hbm>> -> memref<8x64xf32, #tpu.memory_space<hbm>>
    %dma_start3A_272 = arith.constant 0 : i32
    %dma_start3A_273 = arith.constant 0 : i32
    %dma_start3A_274 = tpu.memref_slice %arg7[%dma_start3A_263, %dma_start3A_272, %dma_start3A_273] : memref<16x8x64xf32, #tpu.memory_space<vmem>> -> memref<1x8x64xf32, #tpu.memory_space<vmem>>
    %dma_start3A_275 = tpu.memref_squeeze %dma_start3A_274 : memref<1x8x64xf32, #tpu.memory_space<vmem>> -> memref<8x64xf32, #tpu.memory_space<vmem>>
    %dma_start3A_276 = arith.constant 0 : i32
    %dma_start3A_277 = arith.constant 0 : i32
    %dma_start3A_278 = tpu.memref_slice %arg4[%shift_right_arithmetic3A_262, %dma_start3A_276, %dma_start3A_277] : memref<125000x8x64xf32, #tpu.memory_space<hbm>> -> memref<1x8x64xf32, #tpu.memory_space<hbm>>
    %dma_start3A_279 = tpu.memref_squeeze %dma_start3A_278 : memref<1x8x64xf32, #tpu.memory_space<hbm>> -> memref<8x64xf32, #tpu.memory_space<hbm>>
    tpu.enqueue_dma source(%dma_start3A_279 : memref<8x64xf32, #tpu.memory_space<hbm>>) target(%dma_start3A_275 : memref<8x64xf32, #tpu.memory_space<vmem>>) target_semaphore(%arg10 : memref<!tpu.dma_semaphore, #tpu.memory_space<semaphore_mem>>)
    %slice3A_280 = vector.extract_strided_slice %get3A_9 {offsets = [13], sizes = [1], strides = [1]} : vector<16xi32> to vector<1xi32>
    %squeeze3A_281 = vector.extract %slice3A_280[0] : i32 from vector<1xi32>
    %shift_right_arithmetic3A_282 = arith.constant 3 : i32
    %shift_right_arithmetic3A_283 = arith.shrsi %squeeze3A_281, %shift_right_arithmetic3A_282 : i32
    %dma_start3A_284 = arith.constant 13 : i32
    %dma_start3A_285 = arith.constant 0 : i32
    %dma_start3A_286 = arith.constant 0 : i32
    %dma_start3A_287 = tpu.memref_slice %arg7[%dma_start3A_284, %dma_start3A_285, %dma_start3A_286] : memref<16x8x64xf32, #tpu.memory_space<vmem>> -> memref<1x8x64xf32, #tpu.memory_space<vmem>>
    %dma_start3A_288 = tpu.memref_squeeze %dma_start3A_287 : memref<1x8x64xf32, #tpu.memory_space<vmem>> -> memref<8x64xf32, #tpu.memory_space<vmem>>
    %dma_start3A_289 = arith.constant 0 : i32
    %dma_start3A_290 = arith.constant 0 : i32
    %dma_start3A_291 = tpu.memref_slice %arg4[%shift_right_arithmetic3A_283, %dma_start3A_289, %dma_start3A_290] : memref<125000x8x64xf32, #tpu.memory_space<hbm>> -> memref<1x8x64xf32, #tpu.memory_space<hbm>>
    %dma_start3A_292 = tpu.memref_squeeze %dma_start3A_291 : memref<1x8x64xf32, #tpu.memory_space<hbm>> -> memref<8x64xf32, #tpu.memory_space<hbm>>
    %dma_start3A_293 = arith.constant 0 : i32
    %dma_start3A_294 = arith.constant 0 : i32
    %dma_start3A_295 = tpu.memref_slice %arg7[%dma_start3A_284, %dma_start3A_293, %dma_start3A_294] : memref<16x8x64xf32, #tpu.memory_space<vmem>> -> memref<1x8x64xf32, #tpu.memory_space<vmem>>
    %dma_start3A_296 = tpu.memref_squeeze %dma_start3A_295 : memref<1x8x64xf32, #tpu.memory_space<vmem>> -> memref<8x64xf32, #tpu.memory_space<vmem>>
    %dma_start3A_297 = arith.constant 0 : i32
    %dma_start3A_298 = arith.constant 0 : i32
    %dma_start3A_299 = tpu.memref_slice %arg4[%shift_right_arithmetic3A_283, %dma_start3A_297, %dma_start3A_298] : memref<125000x8x64xf32, #tpu.memory_space<hbm>> -> memref<1x8x64xf32, #tpu.memory_space<hbm>>
    %dma_start3A_300 = tpu.memref_squeeze %dma_start3A_299 : memref<1x8x64xf32, #tpu.memory_space<hbm>> -> memref<8x64xf32, #tpu.memory_space<hbm>>
    tpu.enqueue_dma source(%dma_start3A_300 : memref<8x64xf32, #tpu.memory_space<hbm>>) target(%dma_start3A_296 : memref<8x64xf32, #tpu.memory_space<vmem>>) target_semaphore(%arg10 : memref<!tpu.dma_semaphore, #tpu.memory_space<semaphore_mem>>)
    %slice3A_301 = vector.extract_strided_slice %get3A_9 {offsets = [14], sizes = [1], strides = [1]} : vector<16xi32> to vector<1xi32>
    %squeeze3A_302 = vector.extract %slice3A_301[0] : i32 from vector<1xi32>
    %shift_right_arithmetic3A_303 = arith.constant 3 : i32
    %shift_right_arithmetic3A_304 = arith.shrsi %squeeze3A_302, %shift_right_arithmetic3A_303 : i32
    %dma_start3A_305 = arith.constant 14 : i32
    %dma_start3A_306 = arith.constant 0 : i32
    %dma_start3A_307 = arith.constant 0 : i32
    %dma_start3A_308 = tpu.memref_slice %arg7[%dma_start3A_305, %dma_start3A_306, %dma_start3A_307] : memref<16x8x64xf32, #tpu.memory_space<vmem>> -> memref<1x8x64xf32, #tpu.memory_space<vmem>>
    %dma_start3A_309 = tpu.memref_squeeze %dma_start3A_308 : memref<1x8x64xf32, #tpu.memory_space<vmem>> -> memref<8x64xf32, #tpu.memory_space<vmem>>
    %dma_start3A_310 = arith.constant 0 : i32
    %dma_start3A_311 = arith.constant 0 : i32
    %dma_start3A_312 = tpu.memref_slice %arg4[%shift_right_arithmetic3A_304, %dma_start3A_310, %dma_start3A_311] : memref<125000x8x64xf32, #tpu.memory_space<hbm>> -> memref<1x8x64xf32, #tpu.memory_space<hbm>>
    %dma_start3A_313 = tpu.memref_squeeze %dma_start3A_312 : memref<1x8x64xf32, #tpu.memory_space<hbm>> -> memref<8x64xf32, #tpu.memory_space<hbm>>
    %dma_start3A_314 = arith.constant 0 : i32
    %dma_start3A_315 = arith.constant 0 : i32
    %dma_start3A_316 = tpu.memref_slice %arg7[%dma_start3A_305, %dma_start3A_314, %dma_start3A_315] : memref<16x8x64xf32, #tpu.memory_space<vmem>> -> memref<1x8x64xf32, #tpu.memory_space<vmem>>
    %dma_start3A_317 = tpu.memref_squeeze %dma_start3A_316 : memref<1x8x64xf32, #tpu.memory_space<vmem>> -> memref<8x64xf32, #tpu.memory_space<vmem>>
    %dma_start3A_318 = arith.constant 0 : i32
    %dma_start3A_319 = arith.constant 0 : i32
    %dma_start3A_320 = tpu.memref_slice %arg4[%shift_right_arithmetic3A_304, %dma_start3A_318, %dma_start3A_319] : memref<125000x8x64xf32, #tpu.memory_space<hbm>> -> memref<1x8x64xf32, #tpu.memory_space<hbm>>
    %dma_start3A_321 = tpu.memref_squeeze %dma_start3A_320 : memref<1x8x64xf32, #tpu.memory_space<hbm>> -> memref<8x64xf32, #tpu.memory_space<hbm>>
    tpu.enqueue_dma source(%dma_start3A_321 : memref<8x64xf32, #tpu.memory_space<hbm>>) target(%dma_start3A_317 : memref<8x64xf32, #tpu.memory_space<vmem>>) target_semaphore(%arg10 : memref<!tpu.dma_semaphore, #tpu.memory_space<semaphore_mem>>)
    %slice3A_322 = vector.extract_strided_slice %get3A_9 {offsets = [15], sizes = [1], strides = [1]} : vector<16xi32> to vector<1xi32>
    %squeeze3A_323 = vector.extract %slice3A_322[0] : i32 from vector<1xi32>
    %shift_right_arithmetic3A_324 = arith.constant 3 : i32
    %shift_right_arithmetic3A_325 = arith.shrsi %squeeze3A_323, %shift_right_arithmetic3A_324 : i32
    %dma_start3A_326 = arith.constant 15 : i32
    %dma_start3A_327 = arith.constant 0 : i32
    %dma_start3A_328 = arith.constant 0 : i32
    %dma_start3A_329 = tpu.memref_slice %arg7[%dma_start3A_326, %dma_start3A_327, %dma_start3A_328] : memref<16x8x64xf32, #tpu.memory_space<vmem>> -> memref<1x8x64xf32, #tpu.memory_space<vmem>>
    %dma_start3A_330 = tpu.memref_squeeze %dma_start3A_329 : memref<1x8x64xf32, #tpu.memory_space<vmem>> -> memref<8x64xf32, #tpu.memory_space<vmem>>
    %dma_start3A_331 = arith.constant 0 : i32
    %dma_start3A_332 = arith.constant 0 : i32
    %dma_start3A_333 = tpu.memref_slice %arg4[%shift_right_arithmetic3A_325, %dma_start3A_331, %dma_start3A_332] : memref<125000x8x64xf32, #tpu.memory_space<hbm>> -> memref<1x8x64xf32, #tpu.memory_space<hbm>>
    %dma_start3A_334 = tpu.memref_squeeze %dma_start3A_333 : memref<1x8x64xf32, #tpu.memory_space<hbm>> -> memref<8x64xf32, #tpu.memory_space<hbm>>
    %dma_start3A_335 = arith.constant 0 : i32
    %dma_start3A_336 = arith.constant 0 : i32
    %dma_start3A_337 = tpu.memref_slice %arg7[%dma_start3A_326, %dma_start3A_335, %dma_start3A_336] : memref<16x8x64xf32, #tpu.memory_space<vmem>> -> memref<1x8x64xf32, #tpu.memory_space<vmem>>
    %dma_start3A_338 = tpu.memref_squeeze %dma_start3A_337 : memref<1x8x64xf32, #tpu.memory_space<vmem>> -> memref<8x64xf32, #tpu.memory_space<vmem>>
    %dma_start3A_339 = arith.constant 0 : i32
    %dma_start3A_340 = arith.constant 0 : i32
    %dma_start3A_341 = tpu.memref_slice %arg4[%shift_right_arithmetic3A_325, %dma_start3A_339, %dma_start3A_340] : memref<125000x8x64xf32, #tpu.memory_space<hbm>> -> memref<1x8x64xf32, #tpu.memory_space<hbm>>
    %dma_start3A_342 = tpu.memref_squeeze %dma_start3A_341 : memref<1x8x64xf32, #tpu.memory_space<hbm>> -> memref<8x64xf32, #tpu.memory_space<hbm>>
    tpu.enqueue_dma source(%dma_start3A_342 : memref<8x64xf32, #tpu.memory_space<hbm>>) target(%dma_start3A_338 : memref<8x64xf32, #tpu.memory_space<vmem>>) target_semaphore(%arg10 : memref<!tpu.dma_semaphore, #tpu.memory_space<semaphore_mem>>)
    %dma_wait3A = arith.constant 0 : i32
    %dma_wait3A_343 = tpu.memref_slice %arg2[%mul3A_2, %dma_wait3A] : memref<16384x64xf32, #tpu.memory_space<hbm>> -> memref<512x64xf32, #tpu.memory_space<hbm>>
    %dma_wait3A_344 = arith.constant 0 : i32
    %dma_wait3A_345 = tpu.memref_slice %arg2[%mul3A_2, %dma_wait3A_344] : memref<16384x64xf32, #tpu.memory_space<hbm>> -> memref<512x64xf32, #tpu.memory_space<hbm>>
    tpu.wait_dma2 semaphore(%arg12 : memref<!tpu.dma_semaphore, #tpu.memory_space<semaphore_mem>>) src(%dma_wait3A_345 : memref<512x64xf32, #tpu.memory_space<hbm>>) dst(%arg9 : memref<512x64xf32, #tpu.memory_space<vmem>>)
    %scan3A = arith.constant 0 : i32
    %scan3A_346 = arith.constant 0 : i32
    %scan3A_347 = arith.constant 16 : i32
    %scan3A_348 = arith.addi %scan3A_346, %scan3A_347 : i32
    %scan3A_349 = arith.constant 1 : i32
    scf.for %scan3A_351 = %scan3A_346 to %scan3A_348 step %scan3A_349  : i32 {
      %mul3A_352 = arith.constant 2 : i32
      %mul3A_353 = arith.muli %mul3A_352, %scan3A_351 : i32
      %add3A_354 = arith.constant 1 : i32
      %add3A_355 = arith.addi %mul3A_353, %add3A_354 : i32
      %jit3A = arith.constant 8 : i32
      %div3A = arith.divsi %add3A_355, %jit3A : i32
      %sign3A = arith.constant 0 : i32
      %sign3A_356 = arith.cmpi sgt, %add3A_355, %sign3A : i32
      %sign3A_357 = arith.extui %sign3A_356 : i1 to i32
      %sign3A_358 = arith.constant 0 : i32
      %sign3A_359 = arith.cmpi slt, %add3A_355, %sign3A_358 : i32
      %sign3A_360 = arith.extui %sign3A_359 : i1 to i32
      %sign3A_361 = arith.subi %sign3A_357, %sign3A_360 : i32
      %sign3A_362 = arith.constant 0 : i32
      %sign3A_363 = arith.cmpi sgt, %jit3A, %sign3A_362 : i32
      %sign3A_364 = arith.extui %sign3A_363 : i1 to i32
      %sign3A_365 = arith.constant 0 : i32
      %sign3A_366 = arith.cmpi slt, %jit3A, %sign3A_365 : i32
      %sign3A_367 = arith.extui %sign3A_366 : i1 to i32
      %sign3A_368 = arith.subi %sign3A_364, %sign3A_367 : i32
      %ne3A = arith.cmpi ne, %sign3A_361, %sign3A_368 : i32
      %rem3A = arith.remsi %add3A_355, %jit3A : i32
      %ne3A_369 = arith.constant 0 : i32
      %ne3A_370 = arith.cmpi ne, %rem3A, %ne3A_369 : i32
      %and3A = arith.andi %ne3A, %ne3A_370 : i1
      %sub3A = arith.constant 1 : i32
      %sub3A_371 = arith.subi %div3A, %sub3A : i32
      %select_n3A = arith.select %and3A, %sub3A_371, %div3A : i32
      %jit3A_372 = arith.constant 8 : i32
      %eq3A = arith.constant 0 : i32
      %eq3A_373 = arith.cmpi eq, %jit3A_372, %eq3A : i32
      %jit3A_374 = arith.constant 1 : i32
      %select_n3A_375 = arith.select %eq3A_373, %jit3A_374, %jit3A_372 : i32
      %rem3A_376 = arith.remsi %add3A_355, %select_n3A_375 : i32
      %ne3A_377 = arith.constant 0 : i32
      %ne3A_378 = arith.cmpi ne, %rem3A_376, %ne3A_377 : i32
      %lt3A = arith.constant 0 : i32
      %lt3A_379 = arith.cmpi slt, %rem3A_376, %lt3A : i32
      %lt3A_380 = arith.constant 0 : i32
      %lt3A_381 = arith.cmpi slt, %select_n3A_375, %lt3A_380 : i32
      %ne3A_382 = arith.xori %lt3A_379, %lt3A_381 : i1
      %and3A_383 = arith.andi %ne3A_382, %ne3A_378 : i1
      %add3A_384 = arith.addi %rem3A_376, %select_n3A_375 : i32
      %select_n3A_385 = arith.select %and3A_383, %add3A_384, %rem3A_376 : i32
      %mul3A_386 = arith.constant 16 : i32
      %mul3A_387 = arith.muli %select_n3A_385, %mul3A_386 : i32
      %get3A_388 = arith.index_cast %select_n3A : i32 to index
      %get3A_389 = arith.index_cast %mul3A_387 : i32 to index
      %get3A_390 = tpu.vector_load %arg6[%get3A_388, %get3A_389] {strides = array<i32>} : memref<4x128xi32, #tpu.memory_space<vmem>>, vector<1x16xi32>,
      %get3A_391 = vector.shape_cast %get3A_390 : vector<1x16xi32> to vector<16xi32>
      %slice3A_392 = vector.extract_strided_slice %get3A_391 {offsets = [0], sizes = [1], strides = [1]} : vector<16xi32> to vector<1xi32>
      %squeeze3A_393 = vector.extract %slice3A_392[0] : i32 from vector<1xi32>
      %shift_right_arithmetic3A_394 = arith.constant 3 : i32
      %shift_right_arithmetic3A_395 = arith.shrsi %squeeze3A_393, %shift_right_arithmetic3A_394 : i32
      %dma_start3A_396 = arith.constant 0 : i32
      %dma_start3A_397 = arith.constant 0 : i32
      %dma_start3A_398 = arith.constant 0 : i32
      %dma_start3A_399 = tpu.memref_slice %arg8[%dma_start3A_396, %dma_start3A_397, %dma_start3A_398] : memref<16x8x64xf32, #tpu.memory_space<vmem>> -> memref<1x8x64xf32, #tpu.memory_space<vmem>>
      %dma_start3A_400 = tpu.memref_squeeze %dma_start3A_399 : memref<1x8x64xf32, #tpu.memory_space<vmem>> -> memref<8x64xf32, #tpu.memory_space<vmem>>
      %dma_start3A_401 = arith.constant 0 : i32
      %dma_start3A_402 = arith.constant 0 : i32
      %dma_start3A_403 = tpu.memref_slice %arg4[%shift_right_arithmetic3A_395, %dma_start3A_401, %dma_start3A_402] : memref<125000x8x64xf32, #tpu.memory_space<hbm>> -> memref<1x8x64xf32, #tpu.memory_space<hbm>>
      %dma_start3A_404 = tpu.memref_squeeze %dma_start3A_403 : memref<1x8x64xf32, #tpu.memory_space<hbm>> -> memref<8x64xf32, #tpu.memory_space<hbm>>
      %dma_start3A_405 = arith.constant 0 : i32
      %dma_start3A_406 = arith.constant 0 : i32
      %dma_start3A_407 = tpu.memref_slice %arg8[%dma_start3A_396, %dma_start3A_405, %dma_start3A_406] : memref<16x8x64xf32, #tpu.memory_space<vmem>> -> memref<1x8x64xf32, #tpu.memory_space<vmem>>
      %dma_start3A_408 = tpu.memref_squeeze %dma_start3A_407 : memref<1x8x64xf32, #tpu.memory_space<vmem>> -> memref<8x64xf32, #tpu.memory_space<vmem>>
      %dma_start3A_409 = arith.constant 0 : i32
      %dma_start3A_410 = arith.constant 0 : i32
      %dma_start3A_411 = tpu.memref_slice %arg4[%shift_right_arithmetic3A_395, %dma_start3A_409, %dma_start3A_410] : memref<125000x8x64xf32, #tpu.memory_space<hbm>> -> memref<1x8x64xf32, #tpu.memory_space<hbm>>
      %dma_start3A_412 = tpu.memref_squeeze %dma_start3A_411 : memref<1x8x64xf32, #tpu.memory_space<hbm>> -> memref<8x64xf32, #tpu.memory_space<hbm>>
      tpu.enqueue_dma source(%dma_start3A_412 : memref<8x64xf32, #tpu.memory_space<hbm>>) target(%dma_start3A_408 : memref<8x64xf32, #tpu.memory_space<vmem>>) target_semaphore(%arg11 : memref<!tpu.dma_semaphore, #tpu.memory_space<semaphore_mem>>)
      %slice3A_413 = vector.extract_strided_slice %get3A_391 {offsets = [1], sizes = [1], strides = [1]} : vector<16xi32> to vector<1xi32>
      %squeeze3A_414 = vector.extract %slice3A_413[0] : i32 from vector<1xi32>
      %shift_right_arithmetic3A_415 = arith.constant 3 : i32
      %shift_right_arithmetic3A_416 = arith.shrsi %squeeze3A_414, %shift_right_arithmetic3A_415 : i32
      %dma_start3A_417 = arith.constant 1 : i32
      %dma_start3A_418 = arith.constant 0 : i32
      %dma_start3A_419 = arith.constant 0 : i32
      %dma_start3A_420 = tpu.memref_slice %arg8[%dma_start3A_417, %dma_start3A_418, %dma_start3A_419] : memref<16x8x64xf32, #tpu.memory_space<vmem>> -> memref<1x8x64xf32, #tpu.memory_space<vmem>>
      %dma_start3A_421 = tpu.memref_squeeze %dma_start3A_420 : memref<1x8x64xf32, #tpu.memory_space<vmem>> -> memref<8x64xf32, #tpu.memory_space<vmem>>
      %dma_start3A_422 = arith.constant 0 : i32
      %dma_start3A_423 = arith.constant 0 : i32
      %dma_start3A_424 = tpu.memref_slice %arg4[%shift_right_arithmetic3A_416, %dma_start3A_422, %dma_start3A_423] : memref<125000x8x64xf32, #tpu.memory_space<hbm>> -> memref<1x8x64xf32, #tpu.memory_space<hbm>>
      %dma_start3A_425 = tpu.memref_squeeze %dma_start3A_424 : memref<1x8x64xf32, #tpu.memory_space<hbm>> -> memref<8x64xf32, #tpu.memory_space<hbm>>
      %dma_start3A_426 = arith.constant 0 : i32
      %dma_start3A_427 = arith.constant 0 : i32
      %dma_start3A_428 = tpu.memref_slice %arg8[%dma_start3A_417, %dma_start3A_426, %dma_start3A_427] : memref<16x8x64xf32, #tpu.memory_space<vmem>> -> memref<1x8x64xf32, #tpu.memory_space<vmem>>
      %dma_start3A_429 = tpu.memref_squeeze %dma_start3A_428 : memref<1x8x64xf32, #tpu.memory_space<vmem>> -> memref<8x64xf32, #tpu.memory_space<vmem>>
      %dma_start3A_430 = arith.constant 0 : i32
      %dma_start3A_431 = arith.constant 0 : i32
      %dma_start3A_432 = tpu.memref_slice %arg4[%shift_right_arithmetic3A_416, %dma_start3A_430, %dma_start3A_431] : memref<125000x8x64xf32, #tpu.memory_space<hbm>> -> memref<1x8x64xf32, #tpu.memory_space<hbm>>
      %dma_start3A_433 = tpu.memref_squeeze %dma_start3A_432 : memref<1x8x64xf32, #tpu.memory_space<hbm>> -> memref<8x64xf32, #tpu.memory_space<hbm>>
      tpu.enqueue_dma source(%dma_start3A_433 : memref<8x64xf32, #tpu.memory_space<hbm>>) target(%dma_start3A_429 : memref<8x64xf32, #tpu.memory_space<vmem>>) target_semaphore(%arg11 : memref<!tpu.dma_semaphore, #tpu.memory_space<semaphore_mem>>)
      %slice3A_434 = vector.extract_strided_slice %get3A_391 {offsets = [2], sizes = [1], strides = [1]} : vector<16xi32> to vector<1xi32>
      %squeeze3A_435 = vector.extract %slice3A_434[0] : i32 from vector<1xi32>
      %shift_right_arithmetic3A_436 = arith.constant 3 : i32
      %shift_right_arithmetic3A_437 = arith.shrsi %squeeze3A_435, %shift_right_arithmetic3A_436 : i32
      %dma_start3A_438 = arith.constant 2 : i32
      %dma_start3A_439 = arith.constant 0 : i32
      %dma_start3A_440 = arith.constant 0 : i32
      %dma_start3A_441 = tpu.memref_slice %arg8[%dma_start3A_438, %dma_start3A_439, %dma_start3A_440] : memref<16x8x64xf32, #tpu.memory_space<vmem>> -> memref<1x8x64xf32, #tpu.memory_space<vmem>>
      %dma_start3A_442 = tpu.memref_squeeze %dma_start3A_441 : memref<1x8x64xf32, #tpu.memory_space<vmem>> -> memref<8x64xf32, #tpu.memory_space<vmem>>
      %dma_start3A_443 = arith.constant 0 : i32
      %dma_start3A_444 = arith.constant 0 : i32
      %dma_start3A_445 = tpu.memref_slice %arg4[%shift_right_arithmetic3A_437, %dma_start3A_443, %dma_start3A_444] : memref<125000x8x64xf32, #tpu.memory_space<hbm>> -> memref<1x8x64xf32, #tpu.memory_space<hbm>>
      %dma_start3A_446 = tpu.memref_squeeze %dma_start3A_445 : memref<1x8x64xf32, #tpu.memory_space<hbm>> -> memref<8x64xf32, #tpu.memory_space<hbm>>
      %dma_start3A_447 = arith.constant 0 : i32
      %dma_start3A_448 = arith.constant 0 : i32
      %dma_start3A_449 = tpu.memref_slice %arg8[%dma_start3A_438, %dma_start3A_447, %dma_start3A_448] : memref<16x8x64xf32, #tpu.memory_space<vmem>> -> memref<1x8x64xf32, #tpu.memory_space<vmem>>
      %dma_start3A_450 = tpu.memref_squeeze %dma_start3A_449 : memref<1x8x64xf32, #tpu.memory_space<vmem>> -> memref<8x64xf32, #tpu.memory_space<vmem>>
      %dma_start3A_451 = arith.constant 0 : i32
      %dma_start3A_452 = arith.constant 0 : i32
      %dma_start3A_453 = tpu.memref_slice %arg4[%shift_right_arithmetic3A_437, %dma_start3A_451, %dma_start3A_452] : memref<125000x8x64xf32, #tpu.memory_space<hbm>> -> memref<1x8x64xf32, #tpu.memory_space<hbm>>
      %dma_start3A_454 = tpu.memref_squeeze %dma_start3A_453 : memref<1x8x64xf32, #tpu.memory_space<hbm>> -> memref<8x64xf32, #tpu.memory_space<hbm>>
      tpu.enqueue_dma source(%dma_start3A_454 : memref<8x64xf32, #tpu.memory_space<hbm>>) target(%dma_start3A_450 : memref<8x64xf32, #tpu.memory_space<vmem>>) target_semaphore(%arg11 : memref<!tpu.dma_semaphore, #tpu.memory_space<semaphore_mem>>)
      %slice3A_455 = vector.extract_strided_slice %get3A_391 {offsets = [3], sizes = [1], strides = [1]} : vector<16xi32> to vector<1xi32>
      %squeeze3A_456 = vector.extract %slice3A_455[0] : i32 from vector<1xi32>
      %shift_right_arithmetic3A_457 = arith.constant 3 : i32
      %shift_right_arithmetic3A_458 = arith.shrsi %squeeze3A_456, %shift_right_arithmetic3A_457 : i32
      %dma_start3A_459 = arith.constant 3 : i32
      %dma_start3A_460 = arith.constant 0 : i32
      %dma_start3A_461 = arith.constant 0 : i32
      %dma_start3A_462 = tpu.memref_slice %arg8[%dma_start3A_459, %dma_start3A_460, %dma_start3A_461] : memref<16x8x64xf32, #tpu.memory_space<vmem>> -> memref<1x8x64xf32, #tpu.memory_space<vmem>>
      %dma_start3A_463 = tpu.memref_squeeze %dma_start3A_462 : memref<1x8x64xf32, #tpu.memory_space<vmem>> -> memref<8x64xf32, #tpu.memory_space<vmem>>
      %dma_start3A_464 = arith.constant 0 : i32
      %dma_start3A_465 = arith.constant 0 : i32
      %dma_start3A_466 = tpu.memref_slice %arg4[%shift_right_arithmetic3A_458, %dma_start3A_464, %dma_start3A_465] : memref<125000x8x64xf32, #tpu.memory_space<hbm>> -> memref<1x8x64xf32, #tpu.memory_space<hbm>>
      %dma_start3A_467 = tpu.memref_squeeze %dma_start3A_466 : memref<1x8x64xf32, #tpu.memory_space<hbm>> -> memref<8x64xf32, #tpu.memory_space<hbm>>
      %dma_start3A_468 = arith.constant 0 : i32
      %dma_start3A_469 = arith.constant 0 : i32
      %dma_start3A_470 = tpu.memref_slice %arg8[%dma_start3A_459, %dma_start3A_468, %dma_start3A_469] : memref<16x8x64xf32, #tpu.memory_space<vmem>> -> memref<1x8x64xf32, #tpu.memory_space<vmem>>
      %dma_start3A_471 = tpu.memref_squeeze %dma_start3A_470 : memref<1x8x64xf32, #tpu.memory_space<vmem>> -> memref<8x64xf32, #tpu.memory_space<vmem>>
      %dma_start3A_472 = arith.constant 0 : i32
      %dma_start3A_473 = arith.constant 0 : i32
      %dma_start3A_474 = tpu.memref_slice %arg4[%shift_right_arithmetic3A_458, %dma_start3A_472, %dma_start3A_473] : memref<125000x8x64xf32, #tpu.memory_space<hbm>> -> memref<1x8x64xf32, #tpu.memory_space<hbm>>
      %dma_start3A_475 = tpu.memref_squeeze %dma_start3A_474 : memref<1x8x64xf32, #tpu.memory_space<hbm>> -> memref<8x64xf32, #tpu.memory_space<hbm>>
      tpu.enqueue_dma source(%dma_start3A_475 : memref<8x64xf32, #tpu.memory_space<hbm>>) target(%dma_start3A_471 : memref<8x64xf32, #tpu.memory_space<vmem>>) target_semaphore(%arg11 : memref<!tpu.dma_semaphore, #tpu.memory_space<semaphore_mem>>)
      %slice3A_476 = vector.extract_strided_slice %get3A_391 {offsets = [4], sizes = [1], strides = [1]} : vector<16xi32> to vector<1xi32>
      %squeeze3A_477 = vector.extract %slice3A_476[0] : i32 from vector<1xi32>
      %shift_right_arithmetic3A_478 = arith.constant 3 : i32
      %shift_right_arithmetic3A_479 = arith.shrsi %squeeze3A_477, %shift_right_arithmetic3A_478 : i32
      %dma_start3A_480 = arith.constant 4 : i32
      %dma_start3A_481 = arith.constant 0 : i32
      %dma_start3A_482 = arith.constant 0 : i32
      %dma_start3A_483 = tpu.memref_slice %arg8[%dma_start3A_480, %dma_start3A_481, %dma_start3A_482] : memref<16x8x64xf32, #tpu.memory_space<vmem>> -> memref<1x8x64xf32, #tpu.memory_space<vmem>>
      %dma_start3A_484 = tpu.memref_squeeze %dma_start3A_483 : memref<1x8x64xf32, #tpu.memory_space<vmem>> -> memref<8x64xf32, #tpu.memory_space<vmem>>
      %dma_start3A_485 = arith.constant 0 : i32
      %dma_start3A_486 = arith.constant 0 : i32
      %dma_start3A_487 = tpu.memref_slice %arg4[%shift_right_arithmetic3A_479, %dma_start3A_485, %dma_start3A_486] : memref<125000x8x64xf32, #tpu.memory_space<hbm>> -> memref<1x8x64xf32, #tpu.memory_space<hbm>>
      %dma_start3A_488 = tpu.memref_squeeze %dma_start3A_487 : memref<1x8x64xf32, #tpu.memory_space<hbm>> -> memref<8x64xf32, #tpu.memory_space<hbm>>
      %dma_start3A_489 = arith.constant 0 : i32
      %dma_start3A_490 = arith.constant 0 : i32
      %dma_start3A_491 = tpu.memref_slice %arg8[%dma_start3A_480, %dma_start3A_489, %dma_start3A_490] : memref<16x8x64xf32, #tpu.memory_space<vmem>> -> memref<1x8x64xf32, #tpu.memory_space<vmem>>
      %dma_start3A_492 = tpu.memref_squeeze %dma_start3A_491 : memref<1x8x64xf32, #tpu.memory_space<vmem>> -> memref<8x64xf32, #tpu.memory_space<vmem>>
      %dma_start3A_493 = arith.constant 0 : i32
      %dma_start3A_494 = arith.constant 0 : i32
      %dma_start3A_495 = tpu.memref_slice %arg4[%shift_right_arithmetic3A_479, %dma_start3A_493, %dma_start3A_494] : memref<125000x8x64xf32, #tpu.memory_space<hbm>> -> memref<1x8x64xf32, #tpu.memory_space<hbm>>
      %dma_start3A_496 = tpu.memref_squeeze %dma_start3A_495 : memref<1x8x64xf32, #tpu.memory_space<hbm>> -> memref<8x64xf32, #tpu.memory_space<hbm>>
      tpu.enqueue_dma source(%dma_start3A_496 : memref<8x64xf32, #tpu.memory_space<hbm>>) target(%dma_start3A_492 : memref<8x64xf32, #tpu.memory_space<vmem>>) target_semaphore(%arg11 : memref<!tpu.dma_semaphore, #tpu.memory_space<semaphore_mem>>)
      %slice3A_497 = vector.extract_strided_slice %get3A_391 {offsets = [5], sizes = [1], strides = [1]} : vector<16xi32> to vector<1xi32>
      %squeeze3A_498 = vector.extract %slice3A_497[0] : i32 from vector<1xi32>
      %shift_right_arithmetic3A_499 = arith.constant 3 : i32
      %shift_right_arithmetic3A_500 = arith.shrsi %squeeze3A_498, %shift_right_arithmetic3A_499 : i32
      %dma_start3A_501 = arith.constant 5 : i32
      %dma_start3A_502 = arith.constant 0 : i32
      %dma_start3A_503 = arith.constant 0 : i32
      %dma_start3A_504 = tpu.memref_slice %arg8[%dma_start3A_501, %dma_start3A_502, %dma_start3A_503] : memref<16x8x64xf32, #tpu.memory_space<vmem>> -> memref<1x8x64xf32, #tpu.memory_space<vmem>>
      %dma_start3A_505 = tpu.memref_squeeze %dma_start3A_504 : memref<1x8x64xf32, #tpu.memory_space<vmem>> -> memref<8x64xf32, #tpu.memory_space<vmem>>
      %dma_start3A_506 = arith.constant 0 : i32
      %dma_start3A_507 = arith.constant 0 : i32
      %dma_start3A_508 = tpu.memref_slice %arg4[%shift_right_arithmetic3A_500, %dma_start3A_506, %dma_start3A_507] : memref<125000x8x64xf32, #tpu.memory_space<hbm>> -> memref<1x8x64xf32, #tpu.memory_space<hbm>>
      %dma_start3A_509 = tpu.memref_squeeze %dma_start3A_508 : memref<1x8x64xf32, #tpu.memory_space<hbm>> -> memref<8x64xf32, #tpu.memory_space<hbm>>
      %dma_start3A_510 = arith.constant 0 : i32
      %dma_start3A_511 = arith.constant 0 : i32
      %dma_start3A_512 = tpu.memref_slice %arg8[%dma_start3A_501, %dma_start3A_510, %dma_start3A_511] : memref<16x8x64xf32, #tpu.memory_space<vmem>> -> memref<1x8x64xf32, #tpu.memory_space<vmem>>
      %dma_start3A_513 = tpu.memref_squeeze %dma_start3A_512 : memref<1x8x64xf32, #tpu.memory_space<vmem>> -> memref<8x64xf32, #tpu.memory_space<vmem>>
      %dma_start3A_514 = arith.constant 0 : i32
      %dma_start3A_515 = arith.constant 0 : i32
      %dma_start3A_516 = tpu.memref_slice %arg4[%shift_right_arithmetic3A_500, %dma_start3A_514, %dma_start3A_515] : memref<125000x8x64xf32, #tpu.memory_space<hbm>> -> memref<1x8x64xf32, #tpu.memory_space<hbm>>
      %dma_start3A_517 = tpu.memref_squeeze %dma_start3A_516 : memref<1x8x64xf32, #tpu.memory_space<hbm>> -> memref<8x64xf32, #tpu.memory_space<hbm>>
      tpu.enqueue_dma source(%dma_start3A_517 : memref<8x64xf32, #tpu.memory_space<hbm>>) target(%dma_start3A_513 : memref<8x64xf32, #tpu.memory_space<vmem>>) target_semaphore(%arg11 : memref<!tpu.dma_semaphore, #tpu.memory_space<semaphore_mem>>)
      %slice3A_518 = vector.extract_strided_slice %get3A_391 {offsets = [6], sizes = [1], strides = [1]} : vector<16xi32> to vector<1xi32>
      %squeeze3A_519 = vector.extract %slice3A_518[0] : i32 from vector<1xi32>
      %shift_right_arithmetic3A_520 = arith.constant 3 : i32
      %shift_right_arithmetic3A_521 = arith.shrsi %squeeze3A_519, %shift_right_arithmetic3A_520 : i32
      %dma_start3A_522 = arith.constant 6 : i32
      %dma_start3A_523 = arith.constant 0 : i32
      %dma_start3A_524 = arith.constant 0 : i32
      %dma_start3A_525 = tpu.memref_slice %arg8[%dma_start3A_522, %dma_start3A_523, %dma_start3A_524] : memref<16x8x64xf32, #tpu.memory_space<vmem>> -> memref<1x8x64xf32, #tpu.memory_space<vmem>>
      %dma_start3A_526 = tpu.memref_squeeze %dma_start3A_525 : memref<1x8x64xf32, #tpu.memory_space<vmem>> -> memref<8x64xf32, #tpu.memory_space<vmem>>
      %dma_start3A_527 = arith.constant 0 : i32
      %dma_start3A_528 = arith.constant 0 : i32
      %dma_start3A_529 = tpu.memref_slice %arg4[%shift_right_arithmetic3A_521, %dma_start3A_527, %dma_start3A_528] : memref<125000x8x64xf32, #tpu.memory_space<hbm>> -> memref<1x8x64xf32, #tpu.memory_space<hbm>>
      %dma_start3A_530 = tpu.memref_squeeze %dma_start3A_529 : memref<1x8x64xf32, #tpu.memory_space<hbm>> -> memref<8x64xf32, #tpu.memory_space<hbm>>
      %dma_start3A_531 = arith.constant 0 : i32
      %dma_start3A_532 = arith.constant 0 : i32
      %dma_start3A_533 = tpu.memref_slice %arg8[%dma_start3A_522, %dma_start3A_531, %dma_start3A_532] : memref<16x8x64xf32, #tpu.memory_space<vmem>> -> memref<1x8x64xf32, #tpu.memory_space<vmem>>
      %dma_start3A_534 = tpu.memref_squeeze %dma_start3A_533 : memref<1x8x64xf32, #tpu.memory_space<vmem>> -> memref<8x64xf32, #tpu.memory_space<vmem>>
      %dma_start3A_535 = arith.constant 0 : i32
      %dma_start3A_536 = arith.constant 0 : i32
      %dma_start3A_537 = tpu.memref_slice %arg4[%shift_right_arithmetic3A_521, %dma_start3A_535, %dma_start3A_536] : memref<125000x8x64xf32, #tpu.memory_space<hbm>> -> memref<1x8x64xf32, #tpu.memory_space<hbm>>
      %dma_start3A_538 = tpu.memref_squeeze %dma_start3A_537 : memref<1x8x64xf32, #tpu.memory_space<hbm>> -> memref<8x64xf32, #tpu.memory_space<hbm>>
      tpu.enqueue_dma source(%dma_start3A_538 : memref<8x64xf32, #tpu.memory_space<hbm>>) target(%dma_start3A_534 : memref<8x64xf32, #tpu.memory_space<vmem>>) target_semaphore(%arg11 : memref<!tpu.dma_semaphore, #tpu.memory_space<semaphore_mem>>)
      %slice3A_539 = vector.extract_strided_slice %get3A_391 {offsets = [7], sizes = [1], strides = [1]} : vector<16xi32> to vector<1xi32>
      %squeeze3A_540 = vector.extract %slice3A_539[0] : i32 from vector<1xi32>
      %shift_right_arithmetic3A_541 = arith.constant 3 : i32
      %shift_right_arithmetic3A_542 = arith.shrsi %squeeze3A_540, %shift_right_arithmetic3A_541 : i32
      %dma_start3A_543 = arith.constant 7 : i32
      %dma_start3A_544 = arith.constant 0 : i32
      %dma_start3A_545 = arith.constant 0 : i32
      %dma_start3A_546 = tpu.memref_slice %arg8[%dma_start3A_543, %dma_start3A_544, %dma_start3A_545] : memref<16x8x64xf32, #tpu.memory_space<vmem>> -> memref<1x8x64xf32, #tpu.memory_space<vmem>>
      %dma_start3A_547 = tpu.memref_squeeze %dma_start3A_546 : memref<1x8x64xf32, #tpu.memory_space<vmem>> -> memref<8x64xf32, #tpu.memory_space<vmem>>
      %dma_start3A_548 = arith.constant 0 : i32
      %dma_start3A_549 = arith.constant 0 : i32
      %dma_start3A_550 = tpu.memref_slice %arg4[%shift_right_arithmetic3A_542, %dma_start3A_548, %dma_start3A_549] : memref<125000x8x64xf32, #tpu.memory_space<hbm>> -> memref<1x8x64xf32, #tpu.memory_space<hbm>>
      %dma_start3A_551 = tpu.memref_squeeze %dma_start3A_550 : memref<1x8x64xf32, #tpu.memory_space<hbm>> -> memref<8x64xf32, #tpu.memory_space<hbm>>
      %dma_start3A_552 = arith.constant 0 : i32
      %dma_start3A_553 = arith.constant 0 : i32
      %dma_start3A_554 = tpu.memref_slice %arg8[%dma_start3A_543, %dma_start3A_552, %dma_start3A_553] : memref<16x8x64xf32, #tpu.memory_space<vmem>> -> memref<1x8x64xf32, #tpu.memory_space<vmem>>
      %dma_start3A_555 = tpu.memref_squeeze %dma_start3A_554 : memref<1x8x64xf32, #tpu.memory_space<vmem>> -> memref<8x64xf32, #tpu.memory_space<vmem>>
      %dma_start3A_556 = arith.constant 0 : i32
      %dma_start3A_557 = arith.constant 0 : i32
      %dma_start3A_558 = tpu.memref_slice %arg4[%shift_right_arithmetic3A_542, %dma_start3A_556, %dma_start3A_557] : memref<125000x8x64xf32, #tpu.memory_space<hbm>> -> memref<1x8x64xf32, #tpu.memory_space<hbm>>
      %dma_start3A_559 = tpu.memref_squeeze %dma_start3A_558 : memref<1x8x64xf32, #tpu.memory_space<hbm>> -> memref<8x64xf32, #tpu.memory_space<hbm>>
      tpu.enqueue_dma source(%dma_start3A_559 : memref<8x64xf32, #tpu.memory_space<hbm>>) target(%dma_start3A_555 : memref<8x64xf32, #tpu.memory_space<vmem>>) target_semaphore(%arg11 : memref<!tpu.dma_semaphore, #tpu.memory_space<semaphore_mem>>)
      %slice3A_560 = vector.extract_strided_slice %get3A_391 {offsets = [8], sizes = [1], strides = [1]} : vector<16xi32> to vector<1xi32>
      %squeeze3A_561 = vector.extract %slice3A_560[0] : i32 from vector<1xi32>
      %shift_right_arithmetic3A_562 = arith.constant 3 : i32
      %shift_right_arithmetic3A_563 = arith.shrsi %squeeze3A_561, %shift_right_arithmetic3A_562 : i32
      %dma_start3A_564 = arith.constant 8 : i32
      %dma_start3A_565 = arith.constant 0 : i32
      %dma_start3A_566 = arith.constant 0 : i32
      %dma_start3A_567 = tpu.memref_slice %arg8[%dma_start3A_564, %dma_start3A_565, %dma_start3A_566] : memref<16x8x64xf32, #tpu.memory_space<vmem>> -> memref<1x8x64xf32, #tpu.memory_space<vmem>>
      %dma_start3A_568 = tpu.memref_squeeze %dma_start3A_567 : memref<1x8x64xf32, #tpu.memory_space<vmem>> -> memref<8x64xf32, #tpu.memory_space<vmem>>
      %dma_start3A_569 = arith.constant 0 : i32
      %dma_start3A_570 = arith.constant 0 : i32
      %dma_start3A_571 = tpu.memref_slice %arg4[%shift_right_arithmetic3A_563, %dma_start3A_569, %dma_start3A_570] : memref<125000x8x64xf32, #tpu.memory_space<hbm>> -> memref<1x8x64xf32, #tpu.memory_space<hbm>>
      %dma_start3A_572 = tpu.memref_squeeze %dma_start3A_571 : memref<1x8x64xf32, #tpu.memory_space<hbm>> -> memref<8x64xf32, #tpu.memory_space<hbm>>
      %dma_start3A_573 = arith.constant 0 : i32
      %dma_start3A_574 = arith.constant 0 : i32
      %dma_start3A_575 = tpu.memref_slice %arg8[%dma_start3A_564, %dma_start3A_573, %dma_start3A_574] : memref<16x8x64xf32, #tpu.memory_space<vmem>> -> memref<1x8x64xf32, #tpu.memory_space<vmem>>
      %dma_start3A_576 = tpu.memref_squeeze %dma_start3A_575 : memref<1x8x64xf32, #tpu.memory_space<vmem>> -> memref<8x64xf32, #tpu.memory_space<vmem>>
      %dma_start3A_577 = arith.constant 0 : i32
      %dma_start3A_578 = arith.constant 0 : i32
      %dma_start3A_579 = tpu.memref_slice %arg4[%shift_right_arithmetic3A_563, %dma_start3A_577, %dma_start3A_578] : memref<125000x8x64xf32, #tpu.memory_space<hbm>> -> memref<1x8x64xf32, #tpu.memory_space<hbm>>
      %dma_start3A_580 = tpu.memref_squeeze %dma_start3A_579 : memref<1x8x64xf32, #tpu.memory_space<hbm>> -> memref<8x64xf32, #tpu.memory_space<hbm>>
      tpu.enqueue_dma source(%dma_start3A_580 : memref<8x64xf32, #tpu.memory_space<hbm>>) target(%dma_start3A_576 : memref<8x64xf32, #tpu.memory_space<vmem>>) target_semaphore(%arg11 : memref<!tpu.dma_semaphore, #tpu.memory_space<semaphore_mem>>)
      %slice3A_581 = vector.extract_strided_slice %get3A_391 {offsets = [9], sizes = [1], strides = [1]} : vector<16xi32> to vector<1xi32>
      %squeeze3A_582 = vector.extract %slice3A_581[0] : i32 from vector<1xi32>
      %shift_right_arithmetic3A_583 = arith.constant 3 : i32
      %shift_right_arithmetic3A_584 = arith.shrsi %squeeze3A_582, %shift_right_arithmetic3A_583 : i32
      %dma_start3A_585 = arith.constant 9 : i32
      %dma_start3A_586 = arith.constant 0 : i32
      %dma_start3A_587 = arith.constant 0 : i32
      %dma_start3A_588 = tpu.memref_slice %arg8[%dma_start3A_585, %dma_start3A_586, %dma_start3A_587] : memref<16x8x64xf32, #tpu.memory_space<vmem>> -> memref<1x8x64xf32, #tpu.memory_space<vmem>>
      %dma_start3A_589 = tpu.memref_squeeze %dma_start3A_588 : memref<1x8x64xf32, #tpu.memory_space<vmem>> -> memref<8x64xf32, #tpu.memory_space<vmem>>
      %dma_start3A_590 = arith.constant 0 : i32
      %dma_start3A_591 = arith.constant 0 : i32
      %dma_start3A_592 = tpu.memref_slice %arg4[%shift_right_arithmetic3A_584, %dma_start3A_590, %dma_start3A_591] : memref<125000x8x64xf32, #tpu.memory_space<hbm>> -> memref<1x8x64xf32, #tpu.memory_space<hbm>>
      %dma_start3A_593 = tpu.memref_squeeze %dma_start3A_592 : memref<1x8x64xf32, #tpu.memory_space<hbm>> -> memref<8x64xf32, #tpu.memory_space<hbm>>
      %dma_start3A_594 = arith.constant 0 : i32
      %dma_start3A_595 = arith.constant 0 : i32
      %dma_start3A_596 = tpu.memref_slice %arg8[%dma_start3A_585, %dma_start3A_594, %dma_start3A_595] : memref<16x8x64xf32, #tpu.memory_space<vmem>> -> memref<1x8x64xf32, #tpu.memory_space<vmem>>
      %dma_start3A_597 = tpu.memref_squeeze %dma_start3A_596 : memref<1x8x64xf32, #tpu.memory_space<vmem>> -> memref<8x64xf32, #tpu.memory_space<vmem>>
      %dma_start3A_598 = arith.constant 0 : i32
      %dma_start3A_599 = arith.constant 0 : i32
      %dma_start3A_600 = tpu.memref_slice %arg4[%shift_right_arithmetic3A_584, %dma_start3A_598, %dma_start3A_599] : memref<125000x8x64xf32, #tpu.memory_space<hbm>> -> memref<1x8x64xf32, #tpu.memory_space<hbm>>
      %dma_start3A_601 = tpu.memref_squeeze %dma_start3A_600 : memref<1x8x64xf32, #tpu.memory_space<hbm>> -> memref<8x64xf32, #tpu.memory_space<hbm>>
      tpu.enqueue_dma source(%dma_start3A_601 : memref<8x64xf32, #tpu.memory_space<hbm>>) target(%dma_start3A_597 : memref<8x64xf32, #tpu.memory_space<vmem>>) target_semaphore(%arg11 : memref<!tpu.dma_semaphore, #tpu.memory_space<semaphore_mem>>)
      %slice3A_602 = vector.extract_strided_slice %get3A_391 {offsets = [10], sizes = [1], strides = [1]} : vector<16xi32> to vector<1xi32>
      %squeeze3A_603 = vector.extract %slice3A_602[0] : i32 from vector<1xi32>
      %shift_right_arithmetic3A_604 = arith.constant 3 : i32
      %shift_right_arithmetic3A_605 = arith.shrsi %squeeze3A_603, %shift_right_arithmetic3A_604 : i32
      %dma_start3A_606 = arith.constant 10 : i32
      %dma_start3A_607 = arith.constant 0 : i32
      %dma_start3A_608 = arith.constant 0 : i32
      %dma_start3A_609 = tpu.memref_slice %arg8[%dma_start3A_606, %dma_start3A_607, %dma_start3A_608] : memref<16x8x64xf32, #tpu.memory_space<vmem>> -> memref<1x8x64xf32, #tpu.memory_space<vmem>>
      %dma_start3A_610 = tpu.memref_squeeze %dma_start3A_609 : memref<1x8x64xf32, #tpu.memory_space<vmem>> -> memref<8x64xf32, #tpu.memory_space<vmem>>
      %dma_start3A_611 = arith.constant 0 : i32
      %dma_start3A_612 = arith.constant 0 : i32
      %dma_start3A_613 = tpu.memref_slice %arg4[%shift_right_arithmetic3A_605, %dma_start3A_611, %dma_start3A_612] : memref<125000x8x64xf32, #tpu.memory_space<hbm>> -> memref<1x8x64xf32, #tpu.memory_space<hbm>>
      %dma_start3A_614 = tpu.memref_squeeze %dma_start3A_613 : memref<1x8x64xf32, #tpu.memory_space<hbm>> -> memref<8x64xf32, #tpu.memory_space<hbm>>
      %dma_start3A_615 = arith.constant 0 : i32
      %dma_start3A_616 = arith.constant 0 : i32
      %dma_start3A_617 = tpu.memref_slice %arg8[%dma_start3A_606, %dma_start3A_615, %dma_start3A_616] : memref<16x8x64xf32, #tpu.memory_space<vmem>> -> memref<1x8x64xf32, #tpu.memory_space<vmem>>
      %dma_start3A_618 = tpu.memref_squeeze %dma_start3A_617 : memref<1x8x64xf32, #tpu.memory_space<vmem>> -> memref<8x64xf32, #tpu.memory_space<vmem>>
      %dma_start3A_619 = arith.constant 0 : i32
      %dma_start3A_620 = arith.constant 0 : i32
      %dma_start3A_621 = tpu.memref_slice %arg4[%shift_right_arithmetic3A_605, %dma_start3A_619, %dma_start3A_620] : memref<125000x8x64xf32, #tpu.memory_space<hbm>> -> memref<1x8x64xf32, #tpu.memory_space<hbm>>
      %dma_start3A_622 = tpu.memref_squeeze %dma_start3A_621 : memref<1x8x64xf32, #tpu.memory_space<hbm>> -> memref<8x64xf32, #tpu.memory_space<hbm>>
      tpu.enqueue_dma source(%dma_start3A_622 : memref<8x64xf32, #tpu.memory_space<hbm>>) target(%dma_start3A_618 : memref<8x64xf32, #tpu.memory_space<vmem>>) target_semaphore(%arg11 : memref<!tpu.dma_semaphore, #tpu.memory_space<semaphore_mem>>)
      %slice3A_623 = vector.extract_strided_slice %get3A_391 {offsets = [11], sizes = [1], strides = [1]} : vector<16xi32> to vector<1xi32>
      %squeeze3A_624 = vector.extract %slice3A_623[0] : i32 from vector<1xi32>
      %shift_right_arithmetic3A_625 = arith.constant 3 : i32
      %shift_right_arithmetic3A_626 = arith.shrsi %squeeze3A_624, %shift_right_arithmetic3A_625 : i32
      %dma_start3A_627 = arith.constant 11 : i32
      %dma_start3A_628 = arith.constant 0 : i32
      %dma_start3A_629 = arith.constant 0 : i32
      %dma_start3A_630 = tpu.memref_slice %arg8[%dma_start3A_627, %dma_start3A_628, %dma_start3A_629] : memref<16x8x64xf32, #tpu.memory_space<vmem>> -> memref<1x8x64xf32, #tpu.memory_space<vmem>>
      %dma_start3A_631 = tpu.memref_squeeze %dma_start3A_630 : memref<1x8x64xf32, #tpu.memory_space<vmem>> -> memref<8x64xf32, #tpu.memory_space<vmem>>
      %dma_start3A_632 = arith.constant 0 : i32
      %dma_start3A_633 = arith.constant 0 : i32
      %dma_start3A_634 = tpu.memref_slice %arg4[%shift_right_arithmetic3A_626, %dma_start3A_632, %dma_start3A_633] : memref<125000x8x64xf32, #tpu.memory_space<hbm>> -> memref<1x8x64xf32, #tpu.memory_space<hbm>>
      %dma_start3A_635 = tpu.memref_squeeze %dma_start3A_634 : memref<1x8x64xf32, #tpu.memory_space<hbm>> -> memref<8x64xf32, #tpu.memory_space<hbm>>
      %dma_start3A_636 = arith.constant 0 : i32
      %dma_start3A_637 = arith.constant 0 : i32
      %dma_start3A_638 = tpu.memref_slice %arg8[%dma_start3A_627, %dma_start3A_636, %dma_start3A_637] : memref<16x8x64xf32, #tpu.memory_space<vmem>> -> memref<1x8x64xf32, #tpu.memory_space<vmem>>
      %dma_start3A_639 = tpu.memref_squeeze %dma_start3A_638 : memref<1x8x64xf32, #tpu.memory_space<vmem>> -> memref<8x64xf32, #tpu.memory_space<vmem>>
      %dma_start3A_640 = arith.constant 0 : i32
      %dma_start3A_641 = arith.constant 0 : i32
      %dma_start3A_642 = tpu.memref_slice %arg4[%shift_right_arithmetic3A_626, %dma_start3A_640, %dma_start3A_641] : memref<125000x8x64xf32, #tpu.memory_space<hbm>> -> memref<1x8x64xf32, #tpu.memory_space<hbm>>
      %dma_start3A_643 = tpu.memref_squeeze %dma_start3A_642 : memref<1x8x64xf32, #tpu.memory_space<hbm>> -> memref<8x64xf32, #tpu.memory_space<hbm>>
      tpu.enqueue_dma source(%dma_start3A_643 : memref<8x64xf32, #tpu.memory_space<hbm>>) target(%dma_start3A_639 : memref<8x64xf32, #tpu.memory_space<vmem>>) target_semaphore(%arg11 : memref<!tpu.dma_semaphore, #tpu.memory_space<semaphore_mem>>)
      %slice3A_644 = vector.extract_strided_slice %get3A_391 {offsets = [12], sizes = [1], strides = [1]} : vector<16xi32> to vector<1xi32>
      %squeeze3A_645 = vector.extract %slice3A_644[0] : i32 from vector<1xi32>
      %shift_right_arithmetic3A_646 = arith.constant 3 : i32
      %shift_right_arithmetic3A_647 = arith.shrsi %squeeze3A_645, %shift_right_arithmetic3A_646 : i32
      %dma_start3A_648 = arith.constant 12 : i32
      %dma_start3A_649 = arith.constant 0 : i32
      %dma_start3A_650 = arith.constant 0 : i32
      %dma_start3A_651 = tpu.memref_slice %arg8[%dma_start3A_648, %dma_start3A_649, %dma_start3A_650] : memref<16x8x64xf32, #tpu.memory_space<vmem>> -> memref<1x8x64xf32, #tpu.memory_space<vmem>>
      %dma_start3A_652 = tpu.memref_squeeze %dma_start3A_651 : memref<1x8x64xf32, #tpu.memory_space<vmem>> -> memref<8x64xf32, #tpu.memory_space<vmem>>
      %dma_start3A_653 = arith.constant 0 : i32
      %dma_start3A_654 = arith.constant 0 : i32
      %dma_start3A_655 = tpu.memref_slice %arg4[%shift_right_arithmetic3A_647, %dma_start3A_653, %dma_start3A_654] : memref<125000x8x64xf32, #tpu.memory_space<hbm>> -> memref<1x8x64xf32, #tpu.memory_space<hbm>>
      %dma_start3A_656 = tpu.memref_squeeze %dma_start3A_655 : memref<1x8x64xf32, #tpu.memory_space<hbm>> -> memref<8x64xf32, #tpu.memory_space<hbm>>
      %dma_start3A_657 = arith.constant 0 : i32
      %dma_start3A_658 = arith.constant 0 : i32
      %dma_start3A_659 = tpu.memref_slice %arg8[%dma_start3A_648, %dma_start3A_657, %dma_start3A_658] : memref<16x8x64xf32, #tpu.memory_space<vmem>> -> memref<1x8x64xf32, #tpu.memory_space<vmem>>
      %dma_start3A_660 = tpu.memref_squeeze %dma_start3A_659 : memref<1x8x64xf32, #tpu.memory_space<vmem>> -> memref<8x64xf32, #tpu.memory_space<vmem>>
      %dma_start3A_661 = arith.constant 0 : i32
      %dma_start3A_662 = arith.constant 0 : i32
      %dma_start3A_663 = tpu.memref_slice %arg4[%shift_right_arithmetic3A_647, %dma_start3A_661, %dma_start3A_662] : memref<125000x8x64xf32, #tpu.memory_space<hbm>> -> memref<1x8x64xf32, #tpu.memory_space<hbm>>
      %dma_start3A_664 = tpu.memref_squeeze %dma_start3A_663 : memref<1x8x64xf32, #tpu.memory_space<hbm>> -> memref<8x64xf32, #tpu.memory_space<hbm>>
      tpu.enqueue_dma source(%dma_start3A_664 : memref<8x64xf32, #tpu.memory_space<hbm>>) target(%dma_start3A_660 : memref<8x64xf32, #tpu.memory_space<vmem>>) target_semaphore(%arg11 : memref<!tpu.dma_semaphore, #tpu.memory_space<semaphore_mem>>)
      %slice3A_665 = vector.extract_strided_slice %get3A_391 {offsets = [13], sizes = [1], strides = [1]} : vector<16xi32> to vector<1xi32>
      %squeeze3A_666 = vector.extract %slice3A_665[0] : i32 from vector<1xi32>
      %shift_right_arithmetic3A_667 = arith.constant 3 : i32
      %shift_right_arithmetic3A_668 = arith.shrsi %squeeze3A_666, %shift_right_arithmetic3A_667 : i32
      %dma_start3A_669 = arith.constant 13 : i32
      %dma_start3A_670 = arith.constant 0 : i32
      %dma_start3A_671 = arith.constant 0 : i32
      %dma_start3A_672 = tpu.memref_slice %arg8[%dma_start3A_669, %dma_start3A_670, %dma_start3A_671] : memref<16x8x64xf32, #tpu.memory_space<vmem>> -> memref<1x8x64xf32, #tpu.memory_space<vmem>>
      %dma_start3A_673 = tpu.memref_squeeze %dma_start3A_672 : memref<1x8x64xf32, #tpu.memory_space<vmem>> -> memref<8x64xf32, #tpu.memory_space<vmem>>
      %dma_start3A_674 = arith.constant 0 : i32
      %dma_start3A_675 = arith.constant 0 : i32
      %dma_start3A_676 = tpu.memref_slice %arg4[%shift_right_arithmetic3A_668, %dma_start3A_674, %dma_start3A_675] : memref<125000x8x64xf32, #tpu.memory_space<hbm>> -> memref<1x8x64xf32, #tpu.memory_space<hbm>>
      %dma_start3A_677 = tpu.memref_squeeze %dma_start3A_676 : memref<1x8x64xf32, #tpu.memory_space<hbm>> -> memref<8x64xf32, #tpu.memory_space<hbm>>
      %dma_start3A_678 = arith.constant 0 : i32
      %dma_start3A_679 = arith.constant 0 : i32
      %dma_start3A_680 = tpu.memref_slice %arg8[%dma_start3A_669, %dma_start3A_678, %dma_start3A_679] : memref<16x8x64xf32, #tpu.memory_space<vmem>> -> memref<1x8x64xf32, #tpu.memory_space<vmem>>
      %dma_start3A_681 = tpu.memref_squeeze %dma_start3A_680 : memref<1x8x64xf32, #tpu.memory_space<vmem>> -> memref<8x64xf32, #tpu.memory_space<vmem>>
      %dma_start3A_682 = arith.constant 0 : i32
      %dma_start3A_683 = arith.constant 0 : i32
      %dma_start3A_684 = tpu.memref_slice %arg4[%shift_right_arithmetic3A_668, %dma_start3A_682, %dma_start3A_683] : memref<125000x8x64xf32, #tpu.memory_space<hbm>> -> memref<1x8x64xf32, #tpu.memory_space<hbm>>
      %dma_start3A_685 = tpu.memref_squeeze %dma_start3A_684 : memref<1x8x64xf32, #tpu.memory_space<hbm>> -> memref<8x64xf32, #tpu.memory_space<hbm>>
      tpu.enqueue_dma source(%dma_start3A_685 : memref<8x64xf32, #tpu.memory_space<hbm>>) target(%dma_start3A_681 : memref<8x64xf32, #tpu.memory_space<vmem>>) target_semaphore(%arg11 : memref<!tpu.dma_semaphore, #tpu.memory_space<semaphore_mem>>)
      %slice3A_686 = vector.extract_strided_slice %get3A_391 {offsets = [14], sizes = [1], strides = [1]} : vector<16xi32> to vector<1xi32>
      %squeeze3A_687 = vector.extract %slice3A_686[0] : i32 from vector<1xi32>
      %shift_right_arithmetic3A_688 = arith.constant 3 : i32
      %shift_right_arithmetic3A_689 = arith.shrsi %squeeze3A_687, %shift_right_arithmetic3A_688 : i32
      %dma_start3A_690 = arith.constant 14 : i32
      %dma_start3A_691 = arith.constant 0 : i32
      %dma_start3A_692 = arith.constant 0 : i32
      %dma_start3A_693 = tpu.memref_slice %arg8[%dma_start3A_690, %dma_start3A_691, %dma_start3A_692] : memref<16x8x64xf32, #tpu.memory_space<vmem>> -> memref<1x8x64xf32, #tpu.memory_space<vmem>>
      %dma_start3A_694 = tpu.memref_squeeze %dma_start3A_693 : memref<1x8x64xf32, #tpu.memory_space<vmem>> -> memref<8x64xf32, #tpu.memory_space<vmem>>
      %dma_start3A_695 = arith.constant 0 : i32
      %dma_start3A_696 = arith.constant 0 : i32
      %dma_start3A_697 = tpu.memref_slice %arg4[%shift_right_arithmetic3A_689, %dma_start3A_695, %dma_start3A_696] : memref<125000x8x64xf32, #tpu.memory_space<hbm>> -> memref<1x8x64xf32, #tpu.memory_space<hbm>>
      %dma_start3A_698 = tpu.memref_squeeze %dma_start3A_697 : memref<1x8x64xf32, #tpu.memory_space<hbm>> -> memref<8x64xf32, #tpu.memory_space<hbm>>
      %dma_start3A_699 = arith.constant 0 : i32
      %dma_start3A_700 = arith.constant 0 : i32
      %dma_start3A_701 = tpu.memref_slice %arg8[%dma_start3A_690, %dma_start3A_699, %dma_start3A_700] : memref<16x8x64xf32, #tpu.memory_space<vmem>> -> memref<1x8x64xf32, #tpu.memory_space<vmem>>
      %dma_start3A_702 = tpu.memref_squeeze %dma_start3A_701 : memref<1x8x64xf32, #tpu.memory_space<vmem>> -> memref<8x64xf32, #tpu.memory_space<vmem>>
      %dma_start3A_703 = arith.constant 0 : i32
      %dma_start3A_704 = arith.constant 0 : i32
      %dma_start3A_705 = tpu.memref_slice %arg4[%shift_right_arithmetic3A_689, %dma_start3A_703, %dma_start3A_704] : memref<125000x8x64xf32, #tpu.memory_space<hbm>> -> memref<1x8x64xf32, #tpu.memory_space<hbm>>
      %dma_start3A_706 = tpu.memref_squeeze %dma_start3A_705 : memref<1x8x64xf32, #tpu.memory_space<hbm>> -> memref<8x64xf32, #tpu.memory_space<hbm>>
      tpu.enqueue_dma source(%dma_start3A_706 : memref<8x64xf32, #tpu.memory_space<hbm>>) target(%dma_start3A_702 : memref<8x64xf32, #tpu.memory_space<vmem>>) target_semaphore(%arg11 : memref<!tpu.dma_semaphore, #tpu.memory_space<semaphore_mem>>)
      %slice3A_707 = vector.extract_strided_slice %get3A_391 {offsets = [15], sizes = [1], strides = [1]} : vector<16xi32> to vector<1xi32>
      %squeeze3A_708 = vector.extract %slice3A_707[0] : i32 from vector<1xi32>
      %shift_right_arithmetic3A_709 = arith.constant 3 : i32
      %shift_right_arithmetic3A_710 = arith.shrsi %squeeze3A_708, %shift_right_arithmetic3A_709 : i32
      %dma_start3A_711 = arith.constant 15 : i32
      %dma_start3A_712 = arith.constant 0 : i32
      %dma_start3A_713 = arith.constant 0 : i32
      %dma_start3A_714 = tpu.memref_slice %arg8[%dma_start3A_711, %dma_start3A_712, %dma_start3A_713] : memref<16x8x64xf32, #tpu.memory_space<vmem>> -> memref<1x8x64xf32, #tpu.memory_space<vmem>>
      %dma_start3A_715 = tpu.memref_squeeze %dma_start3A_714 : memref<1x8x64xf32, #tpu.memory_space<vmem>> -> memref<8x64xf32, #tpu.memory_space<vmem>>
      %dma_start3A_716 = arith.constant 0 : i32
      %dma_start3A_717 = arith.constant 0 : i32
      %dma_start3A_718 = tpu.memref_slice %arg4[%shift_right_arithmetic3A_710, %dma_start3A_716, %dma_start3A_717] : memref<125000x8x64xf32, #tpu.memory_space<hbm>> -> memref<1x8x64xf32, #tpu.memory_space<hbm>>
      %dma_start3A_719 = tpu.memref_squeeze %dma_start3A_718 : memref<1x8x64xf32, #tpu.memory_space<hbm>> -> memref<8x64xf32, #tpu.memory_space<hbm>>
      %dma_start3A_720 = arith.constant 0 : i32
      %dma_start3A_721 = arith.constant 0 : i32
      %dma_start3A_722 = tpu.memref_slice %arg8[%dma_start3A_711, %dma_start3A_720, %dma_start3A_721] : memref<16x8x64xf32, #tpu.memory_space<vmem>> -> memref<1x8x64xf32, #tpu.memory_space<vmem>>
      %dma_start3A_723 = tpu.memref_squeeze %dma_start3A_722 : memref<1x8x64xf32, #tpu.memory_space<vmem>> -> memref<8x64xf32, #tpu.memory_space<vmem>>
      %dma_start3A_724 = arith.constant 0 : i32
      %dma_start3A_725 = arith.constant 0 : i32
      %dma_start3A_726 = tpu.memref_slice %arg4[%shift_right_arithmetic3A_710, %dma_start3A_724, %dma_start3A_725] : memref<125000x8x64xf32, #tpu.memory_space<hbm>> -> memref<1x8x64xf32, #tpu.memory_space<hbm>>
      %dma_start3A_727 = tpu.memref_squeeze %dma_start3A_726 : memref<1x8x64xf32, #tpu.memory_space<hbm>> -> memref<8x64xf32, #tpu.memory_space<hbm>>
      tpu.enqueue_dma source(%dma_start3A_727 : memref<8x64xf32, #tpu.memory_space<hbm>>) target(%dma_start3A_723 : memref<8x64xf32, #tpu.memory_space<vmem>>) target_semaphore(%arg11 : memref<!tpu.dma_semaphore, #tpu.memory_space<semaphore_mem>>)
      %dma_wait3A_728 = arith.constant 0 : i32
      %dma_wait3A_729 = arith.constant 0 : i32
      %dma_wait3A_730 = arith.constant 0 : i32
      %dma_wait3A_731 = tpu.memref_slice %arg4[%dma_wait3A_728, %dma_wait3A_729, %dma_wait3A_730] : memref<125000x8x64xf32, #tpu.memory_space<hbm>> -> memref<16x8x64xf32, #tpu.memory_space<hbm>>
      %dma_wait3A_732 = arith.constant 0 : i32
      %dma_wait3A_733 = arith.constant 0 : i32
      %dma_wait3A_734 = arith.constant 0 : i32
      %dma_wait3A_735 = tpu.memref_slice %arg4[%dma_wait3A_732, %dma_wait3A_733, %dma_wait3A_734] : memref<125000x8x64xf32, #tpu.memory_space<hbm>> -> memref<16x8x64xf32, #tpu.memory_space<hbm>>
      tpu.wait_dma2 semaphore(%arg10 : memref<!tpu.dma_semaphore, #tpu.memory_space<semaphore_mem>>) src(%dma_wait3A_735 : memref<16x8x64xf32, #tpu.memory_space<hbm>>) dst(%arg7 : memref<16x8x64xf32, #tpu.memory_space<vmem>>)
      %jit3A_736 = arith.constant 8 : i32
      %div3A_737 = arith.divsi %mul3A_353, %jit3A_736 : i32
      %sign3A_738 = arith.constant 0 : i32
      %sign3A_739 = arith.cmpi sgt, %mul3A_353, %sign3A_738 : i32
      %sign3A_740 = arith.extui %sign3A_739 : i1 to i32
      %sign3A_741 = arith.constant 0 : i32
      %sign3A_742 = arith.cmpi slt, %mul3A_353, %sign3A_741 : i32
      %sign3A_743 = arith.extui %sign3A_742 : i1 to i32
      %sign3A_744 = arith.subi %sign3A_740, %sign3A_743 : i32
      %sign3A_745 = arith.constant 0 : i32
      %sign3A_746 = arith.cmpi sgt, %jit3A_736, %sign3A_745 : i32
      %sign3A_747 = arith.extui %sign3A_746 : i1 to i32
      %sign3A_748 = arith.constant 0 : i32
      %sign3A_749 = arith.cmpi slt, %jit3A_736, %sign3A_748 : i32
      %sign3A_750 = arith.extui %sign3A_749 : i1 to i32
      %sign3A_751 = arith.subi %sign3A_747, %sign3A_750 : i32
      %ne3A_752 = arith.cmpi ne, %sign3A_744, %sign3A_751 : i32
      %rem3A_753 = arith.remsi %mul3A_353, %jit3A_736 : i32
      %ne3A_754 = arith.constant 0 : i32
      %ne3A_755 = arith.cmpi ne, %rem3A_753, %ne3A_754 : i32
      %and3A_756 = arith.andi %ne3A_752, %ne3A_755 : i1
      %sub3A_757 = arith.constant 1 : i32
      %sub3A_758 = arith.subi %div3A_737, %sub3A_757 : i32
      %select_n3A_759 = arith.select %and3A_756, %sub3A_758, %div3A_737 : i32
      %jit3A_760 = arith.constant 8 : i32
      %eq3A_761 = arith.constant 0 : i32
      %eq3A_762 = arith.cmpi eq, %jit3A_760, %eq3A_761 : i32
      %jit3A_763 = arith.constant 1 : i32
      %select_n3A_764 = arith.select %eq3A_762, %jit3A_763, %jit3A_760 : i32
      %rem3A_765 = arith.remsi %mul3A_353, %select_n3A_764 : i32
      %ne3A_766 = arith.constant 0 : i32
      %ne3A_767 = arith.cmpi ne, %rem3A_765, %ne3A_766 : i32
      %lt3A_768 = arith.constant 0 : i32
      %lt3A_769 = arith.cmpi slt, %rem3A_765, %lt3A_768 : i32
      %lt3A_770 = arith.constant 0 : i32
      %lt3A_771 = arith.cmpi slt, %select_n3A_764, %lt3A_770 : i32
      %ne3A_772 = arith.xori %lt3A_769, %lt3A_771 : i1
      %and3A_773 = arith.andi %ne3A_772, %ne3A_767 : i1
      %add3A_774 = arith.addi %rem3A_765, %select_n3A_764 : i32
      %select_n3A_775 = arith.select %and3A_773, %add3A_774, %rem3A_765 : i32
      %mul3A_776 = arith.constant 16 : i32
      %mul3A_777 = arith.muli %select_n3A_775, %mul3A_776 : i32
      %get3A_778 = arith.index_cast %select_n3A_759 : i32 to index
      %get3A_779 = arith.index_cast %mul3A_777 : i32 to index
      %get3A_780 = tpu.vector_load %arg6[%get3A_778, %get3A_779] {strides = array<i32>} : memref<4x128xi32, #tpu.memory_space<vmem>>, vector<1x16xi32>,
      %get3A_781 = vector.shape_cast %get3A_780 : vector<1x16xi32> to vector<16xi32>
      %slice3A_782 = vector.extract_strided_slice %get3A_781 {offsets = [0], sizes = [1], strides = [1]} : vector<16xi32> to vector<1xi32>
      %squeeze3A_783 = vector.extract %slice3A_782[0] : i32 from vector<1xi32>
      %and3A_784 = arith.constant 7 : i32
      %and3A_785 = arith.andi %squeeze3A_783, %and3A_784 : i32
      %mul3A_786 = arith.constant 16 : i32
      %mul3A_787 = arith.muli %mul3A_353, %mul3A_786 : i32
      %add3A_788 = arith.constant 0 : i32
      %add3A_789 = arith.addi %mul3A_787, %add3A_788 : i32
      %get3A_790 = arith.constant 0 : i32
      %get3A_791 = arith.index_cast %get3A_790 : i32 to index
      %get3A_792 = arith.index_cast %and3A_785 : i32 to index
      %get3A_793 = arith.constant 0 : index
      %get3A_794 = tpu.vector_load %arg7[%get3A_791, %get3A_792, %get3A_793] {strides = array<i32>} : memref<16x8x64xf32, #tpu.memory_space<vmem>>, vector<1x1x16xf32>,
      %get3A_795 = vector.shape_cast %get3A_794 : vector<1x1x16xf32> to vector<16xf32>
      %swap3A = arith.index_cast %add3A_789 : i32 to index
      %swap3A_796 = arith.constant 0 : index
      %swap3A_797 = tpu.vector_load %arg9[%swap3A, %swap3A_796] {strides = array<i32>} : memref<512x64xf32, #tpu.memory_space<vmem>>, vector<1x16xf32>,
      %swap3A_798 = vector.shape_cast %swap3A_797 : vector<1x16xf32> to vector<16xf32>
      %swap3A_799 = vector.shape_cast %get3A_795 : vector<16xf32> to vector<1x16xf32>
      tpu.vector_store %arg9[%swap3A, %swap3A_796], %swap3A_799 {add = true, strides = array<i32>} : memref<512x64xf32, #tpu.memory_space<vmem>>, vector<1x16xf32>,
      %get3A_800 = arith.constant 0 : i32
      %get3A_801 = arith.index_cast %get3A_800 : i32 to index
      %get3A_802 = arith.index_cast %and3A_785 : i32 to index
      %get3A_803 = arith.constant 16 : index
      %get3A_804 = tpu.vector_load %arg7[%get3A_801, %get3A_802, %get3A_803] {strides = array<i32>} : memref<16x8x64xf32, #tpu.memory_space<vmem>>, vector<1x1x16xf32>,
      %get3A_805 = vector.shape_cast %get3A_804 : vector<1x1x16xf32> to vector<16xf32>
      %swap3A_806 = arith.index_cast %add3A_789 : i32 to index
      %swap3A_807 = arith.constant 16 : index
      %swap3A_808 = tpu.vector_load %arg9[%swap3A_806, %swap3A_807] {strides = array<i32>} : memref<512x64xf32, #tpu.memory_space<vmem>>, vector<1x16xf32>,
      %swap3A_809 = vector.shape_cast %swap3A_808 : vector<1x16xf32> to vector<16xf32>
      %swap3A_810 = vector.shape_cast %get3A_805 : vector<16xf32> to vector<1x16xf32>
      tpu.vector_store %arg9[%swap3A_806, %swap3A_807], %swap3A_810 {add = true, strides = array<i32>} : memref<512x64xf32, #tpu.memory_space<vmem>>, vector<1x16xf32>,
      %get3A_811 = arith.constant 0 : i32
      %get3A_812 = arith.index_cast %get3A_811 : i32 to index
      %get3A_813 = arith.index_cast %and3A_785 : i32 to index
      %get3A_814 = arith.constant 32 : index
      %get3A_815 = tpu.vector_load %arg7[%get3A_812, %get3A_813, %get3A_814] {strides = array<i32>} : memref<16x8x64xf32, #tpu.memory_space<vmem>>, vector<1x1x16xf32>,
      %get3A_816 = vector.shape_cast %get3A_815 : vector<1x1x16xf32> to vector<16xf32>
      %swap3A_817 = arith.index_cast %add3A_789 : i32 to index
      %swap3A_818 = arith.constant 32 : index
      %swap3A_819 = tpu.vector_load %arg9[%swap3A_817, %swap3A_818] {strides = array<i32>} : memref<512x64xf32, #tpu.memory_space<vmem>>, vector<1x16xf32>,
      %swap3A_820 = vector.shape_cast %swap3A_819 : vector<1x16xf32> to vector<16xf32>
      %swap3A_821 = vector.shape_cast %get3A_816 : vector<16xf32> to vector<1x16xf32>
      tpu.vector_store %arg9[%swap3A_817, %swap3A_818], %swap3A_821 {add = true, strides = array<i32>} : memref<512x64xf32, #tpu.memory_space<vmem>>, vector<1x16xf32>,
      %get3A_822 = arith.constant 0 : i32
      %get3A_823 = arith.index_cast %get3A_822 : i32 to index
      %get3A_824 = arith.index_cast %and3A_785 : i32 to index
      %get3A_825 = arith.constant 48 : index
      %get3A_826 = tpu.vector_load %arg7[%get3A_823, %get3A_824, %get3A_825] {strides = array<i32>} : memref<16x8x64xf32, #tpu.memory_space<vmem>>, vector<1x1x16xf32>,
      %get3A_827 = vector.shape_cast %get3A_826 : vector<1x1x16xf32> to vector<16xf32>
      %swap3A_828 = arith.index_cast %add3A_789 : i32 to index
      %swap3A_829 = arith.constant 48 : index
      %swap3A_830 = tpu.vector_load %arg9[%swap3A_828, %swap3A_829] {strides = array<i32>} : memref<512x64xf32, #tpu.memory_space<vmem>>, vector<1x16xf32>,
      %swap3A_831 = vector.shape_cast %swap3A_830 : vector<1x16xf32> to vector<16xf32>
      %swap3A_832 = vector.shape_cast %get3A_827 : vector<16xf32> to vector<1x16xf32>
      tpu.vector_store %arg9[%swap3A_828, %swap3A_829], %swap3A_832 {add = true, strides = array<i32>} : memref<512x64xf32, #tpu.memory_space<vmem>>, vector<1x16xf32>,
      %slice3A_833 = vector.extract_strided_slice %get3A_781 {offsets = [1], sizes = [1], strides = [1]} : vector<16xi32> to vector<1xi32>
      %squeeze3A_834 = vector.extract %slice3A_833[0] : i32 from vector<1xi32>
      %and3A_835 = arith.constant 7 : i32
      %and3A_836 = arith.andi %squeeze3A_834, %and3A_835 : i32
      %mul3A_837 = arith.constant 16 : i32
      %mul3A_838 = arith.muli %mul3A_353, %mul3A_837 : i32
      %add3A_839 = arith.constant 1 : i32
      %add3A_840 = arith.addi %mul3A_838, %add3A_839 : i32
      %get3A_841 = arith.constant 1 : i32
      %get3A_842 = arith.index_cast %get3A_841 : i32 to index
      %get3A_843 = arith.index_cast %and3A_836 : i32 to index
      %get3A_844 = arith.constant 0 : index
      %get3A_845 = tpu.vector_load %arg7[%get3A_842, %get3A_843, %get3A_844] {strides = array<i32>} : memref<16x8x64xf32, #tpu.memory_space<vmem>>, vector<1x1x16xf32>,
      %get3A_846 = vector.shape_cast %get3A_845 : vector<1x1x16xf32> to vector<16xf32>
      %swap3A_847 = arith.index_cast %add3A_840 : i32 to index
      %swap3A_848 = arith.constant 0 : index
      %swap3A_849 = tpu.vector_load %arg9[%swap3A_847, %swap3A_848] {strides = array<i32>} : memref<512x64xf32, #tpu.memory_space<vmem>>, vector<1x16xf32>,
      %swap3A_850 = vector.shape_cast %swap3A_849 : vector<1x16xf32> to vector<16xf32>
      %swap3A_851 = vector.shape_cast %get3A_846 : vector<16xf32> to vector<1x16xf32>
      tpu.vector_store %arg9[%swap3A_847, %swap3A_848], %swap3A_851 {add = true, strides = array<i32>} : memref<512x64xf32, #tpu.memory_space<vmem>>, vector<1x16xf32>,
      %get3A_852 = arith.constant 1 : i32
      %get3A_853 = arith.index_cast %get3A_852 : i32 to index
      %get3A_854 = arith.index_cast %and3A_836 : i32 to index
      %get3A_855 = arith.constant 16 : index
      %get3A_856 = tpu.vector_load %arg7[%get3A_853, %get3A_854, %get3A_855] {strides = array<i32>} : memref<16x8x64xf32, #tpu.memory_space<vmem>>, vector<1x1x16xf32>,
      %get3A_857 = vector.shape_cast %get3A_856 : vector<1x1x16xf32> to vector<16xf32>
      %swap3A_858 = arith.index_cast %add3A_840 : i32 to index
      %swap3A_859 = arith.constant 16 : index
      %swap3A_860 = tpu.vector_load %arg9[%swap3A_858, %swap3A_859] {strides = array<i32>} : memref<512x64xf32, #tpu.memory_space<vmem>>, vector<1x16xf32>,
      %swap3A_861 = vector.shape_cast %swap3A_860 : vector<1x16xf32> to vector<16xf32>
      %swap3A_862 = vector.shape_cast %get3A_857 : vector<16xf32> to vector<1x16xf32>
      tpu.vector_store %arg9[%swap3A_858, %swap3A_859], %swap3A_862 {add = true, strides = array<i32>} : memref<512x64xf32, #tpu.memory_space<vmem>>, vector<1x16xf32>,
      %get3A_863 = arith.constant 1 : i32
      %get3A_864 = arith.index_cast %get3A_863 : i32 to index
      %get3A_865 = arith.index_cast %and3A_836 : i32 to index
      %get3A_866 = arith.constant 32 : index
      %get3A_867 = tpu.vector_load %arg7[%get3A_864, %get3A_865, %get3A_866] {strides = array<i32>} : memref<16x8x64xf32, #tpu.memory_space<vmem>>, vector<1x1x16xf32>,
      %get3A_868 = vector.shape_cast %get3A_867 : vector<1x1x16xf32> to vector<16xf32>
      %swap3A_869 = arith.index_cast %add3A_840 : i32 to index
      %swap3A_870 = arith.constant 32 : index
      %swap3A_871 = tpu.vector_load %arg9[%swap3A_869, %swap3A_870] {strides = array<i32>} : memref<512x64xf32, #tpu.memory_space<vmem>>, vector<1x16xf32>,
      %swap3A_872 = vector.shape_cast %swap3A_871 : vector<1x16xf32> to vector<16xf32>
      %swap3A_873 = vector.shape_cast %get3A_868 : vector<16xf32> to vector<1x16xf32>
      tpu.vector_store %arg9[%swap3A_869, %swap3A_870], %swap3A_873 {add = true, strides = array<i32>} : memref<512x64xf32, #tpu.memory_space<vmem>>, vector<1x16xf32>,
      %get3A_874 = arith.constant 1 : i32
      %get3A_875 = arith.index_cast %get3A_874 : i32 to index
      %get3A_876 = arith.index_cast %and3A_836 : i32 to index
      %get3A_877 = arith.constant 48 : index
      %get3A_878 = tpu.vector_load %arg7[%get3A_875, %get3A_876, %get3A_877] {strides = array<i32>} : memref<16x8x64xf32, #tpu.memory_space<vmem>>, vector<1x1x16xf32>,
      %get3A_879 = vector.shape_cast %get3A_878 : vector<1x1x16xf32> to vector<16xf32>
      %swap3A_880 = arith.index_cast %add3A_840 : i32 to index
      %swap3A_881 = arith.constant 48 : index
      %swap3A_882 = tpu.vector_load %arg9[%swap3A_880, %swap3A_881] {strides = array<i32>} : memref<512x64xf32, #tpu.memory_space<vmem>>, vector<1x16xf32>,
      %swap3A_883 = vector.shape_cast %swap3A_882 : vector<1x16xf32> to vector<16xf32>
      %swap3A_884 = vector.shape_cast %get3A_879 : vector<16xf32> to vector<1x16xf32>
      tpu.vector_store %arg9[%swap3A_880, %swap3A_881], %swap3A_884 {add = true, strides = array<i32>} : memref<512x64xf32, #tpu.memory_space<vmem>>, vector<1x16xf32>,
      %slice3A_885 = vector.extract_strided_slice %get3A_781 {offsets = [2], sizes = [1], strides = [1]} : vector<16xi32> to vector<1xi32>
      %squeeze3A_886 = vector.extract %slice3A_885[0] : i32 from vector<1xi32>
      %and3A_887 = arith.constant 7 : i32
      %and3A_888 = arith.andi %squeeze3A_886, %and3A_887 : i32
      %mul3A_889 = arith.constant 16 : i32
      %mul3A_890 = arith.muli %mul3A_353, %mul3A_889 : i32
      %add3A_891 = arith.constant 2 : i32
      %add3A_892 = arith.addi %mul3A_890, %add3A_891 : i32
      %get3A_893 = arith.constant 2 : i32
      %get3A_894 = arith.index_cast %get3A_893 : i32 to index
      %get3A_895 = arith.index_cast %and3A_888 : i32 to index
      %get3A_896 = arith.constant 0 : index
      %get3A_897 = tpu.vector_load %arg7[%get3A_894, %get3A_895, %get3A_896] {strides = array<i32>} : memref<16x8x64xf32, #tpu.memory_space<vmem>>, vector<1x1x16xf32>,
      %get3A_898 = vector.shape_cast %get3A_897 : vector<1x1x16xf32> to vector<16xf32>
      %swap3A_899 = arith.index_cast %add3A_892 : i32 to index
      %swap3A_900 = arith.constant 0 : index
      %swap3A_901 = tpu.vector_load %arg9[%swap3A_899, %swap3A_900] {strides = array<i32>} : memref<512x64xf32, #tpu.memory_space<vmem>>, vector<1x16xf32>,
      %swap3A_902 = vector.shape_cast %swap3A_901 : vector<1x16xf32> to vector<16xf32>
      %swap3A_903 = vector.shape_cast %get3A_898 : vector<16xf32> to vector<1x16xf32>
      tpu.vector_store %arg9[%swap3A_899, %swap3A_900], %swap3A_903 {add = true, strides = array<i32>} : memref<512x64xf32, #tpu.memory_space<vmem>>, vector<1x16xf32>,
      %get3A_904 = arith.constant 2 : i32
      %get3A_905 = arith.index_cast %get3A_904 : i32 to index
      %get3A_906 = arith.index_cast %and3A_888 : i32 to index
      %get3A_907 = arith.constant 16 : index
      %get3A_908 = tpu.vector_load %arg7[%get3A_905, %get3A_906, %get3A_907] {strides = array<i32>} : memref<16x8x64xf32, #tpu.memory_space<vmem>>, vector<1x1x16xf32>,
      %get3A_909 = vector.shape_cast %get3A_908 : vector<1x1x16xf32> to vector<16xf32>
      %swap3A_910 = arith.index_cast %add3A_892 : i32 to index
      %swap3A_911 = arith.constant 16 : index
      %swap3A_912 = tpu.vector_load %arg9[%swap3A_910, %swap3A_911] {strides = array<i32>} : memref<512x64xf32, #tpu.memory_space<vmem>>, vector<1x16xf32>,
      %swap3A_913 = vector.shape_cast %swap3A_912 : vector<1x16xf32> to vector<16xf32>
      %swap3A_914 = vector.shape_cast %get3A_909 : vector<16xf32> to vector<1x16xf32>
      tpu.vector_store %arg9[%swap3A_910, %swap3A_911], %swap3A_914 {add = true, strides = array<i32>} : memref<512x64xf32, #tpu.memory_space<vmem>>, vector<1x16xf32>,
      %get3A_915 = arith.constant 2 : i32
      %get3A_916 = arith.index_cast %get3A_915 : i32 to index
      %get3A_917 = arith.index_cast %and3A_888 : i32 to index
      %get3A_918 = arith.constant 32 : index
      %get3A_919 = tpu.vector_load %arg7[%get3A_916, %get3A_917, %get3A_918] {strides = array<i32>} : memref<16x8x64xf32, #tpu.memory_space<vmem>>, vector<1x1x16xf32>,
      %get3A_920 = vector.shape_cast %get3A_919 : vector<1x1x16xf32> to vector<16xf32>
      %swap3A_921 = arith.index_cast %add3A_892 : i32 to index
      %swap3A_922 = arith.constant 32 : index
      %swap3A_923 = tpu.vector_load %arg9[%swap3A_921, %swap3A_922] {strides = array<i32>} : memref<512x64xf32, #tpu.memory_space<vmem>>, vector<1x16xf32>,
      %swap3A_924 = vector.shape_cast %swap3A_923 : vector<1x16xf32> to vector<16xf32>
      %swap3A_925 = vector.shape_cast %get3A_920 : vector<16xf32> to vector<1x16xf32>
      tpu.vector_store %arg9[%swap3A_921, %swap3A_922], %swap3A_925 {add = true, strides = array<i32>} : memref<512x64xf32, #tpu.memory_space<vmem>>, vector<1x16xf32>,
      %get3A_926 = arith.constant 2 : i32
      %get3A_927 = arith.index_cast %get3A_926 : i32 to index
      %get3A_928 = arith.index_cast %and3A_888 : i32 to index
      %get3A_929 = arith.constant 48 : index
      %get3A_930 = tpu.vector_load %arg7[%get3A_927, %get3A_928, %get3A_929] {strides = array<i32>} : memref<16x8x64xf32, #tpu.memory_space<vmem>>, vector<1x1x16xf32>,
      %get3A_931 = vector.shape_cast %get3A_930 : vector<1x1x16xf32> to vector<16xf32>
      %swap3A_932 = arith.index_cast %add3A_892 : i32 to index
      %swap3A_933 = arith.constant 48 : index
      %swap3A_934 = tpu.vector_load %arg9[%swap3A_932, %swap3A_933] {strides = array<i32>} : memref<512x64xf32, #tpu.memory_space<vmem>>, vector<1x16xf32>,
      %swap3A_935 = vector.shape_cast %swap3A_934 : vector<1x16xf32> to vector<16xf32>
      %swap3A_936 = vector.shape_cast %get3A_931 : vector<16xf32> to vector<1x16xf32>
      tpu.vector_store %arg9[%swap3A_932, %swap3A_933], %swap3A_936 {add = true, strides = array<i32>} : memref<512x64xf32, #tpu.memory_space<vmem>>, vector<1x16xf32>,
      %slice3A_937 = vector.extract_strided_slice %get3A_781 {offsets = [3], sizes = [1], strides = [1]} : vector<16xi32> to vector<1xi32>
      %squeeze3A_938 = vector.extract %slice3A_937[0] : i32 from vector<1xi32>
      %and3A_939 = arith.constant 7 : i32
      %and3A_940 = arith.andi %squeeze3A_938, %and3A_939 : i32
      %mul3A_941 = arith.constant 16 : i32
      %mul3A_942 = arith.muli %mul3A_353, %mul3A_941 : i32
      %add3A_943 = arith.constant 3 : i32
      %add3A_944 = arith.addi %mul3A_942, %add3A_943 : i32
      %get3A_945 = arith.constant 3 : i32
      %get3A_946 = arith.index_cast %get3A_945 : i32 to index
      %get3A_947 = arith.index_cast %and3A_940 : i32 to index
      %get3A_948 = arith.constant 0 : index
      %get3A_949 = tpu.vector_load %arg7[%get3A_946, %get3A_947, %get3A_948] {strides = array<i32>} : memref<16x8x64xf32, #tpu.memory_space<vmem>>, vector<1x1x16xf32>,
      %get3A_950 = vector.shape_cast %get3A_949 : vector<1x1x16xf32> to vector<16xf32>
      %swap3A_951 = arith.index_cast %add3A_944 : i32 to index
      %swap3A_952 = arith.constant 0 : index
      %swap3A_953 = tpu.vector_load %arg9[%swap3A_951, %swap3A_952] {strides = array<i32>} : memref<512x64xf32, #tpu.memory_space<vmem>>, vector<1x16xf32>,
      %swap3A_954 = vector.shape_cast %swap3A_953 : vector<1x16xf32> to vector<16xf32>
      %swap3A_955 = vector.shape_cast %get3A_950 : vector<16xf32> to vector<1x16xf32>
      tpu.vector_store %arg9[%swap3A_951, %swap3A_952], %swap3A_955 {add = true, strides = array<i32>} : memref<512x64xf32, #tpu.memory_space<vmem>>, vector<1x16xf32>,
      %get3A_956 = arith.constant 3 : i32
      %get3A_957 = arith.index_cast %get3A_956 : i32 to index
      %get3A_958 = arith.index_cast %and3A_940 : i32 to index
      %get3A_959 = arith.constant 16 : index
      %get3A_960 = tpu.vector_load %arg7[%get3A_957, %get3A_958, %get3A_959] {strides = array<i32>} : memref<16x8x64xf32, #tpu.memory_space<vmem>>, vector<1x1x16xf32>,
      %get3A_961 = vector.shape_cast %get3A_960 : vector<1x1x16xf32> to vector<16xf32>
      %swap3A_962 = arith.index_cast %add3A_944 : i32 to index
      %swap3A_963 = arith.constant 16 : index
      %swap3A_964 = tpu.vector_load %arg9[%swap3A_962, %swap3A_963] {strides = array<i32>} : memref<512x64xf32, #tpu.memory_space<vmem>>, vector<1x16xf32>,
      %swap3A_965 = vector.shape_cast %swap3A_964 : vector<1x16xf32> to vector<16xf32>
      %swap3A_966 = vector.shape_cast %get3A_961 : vector<16xf32> to vector<1x16xf32>
      tpu.vector_store %arg9[%swap3A_962, %swap3A_963], %swap3A_966 {add = true, strides = array<i32>} : memref<512x64xf32, #tpu.memory_space<vmem>>, vector<1x16xf32>,
      %get3A_967 = arith.constant 3 : i32
      %get3A_968 = arith.index_cast %get3A_967 : i32 to index
      %get3A_969 = arith.index_cast %and3A_940 : i32 to index
      %get3A_970 = arith.constant 32 : index
      %get3A_971 = tpu.vector_load %arg7[%get3A_968, %get3A_969, %get3A_970] {strides = array<i32>} : memref<16x8x64xf32, #tpu.memory_space<vmem>>, vector<1x1x16xf32>,
      %get3A_972 = vector.shape_cast %get3A_971 : vector<1x1x16xf32> to vector<16xf32>
      %swap3A_973 = arith.index_cast %add3A_944 : i32 to index
      %swap3A_974 = arith.constant 32 : index
      %swap3A_975 = tpu.vector_load %arg9[%swap3A_973, %swap3A_974] {strides = array<i32>} : memref<512x64xf32, #tpu.memory_space<vmem>>, vector<1x16xf32>,
      %swap3A_976 = vector.shape_cast %swap3A_975 : vector<1x16xf32> to vector<16xf32>
      %swap3A_977 = vector.shape_cast %get3A_972 : vector<16xf32> to vector<1x16xf32>
      tpu.vector_store %arg9[%swap3A_973, %swap3A_974], %swap3A_977 {add = true, strides = array<i32>} : memref<512x64xf32, #tpu.memory_space<vmem>>, vector<1x16xf32>,
      %get3A_978 = arith.constant 3 : i32
      %get3A_979 = arith.index_cast %get3A_978 : i32 to index
      %get3A_980 = arith.index_cast %and3A_940 : i32 to index
      %get3A_981 = arith.constant 48 : index
      %get3A_982 = tpu.vector_load %arg7[%get3A_979, %get3A_980, %get3A_981] {strides = array<i32>} : memref<16x8x64xf32, #tpu.memory_space<vmem>>, vector<1x1x16xf32>,
      %get3A_983 = vector.shape_cast %get3A_982 : vector<1x1x16xf32> to vector<16xf32>
      %swap3A_984 = arith.index_cast %add3A_944 : i32 to index
      %swap3A_985 = arith.constant 48 : index
      %swap3A_986 = tpu.vector_load %arg9[%swap3A_984, %swap3A_985] {strides = array<i32>} : memref<512x64xf32, #tpu.memory_space<vmem>>, vector<1x16xf32>,
      %swap3A_987 = vector.shape_cast %swap3A_986 : vector<1x16xf32> to vector<16xf32>
      %swap3A_988 = vector.shape_cast %get3A_983 : vector<16xf32> to vector<1x16xf32>
      tpu.vector_store %arg9[%swap3A_984, %swap3A_985], %swap3A_988 {add = true, strides = array<i32>} : memref<512x64xf32, #tpu.memory_space<vmem>>, vector<1x16xf32>,
      %slice3A_989 = vector.extract_strided_slice %get3A_781 {offsets = [4], sizes = [1], strides = [1]} : vector<16xi32> to vector<1xi32>
      %squeeze3A_990 = vector.extract %slice3A_989[0] : i32 from vector<1xi32>
      %and3A_991 = arith.constant 7 : i32
      %and3A_992 = arith.andi %squeeze3A_990, %and3A_991 : i32
      %mul3A_993 = arith.constant 16 : i32
      %mul3A_994 = arith.muli %mul3A_353, %mul3A_993 : i32
      %add3A_995 = arith.constant 4 : i32
      %add3A_996 = arith.addi %mul3A_994, %add3A_995 : i32
      %get3A_997 = arith.constant 4 : i32
      %get3A_998 = arith.index_cast %get3A_997 : i32 to index
      %get3A_999 = arith.index_cast %and3A_992 : i32 to index
      %get3A_1000 = arith.constant 0 : index
      %get3A_1001 = tpu.vector_load %arg7[%get3A_998, %get3A_999, %get3A_1000] {strides = array<i32>} : memref<16x8x64xf32, #tpu.memory_space<vmem>>, vector<1x1x16xf32>,
      %get3A_1002 = vector.shape_cast %get3A_1001 : vector<1x1x16xf32> to vector<16xf32>
      %swap3A_1003 = arith.index_cast %add3A_996 : i32 to index
      %swap3A_1004 = arith.constant 0 : index
      %swap3A_1005 = tpu.vector_load %arg9[%swap3A_1003, %swap3A_1004] {strides = array<i32>} : memref<512x64xf32, #tpu.memory_space<vmem>>, vector<1x16xf32>,
      %swap3A_1006 = vector.shape_cast %swap3A_1005 : vector<1x16xf32> to vector<16xf32>
      %swap3A_1007 = vector.shape_cast %get3A_1002 : vector<16xf32> to vector<1x16xf32>
      tpu.vector_store %arg9[%swap3A_1003, %swap3A_1004], %swap3A_1007 {add = true, strides = array<i32>} : memref<512x64xf32, #tpu.memory_space<vmem>>, vector<1x16xf32>,
      %get3A_1008 = arith.constant 4 : i32
      %get3A_1009 = arith.index_cast %get3A_1008 : i32 to index
      %get3A_1010 = arith.index_cast %and3A_992 : i32 to index
      %get3A_1011 = arith.constant 16 : index
      %get3A_1012 = tpu.vector_load %arg7[%get3A_1009, %get3A_1010, %get3A_1011] {strides = array<i32>} : memref<16x8x64xf32, #tpu.memory_space<vmem>>, vector<1x1x16xf32>,
      %get3A_1013 = vector.shape_cast %get3A_1012 : vector<1x1x16xf32> to vector<16xf32>
      %swap3A_1014 = arith.index_cast %add3A_996 : i32 to index
      %swap3A_1015 = arith.constant 16 : index
      %swap3A_1016 = tpu.vector_load %arg9[%swap3A_1014, %swap3A_1015] {strides = array<i32>} : memref<512x64xf32, #tpu.memory_space<vmem>>, vector<1x16xf32>,
      %swap3A_1017 = vector.shape_cast %swap3A_1016 : vector<1x16xf32> to vector<16xf32>
      %swap3A_1018 = vector.shape_cast %get3A_1013 : vector<16xf32> to vector<1x16xf32>
      tpu.vector_store %arg9[%swap3A_1014, %swap3A_1015], %swap3A_1018 {add = true, strides = array<i32>} : memref<512x64xf32, #tpu.memory_space<vmem>>, vector<1x16xf32>,
      %get3A_1019 = arith.constant 4 : i32
      %get3A_1020 = arith.index_cast %get3A_1019 : i32 to index
      %get3A_1021 = arith.index_cast %and3A_992 : i32 to index
      %get3A_1022 = arith.constant 32 : index
      %get3A_1023 = tpu.vector_load %arg7[%get3A_1020, %get3A_1021, %get3A_1022] {strides = array<i32>} : memref<16x8x64xf32, #tpu.memory_space<vmem>>, vector<1x1x16xf32>,
      %get3A_1024 = vector.shape_cast %get3A_1023 : vector<1x1x16xf32> to vector<16xf32>
      %swap3A_1025 = arith.index_cast %add3A_996 : i32 to index
      %swap3A_1026 = arith.constant 32 : index
      %swap3A_1027 = tpu.vector_load %arg9[%swap3A_1025, %swap3A_1026] {strides = array<i32>} : memref<512x64xf32, #tpu.memory_space<vmem>>, vector<1x16xf32>,
      %swap3A_1028 = vector.shape_cast %swap3A_1027 : vector<1x16xf32> to vector<16xf32>
      %swap3A_1029 = vector.shape_cast %get3A_1024 : vector<16xf32> to vector<1x16xf32>
      tpu.vector_store %arg9[%swap3A_1025, %swap3A_1026], %swap3A_1029 {add = true, strides = array<i32>} : memref<512x64xf32, #tpu.memory_space<vmem>>, vector<1x16xf32>,
      %get3A_1030 = arith.constant 4 : i32
      %get3A_1031 = arith.index_cast %get3A_1030 : i32 to index
      %get3A_1032 = arith.index_cast %and3A_992 : i32 to index
      %get3A_1033 = arith.constant 48 : index
      %get3A_1034 = tpu.vector_load %arg7[%get3A_1031, %get3A_1032, %get3A_1033] {strides = array<i32>} : memref<16x8x64xf32, #tpu.memory_space<vmem>>, vector<1x1x16xf32>,
      %get3A_1035 = vector.shape_cast %get3A_1034 : vector<1x1x16xf32> to vector<16xf32>
      %swap3A_1036 = arith.index_cast %add3A_996 : i32 to index
      %swap3A_1037 = arith.constant 48 : index
      %swap3A_1038 = tpu.vector_load %arg9[%swap3A_1036, %swap3A_1037] {strides = array<i32>} : memref<512x64xf32, #tpu.memory_space<vmem>>, vector<1x16xf32>,
      %swap3A_1039 = vector.shape_cast %swap3A_1038 : vector<1x16xf32> to vector<16xf32>
      %swap3A_1040 = vector.shape_cast %get3A_1035 : vector<16xf32> to vector<1x16xf32>
      tpu.vector_store %arg9[%swap3A_1036, %swap3A_1037], %swap3A_1040 {add = true, strides = array<i32>} : memref<512x64xf32, #tpu.memory_space<vmem>>, vector<1x16xf32>,
      %slice3A_1041 = vector.extract_strided_slice %get3A_781 {offsets = [5], sizes = [1], strides = [1]} : vector<16xi32> to vector<1xi32>
      %squeeze3A_1042 = vector.extract %slice3A_1041[0] : i32 from vector<1xi32>
      %and3A_1043 = arith.constant 7 : i32
      %and3A_1044 = arith.andi %squeeze3A_1042, %and3A_1043 : i32
      %mul3A_1045 = arith.constant 16 : i32
      %mul3A_1046 = arith.muli %mul3A_353, %mul3A_1045 : i32
      %add3A_1047 = arith.constant 5 : i32
      %add3A_1048 = arith.addi %mul3A_1046, %add3A_1047 : i32
      %get3A_1049 = arith.constant 5 : i32
      %get3A_1050 = arith.index_cast %get3A_1049 : i32 to index
      %get3A_1051 = arith.index_cast %and3A_1044 : i32 to index
      %get3A_1052 = arith.constant 0 : index
      %get3A_1053 = tpu.vector_load %arg7[%get3A_1050, %get3A_1051, %get3A_1052] {strides = array<i32>} : memref<16x8x64xf32, #tpu.memory_space<vmem>>, vector<1x1x16xf32>,
      %get3A_1054 = vector.shape_cast %get3A_1053 : vector<1x1x16xf32> to vector<16xf32>
      %swap3A_1055 = arith.index_cast %add3A_1048 : i32 to index
      %swap3A_1056 = arith.constant 0 : index
      %swap3A_1057 = tpu.vector_load %arg9[%swap3A_1055, %swap3A_1056] {strides = array<i32>} : memref<512x64xf32, #tpu.memory_space<vmem>>, vector<1x16xf32>,
      %swap3A_1058 = vector.shape_cast %swap3A_1057 : vector<1x16xf32> to vector<16xf32>
      %swap3A_1059 = vector.shape_cast %get3A_1054 : vector<16xf32> to vector<1x16xf32>
      tpu.vector_store %arg9[%swap3A_1055, %swap3A_1056], %swap3A_1059 {add = true, strides = array<i32>} : memref<512x64xf32, #tpu.memory_space<vmem>>, vector<1x16xf32>,
      %get3A_1060 = arith.constant 5 : i32
      %get3A_1061 = arith.index_cast %get3A_1060 : i32 to index
      %get3A_1062 = arith.index_cast %and3A_1044 : i32 to index
      %get3A_1063 = arith.constant 16 : index
      %get3A_1064 = tpu.vector_load %arg7[%get3A_1061, %get3A_1062, %get3A_1063] {strides = array<i32>} : memref<16x8x64xf32, #tpu.memory_space<vmem>>, vector<1x1x16xf32>,
      %get3A_1065 = vector.shape_cast %get3A_1064 : vector<1x1x16xf32> to vector<16xf32>
      %swap3A_1066 = arith.index_cast %add3A_1048 : i32 to index
      %swap3A_1067 = arith.constant 16 : index
      %swap3A_1068 = tpu.vector_load %arg9[%swap3A_1066, %swap3A_1067] {strides = array<i32>} : memref<512x64xf32, #tpu.memory_space<vmem>>, vector<1x16xf32>,
      %swap3A_1069 = vector.shape_cast %swap3A_1068 : vector<1x16xf32> to vector<16xf32>
      %swap3A_1070 = vector.shape_cast %get3A_1065 : vector<16xf32> to vector<1x16xf32>
      tpu.vector_store %arg9[%swap3A_1066, %swap3A_1067], %swap3A_1070 {add = true, strides = array<i32>} : memref<512x64xf32, #tpu.memory_space<vmem>>, vector<1x16xf32>,
      %get3A_1071 = arith.constant 5 : i32
      %get3A_1072 = arith.index_cast %get3A_1071 : i32 to index
      %get3A_1073 = arith.index_cast %and3A_1044 : i32 to index
      %get3A_1074 = arith.constant 32 : index
      %get3A_1075 = tpu.vector_load %arg7[%get3A_1072, %get3A_1073, %get3A_1074] {strides = array<i32>} : memref<16x8x64xf32, #tpu.memory_space<vmem>>, vector<1x1x16xf32>,
      %get3A_1076 = vector.shape_cast %get3A_1075 : vector<1x1x16xf32> to vector<16xf32>
      %swap3A_1077 = arith.index_cast %add3A_1048 : i32 to index
      %swap3A_1078 = arith.constant 32 : index
      %swap3A_1079 = tpu.vector_load %arg9[%swap3A_1077, %swap3A_1078] {strides = array<i32>} : memref<512x64xf32, #tpu.memory_space<vmem>>, vector<1x16xf32>,
      %swap3A_1080 = vector.shape_cast %swap3A_1079 : vector<1x16xf32> to vector<16xf32>
      %swap3A_1081 = vector.shape_cast %get3A_1076 : vector<16xf32> to vector<1x16xf32>
      tpu.vector_store %arg9[%swap3A_1077, %swap3A_1078], %swap3A_1081 {add = true, strides = array<i32>} : memref<512x64xf32, #tpu.memory_space<vmem>>, vector<1x16xf32>,
      %get3A_1082 = arith.constant 5 : i32
      %get3A_1083 = arith.index_cast %get3A_1082 : i32 to index
      %get3A_1084 = arith.index_cast %and3A_1044 : i32 to index
      %get3A_1085 = arith.constant 48 : index
      %get3A_1086 = tpu.vector_load %arg7[%get3A_1083, %get3A_1084, %get3A_1085] {strides = array<i32>} : memref<16x8x64xf32, #tpu.memory_space<vmem>>, vector<1x1x16xf32>,
      %get3A_1087 = vector.shape_cast %get3A_1086 : vector<1x1x16xf32> to vector<16xf32>
      %swap3A_1088 = arith.index_cast %add3A_1048 : i32 to index
      %swap3A_1089 = arith.constant 48 : index
      %swap3A_1090 = tpu.vector_load %arg9[%swap3A_1088, %swap3A_1089] {strides = array<i32>} : memref<512x64xf32, #tpu.memory_space<vmem>>, vector<1x16xf32>,
      %swap3A_1091 = vector.shape_cast %swap3A_1090 : vector<1x16xf32> to vector<16xf32>
      %swap3A_1092 = vector.shape_cast %get3A_1087 : vector<16xf32> to vector<1x16xf32>
      tpu.vector_store %arg9[%swap3A_1088, %swap3A_1089], %swap3A_1092 {add = true, strides = array<i32>} : memref<512x64xf32, #tpu.memory_space<vmem>>, vector<1x16xf32>,
      %slice3A_1093 = vector.extract_strided_slice %get3A_781 {offsets = [6], sizes = [1], strides = [1]} : vector<16xi32> to vector<1xi32>
      %squeeze3A_1094 = vector.extract %slice3A_1093[0] : i32 from vector<1xi32>
      %and3A_1095 = arith.constant 7 : i32
      %and3A_1096 = arith.andi %squeeze3A_1094, %and3A_1095 : i32
      %mul3A_1097 = arith.constant 16 : i32
      %mul3A_1098 = arith.muli %mul3A_353, %mul3A_1097 : i32
      %add3A_1099 = arith.constant 6 : i32
      %add3A_1100 = arith.addi %mul3A_1098, %add3A_1099 : i32
      %get3A_1101 = arith.constant 6 : i32
      %get3A_1102 = arith.index_cast %get3A_1101 : i32 to index
      %get3A_1103 = arith.index_cast %and3A_1096 : i32 to index
      %get3A_1104 = arith.constant 0 : index
      %get3A_1105 = tpu.vector_load %arg7[%get3A_1102, %get3A_1103, %get3A_1104] {strides = array<i32>} : memref<16x8x64xf32, #tpu.memory_space<vmem>>, vector<1x1x16xf32>,
      %get3A_1106 = vector.shape_cast %get3A_1105 : vector<1x1x16xf32> to vector<16xf32>
      %swap3A_1107 = arith.index_cast %add3A_1100 : i32 to index
      %swap3A_1108 = arith.constant 0 : index
      %swap3A_1109 = tpu.vector_load %arg9[%swap3A_1107, %swap3A_1108] {strides = array<i32>} : memref<512x64xf32, #tpu.memory_space<vmem>>, vector<1x16xf32>,
      %swap3A_1110 = vector.shape_cast %swap3A_1109 : vector<1x16xf32> to vector<16xf32>
      %swap3A_1111 = vector.shape_cast %get3A_1106 : vector<16xf32> to vector<1x16xf32>
      tpu.vector_store %arg9[%swap3A_1107, %swap3A_1108], %swap3A_1111 {add = true, strides = array<i32>} : memref<512x64xf32, #tpu.memory_space<vmem>>, vector<1x16xf32>,
      %get3A_1112 = arith.constant 6 : i32
      %get3A_1113 = arith.index_cast %get3A_1112 : i32 to index
      %get3A_1114 = arith.index_cast %and3A_1096 : i32 to index
      %get3A_1115 = arith.constant 16 : index
      %get3A_1116 = tpu.vector_load %arg7[%get3A_1113, %get3A_1114, %get3A_1115] {strides = array<i32>} : memref<16x8x64xf32, #tpu.memory_space<vmem>>, vector<1x1x16xf32>,
      %get3A_1117 = vector.shape_cast %get3A_1116 : vector<1x1x16xf32> to vector<16xf32>
      %swap3A_1118 = arith.index_cast %add3A_1100 : i32 to index
      %swap3A_1119 = arith.constant 16 : index
      %swap3A_1120 = tpu.vector_load %arg9[%swap3A_1118, %swap3A_1119] {strides = array<i32>} : memref<512x64xf32, #tpu.memory_space<vmem>>, vector<1x16xf32>,
      %swap3A_1121 = vector.shape_cast %swap3A_1120 : vector<1x16xf32> to vector<16xf32>
      %swap3A_1122 = vector.shape_cast %get3A_1117 : vector<16xf32> to vector<1x16xf32>
      tpu.vector_store %arg9[%swap3A_1118, %swap3A_1119], %swap3A_1122 {add = true, strides = array<i32>} : memref<512x64xf32, #tpu.memory_space<vmem>>, vector<1x16xf32>,
      %get3A_1123 = arith.constant 6 : i32
      %get3A_1124 = arith.index_cast %get3A_1123 : i32 to index
      %get3A_1125 = arith.index_cast %and3A_1096 : i32 to index
      %get3A_1126 = arith.constant 32 : index
      %get3A_1127 = tpu.vector_load %arg7[%get3A_1124, %get3A_1125, %get3A_1126] {strides = array<i32>} : memref<16x8x64xf32, #tpu.memory_space<vmem>>, vector<1x1x16xf32>,
      %get3A_1128 = vector.shape_cast %get3A_1127 : vector<1x1x16xf32> to vector<16xf32>
      %swap3A_1129 = arith.index_cast %add3A_1100 : i32 to index
      %swap3A_1130 = arith.constant 32 : index
      %swap3A_1131 = tpu.vector_load %arg9[%swap3A_1129, %swap3A_1130] {strides = array<i32>} : memref<512x64xf32, #tpu.memory_space<vmem>>, vector<1x16xf32>,
      %swap3A_1132 = vector.shape_cast %swap3A_1131 : vector<1x16xf32> to vector<16xf32>
      %swap3A_1133 = vector.shape_cast %get3A_1128 : vector<16xf32> to vector<1x16xf32>
      tpu.vector_store %arg9[%swap3A_1129, %swap3A_1130], %swap3A_1133 {add = true, strides = array<i32>} : memref<512x64xf32, #tpu.memory_space<vmem>>, vector<1x16xf32>,
      %get3A_1134 = arith.constant 6 : i32
      %get3A_1135 = arith.index_cast %get3A_1134 : i32 to index
      %get3A_1136 = arith.index_cast %and3A_1096 : i32 to index
      %get3A_1137 = arith.constant 48 : index
      %get3A_1138 = tpu.vector_load %arg7[%get3A_1135, %get3A_1136, %get3A_1137] {strides = array<i32>} : memref<16x8x64xf32, #tpu.memory_space<vmem>>, vector<1x1x16xf32>,
      %get3A_1139 = vector.shape_cast %get3A_1138 : vector<1x1x16xf32> to vector<16xf32>
      %swap3A_1140 = arith.index_cast %add3A_1100 : i32 to index
      %swap3A_1141 = arith.constant 48 : index
      %swap3A_1142 = tpu.vector_load %arg9[%swap3A_1140, %swap3A_1141] {strides = array<i32>} : memref<512x64xf32, #tpu.memory_space<vmem>>, vector<1x16xf32>,
      %swap3A_1143 = vector.shape_cast %swap3A_1142 : vector<1x16xf32> to vector<16xf32>
      %swap3A_1144 = vector.shape_cast %get3A_1139 : vector<16xf32> to vector<1x16xf32>
      tpu.vector_store %arg9[%swap3A_1140, %swap3A_1141], %swap3A_1144 {add = true, strides = array<i32>} : memref<512x64xf32, #tpu.memory_space<vmem>>, vector<1x16xf32>,
      %slice3A_1145 = vector.extract_strided_slice %get3A_781 {offsets = [7], sizes = [1], strides = [1]} : vector<16xi32> to vector<1xi32>
      %squeeze3A_1146 = vector.extract %slice3A_1145[0] : i32 from vector<1xi32>
      %and3A_1147 = arith.constant 7 : i32
      %and3A_1148 = arith.andi %squeeze3A_1146, %and3A_1147 : i32
      %mul3A_1149 = arith.constant 16 : i32
      %mul3A_1150 = arith.muli %mul3A_353, %mul3A_1149 : i32
      %add3A_1151 = arith.constant 7 : i32
      %add3A_1152 = arith.addi %mul3A_1150, %add3A_1151 : i32
      %get3A_1153 = arith.constant 7 : i32
      %get3A_1154 = arith.index_cast %get3A_1153 : i32 to index
      %get3A_1155 = arith.index_cast %and3A_1148 : i32 to index
      %get3A_1156 = arith.constant 0 : index
      %get3A_1157 = tpu.vector_load %arg7[%get3A_1154, %get3A_1155, %get3A_1156] {strides = array<i32>} : memref<16x8x64xf32, #tpu.memory_space<vmem>>, vector<1x1x16xf32>,
      %get3A_1158 = vector.shape_cast %get3A_1157 : vector<1x1x16xf32> to vector<16xf32>
      %swap3A_1159 = arith.index_cast %add3A_1152 : i32 to index
      %swap3A_1160 = arith.constant 0 : index
      %swap3A_1161 = tpu.vector_load %arg9[%swap3A_1159, %swap3A_1160] {strides = array<i32>} : memref<512x64xf32, #tpu.memory_space<vmem>>, vector<1x16xf32>,
      %swap3A_1162 = vector.shape_cast %swap3A_1161 : vector<1x16xf32> to vector<16xf32>
      %swap3A_1163 = vector.shape_cast %get3A_1158 : vector<16xf32> to vector<1x16xf32>
      tpu.vector_store %arg9[%swap3A_1159, %swap3A_1160], %swap3A_1163 {add = true, strides = array<i32>} : memref<512x64xf32, #tpu.memory_space<vmem>>, vector<1x16xf32>,
      %get3A_1164 = arith.constant 7 : i32
      %get3A_1165 = arith.index_cast %get3A_1164 : i32 to index
      %get3A_1166 = arith.index_cast %and3A_1148 : i32 to index
      %get3A_1167 = arith.constant 16 : index
      %get3A_1168 = tpu.vector_load %arg7[%get3A_1165, %get3A_1166, %get3A_1167] {strides = array<i32>} : memref<16x8x64xf32, #tpu.memory_space<vmem>>, vector<1x1x16xf32>,
      %get3A_1169 = vector.shape_cast %get3A_1168 : vector<1x1x16xf32> to vector<16xf32>
      %swap3A_1170 = arith.index_cast %add3A_1152 : i32 to index
      %swap3A_1171 = arith.constant 16 : index
      %swap3A_1172 = tpu.vector_load %arg9[%swap3A_1170, %swap3A_1171] {strides = array<i32>} : memref<512x64xf32, #tpu.memory_space<vmem>>, vector<1x16xf32>,
      %swap3A_1173 = vector.shape_cast %swap3A_1172 : vector<1x16xf32> to vector<16xf32>
      %swap3A_1174 = vector.shape_cast %get3A_1169 : vector<16xf32> to vector<1x16xf32>
      tpu.vector_store %arg9[%swap3A_1170, %swap3A_1171], %swap3A_1174 {add = true, strides = array<i32>} : memref<512x64xf32, #tpu.memory_space<vmem>>, vector<1x16xf32>,
      %get3A_1175 = arith.constant 7 : i32
      %get3A_1176 = arith.index_cast %get3A_1175 : i32 to index
      %get3A_1177 = arith.index_cast %and3A_1148 : i32 to index
      %get3A_1178 = arith.constant 32 : index
      %get3A_1179 = tpu.vector_load %arg7[%get3A_1176, %get3A_1177, %get3A_1178] {strides = array<i32>} : memref<16x8x64xf32, #tpu.memory_space<vmem>>, vector<1x1x16xf32>,
      %get3A_1180 = vector.shape_cast %get3A_1179 : vector<1x1x16xf32> to vector<16xf32>
      %swap3A_1181 = arith.index_cast %add3A_1152 : i32 to index
      %swap3A_1182 = arith.constant 32 : index
      %swap3A_1183 = tpu.vector_load %arg9[%swap3A_1181, %swap3A_1182] {strides = array<i32>} : memref<512x64xf32, #tpu.memory_space<vmem>>, vector<1x16xf32>,
      %swap3A_1184 = vector.shape_cast %swap3A_1183 : vector<1x16xf32> to vector<16xf32>
      %swap3A_1185 = vector.shape_cast %get3A_1180 : vector<16xf32> to vector<1x16xf32>
      tpu.vector_store %arg9[%swap3A_1181, %swap3A_1182], %swap3A_1185 {add = true, strides = array<i32>} : memref<512x64xf32, #tpu.memory_space<vmem>>, vector<1x16xf32>,
      %get3A_1186 = arith.constant 7 : i32
      %get3A_1187 = arith.index_cast %get3A_1186 : i32 to index
      %get3A_1188 = arith.index_cast %and3A_1148 : i32 to index
      %get3A_1189 = arith.constant 48 : index
      %get3A_1190 = tpu.vector_load %arg7[%get3A_1187, %get3A_1188, %get3A_1189] {strides = array<i32>} : memref<16x8x64xf32, #tpu.memory_space<vmem>>, vector<1x1x16xf32>,
      %get3A_1191 = vector.shape_cast %get3A_1190 : vector<1x1x16xf32> to vector<16xf32>
      %swap3A_1192 = arith.index_cast %add3A_1152 : i32 to index
      %swap3A_1193 = arith.constant 48 : index
      %swap3A_1194 = tpu.vector_load %arg9[%swap3A_1192, %swap3A_1193] {strides = array<i32>} : memref<512x64xf32, #tpu.memory_space<vmem>>, vector<1x16xf32>,
      %swap3A_1195 = vector.shape_cast %swap3A_1194 : vector<1x16xf32> to vector<16xf32>
      %swap3A_1196 = vector.shape_cast %get3A_1191 : vector<16xf32> to vector<1x16xf32>
      tpu.vector_store %arg9[%swap3A_1192, %swap3A_1193], %swap3A_1196 {add = true, strides = array<i32>} : memref<512x64xf32, #tpu.memory_space<vmem>>, vector<1x16xf32>,
      %slice3A_1197 = vector.extract_strided_slice %get3A_781 {offsets = [8], sizes = [1], strides = [1]} : vector<16xi32> to vector<1xi32>
      %squeeze3A_1198 = vector.extract %slice3A_1197[0] : i32 from vector<1xi32>
      %and3A_1199 = arith.constant 7 : i32
      %and3A_1200 = arith.andi %squeeze3A_1198, %and3A_1199 : i32
      %mul3A_1201 = arith.constant 16 : i32
      %mul3A_1202 = arith.muli %mul3A_353, %mul3A_1201 : i32
      %add3A_1203 = arith.constant 8 : i32
      %add3A_1204 = arith.addi %mul3A_1202, %add3A_1203 : i32
      %get3A_1205 = arith.constant 8 : i32
      %get3A_1206 = arith.index_cast %get3A_1205 : i32 to index
      %get3A_1207 = arith.index_cast %and3A_1200 : i32 to index
      %get3A_1208 = arith.constant 0 : index
      %get3A_1209 = tpu.vector_load %arg7[%get3A_1206, %get3A_1207, %get3A_1208] {strides = array<i32>} : memref<16x8x64xf32, #tpu.memory_space<vmem>>, vector<1x1x16xf32>,
      %get3A_1210 = vector.shape_cast %get3A_1209 : vector<1x1x16xf32> to vector<16xf32>
      %swap3A_1211 = arith.index_cast %add3A_1204 : i32 to index
      %swap3A_1212 = arith.constant 0 : index
      %swap3A_1213 = tpu.vector_load %arg9[%swap3A_1211, %swap3A_1212] {strides = array<i32>} : memref<512x64xf32, #tpu.memory_space<vmem>>, vector<1x16xf32>,
      %swap3A_1214 = vector.shape_cast %swap3A_1213 : vector<1x16xf32> to vector<16xf32>
      %swap3A_1215 = vector.shape_cast %get3A_1210 : vector<16xf32> to vector<1x16xf32>
      tpu.vector_store %arg9[%swap3A_1211, %swap3A_1212], %swap3A_1215 {add = true, strides = array<i32>} : memref<512x64xf32, #tpu.memory_space<vmem>>, vector<1x16xf32>,
      %get3A_1216 = arith.constant 8 : i32
      %get3A_1217 = arith.index_cast %get3A_1216 : i32 to index
      %get3A_1218 = arith.index_cast %and3A_1200 : i32 to index
      %get3A_1219 = arith.constant 16 : index
      %get3A_1220 = tpu.vector_load %arg7[%get3A_1217, %get3A_1218, %get3A_1219] {strides = array<i32>} : memref<16x8x64xf32, #tpu.memory_space<vmem>>, vector<1x1x16xf32>,
      %get3A_1221 = vector.shape_cast %get3A_1220 : vector<1x1x16xf32> to vector<16xf32>
      %swap3A_1222 = arith.index_cast %add3A_1204 : i32 to index
      %swap3A_1223 = arith.constant 16 : index
      %swap3A_1224 = tpu.vector_load %arg9[%swap3A_1222, %swap3A_1223] {strides = array<i32>} : memref<512x64xf32, #tpu.memory_space<vmem>>, vector<1x16xf32>,
      %swap3A_1225 = vector.shape_cast %swap3A_1224 : vector<1x16xf32> to vector<16xf32>
      %swap3A_1226 = vector.shape_cast %get3A_1221 : vector<16xf32> to vector<1x16xf32>
      tpu.vector_store %arg9[%swap3A_1222, %swap3A_1223], %swap3A_1226 {add = true, strides = array<i32>} : memref<512x64xf32, #tpu.memory_space<vmem>>, vector<1x16xf32>,
      %get3A_1227 = arith.constant 8 : i32
      %get3A_1228 = arith.index_cast %get3A_1227 : i32 to index
      %get3A_1229 = arith.index_cast %and3A_1200 : i32 to index
      %get3A_1230 = arith.constant 32 : index
      %get3A_1231 = tpu.vector_load %arg7[%get3A_1228, %get3A_1229, %get3A_1230] {strides = array<i32>} : memref<16x8x64xf32, #tpu.memory_space<vmem>>, vector<1x1x16xf32>,
      %get3A_1232 = vector.shape_cast %get3A_1231 : vector<1x1x16xf32> to vector<16xf32>
      %swap3A_1233 = arith.index_cast %add3A_1204 : i32 to index
      %swap3A_1234 = arith.constant 32 : index
      %swap3A_1235 = tpu.vector_load %arg9[%swap3A_1233, %swap3A_1234] {strides = array<i32>} : memref<512x64xf32, #tpu.memory_space<vmem>>, vector<1x16xf32>,
      %swap3A_1236 = vector.shape_cast %swap3A_1235 : vector<1x16xf32> to vector<16xf32>
      %swap3A_1237 = vector.shape_cast %get3A_1232 : vector<16xf32> to vector<1x16xf32>
      tpu.vector_store %arg9[%swap3A_1233, %swap3A_1234], %swap3A_1237 {add = true, strides = array<i32>} : memref<512x64xf32, #tpu.memory_space<vmem>>, vector<1x16xf32>,
      %get3A_1238 = arith.constant 8 : i32
      %get3A_1239 = arith.index_cast %get3A_1238 : i32 to index
      %get3A_1240 = arith.index_cast %and3A_1200 : i32 to index
      %get3A_1241 = arith.constant 48 : index
      %get3A_1242 = tpu.vector_load %arg7[%get3A_1239, %get3A_1240, %get3A_1241] {strides = array<i32>} : memref<16x8x64xf32, #tpu.memory_space<vmem>>, vector<1x1x16xf32>,
      %get3A_1243 = vector.shape_cast %get3A_1242 : vector<1x1x16xf32> to vector<16xf32>
      %swap3A_1244 = arith.index_cast %add3A_1204 : i32 to index
      %swap3A_1245 = arith.constant 48 : index
      %swap3A_1246 = tpu.vector_load %arg9[%swap3A_1244, %swap3A_1245] {strides = array<i32>} : memref<512x64xf32, #tpu.memory_space<vmem>>, vector<1x16xf32>,
      %swap3A_1247 = vector.shape_cast %swap3A_1246 : vector<1x16xf32> to vector<16xf32>
      %swap3A_1248 = vector.shape_cast %get3A_1243 : vector<16xf32> to vector<1x16xf32>
      tpu.vector_store %arg9[%swap3A_1244, %swap3A_1245], %swap3A_1248 {add = true, strides = array<i32>} : memref<512x64xf32, #tpu.memory_space<vmem>>, vector<1x16xf32>,
      %slice3A_1249 = vector.extract_strided_slice %get3A_781 {offsets = [9], sizes = [1], strides = [1]} : vector<16xi32> to vector<1xi32>
      %squeeze3A_1250 = vector.extract %slice3A_1249[0] : i32 from vector<1xi32>
      %and3A_1251 = arith.constant 7 : i32
      %and3A_1252 = arith.andi %squeeze3A_1250, %and3A_1251 : i32
      %mul3A_1253 = arith.constant 16 : i32
      %mul3A_1254 = arith.muli %mul3A_353, %mul3A_1253 : i32
      %add3A_1255 = arith.constant 9 : i32
      %add3A_1256 = arith.addi %mul3A_1254, %add3A_1255 : i32
      %get3A_1257 = arith.constant 9 : i32
      %get3A_1258 = arith.index_cast %get3A_1257 : i32 to index
      %get3A_1259 = arith.index_cast %and3A_1252 : i32 to index
      %get3A_1260 = arith.constant 0 : index
      %get3A_1261 = tpu.vector_load %arg7[%get3A_1258, %get3A_1259, %get3A_1260] {strides = array<i32>} : memref<16x8x64xf32, #tpu.memory_space<vmem>>, vector<1x1x16xf32>,
      %get3A_1262 = vector.shape_cast %get3A_1261 : vector<1x1x16xf32> to vector<16xf32>
      %swap3A_1263 = arith.index_cast %add3A_1256 : i32 to index
      %swap3A_1264 = arith.constant 0 : index
      %swap3A_1265 = tpu.vector_load %arg9[%swap3A_1263, %swap3A_1264] {strides = array<i32>} : memref<512x64xf32, #tpu.memory_space<vmem>>, vector<1x16xf32>,
      %swap3A_1266 = vector.shape_cast %swap3A_1265 : vector<1x16xf32> to vector<16xf32>
      %swap3A_1267 = vector.shape_cast %get3A_1262 : vector<16xf32> to vector<1x16xf32>
      tpu.vector_store %arg9[%swap3A_1263, %swap3A_1264], %swap3A_1267 {add = true, strides = array<i32>} : memref<512x64xf32, #tpu.memory_space<vmem>>, vector<1x16xf32>,
      %get3A_1268 = arith.constant 9 : i32
      %get3A_1269 = arith.index_cast %get3A_1268 : i32 to index
      %get3A_1270 = arith.index_cast %and3A_1252 : i32 to index
      %get3A_1271 = arith.constant 16 : index
      %get3A_1272 = tpu.vector_load %arg7[%get3A_1269, %get3A_1270, %get3A_1271] {strides = array<i32>} : memref<16x8x64xf32, #tpu.memory_space<vmem>>, vector<1x1x16xf32>,
      %get3A_1273 = vector.shape_cast %get3A_1272 : vector<1x1x16xf32> to vector<16xf32>
      %swap3A_1274 = arith.index_cast %add3A_1256 : i32 to index
      %swap3A_1275 = arith.constant 16 : index
      %swap3A_1276 = tpu.vector_load %arg9[%swap3A_1274, %swap3A_1275] {strides = array<i32>} : memref<512x64xf32, #tpu.memory_space<vmem>>, vector<1x16xf32>,
      %swap3A_1277 = vector.shape_cast %swap3A_1276 : vector<1x16xf32> to vector<16xf32>
      %swap3A_1278 = vector.shape_cast %get3A_1273 : vector<16xf32> to vector<1x16xf32>
      tpu.vector_store %arg9[%swap3A_1274, %swap3A_1275], %swap3A_1278 {add = true, strides = array<i32>} : memref<512x64xf32, #tpu.memory_space<vmem>>, vector<1x16xf32>,
      %get3A_1279 = arith.constant 9 : i32
      %get3A_1280 = arith.index_cast %get3A_1279 : i32 to index
      %get3A_1281 = arith.index_cast %and3A_1252 : i32 to index
      %get3A_1282 = arith.constant 32 : index
      %get3A_1283 = tpu.vector_load %arg7[%get3A_1280, %get3A_1281, %get3A_1282] {strides = array<i32>} : memref<16x8x64xf32, #tpu.memory_space<vmem>>, vector<1x1x16xf32>,
      %get3A_1284 = vector.shape_cast %get3A_1283 : vector<1x1x16xf32> to vector<16xf32>
      %swap3A_1285 = arith.index_cast %add3A_1256 : i32 to index
      %swap3A_1286 = arith.constant 32 : index
      %swap3A_1287 = tpu.vector_load %arg9[%swap3A_1285, %swap3A_1286] {strides = array<i32>} : memref<512x64xf32, #tpu.memory_space<vmem>>, vector<1x16xf32>,
      %swap3A_1288 = vector.shape_cast %swap3A_1287 : vector<1x16xf32> to vector<16xf32>
      %swap3A_1289 = vector.shape_cast %get3A_1284 : vector<16xf32> to vector<1x16xf32>
      tpu.vector_store %arg9[%swap3A_1285, %swap3A_1286], %swap3A_1289 {add = true, strides = array<i32>} : memref<512x64xf32, #tpu.memory_space<vmem>>, vector<1x16xf32>,
      %get3A_1290 = arith.constant 9 : i32
      %get3A_1291 = arith.index_cast %get3A_1290 : i32 to index
      %get3A_1292 = arith.index_cast %and3A_1252 : i32 to index
      %get3A_1293 = arith.constant 48 : index
      %get3A_1294 = tpu.vector_load %arg7[%get3A_1291, %get3A_1292, %get3A_1293] {strides = array<i32>} : memref<16x8x64xf32, #tpu.memory_space<vmem>>, vector<1x1x16xf32>,
      %get3A_1295 = vector.shape_cast %get3A_1294 : vector<1x1x16xf32> to vector<16xf32>
      %swap3A_1296 = arith.index_cast %add3A_1256 : i32 to index
      %swap3A_1297 = arith.constant 48 : index
      %swap3A_1298 = tpu.vector_load %arg9[%swap3A_1296, %swap3A_1297] {strides = array<i32>} : memref<512x64xf32, #tpu.memory_space<vmem>>, vector<1x16xf32>,
      %swap3A_1299 = vector.shape_cast %swap3A_1298 : vector<1x16xf32> to vector<16xf32>
      %swap3A_1300 = vector.shape_cast %get3A_1295 : vector<16xf32> to vector<1x16xf32>
      tpu.vector_store %arg9[%swap3A_1296, %swap3A_1297], %swap3A_1300 {add = true, strides = array<i32>} : memref<512x64xf32, #tpu.memory_space<vmem>>, vector<1x16xf32>,
      %slice3A_1301 = vector.extract_strided_slice %get3A_781 {offsets = [10], sizes = [1], strides = [1]} : vector<16xi32> to vector<1xi32>
      %squeeze3A_1302 = vector.extract %slice3A_1301[0] : i32 from vector<1xi32>
      %and3A_1303 = arith.constant 7 : i32
      %and3A_1304 = arith.andi %squeeze3A_1302, %and3A_1303 : i32
      %mul3A_1305 = arith.constant 16 : i32
      %mul3A_1306 = arith.muli %mul3A_353, %mul3A_1305 : i32
      %add3A_1307 = arith.constant 10 : i32
      %add3A_1308 = arith.addi %mul3A_1306, %add3A_1307 : i32
      %get3A_1309 = arith.constant 10 : i32
      %get3A_1310 = arith.index_cast %get3A_1309 : i32 to index
      %get3A_1311 = arith.index_cast %and3A_1304 : i32 to index
      %get3A_1312 = arith.constant 0 : index
      %get3A_1313 = tpu.vector_load %arg7[%get3A_1310, %get3A_1311, %get3A_1312] {strides = array<i32>} : memref<16x8x64xf32, #tpu.memory_space<vmem>>, vector<1x1x16xf32>,
      %get3A_1314 = vector.shape_cast %get3A_1313 : vector<1x1x16xf32> to vector<16xf32>
      %swap3A_1315 = arith.index_cast %add3A_1308 : i32 to index
      %swap3A_1316 = arith.constant 0 : index
      %swap3A_1317 = tpu.vector_load %arg9[%swap3A_1315, %swap3A_1316] {strides = array<i32>} : memref<512x64xf32, #tpu.memory_space<vmem>>, vector<1x16xf32>,
      %swap3A_1318 = vector.shape_cast %swap3A_1317 : vector<1x16xf32> to vector<16xf32>
      %swap3A_1319 = vector.shape_cast %get3A_1314 : vector<16xf32> to vector<1x16xf32>
      tpu.vector_store %arg9[%swap3A_1315, %swap3A_1316], %swap3A_1319 {add = true, strides = array<i32>} : memref<512x64xf32, #tpu.memory_space<vmem>>, vector<1x16xf32>,
      %get3A_1320 = arith.constant 10 : i32
      %get3A_1321 = arith.index_cast %get3A_1320 : i32 to index
      %get3A_1322 = arith.index_cast %and3A_1304 : i32 to index
      %get3A_1323 = arith.constant 16 : index
      %get3A_1324 = tpu.vector_load %arg7[%get3A_1321, %get3A_1322, %get3A_1323] {strides = array<i32>} : memref<16x8x64xf32, #tpu.memory_space<vmem>>, vector<1x1x16xf32>,
      %get3A_1325 = vector.shape_cast %get3A_1324 : vector<1x1x16xf32> to vector<16xf32>
      %swap3A_1326 = arith.index_cast %add3A_1308 : i32 to index
      %swap3A_1327 = arith.constant 16 : index
      %swap3A_1328 = tpu.vector_load %arg9[%swap3A_1326, %swap3A_1327] {strides = array<i32>} : memref<512x64xf32, #tpu.memory_space<vmem>>, vector<1x16xf32>,
      %swap3A_1329 = vector.shape_cast %swap3A_1328 : vector<1x16xf32> to vector<16xf32>
      %swap3A_1330 = vector.shape_cast %get3A_1325 : vector<16xf32> to vector<1x16xf32>
      tpu.vector_store %arg9[%swap3A_1326, %swap3A_1327], %swap3A_1330 {add = true, strides = array<i32>} : memref<512x64xf32, #tpu.memory_space<vmem>>, vector<1x16xf32>,
      %get3A_1331 = arith.constant 10 : i32
      %get3A_1332 = arith.index_cast %get3A_1331 : i32 to index
      %get3A_1333 = arith.index_cast %and3A_1304 : i32 to index
      %get3A_1334 = arith.constant 32 : index
      %get3A_1335 = tpu.vector_load %arg7[%get3A_1332, %get3A_1333, %get3A_1334] {strides = array<i32>} : memref<16x8x64xf32, #tpu.memory_space<vmem>>, vector<1x1x16xf32>,
      %get3A_1336 = vector.shape_cast %get3A_1335 : vector<1x1x16xf32> to vector<16xf32>
      %swap3A_1337 = arith.index_cast %add3A_1308 : i32 to index
      %swap3A_1338 = arith.constant 32 : index
      %swap3A_1339 = tpu.vector_load %arg9[%swap3A_1337, %swap3A_1338] {strides = array<i32>} : memref<512x64xf32, #tpu.memory_space<vmem>>, vector<1x16xf32>,
      %swap3A_1340 = vector.shape_cast %swap3A_1339 : vector<1x16xf32> to vector<16xf32>
      %swap3A_1341 = vector.shape_cast %get3A_1336 : vector<16xf32> to vector<1x16xf32>
      tpu.vector_store %arg9[%swap3A_1337, %swap3A_1338], %swap3A_1341 {add = true, strides = array<i32>} : memref<512x64xf32, #tpu.memory_space<vmem>>, vector<1x16xf32>,
      %get3A_1342 = arith.constant 10 : i32
      %get3A_1343 = arith.index_cast %get3A_1342 : i32 to index
      %get3A_1344 = arith.index_cast %and3A_1304 : i32 to index
      %get3A_1345 = arith.constant 48 : index
      %get3A_1346 = tpu.vector_load %arg7[%get3A_1343, %get3A_1344, %get3A_1345] {strides = array<i32>} : memref<16x8x64xf32, #tpu.memory_space<vmem>>, vector<1x1x16xf32>,
      %get3A_1347 = vector.shape_cast %get3A_1346 : vector<1x1x16xf32> to vector<16xf32>
      %swap3A_1348 = arith.index_cast %add3A_1308 : i32 to index
      %swap3A_1349 = arith.constant 48 : index
      %swap3A_1350 = tpu.vector_load %arg9[%swap3A_1348, %swap3A_1349] {strides = array<i32>} : memref<512x64xf32, #tpu.memory_space<vmem>>, vector<1x16xf32>,
      %swap3A_1351 = vector.shape_cast %swap3A_1350 : vector<1x16xf32> to vector<16xf32>
      %swap3A_1352 = vector.shape_cast %get3A_1347 : vector<16xf32> to vector<1x16xf32>
      tpu.vector_store %arg9[%swap3A_1348, %swap3A_1349], %swap3A_1352 {add = true, strides = array<i32>} : memref<512x64xf32, #tpu.memory_space<vmem>>, vector<1x16xf32>,
      %slice3A_1353 = vector.extract_strided_slice %get3A_781 {offsets = [11], sizes = [1], strides = [1]} : vector<16xi32> to vector<1xi32>
      %squeeze3A_1354 = vector.extract %slice3A_1353[0] : i32 from vector<1xi32>
      %and3A_1355 = arith.constant 7 : i32
      %and3A_1356 = arith.andi %squeeze3A_1354, %and3A_1355 : i32
      %mul3A_1357 = arith.constant 16 : i32
      %mul3A_1358 = arith.muli %mul3A_353, %mul3A_1357 : i32
      %add3A_1359 = arith.constant 11 : i32
      %add3A_1360 = arith.addi %mul3A_1358, %add3A_1359 : i32
      %get3A_1361 = arith.constant 11 : i32
      %get3A_1362 = arith.index_cast %get3A_1361 : i32 to index
      %get3A_1363 = arith.index_cast %and3A_1356 : i32 to index
      %get3A_1364 = arith.constant 0 : index
      %get3A_1365 = tpu.vector_load %arg7[%get3A_1362, %get3A_1363, %get3A_1364] {strides = array<i32>} : memref<16x8x64xf32, #tpu.memory_space<vmem>>, vector<1x1x16xf32>,
      %get3A_1366 = vector.shape_cast %get3A_1365 : vector<1x1x16xf32> to vector<16xf32>
      %swap3A_1367 = arith.index_cast %add3A_1360 : i32 to index
      %swap3A_1368 = arith.constant 0 : index
      %swap3A_1369 = tpu.vector_load %arg9[%swap3A_1367, %swap3A_1368] {strides = array<i32>} : memref<512x64xf32, #tpu.memory_space<vmem>>, vector<1x16xf32>,
      %swap3A_1370 = vector.shape_cast %swap3A_1369 : vector<1x16xf32> to vector<16xf32>
      %swap3A_1371 = vector.shape_cast %get3A_1366 : vector<16xf32> to vector<1x16xf32>
      tpu.vector_store %arg9[%swap3A_1367, %swap3A_1368], %swap3A_1371 {add = true, strides = array<i32>} : memref<512x64xf32, #tpu.memory_space<vmem>>, vector<1x16xf32>,
      %get3A_1372 = arith.constant 11 : i32
      %get3A_1373 = arith.index_cast %get3A_1372 : i32 to index
      %get3A_1374 = arith.index_cast %and3A_1356 : i32 to index
      %get3A_1375 = arith.constant 16 : index
      %get3A_1376 = tpu.vector_load %arg7[%get3A_1373, %get3A_1374, %get3A_1375] {strides = array<i32>} : memref<16x8x64xf32, #tpu.memory_space<vmem>>, vector<1x1x16xf32>,
      %get3A_1377 = vector.shape_cast %get3A_1376 : vector<1x1x16xf32> to vector<16xf32>
      %swap3A_1378 = arith.index_cast %add3A_1360 : i32 to index
      %swap3A_1379 = arith.constant 16 : index
      %swap3A_1380 = tpu.vector_load %arg9[%swap3A_1378, %swap3A_1379] {strides = array<i32>} : memref<512x64xf32, #tpu.memory_space<vmem>>, vector<1x16xf32>,
      %swap3A_1381 = vector.shape_cast %swap3A_1380 : vector<1x16xf32> to vector<16xf32>
      %swap3A_1382 = vector.shape_cast %get3A_1377 : vector<16xf32> to vector<1x16xf32>
      tpu.vector_store %arg9[%swap3A_1378, %swap3A_1379], %swap3A_1382 {add = true, strides = array<i32>} : memref<512x64xf32, #tpu.memory_space<vmem>>, vector<1x16xf32>,
      %get3A_1383 = arith.constant 11 : i32
      %get3A_1384 = arith.index_cast %get3A_1383 : i32 to index
      %get3A_1385 = arith.index_cast %and3A_1356 : i32 to index
      %get3A_1386 = arith.constant 32 : index
      %get3A_1387 = tpu.vector_load %arg7[%get3A_1384, %get3A_1385, %get3A_1386] {strides = array<i32>} : memref<16x8x64xf32, #tpu.memory_space<vmem>>, vector<1x1x16xf32>,
      %get3A_1388 = vector.shape_cast %get3A_1387 : vector<1x1x16xf32> to vector<16xf32>
      %swap3A_1389 = arith.index_cast %add3A_1360 : i32 to index
      %swap3A_1390 = arith.constant 32 : index
      %swap3A_1391 = tpu.vector_load %arg9[%swap3A_1389, %swap3A_1390] {strides = array<i32>} : memref<512x64xf32, #tpu.memory_space<vmem>>, vector<1x16xf32>,
      %swap3A_1392 = vector.shape_cast %swap3A_1391 : vector<1x16xf32> to vector<16xf32>
      %swap3A_1393 = vector.shape_cast %get3A_1388 : vector<16xf32> to vector<1x16xf32>
      tpu.vector_store %arg9[%swap3A_1389, %swap3A_1390], %swap3A_1393 {add = true, strides = array<i32>} : memref<512x64xf32, #tpu.memory_space<vmem>>, vector<1x16xf32>,
      %get3A_1394 = arith.constant 11 : i32
      %get3A_1395 = arith.index_cast %get3A_1394 : i32 to index
      %get3A_1396 = arith.index_cast %and3A_1356 : i32 to index
      %get3A_1397 = arith.constant 48 : index
      %get3A_1398 = tpu.vector_load %arg7[%get3A_1395, %get3A_1396, %get3A_1397] {strides = array<i32>} : memref<16x8x64xf32, #tpu.memory_space<vmem>>, vector<1x1x16xf32>,
      %get3A_1399 = vector.shape_cast %get3A_1398 : vector<1x1x16xf32> to vector<16xf32>
      %swap3A_1400 = arith.index_cast %add3A_1360 : i32 to index
      %swap3A_1401 = arith.constant 48 : index
      %swap3A_1402 = tpu.vector_load %arg9[%swap3A_1400, %swap3A_1401] {strides = array<i32>} : memref<512x64xf32, #tpu.memory_space<vmem>>, vector<1x16xf32>,
      %swap3A_1403 = vector.shape_cast %swap3A_1402 : vector<1x16xf32> to vector<16xf32>
      %swap3A_1404 = vector.shape_cast %get3A_1399 : vector<16xf32> to vector<1x16xf32>
      tpu.vector_store %arg9[%swap3A_1400, %swap3A_1401], %swap3A_1404 {add = true, strides = array<i32>} : memref<512x64xf32, #tpu.memory_space<vmem>>, vector<1x16xf32>,
      %slice3A_1405 = vector.extract_strided_slice %get3A_781 {offsets = [12], sizes = [1], strides = [1]} : vector<16xi32> to vector<1xi32>
      %squeeze3A_1406 = vector.extract %slice3A_1405[0] : i32 from vector<1xi32>
      %and3A_1407 = arith.constant 7 : i32
      %and3A_1408 = arith.andi %squeeze3A_1406, %and3A_1407 : i32
      %mul3A_1409 = arith.constant 16 : i32
      %mul3A_1410 = arith.muli %mul3A_353, %mul3A_1409 : i32
      %add3A_1411 = arith.constant 12 : i32
      %add3A_1412 = arith.addi %mul3A_1410, %add3A_1411 : i32
      %get3A_1413 = arith.constant 12 : i32
      %get3A_1414 = arith.index_cast %get3A_1413 : i32 to index
      %get3A_1415 = arith.index_cast %and3A_1408 : i32 to index
      %get3A_1416 = arith.constant 0 : index
      %get3A_1417 = tpu.vector_load %arg7[%get3A_1414, %get3A_1415, %get3A_1416] {strides = array<i32>} : memref<16x8x64xf32, #tpu.memory_space<vmem>>, vector<1x1x16xf32>,
      %get3A_1418 = vector.shape_cast %get3A_1417 : vector<1x1x16xf32> to vector<16xf32>
      %swap3A_1419 = arith.index_cast %add3A_1412 : i32 to index
      %swap3A_1420 = arith.constant 0 : index
      %swap3A_1421 = tpu.vector_load %arg9[%swap3A_1419, %swap3A_1420] {strides = array<i32>} : memref<512x64xf32, #tpu.memory_space<vmem>>, vector<1x16xf32>,
      %swap3A_1422 = vector.shape_cast %swap3A_1421 : vector<1x16xf32> to vector<16xf32>
      %swap3A_1423 = vector.shape_cast %get3A_1418 : vector<16xf32> to vector<1x16xf32>
      tpu.vector_store %arg9[%swap3A_1419, %swap3A_1420], %swap3A_1423 {add = true, strides = array<i32>} : memref<512x64xf32, #tpu.memory_space<vmem>>, vector<1x16xf32>,
      %get3A_1424 = arith.constant 12 : i32
      %get3A_1425 = arith.index_cast %get3A_1424 : i32 to index
      %get3A_1426 = arith.index_cast %and3A_1408 : i32 to index
      %get3A_1427 = arith.constant 16 : index
      %get3A_1428 = tpu.vector_load %arg7[%get3A_1425, %get3A_1426, %get3A_1427] {strides = array<i32>} : memref<16x8x64xf32, #tpu.memory_space<vmem>>, vector<1x1x16xf32>,
      %get3A_1429 = vector.shape_cast %get3A_1428 : vector<1x1x16xf32> to vector<16xf32>
      %swap3A_1430 = arith.index_cast %add3A_1412 : i32 to index
      %swap3A_1431 = arith.constant 16 : index
      %swap3A_1432 = tpu.vector_load %arg9[%swap3A_1430, %swap3A_1431] {strides = array<i32>} : memref<512x64xf32, #tpu.memory_space<vmem>>, vector<1x16xf32>,
      %swap3A_1433 = vector.shape_cast %swap3A_1432 : vector<1x16xf32> to vector<16xf32>
      %swap3A_1434 = vector.shape_cast %get3A_1429 : vector<16xf32> to vector<1x16xf32>
      tpu.vector_store %arg9[%swap3A_1430, %swap3A_1431], %swap3A_1434 {add = true, strides = array<i32>} : memref<512x64xf32, #tpu.memory_space<vmem>>, vector<1x16xf32>,
      %get3A_1435 = arith.constant 12 : i32
      %get3A_1436 = arith.index_cast %get3A_1435 : i32 to index
      %get3A_1437 = arith.index_cast %and3A_1408 : i32 to index
      %get3A_1438 = arith.constant 32 : index
      %get3A_1439 = tpu.vector_load %arg7[%get3A_1436, %get3A_1437, %get3A_1438] {strides = array<i32>} : memref<16x8x64xf32, #tpu.memory_space<vmem>>, vector<1x1x16xf32>,
      %get3A_1440 = vector.shape_cast %get3A_1439 : vector<1x1x16xf32> to vector<16xf32>
      %swap3A_1441 = arith.index_cast %add3A_1412 : i32 to index
      %swap3A_1442 = arith.constant 32 : index
      %swap3A_1443 = tpu.vector_load %arg9[%swap3A_1441, %swap3A_1442] {strides = array<i32>} : memref<512x64xf32, #tpu.memory_space<vmem>>, vector<1x16xf32>,
      %swap3A_1444 = vector.shape_cast %swap3A_1443 : vector<1x16xf32> to vector<16xf32>
      %swap3A_1445 = vector.shape_cast %get3A_1440 : vector<16xf32> to vector<1x16xf32>
      tpu.vector_store %arg9[%swap3A_1441, %swap3A_1442], %swap3A_1445 {add = true, strides = array<i32>} : memref<512x64xf32, #tpu.memory_space<vmem>>, vector<1x16xf32>,
      %get3A_1446 = arith.constant 12 : i32
      %get3A_1447 = arith.index_cast %get3A_1446 : i32 to index
      %get3A_1448 = arith.index_cast %and3A_1408 : i32 to index
      %get3A_1449 = arith.constant 48 : index
      %get3A_1450 = tpu.vector_load %arg7[%get3A_1447, %get3A_1448, %get3A_1449] {strides = array<i32>} : memref<16x8x64xf32, #tpu.memory_space<vmem>>, vector<1x1x16xf32>,
      %get3A_1451 = vector.shape_cast %get3A_1450 : vector<1x1x16xf32> to vector<16xf32>
      %swap3A_1452 = arith.index_cast %add3A_1412 : i32 to index
      %swap3A_1453 = arith.constant 48 : index
      %swap3A_1454 = tpu.vector_load %arg9[%swap3A_1452, %swap3A_1453] {strides = array<i32>} : memref<512x64xf32, #tpu.memory_space<vmem>>, vector<1x16xf32>,
      %swap3A_1455 = vector.shape_cast %swap3A_1454 : vector<1x16xf32> to vector<16xf32>
      %swap3A_1456 = vector.shape_cast %get3A_1451 : vector<16xf32> to vector<1x16xf32>
      tpu.vector_store %arg9[%swap3A_1452, %swap3A_1453], %swap3A_1456 {add = true, strides = array<i32>} : memref<512x64xf32, #tpu.memory_space<vmem>>, vector<1x16xf32>,
      %slice3A_1457 = vector.extract_strided_slice %get3A_781 {offsets = [13], sizes = [1], strides = [1]} : vector<16xi32> to vector<1xi32>
      %squeeze3A_1458 = vector.extract %slice3A_1457[0] : i32 from vector<1xi32>
      %and3A_1459 = arith.constant 7 : i32
      %and3A_1460 = arith.andi %squeeze3A_1458, %and3A_1459 : i32
      %mul3A_1461 = arith.constant 16 : i32
      %mul3A_1462 = arith.muli %mul3A_353, %mul3A_1461 : i32
      %add3A_1463 = arith.constant 13 : i32
      %add3A_1464 = arith.addi %mul3A_1462, %add3A_1463 : i32
      %get3A_1465 = arith.constant 13 : i32
      %get3A_1466 = arith.index_cast %get3A_1465 : i32 to index
      %get3A_1467 = arith.index_cast %and3A_1460 : i32 to index
      %get3A_1468 = arith.constant 0 : index
      %get3A_1469 = tpu.vector_load %arg7[%get3A_1466, %get3A_1467, %get3A_1468] {strides = array<i32>} : memref<16x8x64xf32, #tpu.memory_space<vmem>>, vector<1x1x16xf32>,
      %get3A_1470 = vector.shape_cast %get3A_1469 : vector<1x1x16xf32> to vector<16xf32>
      %swap3A_1471 = arith.index_cast %add3A_1464 : i32 to index
      %swap3A_1472 = arith.constant 0 : index
      %swap3A_1473 = tpu.vector_load %arg9[%swap3A_1471, %swap3A_1472] {strides = array<i32>} : memref<512x64xf32, #tpu.memory_space<vmem>>, vector<1x16xf32>,
      %swap3A_1474 = vector.shape_cast %swap3A_1473 : vector<1x16xf32> to vector<16xf32>
      %swap3A_1475 = vector.shape_cast %get3A_1470 : vector<16xf32> to vector<1x16xf32>
      tpu.vector_store %arg9[%swap3A_1471, %swap3A_1472], %swap3A_1475 {add = true, strides = array<i32>} : memref<512x64xf32, #tpu.memory_space<vmem>>, vector<1x16xf32>,
      %get3A_1476 = arith.constant 13 : i32
      %get3A_1477 = arith.index_cast %get3A_1476 : i32 to index
      %get3A_1478 = arith.index_cast %and3A_1460 : i32 to index
      %get3A_1479 = arith.constant 16 : index
      %get3A_1480 = tpu.vector_load %arg7[%get3A_1477, %get3A_1478, %get3A_1479] {strides = array<i32>} : memref<16x8x64xf32, #tpu.memory_space<vmem>>, vector<1x1x16xf32>,
      %get3A_1481 = vector.shape_cast %get3A_1480 : vector<1x1x16xf32> to vector<16xf32>
      %swap3A_1482 = arith.index_cast %add3A_1464 : i32 to index
      %swap3A_1483 = arith.constant 16 : index
      %swap3A_1484 = tpu.vector_load %arg9[%swap3A_1482, %swap3A_1483] {strides = array<i32>} : memref<512x64xf32, #tpu.memory_space<vmem>>, vector<1x16xf32>,
      %swap3A_1485 = vector.shape_cast %swap3A_1484 : vector<1x16xf32> to vector<16xf32>
      %swap3A_1486 = vector.shape_cast %get3A_1481 : vector<16xf32> to vector<1x16xf32>
      tpu.vector_store %arg9[%swap3A_1482, %swap3A_1483], %swap3A_1486 {add = true, strides = array<i32>} : memref<512x64xf32, #tpu.memory_space<vmem>>, vector<1x16xf32>,
      %get3A_1487 = arith.constant 13 : i32
      %get3A_1488 = arith.index_cast %get3A_1487 : i32 to index
      %get3A_1489 = arith.index_cast %and3A_1460 : i32 to index
      %get3A_1490 = arith.constant 32 : index
      %get3A_1491 = tpu.vector_load %arg7[%get3A_1488, %get3A_1489, %get3A_1490] {strides = array<i32>} : memref<16x8x64xf32, #tpu.memory_space<vmem>>, vector<1x1x16xf32>,
      %get3A_1492 = vector.shape_cast %get3A_1491 : vector<1x1x16xf32> to vector<16xf32>
      %swap3A_1493 = arith.index_cast %add3A_1464 : i32 to index
      %swap3A_1494 = arith.constant 32 : index
      %swap3A_1495 = tpu.vector_load %arg9[%swap3A_1493, %swap3A_1494] {strides = array<i32>} : memref<512x64xf32, #tpu.memory_space<vmem>>, vector<1x16xf32>,
      %swap3A_1496 = vector.shape_cast %swap3A_1495 : vector<1x16xf32> to vector<16xf32>
      %swap3A_1497 = vector.shape_cast %get3A_1492 : vector<16xf32> to vector<1x16xf32>
      tpu.vector_store %arg9[%swap3A_1493, %swap3A_1494], %swap3A_1497 {add = true, strides = array<i32>} : memref<512x64xf32, #tpu.memory_space<vmem>>, vector<1x16xf32>,
      %get3A_1498 = arith.constant 13 : i32
      %get3A_1499 = arith.index_cast %get3A_1498 : i32 to index
      %get3A_1500 = arith.index_cast %and3A_1460 : i32 to index
      %get3A_1501 = arith.constant 48 : index
      %get3A_1502 = tpu.vector_load %arg7[%get3A_1499, %get3A_1500, %get3A_1501] {strides = array<i32>} : memref<16x8x64xf32, #tpu.memory_space<vmem>>, vector<1x1x16xf32>,
      %get3A_1503 = vector.shape_cast %get3A_1502 : vector<1x1x16xf32> to vector<16xf32>
      %swap3A_1504 = arith.index_cast %add3A_1464 : i32 to index
      %swap3A_1505 = arith.constant 48 : index
      %swap3A_1506 = tpu.vector_load %arg9[%swap3A_1504, %swap3A_1505] {strides = array<i32>} : memref<512x64xf32, #tpu.memory_space<vmem>>, vector<1x16xf32>,
      %swap3A_1507 = vector.shape_cast %swap3A_1506 : vector<1x16xf32> to vector<16xf32>
      %swap3A_1508 = vector.shape_cast %get3A_1503 : vector<16xf32> to vector<1x16xf32>
      tpu.vector_store %arg9[%swap3A_1504, %swap3A_1505], %swap3A_1508 {add = true, strides = array<i32>} : memref<512x64xf32, #tpu.memory_space<vmem>>, vector<1x16xf32>,
      %slice3A_1509 = vector.extract_strided_slice %get3A_781 {offsets = [14], sizes = [1], strides = [1]} : vector<16xi32> to vector<1xi32>
      %squeeze3A_1510 = vector.extract %slice3A_1509[0] : i32 from vector<1xi32>
      %and3A_1511 = arith.constant 7 : i32
      %and3A_1512 = arith.andi %squeeze3A_1510, %and3A_1511 : i32
      %mul3A_1513 = arith.constant 16 : i32
      %mul3A_1514 = arith.muli %mul3A_353, %mul3A_1513 : i32
      %add3A_1515 = arith.constant 14 : i32
      %add3A_1516 = arith.addi %mul3A_1514, %add3A_1515 : i32
      %get3A_1517 = arith.constant 14 : i32
      %get3A_1518 = arith.index_cast %get3A_1517 : i32 to index
      %get3A_1519 = arith.index_cast %and3A_1512 : i32 to index
      %get3A_1520 = arith.constant 0 : index
      %get3A_1521 = tpu.vector_load %arg7[%get3A_1518, %get3A_1519, %get3A_1520] {strides = array<i32>} : memref<16x8x64xf32, #tpu.memory_space<vmem>>, vector<1x1x16xf32>,
      %get3A_1522 = vector.shape_cast %get3A_1521 : vector<1x1x16xf32> to vector<16xf32>
      %swap3A_1523 = arith.index_cast %add3A_1516 : i32 to index
      %swap3A_1524 = arith.constant 0 : index
      %swap3A_1525 = tpu.vector_load %arg9[%swap3A_1523, %swap3A_1524] {strides = array<i32>} : memref<512x64xf32, #tpu.memory_space<vmem>>, vector<1x16xf32>,
      %swap3A_1526 = vector.shape_cast %swap3A_1525 : vector<1x16xf32> to vector<16xf32>
      %swap3A_1527 = vector.shape_cast %get3A_1522 : vector<16xf32> to vector<1x16xf32>
      tpu.vector_store %arg9[%swap3A_1523, %swap3A_1524], %swap3A_1527 {add = true, strides = array<i32>} : memref<512x64xf32, #tpu.memory_space<vmem>>, vector<1x16xf32>,
      %get3A_1528 = arith.constant 14 : i32
      %get3A_1529 = arith.index_cast %get3A_1528 : i32 to index
      %get3A_1530 = arith.index_cast %and3A_1512 : i32 to index
      %get3A_1531 = arith.constant 16 : index
      %get3A_1532 = tpu.vector_load %arg7[%get3A_1529, %get3A_1530, %get3A_1531] {strides = array<i32>} : memref<16x8x64xf32, #tpu.memory_space<vmem>>, vector<1x1x16xf32>,
      %get3A_1533 = vector.shape_cast %get3A_1532 : vector<1x1x16xf32> to vector<16xf32>
      %swap3A_1534 = arith.index_cast %add3A_1516 : i32 to index
      %swap3A_1535 = arith.constant 16 : index
      %swap3A_1536 = tpu.vector_load %arg9[%swap3A_1534, %swap3A_1535] {strides = array<i32>} : memref<512x64xf32, #tpu.memory_space<vmem>>, vector<1x16xf32>,
      %swap3A_1537 = vector.shape_cast %swap3A_1536 : vector<1x16xf32> to vector<16xf32>
      %swap3A_1538 = vector.shape_cast %get3A_1533 : vector<16xf32> to vector<1x16xf32>
      tpu.vector_store %arg9[%swap3A_1534, %swap3A_1535], %swap3A_1538 {add = true, strides = array<i32>} : memref<512x64xf32, #tpu.memory_space<vmem>>, vector<1x16xf32>,
      %get3A_1539 = arith.constant 14 : i32
      %get3A_1540 = arith.index_cast %get3A_1539 : i32 to index
      %get3A_1541 = arith.index_cast %and3A_1512 : i32 to index
      %get3A_1542 = arith.constant 32 : index
      %get3A_1543 = tpu.vector_load %arg7[%get3A_1540, %get3A_1541, %get3A_1542] {strides = array<i32>} : memref<16x8x64xf32, #tpu.memory_space<vmem>>, vector<1x1x16xf32>,
      %get3A_1544 = vector.shape_cast %get3A_1543 : vector<1x1x16xf32> to vector<16xf32>
      %swap3A_1545 = arith.index_cast %add3A_1516 : i32 to index
      %swap3A_1546 = arith.constant 32 : index
      %swap3A_1547 = tpu.vector_load %arg9[%swap3A_1545, %swap3A_1546] {strides = array<i32>} : memref<512x64xf32, #tpu.memory_space<vmem>>, vector<1x16xf32>,
      %swap3A_1548 = vector.shape_cast %swap3A_1547 : vector<1x16xf32> to vector<16xf32>
      %swap3A_1549 = vector.shape_cast %get3A_1544 : vector<16xf32> to vector<1x16xf32>
      tpu.vector_store %arg9[%swap3A_1545, %swap3A_1546], %swap3A_1549 {add = true, strides = array<i32>} : memref<512x64xf32, #tpu.memory_space<vmem>>, vector<1x16xf32>,
      %get3A_1550 = arith.constant 14 : i32
      %get3A_1551 = arith.index_cast %get3A_1550 : i32 to index
      %get3A_1552 = arith.index_cast %and3A_1512 : i32 to index
      %get3A_1553 = arith.constant 48 : index
      %get3A_1554 = tpu.vector_load %arg7[%get3A_1551, %get3A_1552, %get3A_1553] {strides = array<i32>} : memref<16x8x64xf32, #tpu.memory_space<vmem>>, vector<1x1x16xf32>,
      %get3A_1555 = vector.shape_cast %get3A_1554 : vector<1x1x16xf32> to vector<16xf32>
      %swap3A_1556 = arith.index_cast %add3A_1516 : i32 to index
      %swap3A_1557 = arith.constant 48 : index
      %swap3A_1558 = tpu.vector_load %arg9[%swap3A_1556, %swap3A_1557] {strides = array<i32>} : memref<512x64xf32, #tpu.memory_space<vmem>>, vector<1x16xf32>,
      %swap3A_1559 = vector.shape_cast %swap3A_1558 : vector<1x16xf32> to vector<16xf32>
      %swap3A_1560 = vector.shape_cast %get3A_1555 : vector<16xf32> to vector<1x16xf32>
      tpu.vector_store %arg9[%swap3A_1556, %swap3A_1557], %swap3A_1560 {add = true, strides = array<i32>} : memref<512x64xf32, #tpu.memory_space<vmem>>, vector<1x16xf32>,
      %slice3A_1561 = vector.extract_strided_slice %get3A_781 {offsets = [15], sizes = [1], strides = [1]} : vector<16xi32> to vector<1xi32>
      %squeeze3A_1562 = vector.extract %slice3A_1561[0] : i32 from vector<1xi32>
      %and3A_1563 = arith.constant 7 : i32
      %and3A_1564 = arith.andi %squeeze3A_1562, %and3A_1563 : i32
      %mul3A_1565 = arith.constant 16 : i32
      %mul3A_1566 = arith.muli %mul3A_353, %mul3A_1565 : i32
      %add3A_1567 = arith.constant 15 : i32
      %add3A_1568 = arith.addi %mul3A_1566, %add3A_1567 : i32
      %get3A_1569 = arith.constant 15 : i32
      %get3A_1570 = arith.index_cast %get3A_1569 : i32 to index
      %get3A_1571 = arith.index_cast %and3A_1564 : i32 to index
      %get3A_1572 = arith.constant 0 : index
      %get3A_1573 = tpu.vector_load %arg7[%get3A_1570, %get3A_1571, %get3A_1572] {strides = array<i32>} : memref<16x8x64xf32, #tpu.memory_space<vmem>>, vector<1x1x16xf32>,
      %get3A_1574 = vector.shape_cast %get3A_1573 : vector<1x1x16xf32> to vector<16xf32>
      %swap3A_1575 = arith.index_cast %add3A_1568 : i32 to index
      %swap3A_1576 = arith.constant 0 : index
      %swap3A_1577 = tpu.vector_load %arg9[%swap3A_1575, %swap3A_1576] {strides = array<i32>} : memref<512x64xf32, #tpu.memory_space<vmem>>, vector<1x16xf32>,
      %swap3A_1578 = vector.shape_cast %swap3A_1577 : vector<1x16xf32> to vector<16xf32>
      %swap3A_1579 = vector.shape_cast %get3A_1574 : vector<16xf32> to vector<1x16xf32>
      tpu.vector_store %arg9[%swap3A_1575, %swap3A_1576], %swap3A_1579 {add = true, strides = array<i32>} : memref<512x64xf32, #tpu.memory_space<vmem>>, vector<1x16xf32>,
      %get3A_1580 = arith.constant 15 : i32
      %get3A_1581 = arith.index_cast %get3A_1580 : i32 to index
      %get3A_1582 = arith.index_cast %and3A_1564 : i32 to index
      %get3A_1583 = arith.constant 16 : index
      %get3A_1584 = tpu.vector_load %arg7[%get3A_1581, %get3A_1582, %get3A_1583] {strides = array<i32>} : memref<16x8x64xf32, #tpu.memory_space<vmem>>, vector<1x1x16xf32>,
      %get3A_1585 = vector.shape_cast %get3A_1584 : vector<1x1x16xf32> to vector<16xf32>
      %swap3A_1586 = arith.index_cast %add3A_1568 : i32 to index
      %swap3A_1587 = arith.constant 16 : index
      %swap3A_1588 = tpu.vector_load %arg9[%swap3A_1586, %swap3A_1587] {strides = array<i32>} : memref<512x64xf32, #tpu.memory_space<vmem>>, vector<1x16xf32>,
      %swap3A_1589 = vector.shape_cast %swap3A_1588 : vector<1x16xf32> to vector<16xf32>
      %swap3A_1590 = vector.shape_cast %get3A_1585 : vector<16xf32> to vector<1x16xf32>
      tpu.vector_store %arg9[%swap3A_1586, %swap3A_1587], %swap3A_1590 {add = true, strides = array<i32>} : memref<512x64xf32, #tpu.memory_space<vmem>>, vector<1x16xf32>,
      %get3A_1591 = arith.constant 15 : i32
      %get3A_1592 = arith.index_cast %get3A_1591 : i32 to index
      %get3A_1593 = arith.index_cast %and3A_1564 : i32 to index
      %get3A_1594 = arith.constant 32 : index
      %get3A_1595 = tpu.vector_load %arg7[%get3A_1592, %get3A_1593, %get3A_1594] {strides = array<i32>} : memref<16x8x64xf32, #tpu.memory_space<vmem>>, vector<1x1x16xf32>,
      %get3A_1596 = vector.shape_cast %get3A_1595 : vector<1x1x16xf32> to vector<16xf32>
      %swap3A_1597 = arith.index_cast %add3A_1568 : i32 to index
      %swap3A_1598 = arith.constant 32 : index
      %swap3A_1599 = tpu.vector_load %arg9[%swap3A_1597, %swap3A_1598] {strides = array<i32>} : memref<512x64xf32, #tpu.memory_space<vmem>>, vector<1x16xf32>,
      %swap3A_1600 = vector.shape_cast %swap3A_1599 : vector<1x16xf32> to vector<16xf32>
      %swap3A_1601 = vector.shape_cast %get3A_1596 : vector<16xf32> to vector<1x16xf32>
      tpu.vector_store %arg9[%swap3A_1597, %swap3A_1598], %swap3A_1601 {add = true, strides = array<i32>} : memref<512x64xf32, #tpu.memory_space<vmem>>, vector<1x16xf32>,
      %get3A_1602 = arith.constant 15 : i32
      %get3A_1603 = arith.index_cast %get3A_1602 : i32 to index
      %get3A_1604 = arith.index_cast %and3A_1564 : i32 to index
      %get3A_1605 = arith.constant 48 : index
      %get3A_1606 = tpu.vector_load %arg7[%get3A_1603, %get3A_1604, %get3A_1605] {strides = array<i32>} : memref<16x8x64xf32, #tpu.memory_space<vmem>>, vector<1x1x16xf32>,
      %get3A_1607 = vector.shape_cast %get3A_1606 : vector<1x1x16xf32> to vector<16xf32>
      %swap3A_1608 = arith.index_cast %add3A_1568 : i32 to index
      %swap3A_1609 = arith.constant 48 : index
      %swap3A_1610 = tpu.vector_load %arg9[%swap3A_1608, %swap3A_1609] {strides = array<i32>} : memref<512x64xf32, #tpu.memory_space<vmem>>, vector<1x16xf32>,
      %swap3A_1611 = vector.shape_cast %swap3A_1610 : vector<1x16xf32> to vector<16xf32>
      %swap3A_1612 = vector.shape_cast %get3A_1607 : vector<16xf32> to vector<1x16xf32>
      tpu.vector_store %arg9[%swap3A_1608, %swap3A_1609], %swap3A_1612 {add = true, strides = array<i32>} : memref<512x64xf32, #tpu.memory_space<vmem>>, vector<1x16xf32>,
      %add3A_1613 = arith.constant 2 : i32
      %add3A_1614 = arith.addi %mul3A_353, %add3A_1613 : i32
      %lt3A_1615 = arith.constant 32 : i32
      %lt3A_1616 = arith.cmpi slt, %add3A_1614, %lt3A_1615 : i32
      %convert_element_type3A = arith.extui %lt3A_1616 : i1 to i32
      %cond3A = arith.constant 0 : i32
      %cond3A_1617 = arith.cmpi ne, %convert_element_type3A, %cond3A : i32
      scf.if %cond3A_1617 {
        %add3A_2506 = arith.constant 2 : i32
        %add3A_2507 = arith.addi %mul3A_353, %add3A_2506 : i32
        %jit3A_2508 = arith.constant 8 : i32
        %div3A_2509 = arith.divsi %add3A_2507, %jit3A_2508 : i32
        %sign3A_2510 = arith.constant 0 : i32
        %sign3A_2511 = arith.cmpi sgt, %add3A_2507, %sign3A_2510 : i32
        %sign3A_2512 = arith.extui %sign3A_2511 : i1 to i32
        %sign3A_2513 = arith.constant 0 : i32
        %sign3A_2514 = arith.cmpi slt, %add3A_2507, %sign3A_2513 : i32
        %sign3A_2515 = arith.extui %sign3A_2514 : i1 to i32
        %sign3A_2516 = arith.subi %sign3A_2512, %sign3A_2515 : i32
        %sign3A_2517 = arith.constant 0 : i32
        %sign3A_2518 = arith.cmpi sgt, %jit3A_2508, %sign3A_2517 : i32
        %sign3A_2519 = arith.extui %sign3A_2518 : i1 to i32
        %sign3A_2520 = arith.constant 0 : i32
        %sign3A_2521 = arith.cmpi slt, %jit3A_2508, %sign3A_2520 : i32
        %sign3A_2522 = arith.extui %sign3A_2521 : i1 to i32
        %sign3A_2523 = arith.subi %sign3A_2519, %sign3A_2522 : i32
        %ne3A_2524 = arith.cmpi ne, %sign3A_2516, %sign3A_2523 : i32
        %rem3A_2525 = arith.remsi %add3A_2507, %jit3A_2508 : i32
        %ne3A_2526 = arith.constant 0 : i32
        %ne3A_2527 = arith.cmpi ne, %rem3A_2525, %ne3A_2526 : i32
        %and3A_2528 = arith.andi %ne3A_2524, %ne3A_2527 : i1
        %sub3A_2529 = arith.constant 1 : i32
        %sub3A_2530 = arith.subi %div3A_2509, %sub3A_2529 : i32
        %select_n3A_2531 = arith.select %and3A_2528, %sub3A_2530, %div3A_2509 : i32
        %jit3A_2532 = arith.constant 8 : i32
        %eq3A_2533 = arith.constant 0 : i32
        %eq3A_2534 = arith.cmpi eq, %jit3A_2532, %eq3A_2533 : i32
        %jit3A_2535 = arith.constant 1 : i32
        %select_n3A_2536 = arith.select %eq3A_2534, %jit3A_2535, %jit3A_2532 : i32
        %rem3A_2537 = arith.remsi %add3A_2507, %select_n3A_2536 : i32
        %ne3A_2538 = arith.constant 0 : i32
        %ne3A_2539 = arith.cmpi ne, %rem3A_2537, %ne3A_2538 : i32
        %lt3A_2540 = arith.constant 0 : i32
        %lt3A_2541 = arith.cmpi slt, %rem3A_2537, %lt3A_2540 : i32
        %lt3A_2542 = arith.constant 0 : i32
        %lt3A_2543 = arith.cmpi slt, %select_n3A_2536, %lt3A_2542 : i32
        %ne3A_2544 = arith.xori %lt3A_2541, %lt3A_2543 : i1
        %and3A_2545 = arith.andi %ne3A_2544, %ne3A_2539 : i1
        %add3A_2546 = arith.addi %rem3A_2537, %select_n3A_2536 : i32
        %select_n3A_2547 = arith.select %and3A_2545, %add3A_2546, %rem3A_2537 : i32
        %mul3A_2548 = arith.constant 16 : i32
        %mul3A_2549 = arith.muli %select_n3A_2547, %mul3A_2548 : i32
        %get3A_2550 = arith.index_cast %select_n3A_2531 : i32 to index
        %get3A_2551 = arith.index_cast %mul3A_2549 : i32 to index
        %get3A_2552 = tpu.vector_load %arg6[%get3A_2550, %get3A_2551] {strides = array<i32>} : memref<4x128xi32, #tpu.memory_space<vmem>>, vector<1x16xi32>,
        %get3A_2553 = vector.shape_cast %get3A_2552 : vector<1x16xi32> to vector<16xi32>
        %slice3A_2554 = vector.extract_strided_slice %get3A_2553 {offsets = [0], sizes = [1], strides = [1]} : vector<16xi32> to vector<1xi32>
        %squeeze3A_2555 = vector.extract %slice3A_2554[0] : i32 from vector<1xi32>
        %shift_right_arithmetic3A_2556 = arith.constant 3 : i32
        %shift_right_arithmetic3A_2557 = arith.shrsi %squeeze3A_2555, %shift_right_arithmetic3A_2556 : i32
        %dma_start3A_2558 = arith.constant 0 : i32
        %dma_start3A_2559 = arith.constant 0 : i32
        %dma_start3A_2560 = arith.constant 0 : i32
        %dma_start3A_2561 = tpu.memref_slice %arg7[%dma_start3A_2558, %dma_start3A_2559, %dma_start3A_2560] : memref<16x8x64xf32, #tpu.memory_space<vmem>> -> memref<1x8x64xf32, #tpu.memory_space<vmem>>
        %dma_start3A_2562 = tpu.memref_squeeze %dma_start3A_2561 : memref<1x8x64xf32, #tpu.memory_space<vmem>> -> memref<8x64xf32, #tpu.memory_space<vmem>>
        %dma_start3A_2563 = arith.constant 0 : i32
        %dma_start3A_2564 = arith.constant 0 : i32
        %dma_start3A_2565 = tpu.memref_slice %arg4[%shift_right_arithmetic3A_2557, %dma_start3A_2563, %dma_start3A_2564] : memref<125000x8x64xf32, #tpu.memory_space<hbm>> -> memref<1x8x64xf32, #tpu.memory_space<hbm>>
        %dma_start3A_2566 = tpu.memref_squeeze %dma_start3A_2565 : memref<1x8x64xf32, #tpu.memory_space<hbm>> -> memref<8x64xf32, #tpu.memory_space<hbm>>
        %dma_start3A_2567 = arith.constant 0 : i32
        %dma_start3A_2568 = arith.constant 0 : i32
        %dma_start3A_2569 = tpu.memref_slice %arg7[%dma_start3A_2558, %dma_start3A_2567, %dma_start3A_2568] : memref<16x8x64xf32, #tpu.memory_space<vmem>> -> memref<1x8x64xf32, #tpu.memory_space<vmem>>
        %dma_start3A_2570 = tpu.memref_squeeze %dma_start3A_2569 : memref<1x8x64xf32, #tpu.memory_space<vmem>> -> memref<8x64xf32, #tpu.memory_space<vmem>>
        %dma_start3A_2571 = arith.constant 0 : i32
        %dma_start3A_2572 = arith.constant 0 : i32
        %dma_start3A_2573 = tpu.memref_slice %arg4[%shift_right_arithmetic3A_2557, %dma_start3A_2571, %dma_start3A_2572] : memref<125000x8x64xf32, #tpu.memory_space<hbm>> -> memref<1x8x64xf32, #tpu.memory_space<hbm>>
        %dma_start3A_2574 = tpu.memref_squeeze %dma_start3A_2573 : memref<1x8x64xf32, #tpu.memory_space<hbm>> -> memref<8x64xf32, #tpu.memory_space<hbm>>
        tpu.enqueue_dma source(%dma_start3A_2574 : memref<8x64xf32, #tpu.memory_space<hbm>>) target(%dma_start3A_2570 : memref<8x64xf32, #tpu.memory_space<vmem>>) target_semaphore(%arg10 : memref<!tpu.dma_semaphore, #tpu.memory_space<semaphore_mem>>)
        %slice3A_2575 = vector.extract_strided_slice %get3A_2553 {offsets = [1], sizes = [1], strides = [1]} : vector<16xi32> to vector<1xi32>
        %squeeze3A_2576 = vector.extract %slice3A_2575[0] : i32 from vector<1xi32>
        %shift_right_arithmetic3A_2577 = arith.constant 3 : i32
        %shift_right_arithmetic3A_2578 = arith.shrsi %squeeze3A_2576, %shift_right_arithmetic3A_2577 : i32
        %dma_start3A_2579 = arith.constant 1 : i32
        %dma_start3A_2580 = arith.constant 0 : i32
        %dma_start3A_2581 = arith.constant 0 : i32
        %dma_start3A_2582 = tpu.memref_slice %arg7[%dma_start3A_2579, %dma_start3A_2580, %dma_start3A_2581] : memref<16x8x64xf32, #tpu.memory_space<vmem>> -> memref<1x8x64xf32, #tpu.memory_space<vmem>>
        %dma_start3A_2583 = tpu.memref_squeeze %dma_start3A_2582 : memref<1x8x64xf32, #tpu.memory_space<vmem>> -> memref<8x64xf32, #tpu.memory_space<vmem>>
        %dma_start3A_2584 = arith.constant 0 : i32
        %dma_start3A_2585 = arith.constant 0 : i32
        %dma_start3A_2586 = tpu.memref_slice %arg4[%shift_right_arithmetic3A_2578, %dma_start3A_2584, %dma_start3A_2585] : memref<125000x8x64xf32, #tpu.memory_space<hbm>> -> memref<1x8x64xf32, #tpu.memory_space<hbm>>
        %dma_start3A_2587 = tpu.memref_squeeze %dma_start3A_2586 : memref<1x8x64xf32, #tpu.memory_space<hbm>> -> memref<8x64xf32, #tpu.memory_space<hbm>>
        %dma_start3A_2588 = arith.constant 0 : i32
        %dma_start3A_2589 = arith.constant 0 : i32
        %dma_start3A_2590 = tpu.memref_slice %arg7[%dma_start3A_2579, %dma_start3A_2588, %dma_start3A_2589] : memref<16x8x64xf32, #tpu.memory_space<vmem>> -> memref<1x8x64xf32, #tpu.memory_space<vmem>>
        %dma_start3A_2591 = tpu.memref_squeeze %dma_start3A_2590 : memref<1x8x64xf32, #tpu.memory_space<vmem>> -> memref<8x64xf32, #tpu.memory_space<vmem>>
        %dma_start3A_2592 = arith.constant 0 : i32
        %dma_start3A_2593 = arith.constant 0 : i32
        %dma_start3A_2594 = tpu.memref_slice %arg4[%shift_right_arithmetic3A_2578, %dma_start3A_2592, %dma_start3A_2593] : memref<125000x8x64xf32, #tpu.memory_space<hbm>> -> memref<1x8x64xf32, #tpu.memory_space<hbm>>
        %dma_start3A_2595 = tpu.memref_squeeze %dma_start3A_2594 : memref<1x8x64xf32, #tpu.memory_space<hbm>> -> memref<8x64xf32, #tpu.memory_space<hbm>>
        tpu.enqueue_dma source(%dma_start3A_2595 : memref<8x64xf32, #tpu.memory_space<hbm>>) target(%dma_start3A_2591 : memref<8x64xf32, #tpu.memory_space<vmem>>) target_semaphore(%arg10 : memref<!tpu.dma_semaphore, #tpu.memory_space<semaphore_mem>>)
        %slice3A_2596 = vector.extract_strided_slice %get3A_2553 {offsets = [2], sizes = [1], strides = [1]} : vector<16xi32> to vector<1xi32>
        %squeeze3A_2597 = vector.extract %slice3A_2596[0] : i32 from vector<1xi32>
        %shift_right_arithmetic3A_2598 = arith.constant 3 : i32
        %shift_right_arithmetic3A_2599 = arith.shrsi %squeeze3A_2597, %shift_right_arithmetic3A_2598 : i32
        %dma_start3A_2600 = arith.constant 2 : i32
        %dma_start3A_2601 = arith.constant 0 : i32
        %dma_start3A_2602 = arith.constant 0 : i32
        %dma_start3A_2603 = tpu.memref_slice %arg7[%dma_start3A_2600, %dma_start3A_2601, %dma_start3A_2602] : memref<16x8x64xf32, #tpu.memory_space<vmem>> -> memref<1x8x64xf32, #tpu.memory_space<vmem>>
        %dma_start3A_2604 = tpu.memref_squeeze %dma_start3A_2603 : memref<1x8x64xf32, #tpu.memory_space<vmem>> -> memref<8x64xf32, #tpu.memory_space<vmem>>
        %dma_start3A_2605 = arith.constant 0 : i32
        %dma_start3A_2606 = arith.constant 0 : i32
        %dma_start3A_2607 = tpu.memref_slice %arg4[%shift_right_arithmetic3A_2599, %dma_start3A_2605, %dma_start3A_2606] : memref<125000x8x64xf32, #tpu.memory_space<hbm>> -> memref<1x8x64xf32, #tpu.memory_space<hbm>>
        %dma_start3A_2608 = tpu.memref_squeeze %dma_start3A_2607 : memref<1x8x64xf32, #tpu.memory_space<hbm>> -> memref<8x64xf32, #tpu.memory_space<hbm>>
        %dma_start3A_2609 = arith.constant 0 : i32
        %dma_start3A_2610 = arith.constant 0 : i32
        %dma_start3A_2611 = tpu.memref_slice %arg7[%dma_start3A_2600, %dma_start3A_2609, %dma_start3A_2610] : memref<16x8x64xf32, #tpu.memory_space<vmem>> -> memref<1x8x64xf32, #tpu.memory_space<vmem>>
        %dma_start3A_2612 = tpu.memref_squeeze %dma_start3A_2611 : memref<1x8x64xf32, #tpu.memory_space<vmem>> -> memref<8x64xf32, #tpu.memory_space<vmem>>
        %dma_start3A_2613 = arith.constant 0 : i32
        %dma_start3A_2614 = arith.constant 0 : i32
        %dma_start3A_2615 = tpu.memref_slice %arg4[%shift_right_arithmetic3A_2599, %dma_start3A_2613, %dma_start3A_2614] : memref<125000x8x64xf32, #tpu.memory_space<hbm>> -> memref<1x8x64xf32, #tpu.memory_space<hbm>>
        %dma_start3A_2616 = tpu.memref_squeeze %dma_start3A_2615 : memref<1x8x64xf32, #tpu.memory_space<hbm>> -> memref<8x64xf32, #tpu.memory_space<hbm>>
        tpu.enqueue_dma source(%dma_start3A_2616 : memref<8x64xf32, #tpu.memory_space<hbm>>) target(%dma_start3A_2612 : memref<8x64xf32, #tpu.memory_space<vmem>>) target_semaphore(%arg10 : memref<!tpu.dma_semaphore, #tpu.memory_space<semaphore_mem>>)
        %slice3A_2617 = vector.extract_strided_slice %get3A_2553 {offsets = [3], sizes = [1], strides = [1]} : vector<16xi32> to vector<1xi32>
        %squeeze3A_2618 = vector.extract %slice3A_2617[0] : i32 from vector<1xi32>
        %shift_right_arithmetic3A_2619 = arith.constant 3 : i32
        %shift_right_arithmetic3A_2620 = arith.shrsi %squeeze3A_2618, %shift_right_arithmetic3A_2619 : i32
        %dma_start3A_2621 = arith.constant 3 : i32
        %dma_start3A_2622 = arith.constant 0 : i32
        %dma_start3A_2623 = arith.constant 0 : i32
        %dma_start3A_2624 = tpu.memref_slice %arg7[%dma_start3A_2621, %dma_start3A_2622, %dma_start3A_2623] : memref<16x8x64xf32, #tpu.memory_space<vmem>> -> memref<1x8x64xf32, #tpu.memory_space<vmem>>
        %dma_start3A_2625 = tpu.memref_squeeze %dma_start3A_2624 : memref<1x8x64xf32, #tpu.memory_space<vmem>> -> memref<8x64xf32, #tpu.memory_space<vmem>>
        %dma_start3A_2626 = arith.constant 0 : i32
        %dma_start3A_2627 = arith.constant 0 : i32
        %dma_start3A_2628 = tpu.memref_slice %arg4[%shift_right_arithmetic3A_2620, %dma_start3A_2626, %dma_start3A_2627] : memref<125000x8x64xf32, #tpu.memory_space<hbm>> -> memref<1x8x64xf32, #tpu.memory_space<hbm>>
        %dma_start3A_2629 = tpu.memref_squeeze %dma_start3A_2628 : memref<1x8x64xf32, #tpu.memory_space<hbm>> -> memref<8x64xf32, #tpu.memory_space<hbm>>
        %dma_start3A_2630 = arith.constant 0 : i32
        %dma_start3A_2631 = arith.constant 0 : i32
        %dma_start3A_2632 = tpu.memref_slice %arg7[%dma_start3A_2621, %dma_start3A_2630, %dma_start3A_2631] : memref<16x8x64xf32, #tpu.memory_space<vmem>> -> memref<1x8x64xf32, #tpu.memory_space<vmem>>
        %dma_start3A_2633 = tpu.memref_squeeze %dma_start3A_2632 : memref<1x8x64xf32, #tpu.memory_space<vmem>> -> memref<8x64xf32, #tpu.memory_space<vmem>>
        %dma_start3A_2634 = arith.constant 0 : i32
        %dma_start3A_2635 = arith.constant 0 : i32
        %dma_start3A_2636 = tpu.memref_slice %arg4[%shift_right_arithmetic3A_2620, %dma_start3A_2634, %dma_start3A_2635] : memref<125000x8x64xf32, #tpu.memory_space<hbm>> -> memref<1x8x64xf32, #tpu.memory_space<hbm>>
        %dma_start3A_2637 = tpu.memref_squeeze %dma_start3A_2636 : memref<1x8x64xf32, #tpu.memory_space<hbm>> -> memref<8x64xf32, #tpu.memory_space<hbm>>
        tpu.enqueue_dma source(%dma_start3A_2637 : memref<8x64xf32, #tpu.memory_space<hbm>>) target(%dma_start3A_2633 : memref<8x64xf32, #tpu.memory_space<vmem>>) target_semaphore(%arg10 : memref<!tpu.dma_semaphore, #tpu.memory_space<semaphore_mem>>)
        %slice3A_2638 = vector.extract_strided_slice %get3A_2553 {offsets = [4], sizes = [1], strides = [1]} : vector<16xi32> to vector<1xi32>
        %squeeze3A_2639 = vector.extract %slice3A_2638[0] : i32 from vector<1xi32>
        %shift_right_arithmetic3A_2640 = arith.constant 3 : i32
        %shift_right_arithmetic3A_2641 = arith.shrsi %squeeze3A_2639, %shift_right_arithmetic3A_2640 : i32
        %dma_start3A_2642 = arith.constant 4 : i32
        %dma_start3A_2643 = arith.constant 0 : i32
        %dma_start3A_2644 = arith.constant 0 : i32
        %dma_start3A_2645 = tpu.memref_slice %arg7[%dma_start3A_2642, %dma_start3A_2643, %dma_start3A_2644] : memref<16x8x64xf32, #tpu.memory_space<vmem>> -> memref<1x8x64xf32, #tpu.memory_space<vmem>>
        %dma_start3A_2646 = tpu.memref_squeeze %dma_start3A_2645 : memref<1x8x64xf32, #tpu.memory_space<vmem>> -> memref<8x64xf32, #tpu.memory_space<vmem>>
        %dma_start3A_2647 = arith.constant 0 : i32
        %dma_start3A_2648 = arith.constant 0 : i32
        %dma_start3A_2649 = tpu.memref_slice %arg4[%shift_right_arithmetic3A_2641, %dma_start3A_2647, %dma_start3A_2648] : memref<125000x8x64xf32, #tpu.memory_space<hbm>> -> memref<1x8x64xf32, #tpu.memory_space<hbm>>
        %dma_start3A_2650 = tpu.memref_squeeze %dma_start3A_2649 : memref<1x8x64xf32, #tpu.memory_space<hbm>> -> memref<8x64xf32, #tpu.memory_space<hbm>>
        %dma_start3A_2651 = arith.constant 0 : i32
        %dma_start3A_2652 = arith.constant 0 : i32
        %dma_start3A_2653 = tpu.memref_slice %arg7[%dma_start3A_2642, %dma_start3A_2651, %dma_start3A_2652] : memref<16x8x64xf32, #tpu.memory_space<vmem>> -> memref<1x8x64xf32, #tpu.memory_space<vmem>>
        %dma_start3A_2654 = tpu.memref_squeeze %dma_start3A_2653 : memref<1x8x64xf32, #tpu.memory_space<vmem>> -> memref<8x64xf32, #tpu.memory_space<vmem>>
        %dma_start3A_2655 = arith.constant 0 : i32
        %dma_start3A_2656 = arith.constant 0 : i32
        %dma_start3A_2657 = tpu.memref_slice %arg4[%shift_right_arithmetic3A_2641, %dma_start3A_2655, %dma_start3A_2656] : memref<125000x8x64xf32, #tpu.memory_space<hbm>> -> memref<1x8x64xf32, #tpu.memory_space<hbm>>
        %dma_start3A_2658 = tpu.memref_squeeze %dma_start3A_2657 : memref<1x8x64xf32, #tpu.memory_space<hbm>> -> memref<8x64xf32, #tpu.memory_space<hbm>>
        tpu.enqueue_dma source(%dma_start3A_2658 : memref<8x64xf32, #tpu.memory_space<hbm>>) target(%dma_start3A_2654 : memref<8x64xf32, #tpu.memory_space<vmem>>) target_semaphore(%arg10 : memref<!tpu.dma_semaphore, #tpu.memory_space<semaphore_mem>>)
        %slice3A_2659 = vector.extract_strided_slice %get3A_2553 {offsets = [5], sizes = [1], strides = [1]} : vector<16xi32> to vector<1xi32>
        %squeeze3A_2660 = vector.extract %slice3A_2659[0] : i32 from vector<1xi32>
        %shift_right_arithmetic3A_2661 = arith.constant 3 : i32
        %shift_right_arithmetic3A_2662 = arith.shrsi %squeeze3A_2660, %shift_right_arithmetic3A_2661 : i32
        %dma_start3A_2663 = arith.constant 5 : i32
        %dma_start3A_2664 = arith.constant 0 : i32
        %dma_start3A_2665 = arith.constant 0 : i32
        %dma_start3A_2666 = tpu.memref_slice %arg7[%dma_start3A_2663, %dma_start3A_2664, %dma_start3A_2665] : memref<16x8x64xf32, #tpu.memory_space<vmem>> -> memref<1x8x64xf32, #tpu.memory_space<vmem>>
        %dma_start3A_2667 = tpu.memref_squeeze %dma_start3A_2666 : memref<1x8x64xf32, #tpu.memory_space<vmem>> -> memref<8x64xf32, #tpu.memory_space<vmem>>
        %dma_start3A_2668 = arith.constant 0 : i32
        %dma_start3A_2669 = arith.constant 0 : i32
        %dma_start3A_2670 = tpu.memref_slice %arg4[%shift_right_arithmetic3A_2662, %dma_start3A_2668, %dma_start3A_2669] : memref<125000x8x64xf32, #tpu.memory_space<hbm>> -> memref<1x8x64xf32, #tpu.memory_space<hbm>>
        %dma_start3A_2671 = tpu.memref_squeeze %dma_start3A_2670 : memref<1x8x64xf32, #tpu.memory_space<hbm>> -> memref<8x64xf32, #tpu.memory_space<hbm>>
        %dma_start3A_2672 = arith.constant 0 : i32
        %dma_start3A_2673 = arith.constant 0 : i32
        %dma_start3A_2674 = tpu.memref_slice %arg7[%dma_start3A_2663, %dma_start3A_2672, %dma_start3A_2673] : memref<16x8x64xf32, #tpu.memory_space<vmem>> -> memref<1x8x64xf32, #tpu.memory_space<vmem>>
        %dma_start3A_2675 = tpu.memref_squeeze %dma_start3A_2674 : memref<1x8x64xf32, #tpu.memory_space<vmem>> -> memref<8x64xf32, #tpu.memory_space<vmem>>
        %dma_start3A_2676 = arith.constant 0 : i32
        %dma_start3A_2677 = arith.constant 0 : i32
        %dma_start3A_2678 = tpu.memref_slice %arg4[%shift_right_arithmetic3A_2662, %dma_start3A_2676, %dma_start3A_2677] : memref<125000x8x64xf32, #tpu.memory_space<hbm>> -> memref<1x8x64xf32, #tpu.memory_space<hbm>>
        %dma_start3A_2679 = tpu.memref_squeeze %dma_start3A_2678 : memref<1x8x64xf32, #tpu.memory_space<hbm>> -> memref<8x64xf32, #tpu.memory_space<hbm>>
        tpu.enqueue_dma source(%dma_start3A_2679 : memref<8x64xf32, #tpu.memory_space<hbm>>) target(%dma_start3A_2675 : memref<8x64xf32, #tpu.memory_space<vmem>>) target_semaphore(%arg10 : memref<!tpu.dma_semaphore, #tpu.memory_space<semaphore_mem>>)
        %slice3A_2680 = vector.extract_strided_slice %get3A_2553 {offsets = [6], sizes = [1], strides = [1]} : vector<16xi32> to vector<1xi32>
        %squeeze3A_2681 = vector.extract %slice3A_2680[0] : i32 from vector<1xi32>
        %shift_right_arithmetic3A_2682 = arith.constant 3 : i32
        %shift_right_arithmetic3A_2683 = arith.shrsi %squeeze3A_2681, %shift_right_arithmetic3A_2682 : i32
        %dma_start3A_2684 = arith.constant 6 : i32
        %dma_start3A_2685 = arith.constant 0 : i32
        %dma_start3A_2686 = arith.constant 0 : i32
        %dma_start3A_2687 = tpu.memref_slice %arg7[%dma_start3A_2684, %dma_start3A_2685, %dma_start3A_2686] : memref<16x8x64xf32, #tpu.memory_space<vmem>> -> memref<1x8x64xf32, #tpu.memory_space<vmem>>
        %dma_start3A_2688 = tpu.memref_squeeze %dma_start3A_2687 : memref<1x8x64xf32, #tpu.memory_space<vmem>> -> memref<8x64xf32, #tpu.memory_space<vmem>>
        %dma_start3A_2689 = arith.constant 0 : i32
        %dma_start3A_2690 = arith.constant 0 : i32
        %dma_start3A_2691 = tpu.memref_slice %arg4[%shift_right_arithmetic3A_2683, %dma_start3A_2689, %dma_start3A_2690] : memref<125000x8x64xf32, #tpu.memory_space<hbm>> -> memref<1x8x64xf32, #tpu.memory_space<hbm>>
        %dma_start3A_2692 = tpu.memref_squeeze %dma_start3A_2691 : memref<1x8x64xf32, #tpu.memory_space<hbm>> -> memref<8x64xf32, #tpu.memory_space<hbm>>
        %dma_start3A_2693 = arith.constant 0 : i32
        %dma_start3A_2694 = arith.constant 0 : i32
        %dma_start3A_2695 = tpu.memref_slice %arg7[%dma_start3A_2684, %dma_start3A_2693, %dma_start3A_2694] : memref<16x8x64xf32, #tpu.memory_space<vmem>> -> memref<1x8x64xf32, #tpu.memory_space<vmem>>
        %dma_start3A_2696 = tpu.memref_squeeze %dma_start3A_2695 : memref<1x8x64xf32, #tpu.memory_space<vmem>> -> memref<8x64xf32, #tpu.memory_space<vmem>>
        %dma_start3A_2697 = arith.constant 0 : i32
        %dma_start3A_2698 = arith.constant 0 : i32
        %dma_start3A_2699 = tpu.memref_slice %arg4[%shift_right_arithmetic3A_2683, %dma_start3A_2697, %dma_start3A_2698] : memref<125000x8x64xf32, #tpu.memory_space<hbm>> -> memref<1x8x64xf32, #tpu.memory_space<hbm>>
        %dma_start3A_2700 = tpu.memref_squeeze %dma_start3A_2699 : memref<1x8x64xf32, #tpu.memory_space<hbm>> -> memref<8x64xf32, #tpu.memory_space<hbm>>
        tpu.enqueue_dma source(%dma_start3A_2700 : memref<8x64xf32, #tpu.memory_space<hbm>>) target(%dma_start3A_2696 : memref<8x64xf32, #tpu.memory_space<vmem>>) target_semaphore(%arg10 : memref<!tpu.dma_semaphore, #tpu.memory_space<semaphore_mem>>)
        %slice3A_2701 = vector.extract_strided_slice %get3A_2553 {offsets = [7], sizes = [1], strides = [1]} : vector<16xi32> to vector<1xi32>
        %squeeze3A_2702 = vector.extract %slice3A_2701[0] : i32 from vector<1xi32>
        %shift_right_arithmetic3A_2703 = arith.constant 3 : i32
        %shift_right_arithmetic3A_2704 = arith.shrsi %squeeze3A_2702, %shift_right_arithmetic3A_2703 : i32
        %dma_start3A_2705 = arith.constant 7 : i32
        %dma_start3A_2706 = arith.constant 0 : i32
        %dma_start3A_2707 = arith.constant 0 : i32
        %dma_start3A_2708 = tpu.memref_slice %arg7[%dma_start3A_2705, %dma_start3A_2706, %dma_start3A_2707] : memref<16x8x64xf32, #tpu.memory_space<vmem>> -> memref<1x8x64xf32, #tpu.memory_space<vmem>>
        %dma_start3A_2709 = tpu.memref_squeeze %dma_start3A_2708 : memref<1x8x64xf32, #tpu.memory_space<vmem>> -> memref<8x64xf32, #tpu.memory_space<vmem>>
        %dma_start3A_2710 = arith.constant 0 : i32
        %dma_start3A_2711 = arith.constant 0 : i32
        %dma_start3A_2712 = tpu.memref_slice %arg4[%shift_right_arithmetic3A_2704, %dma_start3A_2710, %dma_start3A_2711] : memref<125000x8x64xf32, #tpu.memory_space<hbm>> -> memref<1x8x64xf32, #tpu.memory_space<hbm>>
        %dma_start3A_2713 = tpu.memref_squeeze %dma_start3A_2712 : memref<1x8x64xf32, #tpu.memory_space<hbm>> -> memref<8x64xf32, #tpu.memory_space<hbm>>
        %dma_start3A_2714 = arith.constant 0 : i32
        %dma_start3A_2715 = arith.constant 0 : i32
        %dma_start3A_2716 = tpu.memref_slice %arg7[%dma_start3A_2705, %dma_start3A_2714, %dma_start3A_2715] : memref<16x8x64xf32, #tpu.memory_space<vmem>> -> memref<1x8x64xf32, #tpu.memory_space<vmem>>
        %dma_start3A_2717 = tpu.memref_squeeze %dma_start3A_2716 : memref<1x8x64xf32, #tpu.memory_space<vmem>> -> memref<8x64xf32, #tpu.memory_space<vmem>>
        %dma_start3A_2718 = arith.constant 0 : i32
        %dma_start3A_2719 = arith.constant 0 : i32
        %dma_start3A_2720 = tpu.memref_slice %arg4[%shift_right_arithmetic3A_2704, %dma_start3A_2718, %dma_start3A_2719] : memref<125000x8x64xf32, #tpu.memory_space<hbm>> -> memref<1x8x64xf32, #tpu.memory_space<hbm>>
        %dma_start3A_2721 = tpu.memref_squeeze %dma_start3A_2720 : memref<1x8x64xf32, #tpu.memory_space<hbm>> -> memref<8x64xf32, #tpu.memory_space<hbm>>
        tpu.enqueue_dma source(%dma_start3A_2721 : memref<8x64xf32, #tpu.memory_space<hbm>>) target(%dma_start3A_2717 : memref<8x64xf32, #tpu.memory_space<vmem>>) target_semaphore(%arg10 : memref<!tpu.dma_semaphore, #tpu.memory_space<semaphore_mem>>)
        %slice3A_2722 = vector.extract_strided_slice %get3A_2553 {offsets = [8], sizes = [1], strides = [1]} : vector<16xi32> to vector<1xi32>
        %squeeze3A_2723 = vector.extract %slice3A_2722[0] : i32 from vector<1xi32>
        %shift_right_arithmetic3A_2724 = arith.constant 3 : i32
        %shift_right_arithmetic3A_2725 = arith.shrsi %squeeze3A_2723, %shift_right_arithmetic3A_2724 : i32
        %dma_start3A_2726 = arith.constant 8 : i32
        %dma_start3A_2727 = arith.constant 0 : i32
        %dma_start3A_2728 = arith.constant 0 : i32
        %dma_start3A_2729 = tpu.memref_slice %arg7[%dma_start3A_2726, %dma_start3A_2727, %dma_start3A_2728] : memref<16x8x64xf32, #tpu.memory_space<vmem>> -> memref<1x8x64xf32, #tpu.memory_space<vmem>>
        %dma_start3A_2730 = tpu.memref_squeeze %dma_start3A_2729 : memref<1x8x64xf32, #tpu.memory_space<vmem>> -> memref<8x64xf32, #tpu.memory_space<vmem>>
        %dma_start3A_2731 = arith.constant 0 : i32
        %dma_start3A_2732 = arith.constant 0 : i32
        %dma_start3A_2733 = tpu.memref_slice %arg4[%shift_right_arithmetic3A_2725, %dma_start3A_2731, %dma_start3A_2732] : memref<125000x8x64xf32, #tpu.memory_space<hbm>> -> memref<1x8x64xf32, #tpu.memory_space<hbm>>
        %dma_start3A_2734 = tpu.memref_squeeze %dma_start3A_2733 : memref<1x8x64xf32, #tpu.memory_space<hbm>> -> memref<8x64xf32, #tpu.memory_space<hbm>>
        %dma_start3A_2735 = arith.constant 0 : i32
        %dma_start3A_2736 = arith.constant 0 : i32
        %dma_start3A_2737 = tpu.memref_slice %arg7[%dma_start3A_2726, %dma_start3A_2735, %dma_start3A_2736] : memref<16x8x64xf32, #tpu.memory_space<vmem>> -> memref<1x8x64xf32, #tpu.memory_space<vmem>>
        %dma_start3A_2738 = tpu.memref_squeeze %dma_start3A_2737 : memref<1x8x64xf32, #tpu.memory_space<vmem>> -> memref<8x64xf32, #tpu.memory_space<vmem>>
        %dma_start3A_2739 = arith.constant 0 : i32
        %dma_start3A_2740 = arith.constant 0 : i32
        %dma_start3A_2741 = tpu.memref_slice %arg4[%shift_right_arithmetic3A_2725, %dma_start3A_2739, %dma_start3A_2740] : memref<125000x8x64xf32, #tpu.memory_space<hbm>> -> memref<1x8x64xf32, #tpu.memory_space<hbm>>
        %dma_start3A_2742 = tpu.memref_squeeze %dma_start3A_2741 : memref<1x8x64xf32, #tpu.memory_space<hbm>> -> memref<8x64xf32, #tpu.memory_space<hbm>>
        tpu.enqueue_dma source(%dma_start3A_2742 : memref<8x64xf32, #tpu.memory_space<hbm>>) target(%dma_start3A_2738 : memref<8x64xf32, #tpu.memory_space<vmem>>) target_semaphore(%arg10 : memref<!tpu.dma_semaphore, #tpu.memory_space<semaphore_mem>>)
        %slice3A_2743 = vector.extract_strided_slice %get3A_2553 {offsets = [9], sizes = [1], strides = [1]} : vector<16xi32> to vector<1xi32>
        %squeeze3A_2744 = vector.extract %slice3A_2743[0] : i32 from vector<1xi32>
        %shift_right_arithmetic3A_2745 = arith.constant 3 : i32
        %shift_right_arithmetic3A_2746 = arith.shrsi %squeeze3A_2744, %shift_right_arithmetic3A_2745 : i32
        %dma_start3A_2747 = arith.constant 9 : i32
        %dma_start3A_2748 = arith.constant 0 : i32
        %dma_start3A_2749 = arith.constant 0 : i32
        %dma_start3A_2750 = tpu.memref_slice %arg7[%dma_start3A_2747, %dma_start3A_2748, %dma_start3A_2749] : memref<16x8x64xf32, #tpu.memory_space<vmem>> -> memref<1x8x64xf32, #tpu.memory_space<vmem>>
        %dma_start3A_2751 = tpu.memref_squeeze %dma_start3A_2750 : memref<1x8x64xf32, #tpu.memory_space<vmem>> -> memref<8x64xf32, #tpu.memory_space<vmem>>
        %dma_start3A_2752 = arith.constant 0 : i32
        %dma_start3A_2753 = arith.constant 0 : i32
        %dma_start3A_2754 = tpu.memref_slice %arg4[%shift_right_arithmetic3A_2746, %dma_start3A_2752, %dma_start3A_2753] : memref<125000x8x64xf32, #tpu.memory_space<hbm>> -> memref<1x8x64xf32, #tpu.memory_space<hbm>>
        %dma_start3A_2755 = tpu.memref_squeeze %dma_start3A_2754 : memref<1x8x64xf32, #tpu.memory_space<hbm>> -> memref<8x64xf32, #tpu.memory_space<hbm>>
        %dma_start3A_2756 = arith.constant 0 : i32
        %dma_start3A_2757 = arith.constant 0 : i32
        %dma_start3A_2758 = tpu.memref_slice %arg7[%dma_start3A_2747, %dma_start3A_2756, %dma_start3A_2757] : memref<16x8x64xf32, #tpu.memory_space<vmem>> -> memref<1x8x64xf32, #tpu.memory_space<vmem>>
        %dma_start3A_2759 = tpu.memref_squeeze %dma_start3A_2758 : memref<1x8x64xf32, #tpu.memory_space<vmem>> -> memref<8x64xf32, #tpu.memory_space<vmem>>
        %dma_start3A_2760 = arith.constant 0 : i32
        %dma_start3A_2761 = arith.constant 0 : i32
        %dma_start3A_2762 = tpu.memref_slice %arg4[%shift_right_arithmetic3A_2746, %dma_start3A_2760, %dma_start3A_2761] : memref<125000x8x64xf32, #tpu.memory_space<hbm>> -> memref<1x8x64xf32, #tpu.memory_space<hbm>>
        %dma_start3A_2763 = tpu.memref_squeeze %dma_start3A_2762 : memref<1x8x64xf32, #tpu.memory_space<hbm>> -> memref<8x64xf32, #tpu.memory_space<hbm>>
        tpu.enqueue_dma source(%dma_start3A_2763 : memref<8x64xf32, #tpu.memory_space<hbm>>) target(%dma_start3A_2759 : memref<8x64xf32, #tpu.memory_space<vmem>>) target_semaphore(%arg10 : memref<!tpu.dma_semaphore, #tpu.memory_space<semaphore_mem>>)
        %slice3A_2764 = vector.extract_strided_slice %get3A_2553 {offsets = [10], sizes = [1], strides = [1]} : vector<16xi32> to vector<1xi32>
        %squeeze3A_2765 = vector.extract %slice3A_2764[0] : i32 from vector<1xi32>
        %shift_right_arithmetic3A_2766 = arith.constant 3 : i32
        %shift_right_arithmetic3A_2767 = arith.shrsi %squeeze3A_2765, %shift_right_arithmetic3A_2766 : i32
        %dma_start3A_2768 = arith.constant 10 : i32
        %dma_start3A_2769 = arith.constant 0 : i32
        %dma_start3A_2770 = arith.constant 0 : i32
        %dma_start3A_2771 = tpu.memref_slice %arg7[%dma_start3A_2768, %dma_start3A_2769, %dma_start3A_2770] : memref<16x8x64xf32, #tpu.memory_space<vmem>> -> memref<1x8x64xf32, #tpu.memory_space<vmem>>
        %dma_start3A_2772 = tpu.memref_squeeze %dma_start3A_2771 : memref<1x8x64xf32, #tpu.memory_space<vmem>> -> memref<8x64xf32, #tpu.memory_space<vmem>>
        %dma_start3A_2773 = arith.constant 0 : i32
        %dma_start3A_2774 = arith.constant 0 : i32
        %dma_start3A_2775 = tpu.memref_slice %arg4[%shift_right_arithmetic3A_2767, %dma_start3A_2773, %dma_start3A_2774] : memref<125000x8x64xf32, #tpu.memory_space<hbm>> -> memref<1x8x64xf32, #tpu.memory_space<hbm>>
        %dma_start3A_2776 = tpu.memref_squeeze %dma_start3A_2775 : memref<1x8x64xf32, #tpu.memory_space<hbm>> -> memref<8x64xf32, #tpu.memory_space<hbm>>
        %dma_start3A_2777 = arith.constant 0 : i32
        %dma_start3A_2778 = arith.constant 0 : i32
        %dma_start3A_2779 = tpu.memref_slice %arg7[%dma_start3A_2768, %dma_start3A_2777, %dma_start3A_2778] : memref<16x8x64xf32, #tpu.memory_space<vmem>> -> memref<1x8x64xf32, #tpu.memory_space<vmem>>
        %dma_start3A_2780 = tpu.memref_squeeze %dma_start3A_2779 : memref<1x8x64xf32, #tpu.memory_space<vmem>> -> memref<8x64xf32, #tpu.memory_space<vmem>>
        %dma_start3A_2781 = arith.constant 0 : i32
        %dma_start3A_2782 = arith.constant 0 : i32
        %dma_start3A_2783 = tpu.memref_slice %arg4[%shift_right_arithmetic3A_2767, %dma_start3A_2781, %dma_start3A_2782] : memref<125000x8x64xf32, #tpu.memory_space<hbm>> -> memref<1x8x64xf32, #tpu.memory_space<hbm>>
        %dma_start3A_2784 = tpu.memref_squeeze %dma_start3A_2783 : memref<1x8x64xf32, #tpu.memory_space<hbm>> -> memref<8x64xf32, #tpu.memory_space<hbm>>
        tpu.enqueue_dma source(%dma_start3A_2784 : memref<8x64xf32, #tpu.memory_space<hbm>>) target(%dma_start3A_2780 : memref<8x64xf32, #tpu.memory_space<vmem>>) target_semaphore(%arg10 : memref<!tpu.dma_semaphore, #tpu.memory_space<semaphore_mem>>)
        %slice3A_2785 = vector.extract_strided_slice %get3A_2553 {offsets = [11], sizes = [1], strides = [1]} : vector<16xi32> to vector<1xi32>
        %squeeze3A_2786 = vector.extract %slice3A_2785[0] : i32 from vector<1xi32>
        %shift_right_arithmetic3A_2787 = arith.constant 3 : i32
        %shift_right_arithmetic3A_2788 = arith.shrsi %squeeze3A_2786, %shift_right_arithmetic3A_2787 : i32
        %dma_start3A_2789 = arith.constant 11 : i32
        %dma_start3A_2790 = arith.constant 0 : i32
        %dma_start3A_2791 = arith.constant 0 : i32
        %dma_start3A_2792 = tpu.memref_slice %arg7[%dma_start3A_2789, %dma_start3A_2790, %dma_start3A_2791] : memref<16x8x64xf32, #tpu.memory_space<vmem>> -> memref<1x8x64xf32, #tpu.memory_space<vmem>>
        %dma_start3A_2793 = tpu.memref_squeeze %dma_start3A_2792 : memref<1x8x64xf32, #tpu.memory_space<vmem>> -> memref<8x64xf32, #tpu.memory_space<vmem>>
        %dma_start3A_2794 = arith.constant 0 : i32
        %dma_start3A_2795 = arith.constant 0 : i32
        %dma_start3A_2796 = tpu.memref_slice %arg4[%shift_right_arithmetic3A_2788, %dma_start3A_2794, %dma_start3A_2795] : memref<125000x8x64xf32, #tpu.memory_space<hbm>> -> memref<1x8x64xf32, #tpu.memory_space<hbm>>
        %dma_start3A_2797 = tpu.memref_squeeze %dma_start3A_2796 : memref<1x8x64xf32, #tpu.memory_space<hbm>> -> memref<8x64xf32, #tpu.memory_space<hbm>>
        %dma_start3A_2798 = arith.constant 0 : i32
        %dma_start3A_2799 = arith.constant 0 : i32
        %dma_start3A_2800 = tpu.memref_slice %arg7[%dma_start3A_2789, %dma_start3A_2798, %dma_start3A_2799] : memref<16x8x64xf32, #tpu.memory_space<vmem>> -> memref<1x8x64xf32, #tpu.memory_space<vmem>>
        %dma_start3A_2801 = tpu.memref_squeeze %dma_start3A_2800 : memref<1x8x64xf32, #tpu.memory_space<vmem>> -> memref<8x64xf32, #tpu.memory_space<vmem>>
        %dma_start3A_2802 = arith.constant 0 : i32
        %dma_start3A_2803 = arith.constant 0 : i32
        %dma_start3A_2804 = tpu.memref_slice %arg4[%shift_right_arithmetic3A_2788, %dma_start3A_2802, %dma_start3A_2803] : memref<125000x8x64xf32, #tpu.memory_space<hbm>> -> memref<1x8x64xf32, #tpu.memory_space<hbm>>
        %dma_start3A_2805 = tpu.memref_squeeze %dma_start3A_2804 : memref<1x8x64xf32, #tpu.memory_space<hbm>> -> memref<8x64xf32, #tpu.memory_space<hbm>>
        tpu.enqueue_dma source(%dma_start3A_2805 : memref<8x64xf32, #tpu.memory_space<hbm>>) target(%dma_start3A_2801 : memref<8x64xf32, #tpu.memory_space<vmem>>) target_semaphore(%arg10 : memref<!tpu.dma_semaphore, #tpu.memory_space<semaphore_mem>>)
        %slice3A_2806 = vector.extract_strided_slice %get3A_2553 {offsets = [12], sizes = [1], strides = [1]} : vector<16xi32> to vector<1xi32>
        %squeeze3A_2807 = vector.extract %slice3A_2806[0] : i32 from vector<1xi32>
        %shift_right_arithmetic3A_2808 = arith.constant 3 : i32
        %shift_right_arithmetic3A_2809 = arith.shrsi %squeeze3A_2807, %shift_right_arithmetic3A_2808 : i32
        %dma_start3A_2810 = arith.constant 12 : i32
        %dma_start3A_2811 = arith.constant 0 : i32
        %dma_start3A_2812 = arith.constant 0 : i32
        %dma_start3A_2813 = tpu.memref_slice %arg7[%dma_start3A_2810, %dma_start3A_2811, %dma_start3A_2812] : memref<16x8x64xf32, #tpu.memory_space<vmem>> -> memref<1x8x64xf32, #tpu.memory_space<vmem>>
        %dma_start3A_2814 = tpu.memref_squeeze %dma_start3A_2813 : memref<1x8x64xf32, #tpu.memory_space<vmem>> -> memref<8x64xf32, #tpu.memory_space<vmem>>
        %dma_start3A_2815 = arith.constant 0 : i32
        %dma_start3A_2816 = arith.constant 0 : i32
        %dma_start3A_2817 = tpu.memref_slice %arg4[%shift_right_arithmetic3A_2809, %dma_start3A_2815, %dma_start3A_2816] : memref<125000x8x64xf32, #tpu.memory_space<hbm>> -> memref<1x8x64xf32, #tpu.memory_space<hbm>>
        %dma_start3A_2818 = tpu.memref_squeeze %dma_start3A_2817 : memref<1x8x64xf32, #tpu.memory_space<hbm>> -> memref<8x64xf32, #tpu.memory_space<hbm>>
        %dma_start3A_2819 = arith.constant 0 : i32
        %dma_start3A_2820 = arith.constant 0 : i32
        %dma_start3A_2821 = tpu.memref_slice %arg7[%dma_start3A_2810, %dma_start3A_2819, %dma_start3A_2820] : memref<16x8x64xf32, #tpu.memory_space<vmem>> -> memref<1x8x64xf32, #tpu.memory_space<vmem>>
        %dma_start3A_2822 = tpu.memref_squeeze %dma_start3A_2821 : memref<1x8x64xf32, #tpu.memory_space<vmem>> -> memref<8x64xf32, #tpu.memory_space<vmem>>
        %dma_start3A_2823 = arith.constant 0 : i32
        %dma_start3A_2824 = arith.constant 0 : i32
        %dma_start3A_2825 = tpu.memref_slice %arg4[%shift_right_arithmetic3A_2809, %dma_start3A_2823, %dma_start3A_2824] : memref<125000x8x64xf32, #tpu.memory_space<hbm>> -> memref<1x8x64xf32, #tpu.memory_space<hbm>>
        %dma_start3A_2826 = tpu.memref_squeeze %dma_start3A_2825 : memref<1x8x64xf32, #tpu.memory_space<hbm>> -> memref<8x64xf32, #tpu.memory_space<hbm>>
        tpu.enqueue_dma source(%dma_start3A_2826 : memref<8x64xf32, #tpu.memory_space<hbm>>) target(%dma_start3A_2822 : memref<8x64xf32, #tpu.memory_space<vmem>>) target_semaphore(%arg10 : memref<!tpu.dma_semaphore, #tpu.memory_space<semaphore_mem>>)
        %slice3A_2827 = vector.extract_strided_slice %get3A_2553 {offsets = [13], sizes = [1], strides = [1]} : vector<16xi32> to vector<1xi32>
        %squeeze3A_2828 = vector.extract %slice3A_2827[0] : i32 from vector<1xi32>
        %shift_right_arithmetic3A_2829 = arith.constant 3 : i32
        %shift_right_arithmetic3A_2830 = arith.shrsi %squeeze3A_2828, %shift_right_arithmetic3A_2829 : i32
        %dma_start3A_2831 = arith.constant 13 : i32
        %dma_start3A_2832 = arith.constant 0 : i32
        %dma_start3A_2833 = arith.constant 0 : i32
        %dma_start3A_2834 = tpu.memref_slice %arg7[%dma_start3A_2831, %dma_start3A_2832, %dma_start3A_2833] : memref<16x8x64xf32, #tpu.memory_space<vmem>> -> memref<1x8x64xf32, #tpu.memory_space<vmem>>
        %dma_start3A_2835 = tpu.memref_squeeze %dma_start3A_2834 : memref<1x8x64xf32, #tpu.memory_space<vmem>> -> memref<8x64xf32, #tpu.memory_space<vmem>>
        %dma_start3A_2836 = arith.constant 0 : i32
        %dma_start3A_2837 = arith.constant 0 : i32
        %dma_start3A_2838 = tpu.memref_slice %arg4[%shift_right_arithmetic3A_2830, %dma_start3A_2836, %dma_start3A_2837] : memref<125000x8x64xf32, #tpu.memory_space<hbm>> -> memref<1x8x64xf32, #tpu.memory_space<hbm>>
        %dma_start3A_2839 = tpu.memref_squeeze %dma_start3A_2838 : memref<1x8x64xf32, #tpu.memory_space<hbm>> -> memref<8x64xf32, #tpu.memory_space<hbm>>
        %dma_start3A_2840 = arith.constant 0 : i32
        %dma_start3A_2841 = arith.constant 0 : i32
        %dma_start3A_2842 = tpu.memref_slice %arg7[%dma_start3A_2831, %dma_start3A_2840, %dma_start3A_2841] : memref<16x8x64xf32, #tpu.memory_space<vmem>> -> memref<1x8x64xf32, #tpu.memory_space<vmem>>
        %dma_start3A_2843 = tpu.memref_squeeze %dma_start3A_2842 : memref<1x8x64xf32, #tpu.memory_space<vmem>> -> memref<8x64xf32, #tpu.memory_space<vmem>>
        %dma_start3A_2844 = arith.constant 0 : i32
        %dma_start3A_2845 = arith.constant 0 : i32
        %dma_start3A_2846 = tpu.memref_slice %arg4[%shift_right_arithmetic3A_2830, %dma_start3A_2844, %dma_start3A_2845] : memref<125000x8x64xf32, #tpu.memory_space<hbm>> -> memref<1x8x64xf32, #tpu.memory_space<hbm>>
        %dma_start3A_2847 = tpu.memref_squeeze %dma_start3A_2846 : memref<1x8x64xf32, #tpu.memory_space<hbm>> -> memref<8x64xf32, #tpu.memory_space<hbm>>
        tpu.enqueue_dma source(%dma_start3A_2847 : memref<8x64xf32, #tpu.memory_space<hbm>>) target(%dma_start3A_2843 : memref<8x64xf32, #tpu.memory_space<vmem>>) target_semaphore(%arg10 : memref<!tpu.dma_semaphore, #tpu.memory_space<semaphore_mem>>)
        %slice3A_2848 = vector.extract_strided_slice %get3A_2553 {offsets = [14], sizes = [1], strides = [1]} : vector<16xi32> to vector<1xi32>
        %squeeze3A_2849 = vector.extract %slice3A_2848[0] : i32 from vector<1xi32>
        %shift_right_arithmetic3A_2850 = arith.constant 3 : i32
        %shift_right_arithmetic3A_2851 = arith.shrsi %squeeze3A_2849, %shift_right_arithmetic3A_2850 : i32
        %dma_start3A_2852 = arith.constant 14 : i32
        %dma_start3A_2853 = arith.constant 0 : i32
        %dma_start3A_2854 = arith.constant 0 : i32
        %dma_start3A_2855 = tpu.memref_slice %arg7[%dma_start3A_2852, %dma_start3A_2853, %dma_start3A_2854] : memref<16x8x64xf32, #tpu.memory_space<vmem>> -> memref<1x8x64xf32, #tpu.memory_space<vmem>>
        %dma_start3A_2856 = tpu.memref_squeeze %dma_start3A_2855 : memref<1x8x64xf32, #tpu.memory_space<vmem>> -> memref<8x64xf32, #tpu.memory_space<vmem>>
        %dma_start3A_2857 = arith.constant 0 : i32
        %dma_start3A_2858 = arith.constant 0 : i32
        %dma_start3A_2859 = tpu.memref_slice %arg4[%shift_right_arithmetic3A_2851, %dma_start3A_2857, %dma_start3A_2858] : memref<125000x8x64xf32, #tpu.memory_space<hbm>> -> memref<1x8x64xf32, #tpu.memory_space<hbm>>
        %dma_start3A_2860 = tpu.memref_squeeze %dma_start3A_2859 : memref<1x8x64xf32, #tpu.memory_space<hbm>> -> memref<8x64xf32, #tpu.memory_space<hbm>>
        %dma_start3A_2861 = arith.constant 0 : i32
        %dma_start3A_2862 = arith.constant 0 : i32
        %dma_start3A_2863 = tpu.memref_slice %arg7[%dma_start3A_2852, %dma_start3A_2861, %dma_start3A_2862] : memref<16x8x64xf32, #tpu.memory_space<vmem>> -> memref<1x8x64xf32, #tpu.memory_space<vmem>>
        %dma_start3A_2864 = tpu.memref_squeeze %dma_start3A_2863 : memref<1x8x64xf32, #tpu.memory_space<vmem>> -> memref<8x64xf32, #tpu.memory_space<vmem>>
        %dma_start3A_2865 = arith.constant 0 : i32
        %dma_start3A_2866 = arith.constant 0 : i32
        %dma_start3A_2867 = tpu.memref_slice %arg4[%shift_right_arithmetic3A_2851, %dma_start3A_2865, %dma_start3A_2866] : memref<125000x8x64xf32, #tpu.memory_space<hbm>> -> memref<1x8x64xf32, #tpu.memory_space<hbm>>
        %dma_start3A_2868 = tpu.memref_squeeze %dma_start3A_2867 : memref<1x8x64xf32, #tpu.memory_space<hbm>> -> memref<8x64xf32, #tpu.memory_space<hbm>>
        tpu.enqueue_dma source(%dma_start3A_2868 : memref<8x64xf32, #tpu.memory_space<hbm>>) target(%dma_start3A_2864 : memref<8x64xf32, #tpu.memory_space<vmem>>) target_semaphore(%arg10 : memref<!tpu.dma_semaphore, #tpu.memory_space<semaphore_mem>>)
        %slice3A_2869 = vector.extract_strided_slice %get3A_2553 {offsets = [15], sizes = [1], strides = [1]} : vector<16xi32> to vector<1xi32>
        %squeeze3A_2870 = vector.extract %slice3A_2869[0] : i32 from vector<1xi32>
        %shift_right_arithmetic3A_2871 = arith.constant 3 : i32
        %shift_right_arithmetic3A_2872 = arith.shrsi %squeeze3A_2870, %shift_right_arithmetic3A_2871 : i32
        %dma_start3A_2873 = arith.constant 15 : i32
        %dma_start3A_2874 = arith.constant 0 : i32
        %dma_start3A_2875 = arith.constant 0 : i32
        %dma_start3A_2876 = tpu.memref_slice %arg7[%dma_start3A_2873, %dma_start3A_2874, %dma_start3A_2875] : memref<16x8x64xf32, #tpu.memory_space<vmem>> -> memref<1x8x64xf32, #tpu.memory_space<vmem>>
        %dma_start3A_2877 = tpu.memref_squeeze %dma_start3A_2876 : memref<1x8x64xf32, #tpu.memory_space<vmem>> -> memref<8x64xf32, #tpu.memory_space<vmem>>
        %dma_start3A_2878 = arith.constant 0 : i32
        %dma_start3A_2879 = arith.constant 0 : i32
        %dma_start3A_2880 = tpu.memref_slice %arg4[%shift_right_arithmetic3A_2872, %dma_start3A_2878, %dma_start3A_2879] : memref<125000x8x64xf32, #tpu.memory_space<hbm>> -> memref<1x8x64xf32, #tpu.memory_space<hbm>>
        %dma_start3A_2881 = tpu.memref_squeeze %dma_start3A_2880 : memref<1x8x64xf32, #tpu.memory_space<hbm>> -> memref<8x64xf32, #tpu.memory_space<hbm>>
        %dma_start3A_2882 = arith.constant 0 : i32
        %dma_start3A_2883 = arith.constant 0 : i32
        %dma_start3A_2884 = tpu.memref_slice %arg7[%dma_start3A_2873, %dma_start3A_2882, %dma_start3A_2883] : memref<16x8x64xf32, #tpu.memory_space<vmem>> -> memref<1x8x64xf32, #tpu.memory_space<vmem>>
        %dma_start3A_2885 = tpu.memref_squeeze %dma_start3A_2884 : memref<1x8x64xf32, #tpu.memory_space<vmem>> -> memref<8x64xf32, #tpu.memory_space<vmem>>
        %dma_start3A_2886 = arith.constant 0 : i32
        %dma_start3A_2887 = arith.constant 0 : i32
        %dma_start3A_2888 = tpu.memref_slice %arg4[%shift_right_arithmetic3A_2872, %dma_start3A_2886, %dma_start3A_2887] : memref<125000x8x64xf32, #tpu.memory_space<hbm>> -> memref<1x8x64xf32, #tpu.memory_space<hbm>>
        %dma_start3A_2889 = tpu.memref_squeeze %dma_start3A_2888 : memref<1x8x64xf32, #tpu.memory_space<hbm>> -> memref<8x64xf32, #tpu.memory_space<hbm>>
        tpu.enqueue_dma source(%dma_start3A_2889 : memref<8x64xf32, #tpu.memory_space<hbm>>) target(%dma_start3A_2885 : memref<8x64xf32, #tpu.memory_space<vmem>>) target_semaphore(%arg10 : memref<!tpu.dma_semaphore, #tpu.memory_space<semaphore_mem>>)
      } else {
      }
      %add3A_1618 = arith.constant 1 : i32
      %add3A_1619 = arith.addi %mul3A_353, %add3A_1618 : i32
      %dma_wait3A_1620 = arith.constant 0 : i32
      %dma_wait3A_1621 = arith.constant 0 : i32
      %dma_wait3A_1622 = arith.constant 0 : i32
      %dma_wait3A_1623 = tpu.memref_slice %arg4[%dma_wait3A_1620, %dma_wait3A_1621, %dma_wait3A_1622] : memref<125000x8x64xf32, #tpu.memory_space<hbm>> -> memref<16x8x64xf32, #tpu.memory_space<hbm>>
      %dma_wait3A_1624 = arith.constant 0 : i32
      %dma_wait3A_1625 = arith.constant 0 : i32
      %dma_wait3A_1626 = arith.constant 0 : i32
      %dma_wait3A_1627 = tpu.memref_slice %arg4[%dma_wait3A_1624, %dma_wait3A_1625, %dma_wait3A_1626] : memref<125000x8x64xf32, #tpu.memory_space<hbm>> -> memref<16x8x64xf32, #tpu.memory_space<hbm>>
      tpu.wait_dma2 semaphore(%arg11 : memref<!tpu.dma_semaphore, #tpu.memory_space<semaphore_mem>>) src(%dma_wait3A_1627 : memref<16x8x64xf32, #tpu.memory_space<hbm>>) dst(%arg8 : memref<16x8x64xf32, #tpu.memory_space<vmem>>)
      %jit3A_1628 = arith.constant 8 : i32
      %div3A_1629 = arith.divsi %add3A_1619, %jit3A_1628 : i32
      %sign3A_1630 = arith.constant 0 : i32
      %sign3A_1631 = arith.cmpi sgt, %add3A_1619, %sign3A_1630 : i32
      %sign3A_1632 = arith.extui %sign3A_1631 : i1 to i32
      %sign3A_1633 = arith.constant 0 : i32
      %sign3A_1634 = arith.cmpi slt, %add3A_1619, %sign3A_1633 : i32
      %sign3A_1635 = arith.extui %sign3A_1634 : i1 to i32
      %sign3A_1636 = arith.subi %sign3A_1632, %sign3A_1635 : i32
      %sign3A_1637 = arith.constant 0 : i32
      %sign3A_1638 = arith.cmpi sgt, %jit3A_1628, %sign3A_1637 : i32
      %sign3A_1639 = arith.extui %sign3A_1638 : i1 to i32
      %sign3A_1640 = arith.constant 0 : i32
      %sign3A_1641 = arith.cmpi slt, %jit3A_1628, %sign3A_1640 : i32
      %sign3A_1642 = arith.extui %sign3A_1641 : i1 to i32
      %sign3A_1643 = arith.subi %sign3A_1639, %sign3A_1642 : i32
      %ne3A_1644 = arith.cmpi ne, %sign3A_1636, %sign3A_1643 : i32
      %rem3A_1645 = arith.remsi %add3A_1619, %jit3A_1628 : i32
      %ne3A_1646 = arith.constant 0 : i32
      %ne3A_1647 = arith.cmpi ne, %rem3A_1645, %ne3A_1646 : i32
      %and3A_1648 = arith.andi %ne3A_1644, %ne3A_1647 : i1
      %sub3A_1649 = arith.constant 1 : i32
      %sub3A_1650 = arith.subi %div3A_1629, %sub3A_1649 : i32
      %select_n3A_1651 = arith.select %and3A_1648, %sub3A_1650, %div3A_1629 : i32
      %jit3A_1652 = arith.constant 8 : i32
      %eq3A_1653 = arith.constant 0 : i32
      %eq3A_1654 = arith.cmpi eq, %jit3A_1652, %eq3A_1653 : i32
      %jit3A_1655 = arith.constant 1 : i32
      %select_n3A_1656 = arith.select %eq3A_1654, %jit3A_1655, %jit3A_1652 : i32
      %rem3A_1657 = arith.remsi %add3A_1619, %select_n3A_1656 : i32
      %ne3A_1658 = arith.constant 0 : i32
      %ne3A_1659 = arith.cmpi ne, %rem3A_1657, %ne3A_1658 : i32
      %lt3A_1660 = arith.constant 0 : i32
      %lt3A_1661 = arith.cmpi slt, %rem3A_1657, %lt3A_1660 : i32
      %lt3A_1662 = arith.constant 0 : i32
      %lt3A_1663 = arith.cmpi slt, %select_n3A_1656, %lt3A_1662 : i32
      %ne3A_1664 = arith.xori %lt3A_1661, %lt3A_1663 : i1
      %and3A_1665 = arith.andi %ne3A_1664, %ne3A_1659 : i1
      %add3A_1666 = arith.addi %rem3A_1657, %select_n3A_1656 : i32
      %select_n3A_1667 = arith.select %and3A_1665, %add3A_1666, %rem3A_1657 : i32
      %mul3A_1668 = arith.constant 16 : i32
      %mul3A_1669 = arith.muli %select_n3A_1667, %mul3A_1668 : i32
      %get3A_1670 = arith.index_cast %select_n3A_1651 : i32 to index
      %get3A_1671 = arith.index_cast %mul3A_1669 : i32 to index
      %get3A_1672 = tpu.vector_load %arg6[%get3A_1670, %get3A_1671] {strides = array<i32>} : memref<4x128xi32, #tpu.memory_space<vmem>>, vector<1x16xi32>,
      %get3A_1673 = vector.shape_cast %get3A_1672 : vector<1x16xi32> to vector<16xi32>
      %slice3A_1674 = vector.extract_strided_slice %get3A_1673 {offsets = [0], sizes = [1], strides = [1]} : vector<16xi32> to vector<1xi32>
      %squeeze3A_1675 = vector.extract %slice3A_1674[0] : i32 from vector<1xi32>
      %and3A_1676 = arith.constant 7 : i32
      %and3A_1677 = arith.andi %squeeze3A_1675, %and3A_1676 : i32
      %mul3A_1678 = arith.constant 16 : i32
      %mul3A_1679 = arith.muli %add3A_1619, %mul3A_1678 : i32
      %add3A_1680 = arith.constant 0 : i32
      %add3A_1681 = arith.addi %mul3A_1679, %add3A_1680 : i32
      %get3A_1682 = arith.constant 0 : i32
      %get3A_1683 = arith.index_cast %get3A_1682 : i32 to index
      %get3A_1684 = arith.index_cast %and3A_1677 : i32 to index
      %get3A_1685 = arith.constant 0 : index
      %get3A_1686 = tpu.vector_load %arg8[%get3A_1683, %get3A_1684, %get3A_1685] {strides = array<i32>} : memref<16x8x64xf32, #tpu.memory_space<vmem>>, vector<1x1x16xf32>,
      %get3A_1687 = vector.shape_cast %get3A_1686 : vector<1x1x16xf32> to vector<16xf32>
      %swap3A_1688 = arith.index_cast %add3A_1681 : i32 to index
      %swap3A_1689 = arith.constant 0 : index
      %swap3A_1690 = tpu.vector_load %arg9[%swap3A_1688, %swap3A_1689] {strides = array<i32>} : memref<512x64xf32, #tpu.memory_space<vmem>>, vector<1x16xf32>,
      %swap3A_1691 = vector.shape_cast %swap3A_1690 : vector<1x16xf32> to vector<16xf32>
      %swap3A_1692 = vector.shape_cast %get3A_1687 : vector<16xf32> to vector<1x16xf32>
      tpu.vector_store %arg9[%swap3A_1688, %swap3A_1689], %swap3A_1692 {add = true, strides = array<i32>} : memref<512x64xf32, #tpu.memory_space<vmem>>, vector<1x16xf32>,
      %get3A_1693 = arith.constant 0 : i32
      %get3A_1694 = arith.index_cast %get3A_1693 : i32 to index
      %get3A_1695 = arith.index_cast %and3A_1677 : i32 to index
      %get3A_1696 = arith.constant 16 : index
      %get3A_1697 = tpu.vector_load %arg8[%get3A_1694, %get3A_1695, %get3A_1696] {strides = array<i32>} : memref<16x8x64xf32, #tpu.memory_space<vmem>>, vector<1x1x16xf32>,
      %get3A_1698 = vector.shape_cast %get3A_1697 : vector<1x1x16xf32> to vector<16xf32>
      %swap3A_1699 = arith.index_cast %add3A_1681 : i32 to index
      %swap3A_1700 = arith.constant 16 : index
      %swap3A_1701 = tpu.vector_load %arg9[%swap3A_1699, %swap3A_1700] {strides = array<i32>} : memref<512x64xf32, #tpu.memory_space<vmem>>, vector<1x16xf32>,
      %swap3A_1702 = vector.shape_cast %swap3A_1701 : vector<1x16xf32> to vector<16xf32>
      %swap3A_1703 = vector.shape_cast %get3A_1698 : vector<16xf32> to vector<1x16xf32>
      tpu.vector_store %arg9[%swap3A_1699, %swap3A_1700], %swap3A_1703 {add = true, strides = array<i32>} : memref<512x64xf32, #tpu.memory_space<vmem>>, vector<1x16xf32>,
      %get3A_1704 = arith.constant 0 : i32
      %get3A_1705 = arith.index_cast %get3A_1704 : i32 to index
      %get3A_1706 = arith.index_cast %and3A_1677 : i32 to index
      %get3A_1707 = arith.constant 32 : index
      %get3A_1708 = tpu.vector_load %arg8[%get3A_1705, %get3A_1706, %get3A_1707] {strides = array<i32>} : memref<16x8x64xf32, #tpu.memory_space<vmem>>, vector<1x1x16xf32>,
      %get3A_1709 = vector.shape_cast %get3A_1708 : vector<1x1x16xf32> to vector<16xf32>
      %swap3A_1710 = arith.index_cast %add3A_1681 : i32 to index
      %swap3A_1711 = arith.constant 32 : index
      %swap3A_1712 = tpu.vector_load %arg9[%swap3A_1710, %swap3A_1711] {strides = array<i32>} : memref<512x64xf32, #tpu.memory_space<vmem>>, vector<1x16xf32>,
      %swap3A_1713 = vector.shape_cast %swap3A_1712 : vector<1x16xf32> to vector<16xf32>
      %swap3A_1714 = vector.shape_cast %get3A_1709 : vector<16xf32> to vector<1x16xf32>
      tpu.vector_store %arg9[%swap3A_1710, %swap3A_1711], %swap3A_1714 {add = true, strides = array<i32>} : memref<512x64xf32, #tpu.memory_space<vmem>>, vector<1x16xf32>,
      %get3A_1715 = arith.constant 0 : i32
      %get3A_1716 = arith.index_cast %get3A_1715 : i32 to index
      %get3A_1717 = arith.index_cast %and3A_1677 : i32 to index
      %get3A_1718 = arith.constant 48 : index
      %get3A_1719 = tpu.vector_load %arg8[%get3A_1716, %get3A_1717, %get3A_1718] {strides = array<i32>} : memref<16x8x64xf32, #tpu.memory_space<vmem>>, vector<1x1x16xf32>,
      %get3A_1720 = vector.shape_cast %get3A_1719 : vector<1x1x16xf32> to vector<16xf32>
      %swap3A_1721 = arith.index_cast %add3A_1681 : i32 to index
      %swap3A_1722 = arith.constant 48 : index
      %swap3A_1723 = tpu.vector_load %arg9[%swap3A_1721, %swap3A_1722] {strides = array<i32>} : memref<512x64xf32, #tpu.memory_space<vmem>>, vector<1x16xf32>,
      %swap3A_1724 = vector.shape_cast %swap3A_1723 : vector<1x16xf32> to vector<16xf32>
      %swap3A_1725 = vector.shape_cast %get3A_1720 : vector<16xf32> to vector<1x16xf32>
      tpu.vector_store %arg9[%swap3A_1721, %swap3A_1722], %swap3A_1725 {add = true, strides = array<i32>} : memref<512x64xf32, #tpu.memory_space<vmem>>, vector<1x16xf32>,
      %slice3A_1726 = vector.extract_strided_slice %get3A_1673 {offsets = [1], sizes = [1], strides = [1]} : vector<16xi32> to vector<1xi32>
      %squeeze3A_1727 = vector.extract %slice3A_1726[0] : i32 from vector<1xi32>
      %and3A_1728 = arith.constant 7 : i32
      %and3A_1729 = arith.andi %squeeze3A_1727, %and3A_1728 : i32
      %mul3A_1730 = arith.constant 16 : i32
      %mul3A_1731 = arith.muli %add3A_1619, %mul3A_1730 : i32
      %add3A_1732 = arith.constant 1 : i32
      %add3A_1733 = arith.addi %mul3A_1731, %add3A_1732 : i32
      %get3A_1734 = arith.constant 1 : i32
      %get3A_1735 = arith.index_cast %get3A_1734 : i32 to index
      %get3A_1736 = arith.index_cast %and3A_1729 : i32 to index
      %get3A_1737 = arith.constant 0 : index
      %get3A_1738 = tpu.vector_load %arg8[%get3A_1735, %get3A_1736, %get3A_1737] {strides = array<i32>} : memref<16x8x64xf32, #tpu.memory_space<vmem>>, vector<1x1x16xf32>,
      %get3A_1739 = vector.shape_cast %get3A_1738 : vector<1x1x16xf32> to vector<16xf32>
      %swap3A_1740 = arith.index_cast %add3A_1733 : i32 to index
      %swap3A_1741 = arith.constant 0 : index
      %swap3A_1742 = tpu.vector_load %arg9[%swap3A_1740, %swap3A_1741] {strides = array<i32>} : memref<512x64xf32, #tpu.memory_space<vmem>>, vector<1x16xf32>,
      %swap3A_1743 = vector.shape_cast %swap3A_1742 : vector<1x16xf32> to vector<16xf32>
      %swap3A_1744 = vector.shape_cast %get3A_1739 : vector<16xf32> to vector<1x16xf32>
      tpu.vector_store %arg9[%swap3A_1740, %swap3A_1741], %swap3A_1744 {add = true, strides = array<i32>} : memref<512x64xf32, #tpu.memory_space<vmem>>, vector<1x16xf32>,
      %get3A_1745 = arith.constant 1 : i32
      %get3A_1746 = arith.index_cast %get3A_1745 : i32 to index
      %get3A_1747 = arith.index_cast %and3A_1729 : i32 to index
      %get3A_1748 = arith.constant 16 : index
      %get3A_1749 = tpu.vector_load %arg8[%get3A_1746, %get3A_1747, %get3A_1748] {strides = array<i32>} : memref<16x8x64xf32, #tpu.memory_space<vmem>>, vector<1x1x16xf32>,
      %get3A_1750 = vector.shape_cast %get3A_1749 : vector<1x1x16xf32> to vector<16xf32>
      %swap3A_1751 = arith.index_cast %add3A_1733 : i32 to index
      %swap3A_1752 = arith.constant 16 : index
      %swap3A_1753 = tpu.vector_load %arg9[%swap3A_1751, %swap3A_1752] {strides = array<i32>} : memref<512x64xf32, #tpu.memory_space<vmem>>, vector<1x16xf32>,
      %swap3A_1754 = vector.shape_cast %swap3A_1753 : vector<1x16xf32> to vector<16xf32>
      %swap3A_1755 = vector.shape_cast %get3A_1750 : vector<16xf32> to vector<1x16xf32>
      tpu.vector_store %arg9[%swap3A_1751, %swap3A_1752], %swap3A_1755 {add = true, strides = array<i32>} : memref<512x64xf32, #tpu.memory_space<vmem>>, vector<1x16xf32>,
      %get3A_1756 = arith.constant 1 : i32
      %get3A_1757 = arith.index_cast %get3A_1756 : i32 to index
      %get3A_1758 = arith.index_cast %and3A_1729 : i32 to index
      %get3A_1759 = arith.constant 32 : index
      %get3A_1760 = tpu.vector_load %arg8[%get3A_1757, %get3A_1758, %get3A_1759] {strides = array<i32>} : memref<16x8x64xf32, #tpu.memory_space<vmem>>, vector<1x1x16xf32>,
      %get3A_1761 = vector.shape_cast %get3A_1760 : vector<1x1x16xf32> to vector<16xf32>
      %swap3A_1762 = arith.index_cast %add3A_1733 : i32 to index
      %swap3A_1763 = arith.constant 32 : index
      %swap3A_1764 = tpu.vector_load %arg9[%swap3A_1762, %swap3A_1763] {strides = array<i32>} : memref<512x64xf32, #tpu.memory_space<vmem>>, vector<1x16xf32>,
      %swap3A_1765 = vector.shape_cast %swap3A_1764 : vector<1x16xf32> to vector<16xf32>
      %swap3A_1766 = vector.shape_cast %get3A_1761 : vector<16xf32> to vector<1x16xf32>
      tpu.vector_store %arg9[%swap3A_1762, %swap3A_1763], %swap3A_1766 {add = true, strides = array<i32>} : memref<512x64xf32, #tpu.memory_space<vmem>>, vector<1x16xf32>,
      %get3A_1767 = arith.constant 1 : i32
      %get3A_1768 = arith.index_cast %get3A_1767 : i32 to index
      %get3A_1769 = arith.index_cast %and3A_1729 : i32 to index
      %get3A_1770 = arith.constant 48 : index
      %get3A_1771 = tpu.vector_load %arg8[%get3A_1768, %get3A_1769, %get3A_1770] {strides = array<i32>} : memref<16x8x64xf32, #tpu.memory_space<vmem>>, vector<1x1x16xf32>,
      %get3A_1772 = vector.shape_cast %get3A_1771 : vector<1x1x16xf32> to vector<16xf32>
      %swap3A_1773 = arith.index_cast %add3A_1733 : i32 to index
      %swap3A_1774 = arith.constant 48 : index
      %swap3A_1775 = tpu.vector_load %arg9[%swap3A_1773, %swap3A_1774] {strides = array<i32>} : memref<512x64xf32, #tpu.memory_space<vmem>>, vector<1x16xf32>,
      %swap3A_1776 = vector.shape_cast %swap3A_1775 : vector<1x16xf32> to vector<16xf32>
      %swap3A_1777 = vector.shape_cast %get3A_1772 : vector<16xf32> to vector<1x16xf32>
      tpu.vector_store %arg9[%swap3A_1773, %swap3A_1774], %swap3A_1777 {add = true, strides = array<i32>} : memref<512x64xf32, #tpu.memory_space<vmem>>, vector<1x16xf32>,
      %slice3A_1778 = vector.extract_strided_slice %get3A_1673 {offsets = [2], sizes = [1], strides = [1]} : vector<16xi32> to vector<1xi32>
      %squeeze3A_1779 = vector.extract %slice3A_1778[0] : i32 from vector<1xi32>
      %and3A_1780 = arith.constant 7 : i32
      %and3A_1781 = arith.andi %squeeze3A_1779, %and3A_1780 : i32
      %mul3A_1782 = arith.constant 16 : i32
      %mul3A_1783 = arith.muli %add3A_1619, %mul3A_1782 : i32
      %add3A_1784 = arith.constant 2 : i32
      %add3A_1785 = arith.addi %mul3A_1783, %add3A_1784 : i32
      %get3A_1786 = arith.constant 2 : i32
      %get3A_1787 = arith.index_cast %get3A_1786 : i32 to index
      %get3A_1788 = arith.index_cast %and3A_1781 : i32 to index
      %get3A_1789 = arith.constant 0 : index
      %get3A_1790 = tpu.vector_load %arg8[%get3A_1787, %get3A_1788, %get3A_1789] {strides = array<i32>} : memref<16x8x64xf32, #tpu.memory_space<vmem>>, vector<1x1x16xf32>,
      %get3A_1791 = vector.shape_cast %get3A_1790 : vector<1x1x16xf32> to vector<16xf32>
      %swap3A_1792 = arith.index_cast %add3A_1785 : i32 to index
      %swap3A_1793 = arith.constant 0 : index
      %swap3A_1794 = tpu.vector_load %arg9[%swap3A_1792, %swap3A_1793] {strides = array<i32>} : memref<512x64xf32, #tpu.memory_space<vmem>>, vector<1x16xf32>,
      %swap3A_1795 = vector.shape_cast %swap3A_1794 : vector<1x16xf32> to vector<16xf32>
      %swap3A_1796 = vector.shape_cast %get3A_1791 : vector<16xf32> to vector<1x16xf32>
      tpu.vector_store %arg9[%swap3A_1792, %swap3A_1793], %swap3A_1796 {add = true, strides = array<i32>} : memref<512x64xf32, #tpu.memory_space<vmem>>, vector<1x16xf32>,
      %get3A_1797 = arith.constant 2 : i32
      %get3A_1798 = arith.index_cast %get3A_1797 : i32 to index
      %get3A_1799 = arith.index_cast %and3A_1781 : i32 to index
      %get3A_1800 = arith.constant 16 : index
      %get3A_1801 = tpu.vector_load %arg8[%get3A_1798, %get3A_1799, %get3A_1800] {strides = array<i32>} : memref<16x8x64xf32, #tpu.memory_space<vmem>>, vector<1x1x16xf32>,
      %get3A_1802 = vector.shape_cast %get3A_1801 : vector<1x1x16xf32> to vector<16xf32>
      %swap3A_1803 = arith.index_cast %add3A_1785 : i32 to index
      %swap3A_1804 = arith.constant 16 : index
      %swap3A_1805 = tpu.vector_load %arg9[%swap3A_1803, %swap3A_1804] {strides = array<i32>} : memref<512x64xf32, #tpu.memory_space<vmem>>, vector<1x16xf32>,
      %swap3A_1806 = vector.shape_cast %swap3A_1805 : vector<1x16xf32> to vector<16xf32>
      %swap3A_1807 = vector.shape_cast %get3A_1802 : vector<16xf32> to vector<1x16xf32>
      tpu.vector_store %arg9[%swap3A_1803, %swap3A_1804], %swap3A_1807 {add = true, strides = array<i32>} : memref<512x64xf32, #tpu.memory_space<vmem>>, vector<1x16xf32>,
      %get3A_1808 = arith.constant 2 : i32
      %get3A_1809 = arith.index_cast %get3A_1808 : i32 to index
      %get3A_1810 = arith.index_cast %and3A_1781 : i32 to index
      %get3A_1811 = arith.constant 32 : index
      %get3A_1812 = tpu.vector_load %arg8[%get3A_1809, %get3A_1810, %get3A_1811] {strides = array<i32>} : memref<16x8x64xf32, #tpu.memory_space<vmem>>, vector<1x1x16xf32>,
      %get3A_1813 = vector.shape_cast %get3A_1812 : vector<1x1x16xf32> to vector<16xf32>
      %swap3A_1814 = arith.index_cast %add3A_1785 : i32 to index
      %swap3A_1815 = arith.constant 32 : index
      %swap3A_1816 = tpu.vector_load %arg9[%swap3A_1814, %swap3A_1815] {strides = array<i32>} : memref<512x64xf32, #tpu.memory_space<vmem>>, vector<1x16xf32>,
      %swap3A_1817 = vector.shape_cast %swap3A_1816 : vector<1x16xf32> to vector<16xf32>
      %swap3A_1818 = vector.shape_cast %get3A_1813 : vector<16xf32> to vector<1x16xf32>
      tpu.vector_store %arg9[%swap3A_1814, %swap3A_1815], %swap3A_1818 {add = true, strides = array<i32>} : memref<512x64xf32, #tpu.memory_space<vmem>>, vector<1x16xf32>,
      %get3A_1819 = arith.constant 2 : i32
      %get3A_1820 = arith.index_cast %get3A_1819 : i32 to index
      %get3A_1821 = arith.index_cast %and3A_1781 : i32 to index
      %get3A_1822 = arith.constant 48 : index
      %get3A_1823 = tpu.vector_load %arg8[%get3A_1820, %get3A_1821, %get3A_1822] {strides = array<i32>} : memref<16x8x64xf32, #tpu.memory_space<vmem>>, vector<1x1x16xf32>,
      %get3A_1824 = vector.shape_cast %get3A_1823 : vector<1x1x16xf32> to vector<16xf32>
      %swap3A_1825 = arith.index_cast %add3A_1785 : i32 to index
      %swap3A_1826 = arith.constant 48 : index
      %swap3A_1827 = tpu.vector_load %arg9[%swap3A_1825, %swap3A_1826] {strides = array<i32>} : memref<512x64xf32, #tpu.memory_space<vmem>>, vector<1x16xf32>,
      %swap3A_1828 = vector.shape_cast %swap3A_1827 : vector<1x16xf32> to vector<16xf32>
      %swap3A_1829 = vector.shape_cast %get3A_1824 : vector<16xf32> to vector<1x16xf32>
      tpu.vector_store %arg9[%swap3A_1825, %swap3A_1826], %swap3A_1829 {add = true, strides = array<i32>} : memref<512x64xf32, #tpu.memory_space<vmem>>, vector<1x16xf32>,
      %slice3A_1830 = vector.extract_strided_slice %get3A_1673 {offsets = [3], sizes = [1], strides = [1]} : vector<16xi32> to vector<1xi32>
      %squeeze3A_1831 = vector.extract %slice3A_1830[0] : i32 from vector<1xi32>
      %and3A_1832 = arith.constant 7 : i32
      %and3A_1833 = arith.andi %squeeze3A_1831, %and3A_1832 : i32
      %mul3A_1834 = arith.constant 16 : i32
      %mul3A_1835 = arith.muli %add3A_1619, %mul3A_1834 : i32
      %add3A_1836 = arith.constant 3 : i32
      %add3A_1837 = arith.addi %mul3A_1835, %add3A_1836 : i32
      %get3A_1838 = arith.constant 3 : i32
      %get3A_1839 = arith.index_cast %get3A_1838 : i32 to index
      %get3A_1840 = arith.index_cast %and3A_1833 : i32 to index
      %get3A_1841 = arith.constant 0 : index
      %get3A_1842 = tpu.vector_load %arg8[%get3A_1839, %get3A_1840, %get3A_1841] {strides = array<i32>} : memref<16x8x64xf32, #tpu.memory_space<vmem>>, vector<1x1x16xf32>,
      %get3A_1843 = vector.shape_cast %get3A_1842 : vector<1x1x16xf32> to vector<16xf32>
      %swap3A_1844 = arith.index_cast %add3A_1837 : i32 to index
      %swap3A_1845 = arith.constant 0 : index
      %swap3A_1846 = tpu.vector_load %arg9[%swap3A_1844, %swap3A_1845] {strides = array<i32>} : memref<512x64xf32, #tpu.memory_space<vmem>>, vector<1x16xf32>,
      %swap3A_1847 = vector.shape_cast %swap3A_1846 : vector<1x16xf32> to vector<16xf32>
      %swap3A_1848 = vector.shape_cast %get3A_1843 : vector<16xf32> to vector<1x16xf32>
      tpu.vector_store %arg9[%swap3A_1844, %swap3A_1845], %swap3A_1848 {add = true, strides = array<i32>} : memref<512x64xf32, #tpu.memory_space<vmem>>, vector<1x16xf32>,
      %get3A_1849 = arith.constant 3 : i32
      %get3A_1850 = arith.index_cast %get3A_1849 : i32 to index
      %get3A_1851 = arith.index_cast %and3A_1833 : i32 to index
      %get3A_1852 = arith.constant 16 : index
      %get3A_1853 = tpu.vector_load %arg8[%get3A_1850, %get3A_1851, %get3A_1852] {strides = array<i32>} : memref<16x8x64xf32, #tpu.memory_space<vmem>>, vector<1x1x16xf32>,
      %get3A_1854 = vector.shape_cast %get3A_1853 : vector<1x1x16xf32> to vector<16xf32>
      %swap3A_1855 = arith.index_cast %add3A_1837 : i32 to index
      %swap3A_1856 = arith.constant 16 : index
      %swap3A_1857 = tpu.vector_load %arg9[%swap3A_1855, %swap3A_1856] {strides = array<i32>} : memref<512x64xf32, #tpu.memory_space<vmem>>, vector<1x16xf32>,
      %swap3A_1858 = vector.shape_cast %swap3A_1857 : vector<1x16xf32> to vector<16xf32>
      %swap3A_1859 = vector.shape_cast %get3A_1854 : vector<16xf32> to vector<1x16xf32>
      tpu.vector_store %arg9[%swap3A_1855, %swap3A_1856], %swap3A_1859 {add = true, strides = array<i32>} : memref<512x64xf32, #tpu.memory_space<vmem>>, vector<1x16xf32>,
      %get3A_1860 = arith.constant 3 : i32
      %get3A_1861 = arith.index_cast %get3A_1860 : i32 to index
      %get3A_1862 = arith.index_cast %and3A_1833 : i32 to index
      %get3A_1863 = arith.constant 32 : index
      %get3A_1864 = tpu.vector_load %arg8[%get3A_1861, %get3A_1862, %get3A_1863] {strides = array<i32>} : memref<16x8x64xf32, #tpu.memory_space<vmem>>, vector<1x1x16xf32>,
      %get3A_1865 = vector.shape_cast %get3A_1864 : vector<1x1x16xf32> to vector<16xf32>
      %swap3A_1866 = arith.index_cast %add3A_1837 : i32 to index
      %swap3A_1867 = arith.constant 32 : index
      %swap3A_1868 = tpu.vector_load %arg9[%swap3A_1866, %swap3A_1867] {strides = array<i32>} : memref<512x64xf32, #tpu.memory_space<vmem>>, vector<1x16xf32>,
      %swap3A_1869 = vector.shape_cast %swap3A_1868 : vector<1x16xf32> to vector<16xf32>
      %swap3A_1870 = vector.shape_cast %get3A_1865 : vector<16xf32> to vector<1x16xf32>
      tpu.vector_store %arg9[%swap3A_1866, %swap3A_1867], %swap3A_1870 {add = true, strides = array<i32>} : memref<512x64xf32, #tpu.memory_space<vmem>>, vector<1x16xf32>,
      %get3A_1871 = arith.constant 3 : i32
      %get3A_1872 = arith.index_cast %get3A_1871 : i32 to index
      %get3A_1873 = arith.index_cast %and3A_1833 : i32 to index
      %get3A_1874 = arith.constant 48 : index
      %get3A_1875 = tpu.vector_load %arg8[%get3A_1872, %get3A_1873, %get3A_1874] {strides = array<i32>} : memref<16x8x64xf32, #tpu.memory_space<vmem>>, vector<1x1x16xf32>,
      %get3A_1876 = vector.shape_cast %get3A_1875 : vector<1x1x16xf32> to vector<16xf32>
      %swap3A_1877 = arith.index_cast %add3A_1837 : i32 to index
      %swap3A_1878 = arith.constant 48 : index
      %swap3A_1879 = tpu.vector_load %arg9[%swap3A_1877, %swap3A_1878] {strides = array<i32>} : memref<512x64xf32, #tpu.memory_space<vmem>>, vector<1x16xf32>,
      %swap3A_1880 = vector.shape_cast %swap3A_1879 : vector<1x16xf32> to vector<16xf32>
      %swap3A_1881 = vector.shape_cast %get3A_1876 : vector<16xf32> to vector<1x16xf32>
      tpu.vector_store %arg9[%swap3A_1877, %swap3A_1878], %swap3A_1881 {add = true, strides = array<i32>} : memref<512x64xf32, #tpu.memory_space<vmem>>, vector<1x16xf32>,
      %slice3A_1882 = vector.extract_strided_slice %get3A_1673 {offsets = [4], sizes = [1], strides = [1]} : vector<16xi32> to vector<1xi32>
      %squeeze3A_1883 = vector.extract %slice3A_1882[0] : i32 from vector<1xi32>
      %and3A_1884 = arith.constant 7 : i32
      %and3A_1885 = arith.andi %squeeze3A_1883, %and3A_1884 : i32
      %mul3A_1886 = arith.constant 16 : i32
      %mul3A_1887 = arith.muli %add3A_1619, %mul3A_1886 : i32
      %add3A_1888 = arith.constant 4 : i32
      %add3A_1889 = arith.addi %mul3A_1887, %add3A_1888 : i32
      %get3A_1890 = arith.constant 4 : i32
      %get3A_1891 = arith.index_cast %get3A_1890 : i32 to index
      %get3A_1892 = arith.index_cast %and3A_1885 : i32 to index
      %get3A_1893 = arith.constant 0 : index
      %get3A_1894 = tpu.vector_load %arg8[%get3A_1891, %get3A_1892, %get3A_1893] {strides = array<i32>} : memref<16x8x64xf32, #tpu.memory_space<vmem>>, vector<1x1x16xf32>,
      %get3A_1895 = vector.shape_cast %get3A_1894 : vector<1x1x16xf32> to vector<16xf32>
      %swap3A_1896 = arith.index_cast %add3A_1889 : i32 to index
      %swap3A_1897 = arith.constant 0 : index
      %swap3A_1898 = tpu.vector_load %arg9[%swap3A_1896, %swap3A_1897] {strides = array<i32>} : memref<512x64xf32, #tpu.memory_space<vmem>>, vector<1x16xf32>,
      %swap3A_1899 = vector.shape_cast %swap3A_1898 : vector<1x16xf32> to vector<16xf32>
      %swap3A_1900 = vector.shape_cast %get3A_1895 : vector<16xf32> to vector<1x16xf32>
      tpu.vector_store %arg9[%swap3A_1896, %swap3A_1897], %swap3A_1900 {add = true, strides = array<i32>} : memref<512x64xf32, #tpu.memory_space<vmem>>, vector<1x16xf32>,
      %get3A_1901 = arith.constant 4 : i32
      %get3A_1902 = arith.index_cast %get3A_1901 : i32 to index
      %get3A_1903 = arith.index_cast %and3A_1885 : i32 to index
      %get3A_1904 = arith.constant 16 : index
      %get3A_1905 = tpu.vector_load %arg8[%get3A_1902, %get3A_1903, %get3A_1904] {strides = array<i32>} : memref<16x8x64xf32, #tpu.memory_space<vmem>>, vector<1x1x16xf32>,
      %get3A_1906 = vector.shape_cast %get3A_1905 : vector<1x1x16xf32> to vector<16xf32>
      %swap3A_1907 = arith.index_cast %add3A_1889 : i32 to index
      %swap3A_1908 = arith.constant 16 : index
      %swap3A_1909 = tpu.vector_load %arg9[%swap3A_1907, %swap3A_1908] {strides = array<i32>} : memref<512x64xf32, #tpu.memory_space<vmem>>, vector<1x16xf32>,
      %swap3A_1910 = vector.shape_cast %swap3A_1909 : vector<1x16xf32> to vector<16xf32>
      %swap3A_1911 = vector.shape_cast %get3A_1906 : vector<16xf32> to vector<1x16xf32>
      tpu.vector_store %arg9[%swap3A_1907, %swap3A_1908], %swap3A_1911 {add = true, strides = array<i32>} : memref<512x64xf32, #tpu.memory_space<vmem>>, vector<1x16xf32>,
      %get3A_1912 = arith.constant 4 : i32
      %get3A_1913 = arith.index_cast %get3A_1912 : i32 to index
      %get3A_1914 = arith.index_cast %and3A_1885 : i32 to index
      %get3A_1915 = arith.constant 32 : index
      %get3A_1916 = tpu.vector_load %arg8[%get3A_1913, %get3A_1914, %get3A_1915] {strides = array<i32>} : memref<16x8x64xf32, #tpu.memory_space<vmem>>, vector<1x1x16xf32>,
      %get3A_1917 = vector.shape_cast %get3A_1916 : vector<1x1x16xf32> to vector<16xf32>
      %swap3A_1918 = arith.index_cast %add3A_1889 : i32 to index
      %swap3A_1919 = arith.constant 32 : index
      %swap3A_1920 = tpu.vector_load %arg9[%swap3A_1918, %swap3A_1919] {strides = array<i32>} : memref<512x64xf32, #tpu.memory_space<vmem>>, vector<1x16xf32>,
      %swap3A_1921 = vector.shape_cast %swap3A_1920 : vector<1x16xf32> to vector<16xf32>
      %swap3A_1922 = vector.shape_cast %get3A_1917 : vector<16xf32> to vector<1x16xf32>
      tpu.vector_store %arg9[%swap3A_1918, %swap3A_1919], %swap3A_1922 {add = true, strides = array<i32>} : memref<512x64xf32, #tpu.memory_space<vmem>>, vector<1x16xf32>,
      %get3A_1923 = arith.constant 4 : i32
      %get3A_1924 = arith.index_cast %get3A_1923 : i32 to index
      %get3A_1925 = arith.index_cast %and3A_1885 : i32 to index
      %get3A_1926 = arith.constant 48 : index
      %get3A_1927 = tpu.vector_load %arg8[%get3A_1924, %get3A_1925, %get3A_1926] {strides = array<i32>} : memref<16x8x64xf32, #tpu.memory_space<vmem>>, vector<1x1x16xf32>,
      %get3A_1928 = vector.shape_cast %get3A_1927 : vector<1x1x16xf32> to vector<16xf32>
      %swap3A_1929 = arith.index_cast %add3A_1889 : i32 to index
      %swap3A_1930 = arith.constant 48 : index
      %swap3A_1931 = tpu.vector_load %arg9[%swap3A_1929, %swap3A_1930] {strides = array<i32>} : memref<512x64xf32, #tpu.memory_space<vmem>>, vector<1x16xf32>,
      %swap3A_1932 = vector.shape_cast %swap3A_1931 : vector<1x16xf32> to vector<16xf32>
      %swap3A_1933 = vector.shape_cast %get3A_1928 : vector<16xf32> to vector<1x16xf32>
      tpu.vector_store %arg9[%swap3A_1929, %swap3A_1930], %swap3A_1933 {add = true, strides = array<i32>} : memref<512x64xf32, #tpu.memory_space<vmem>>, vector<1x16xf32>,
      %slice3A_1934 = vector.extract_strided_slice %get3A_1673 {offsets = [5], sizes = [1], strides = [1]} : vector<16xi32> to vector<1xi32>
      %squeeze3A_1935 = vector.extract %slice3A_1934[0] : i32 from vector<1xi32>
      %and3A_1936 = arith.constant 7 : i32
      %and3A_1937 = arith.andi %squeeze3A_1935, %and3A_1936 : i32
      %mul3A_1938 = arith.constant 16 : i32
      %mul3A_1939 = arith.muli %add3A_1619, %mul3A_1938 : i32
      %add3A_1940 = arith.constant 5 : i32
      %add3A_1941 = arith.addi %mul3A_1939, %add3A_1940 : i32
      %get3A_1942 = arith.constant 5 : i32
      %get3A_1943 = arith.index_cast %get3A_1942 : i32 to index
      %get3A_1944 = arith.index_cast %and3A_1937 : i32 to index
      %get3A_1945 = arith.constant 0 : index
      %get3A_1946 = tpu.vector_load %arg8[%get3A_1943, %get3A_1944, %get3A_1945] {strides = array<i32>} : memref<16x8x64xf32, #tpu.memory_space<vmem>>, vector<1x1x16xf32>,
      %get3A_1947 = vector.shape_cast %get3A_1946 : vector<1x1x16xf32> to vector<16xf32>
      %swap3A_1948 = arith.index_cast %add3A_1941 : i32 to index
      %swap3A_1949 = arith.constant 0 : index
      %swap3A_1950 = tpu.vector_load %arg9[%swap3A_1948, %swap3A_1949] {strides = array<i32>} : memref<512x64xf32, #tpu.memory_space<vmem>>, vector<1x16xf32>,
      %swap3A_1951 = vector.shape_cast %swap3A_1950 : vector<1x16xf32> to vector<16xf32>
      %swap3A_1952 = vector.shape_cast %get3A_1947 : vector<16xf32> to vector<1x16xf32>
      tpu.vector_store %arg9[%swap3A_1948, %swap3A_1949], %swap3A_1952 {add = true, strides = array<i32>} : memref<512x64xf32, #tpu.memory_space<vmem>>, vector<1x16xf32>,
      %get3A_1953 = arith.constant 5 : i32
      %get3A_1954 = arith.index_cast %get3A_1953 : i32 to index
      %get3A_1955 = arith.index_cast %and3A_1937 : i32 to index
      %get3A_1956 = arith.constant 16 : index
      %get3A_1957 = tpu.vector_load %arg8[%get3A_1954, %get3A_1955, %get3A_1956] {strides = array<i32>} : memref<16x8x64xf32, #tpu.memory_space<vmem>>, vector<1x1x16xf32>,
      %get3A_1958 = vector.shape_cast %get3A_1957 : vector<1x1x16xf32> to vector<16xf32>
      %swap3A_1959 = arith.index_cast %add3A_1941 : i32 to index
      %swap3A_1960 = arith.constant 16 : index
      %swap3A_1961 = tpu.vector_load %arg9[%swap3A_1959, %swap3A_1960] {strides = array<i32>} : memref<512x64xf32, #tpu.memory_space<vmem>>, vector<1x16xf32>,
      %swap3A_1962 = vector.shape_cast %swap3A_1961 : vector<1x16xf32> to vector<16xf32>
      %swap3A_1963 = vector.shape_cast %get3A_1958 : vector<16xf32> to vector<1x16xf32>
      tpu.vector_store %arg9[%swap3A_1959, %swap3A_1960], %swap3A_1963 {add = true, strides = array<i32>} : memref<512x64xf32, #tpu.memory_space<vmem>>, vector<1x16xf32>,
      %get3A_1964 = arith.constant 5 : i32
      %get3A_1965 = arith.index_cast %get3A_1964 : i32 to index
      %get3A_1966 = arith.index_cast %and3A_1937 : i32 to index
      %get3A_1967 = arith.constant 32 : index
      %get3A_1968 = tpu.vector_load %arg8[%get3A_1965, %get3A_1966, %get3A_1967] {strides = array<i32>} : memref<16x8x64xf32, #tpu.memory_space<vmem>>, vector<1x1x16xf32>,
      %get3A_1969 = vector.shape_cast %get3A_1968 : vector<1x1x16xf32> to vector<16xf32>
      %swap3A_1970 = arith.index_cast %add3A_1941 : i32 to index
      %swap3A_1971 = arith.constant 32 : index
      %swap3A_1972 = tpu.vector_load %arg9[%swap3A_1970, %swap3A_1971] {strides = array<i32>} : memref<512x64xf32, #tpu.memory_space<vmem>>, vector<1x16xf32>,
      %swap3A_1973 = vector.shape_cast %swap3A_1972 : vector<1x16xf32> to vector<16xf32>
      %swap3A_1974 = vector.shape_cast %get3A_1969 : vector<16xf32> to vector<1x16xf32>
      tpu.vector_store %arg9[%swap3A_1970, %swap3A_1971], %swap3A_1974 {add = true, strides = array<i32>} : memref<512x64xf32, #tpu.memory_space<vmem>>, vector<1x16xf32>,
      %get3A_1975 = arith.constant 5 : i32
      %get3A_1976 = arith.index_cast %get3A_1975 : i32 to index
      %get3A_1977 = arith.index_cast %and3A_1937 : i32 to index
      %get3A_1978 = arith.constant 48 : index
      %get3A_1979 = tpu.vector_load %arg8[%get3A_1976, %get3A_1977, %get3A_1978] {strides = array<i32>} : memref<16x8x64xf32, #tpu.memory_space<vmem>>, vector<1x1x16xf32>,
      %get3A_1980 = vector.shape_cast %get3A_1979 : vector<1x1x16xf32> to vector<16xf32>
      %swap3A_1981 = arith.index_cast %add3A_1941 : i32 to index
      %swap3A_1982 = arith.constant 48 : index
      %swap3A_1983 = tpu.vector_load %arg9[%swap3A_1981, %swap3A_1982] {strides = array<i32>} : memref<512x64xf32, #tpu.memory_space<vmem>>, vector<1x16xf32>,
      %swap3A_1984 = vector.shape_cast %swap3A_1983 : vector<1x16xf32> to vector<16xf32>
      %swap3A_1985 = vector.shape_cast %get3A_1980 : vector<16xf32> to vector<1x16xf32>
      tpu.vector_store %arg9[%swap3A_1981, %swap3A_1982], %swap3A_1985 {add = true, strides = array<i32>} : memref<512x64xf32, #tpu.memory_space<vmem>>, vector<1x16xf32>,
      %slice3A_1986 = vector.extract_strided_slice %get3A_1673 {offsets = [6], sizes = [1], strides = [1]} : vector<16xi32> to vector<1xi32>
      %squeeze3A_1987 = vector.extract %slice3A_1986[0] : i32 from vector<1xi32>
      %and3A_1988 = arith.constant 7 : i32
      %and3A_1989 = arith.andi %squeeze3A_1987, %and3A_1988 : i32
      %mul3A_1990 = arith.constant 16 : i32
      %mul3A_1991 = arith.muli %add3A_1619, %mul3A_1990 : i32
      %add3A_1992 = arith.constant 6 : i32
      %add3A_1993 = arith.addi %mul3A_1991, %add3A_1992 : i32
      %get3A_1994 = arith.constant 6 : i32
      %get3A_1995 = arith.index_cast %get3A_1994 : i32 to index
      %get3A_1996 = arith.index_cast %and3A_1989 : i32 to index
      %get3A_1997 = arith.constant 0 : index
      %get3A_1998 = tpu.vector_load %arg8[%get3A_1995, %get3A_1996, %get3A_1997] {strides = array<i32>} : memref<16x8x64xf32, #tpu.memory_space<vmem>>, vector<1x1x16xf32>,
      %get3A_1999 = vector.shape_cast %get3A_1998 : vector<1x1x16xf32> to vector<16xf32>
      %swap3A_2000 = arith.index_cast %add3A_1993 : i32 to index
      %swap3A_2001 = arith.constant 0 : index
      %swap3A_2002 = tpu.vector_load %arg9[%swap3A_2000, %swap3A_2001] {strides = array<i32>} : memref<512x64xf32, #tpu.memory_space<vmem>>, vector<1x16xf32>,
      %swap3A_2003 = vector.shape_cast %swap3A_2002 : vector<1x16xf32> to vector<16xf32>
      %swap3A_2004 = vector.shape_cast %get3A_1999 : vector<16xf32> to vector<1x16xf32>
      tpu.vector_store %arg9[%swap3A_2000, %swap3A_2001], %swap3A_2004 {add = true, strides = array<i32>} : memref<512x64xf32, #tpu.memory_space<vmem>>, vector<1x16xf32>,
      %get3A_2005 = arith.constant 6 : i32
      %get3A_2006 = arith.index_cast %get3A_2005 : i32 to index
      %get3A_2007 = arith.index_cast %and3A_1989 : i32 to index
      %get3A_2008 = arith.constant 16 : index
      %get3A_2009 = tpu.vector_load %arg8[%get3A_2006, %get3A_2007, %get3A_2008] {strides = array<i32>} : memref<16x8x64xf32, #tpu.memory_space<vmem>>, vector<1x1x16xf32>,
      %get3A_2010 = vector.shape_cast %get3A_2009 : vector<1x1x16xf32> to vector<16xf32>
      %swap3A_2011 = arith.index_cast %add3A_1993 : i32 to index
      %swap3A_2012 = arith.constant 16 : index
      %swap3A_2013 = tpu.vector_load %arg9[%swap3A_2011, %swap3A_2012] {strides = array<i32>} : memref<512x64xf32, #tpu.memory_space<vmem>>, vector<1x16xf32>,
      %swap3A_2014 = vector.shape_cast %swap3A_2013 : vector<1x16xf32> to vector<16xf32>
      %swap3A_2015 = vector.shape_cast %get3A_2010 : vector<16xf32> to vector<1x16xf32>
      tpu.vector_store %arg9[%swap3A_2011, %swap3A_2012], %swap3A_2015 {add = true, strides = array<i32>} : memref<512x64xf32, #tpu.memory_space<vmem>>, vector<1x16xf32>,
      %get3A_2016 = arith.constant 6 : i32
      %get3A_2017 = arith.index_cast %get3A_2016 : i32 to index
      %get3A_2018 = arith.index_cast %and3A_1989 : i32 to index
      %get3A_2019 = arith.constant 32 : index
      %get3A_2020 = tpu.vector_load %arg8[%get3A_2017, %get3A_2018, %get3A_2019] {strides = array<i32>} : memref<16x8x64xf32, #tpu.memory_space<vmem>>, vector<1x1x16xf32>,
      %get3A_2021 = vector.shape_cast %get3A_2020 : vector<1x1x16xf32> to vector<16xf32>
      %swap3A_2022 = arith.index_cast %add3A_1993 : i32 to index
      %swap3A_2023 = arith.constant 32 : index
      %swap3A_2024 = tpu.vector_load %arg9[%swap3A_2022, %swap3A_2023] {strides = array<i32>} : memref<512x64xf32, #tpu.memory_space<vmem>>, vector<1x16xf32>,
      %swap3A_2025 = vector.shape_cast %swap3A_2024 : vector<1x16xf32> to vector<16xf32>
      %swap3A_2026 = vector.shape_cast %get3A_2021 : vector<16xf32> to vector<1x16xf32>
      tpu.vector_store %arg9[%swap3A_2022, %swap3A_2023], %swap3A_2026 {add = true, strides = array<i32>} : memref<512x64xf32, #tpu.memory_space<vmem>>, vector<1x16xf32>,
      %get3A_2027 = arith.constant 6 : i32
      %get3A_2028 = arith.index_cast %get3A_2027 : i32 to index
      %get3A_2029 = arith.index_cast %and3A_1989 : i32 to index
      %get3A_2030 = arith.constant 48 : index
      %get3A_2031 = tpu.vector_load %arg8[%get3A_2028, %get3A_2029, %get3A_2030] {strides = array<i32>} : memref<16x8x64xf32, #tpu.memory_space<vmem>>, vector<1x1x16xf32>,
      %get3A_2032 = vector.shape_cast %get3A_2031 : vector<1x1x16xf32> to vector<16xf32>
      %swap3A_2033 = arith.index_cast %add3A_1993 : i32 to index
      %swap3A_2034 = arith.constant 48 : index
      %swap3A_2035 = tpu.vector_load %arg9[%swap3A_2033, %swap3A_2034] {strides = array<i32>} : memref<512x64xf32, #tpu.memory_space<vmem>>, vector<1x16xf32>,
      %swap3A_2036 = vector.shape_cast %swap3A_2035 : vector<1x16xf32> to vector<16xf32>
      %swap3A_2037 = vector.shape_cast %get3A_2032 : vector<16xf32> to vector<1x16xf32>
      tpu.vector_store %arg9[%swap3A_2033, %swap3A_2034], %swap3A_2037 {add = true, strides = array<i32>} : memref<512x64xf32, #tpu.memory_space<vmem>>, vector<1x16xf32>,
      %slice3A_2038 = vector.extract_strided_slice %get3A_1673 {offsets = [7], sizes = [1], strides = [1]} : vector<16xi32> to vector<1xi32>
      %squeeze3A_2039 = vector.extract %slice3A_2038[0] : i32 from vector<1xi32>
      %and3A_2040 = arith.constant 7 : i32
      %and3A_2041 = arith.andi %squeeze3A_2039, %and3A_2040 : i32
      %mul3A_2042 = arith.constant 16 : i32
      %mul3A_2043 = arith.muli %add3A_1619, %mul3A_2042 : i32
      %add3A_2044 = arith.constant 7 : i32
      %add3A_2045 = arith.addi %mul3A_2043, %add3A_2044 : i32
      %get3A_2046 = arith.constant 7 : i32
      %get3A_2047 = arith.index_cast %get3A_2046 : i32 to index
      %get3A_2048 = arith.index_cast %and3A_2041 : i32 to index
      %get3A_2049 = arith.constant 0 : index
      %get3A_2050 = tpu.vector_load %arg8[%get3A_2047, %get3A_2048, %get3A_2049] {strides = array<i32>} : memref<16x8x64xf32, #tpu.memory_space<vmem>>, vector<1x1x16xf32>,
      %get3A_2051 = vector.shape_cast %get3A_2050 : vector<1x1x16xf32> to vector<16xf32>
      %swap3A_2052 = arith.index_cast %add3A_2045 : i32 to index
      %swap3A_2053 = arith.constant 0 : index
      %swap3A_2054 = tpu.vector_load %arg9[%swap3A_2052, %swap3A_2053] {strides = array<i32>} : memref<512x64xf32, #tpu.memory_space<vmem>>, vector<1x16xf32>,
      %swap3A_2055 = vector.shape_cast %swap3A_2054 : vector<1x16xf32> to vector<16xf32>
      %swap3A_2056 = vector.shape_cast %get3A_2051 : vector<16xf32> to vector<1x16xf32>
      tpu.vector_store %arg9[%swap3A_2052, %swap3A_2053], %swap3A_2056 {add = true, strides = array<i32>} : memref<512x64xf32, #tpu.memory_space<vmem>>, vector<1x16xf32>,
      %get3A_2057 = arith.constant 7 : i32
      %get3A_2058 = arith.index_cast %get3A_2057 : i32 to index
      %get3A_2059 = arith.index_cast %and3A_2041 : i32 to index
      %get3A_2060 = arith.constant 16 : index
      %get3A_2061 = tpu.vector_load %arg8[%get3A_2058, %get3A_2059, %get3A_2060] {strides = array<i32>} : memref<16x8x64xf32, #tpu.memory_space<vmem>>, vector<1x1x16xf32>,
      %get3A_2062 = vector.shape_cast %get3A_2061 : vector<1x1x16xf32> to vector<16xf32>
      %swap3A_2063 = arith.index_cast %add3A_2045 : i32 to index
      %swap3A_2064 = arith.constant 16 : index
      %swap3A_2065 = tpu.vector_load %arg9[%swap3A_2063, %swap3A_2064] {strides = array<i32>} : memref<512x64xf32, #tpu.memory_space<vmem>>, vector<1x16xf32>,
      %swap3A_2066 = vector.shape_cast %swap3A_2065 : vector<1x16xf32> to vector<16xf32>
      %swap3A_2067 = vector.shape_cast %get3A_2062 : vector<16xf32> to vector<1x16xf32>
      tpu.vector_store %arg9[%swap3A_2063, %swap3A_2064], %swap3A_2067 {add = true, strides = array<i32>} : memref<512x64xf32, #tpu.memory_space<vmem>>, vector<1x16xf32>,
      %get3A_2068 = arith.constant 7 : i32
      %get3A_2069 = arith.index_cast %get3A_2068 : i32 to index
      %get3A_2070 = arith.index_cast %and3A_2041 : i32 to index
      %get3A_2071 = arith.constant 32 : index
      %get3A_2072 = tpu.vector_load %arg8[%get3A_2069, %get3A_2070, %get3A_2071] {strides = array<i32>} : memref<16x8x64xf32, #tpu.memory_space<vmem>>, vector<1x1x16xf32>,
      %get3A_2073 = vector.shape_cast %get3A_2072 : vector<1x1x16xf32> to vector<16xf32>
      %swap3A_2074 = arith.index_cast %add3A_2045 : i32 to index
      %swap3A_2075 = arith.constant 32 : index
      %swap3A_2076 = tpu.vector_load %arg9[%swap3A_2074, %swap3A_2075] {strides = array<i32>} : memref<512x64xf32, #tpu.memory_space<vmem>>, vector<1x16xf32>,
      %swap3A_2077 = vector.shape_cast %swap3A_2076 : vector<1x16xf32> to vector<16xf32>
      %swap3A_2078 = vector.shape_cast %get3A_2073 : vector<16xf32> to vector<1x16xf32>
      tpu.vector_store %arg9[%swap3A_2074, %swap3A_2075], %swap3A_2078 {add = true, strides = array<i32>} : memref<512x64xf32, #tpu.memory_space<vmem>>, vector<1x16xf32>,
      %get3A_2079 = arith.constant 7 : i32
      %get3A_2080 = arith.index_cast %get3A_2079 : i32 to index
      %get3A_2081 = arith.index_cast %and3A_2041 : i32 to index
      %get3A_2082 = arith.constant 48 : index
      %get3A_2083 = tpu.vector_load %arg8[%get3A_2080, %get3A_2081, %get3A_2082] {strides = array<i32>} : memref<16x8x64xf32, #tpu.memory_space<vmem>>, vector<1x1x16xf32>,
      %get3A_2084 = vector.shape_cast %get3A_2083 : vector<1x1x16xf32> to vector<16xf32>
      %swap3A_2085 = arith.index_cast %add3A_2045 : i32 to index
      %swap3A_2086 = arith.constant 48 : index
      %swap3A_2087 = tpu.vector_load %arg9[%swap3A_2085, %swap3A_2086] {strides = array<i32>} : memref<512x64xf32, #tpu.memory_space<vmem>>, vector<1x16xf32>,
      %swap3A_2088 = vector.shape_cast %swap3A_2087 : vector<1x16xf32> to vector<16xf32>
      %swap3A_2089 = vector.shape_cast %get3A_2084 : vector<16xf32> to vector<1x16xf32>
      tpu.vector_store %arg9[%swap3A_2085, %swap3A_2086], %swap3A_2089 {add = true, strides = array<i32>} : memref<512x64xf32, #tpu.memory_space<vmem>>, vector<1x16xf32>,
      %slice3A_2090 = vector.extract_strided_slice %get3A_1673 {offsets = [8], sizes = [1], strides = [1]} : vector<16xi32> to vector<1xi32>
      %squeeze3A_2091 = vector.extract %slice3A_2090[0] : i32 from vector<1xi32>
      %and3A_2092 = arith.constant 7 : i32
      %and3A_2093 = arith.andi %squeeze3A_2091, %and3A_2092 : i32
      %mul3A_2094 = arith.constant 16 : i32
      %mul3A_2095 = arith.muli %add3A_1619, %mul3A_2094 : i32
      %add3A_2096 = arith.constant 8 : i32
      %add3A_2097 = arith.addi %mul3A_2095, %add3A_2096 : i32
      %get3A_2098 = arith.constant 8 : i32
      %get3A_2099 = arith.index_cast %get3A_2098 : i32 to index
      %get3A_2100 = arith.index_cast %and3A_2093 : i32 to index
      %get3A_2101 = arith.constant 0 : index
      %get3A_2102 = tpu.vector_load %arg8[%get3A_2099, %get3A_2100, %get3A_2101] {strides = array<i32>} : memref<16x8x64xf32, #tpu.memory_space<vmem>>, vector<1x1x16xf32>,
      %get3A_2103 = vector.shape_cast %get3A_2102 : vector<1x1x16xf32> to vector<16xf32>
      %swap3A_2104 = arith.index_cast %add3A_2097 : i32 to index
      %swap3A_2105 = arith.constant 0 : index
      %swap3A_2106 = tpu.vector_load %arg9[%swap3A_2104, %swap3A_2105] {strides = array<i32>} : memref<512x64xf32, #tpu.memory_space<vmem>>, vector<1x16xf32>,
      %swap3A_2107 = vector.shape_cast %swap3A_2106 : vector<1x16xf32> to vector<16xf32>
      %swap3A_2108 = vector.shape_cast %get3A_2103 : vector<16xf32> to vector<1x16xf32>
      tpu.vector_store %arg9[%swap3A_2104, %swap3A_2105], %swap3A_2108 {add = true, strides = array<i32>} : memref<512x64xf32, #tpu.memory_space<vmem>>, vector<1x16xf32>,
      %get3A_2109 = arith.constant 8 : i32
      %get3A_2110 = arith.index_cast %get3A_2109 : i32 to index
      %get3A_2111 = arith.index_cast %and3A_2093 : i32 to index
      %get3A_2112 = arith.constant 16 : index
      %get3A_2113 = tpu.vector_load %arg8[%get3A_2110, %get3A_2111, %get3A_2112] {strides = array<i32>} : memref<16x8x64xf32, #tpu.memory_space<vmem>>, vector<1x1x16xf32>,
      %get3A_2114 = vector.shape_cast %get3A_2113 : vector<1x1x16xf32> to vector<16xf32>
      %swap3A_2115 = arith.index_cast %add3A_2097 : i32 to index
      %swap3A_2116 = arith.constant 16 : index
      %swap3A_2117 = tpu.vector_load %arg9[%swap3A_2115, %swap3A_2116] {strides = array<i32>} : memref<512x64xf32, #tpu.memory_space<vmem>>, vector<1x16xf32>,
      %swap3A_2118 = vector.shape_cast %swap3A_2117 : vector<1x16xf32> to vector<16xf32>
      %swap3A_2119 = vector.shape_cast %get3A_2114 : vector<16xf32> to vector<1x16xf32>
      tpu.vector_store %arg9[%swap3A_2115, %swap3A_2116], %swap3A_2119 {add = true, strides = array<i32>} : memref<512x64xf32, #tpu.memory_space<vmem>>, vector<1x16xf32>,
      %get3A_2120 = arith.constant 8 : i32
      %get3A_2121 = arith.index_cast %get3A_2120 : i32 to index
      %get3A_2122 = arith.index_cast %and3A_2093 : i32 to index
      %get3A_2123 = arith.constant 32 : index
      %get3A_2124 = tpu.vector_load %arg8[%get3A_2121, %get3A_2122, %get3A_2123] {strides = array<i32>} : memref<16x8x64xf32, #tpu.memory_space<vmem>>, vector<1x1x16xf32>,
      %get3A_2125 = vector.shape_cast %get3A_2124 : vector<1x1x16xf32> to vector<16xf32>
      %swap3A_2126 = arith.index_cast %add3A_2097 : i32 to index
      %swap3A_2127 = arith.constant 32 : index
      %swap3A_2128 = tpu.vector_load %arg9[%swap3A_2126, %swap3A_2127] {strides = array<i32>} : memref<512x64xf32, #tpu.memory_space<vmem>>, vector<1x16xf32>,
      %swap3A_2129 = vector.shape_cast %swap3A_2128 : vector<1x16xf32> to vector<16xf32>
      %swap3A_2130 = vector.shape_cast %get3A_2125 : vector<16xf32> to vector<1x16xf32>
      tpu.vector_store %arg9[%swap3A_2126, %swap3A_2127], %swap3A_2130 {add = true, strides = array<i32>} : memref<512x64xf32, #tpu.memory_space<vmem>>, vector<1x16xf32>,
      %get3A_2131 = arith.constant 8 : i32
      %get3A_2132 = arith.index_cast %get3A_2131 : i32 to index
      %get3A_2133 = arith.index_cast %and3A_2093 : i32 to index
      %get3A_2134 = arith.constant 48 : index
      %get3A_2135 = tpu.vector_load %arg8[%get3A_2132, %get3A_2133, %get3A_2134] {strides = array<i32>} : memref<16x8x64xf32, #tpu.memory_space<vmem>>, vector<1x1x16xf32>,
      %get3A_2136 = vector.shape_cast %get3A_2135 : vector<1x1x16xf32> to vector<16xf32>
      %swap3A_2137 = arith.index_cast %add3A_2097 : i32 to index
      %swap3A_2138 = arith.constant 48 : index
      %swap3A_2139 = tpu.vector_load %arg9[%swap3A_2137, %swap3A_2138] {strides = array<i32>} : memref<512x64xf32, #tpu.memory_space<vmem>>, vector<1x16xf32>,
      %swap3A_2140 = vector.shape_cast %swap3A_2139 : vector<1x16xf32> to vector<16xf32>
      %swap3A_2141 = vector.shape_cast %get3A_2136 : vector<16xf32> to vector<1x16xf32>
      tpu.vector_store %arg9[%swap3A_2137, %swap3A_2138], %swap3A_2141 {add = true, strides = array<i32>} : memref<512x64xf32, #tpu.memory_space<vmem>>, vector<1x16xf32>,
      %slice3A_2142 = vector.extract_strided_slice %get3A_1673 {offsets = [9], sizes = [1], strides = [1]} : vector<16xi32> to vector<1xi32>
      %squeeze3A_2143 = vector.extract %slice3A_2142[0] : i32 from vector<1xi32>
      %and3A_2144 = arith.constant 7 : i32
      %and3A_2145 = arith.andi %squeeze3A_2143, %and3A_2144 : i32
      %mul3A_2146 = arith.constant 16 : i32
      %mul3A_2147 = arith.muli %add3A_1619, %mul3A_2146 : i32
      %add3A_2148 = arith.constant 9 : i32
      %add3A_2149 = arith.addi %mul3A_2147, %add3A_2148 : i32
      %get3A_2150 = arith.constant 9 : i32
      %get3A_2151 = arith.index_cast %get3A_2150 : i32 to index
      %get3A_2152 = arith.index_cast %and3A_2145 : i32 to index
      %get3A_2153 = arith.constant 0 : index
      %get3A_2154 = tpu.vector_load %arg8[%get3A_2151, %get3A_2152, %get3A_2153] {strides = array<i32>} : memref<16x8x64xf32, #tpu.memory_space<vmem>>, vector<1x1x16xf32>,
      %get3A_2155 = vector.shape_cast %get3A_2154 : vector<1x1x16xf32> to vector<16xf32>
      %swap3A_2156 = arith.index_cast %add3A_2149 : i32 to index
      %swap3A_2157 = arith.constant 0 : index
      %swap3A_2158 = tpu.vector_load %arg9[%swap3A_2156, %swap3A_2157] {strides = array<i32>} : memref<512x64xf32, #tpu.memory_space<vmem>>, vector<1x16xf32>,
      %swap3A_2159 = vector.shape_cast %swap3A_2158 : vector<1x16xf32> to vector<16xf32>
      %swap3A_2160 = vector.shape_cast %get3A_2155 : vector<16xf32> to vector<1x16xf32>
      tpu.vector_store %arg9[%swap3A_2156, %swap3A_2157], %swap3A_2160 {add = true, strides = array<i32>} : memref<512x64xf32, #tpu.memory_space<vmem>>, vector<1x16xf32>,
      %get3A_2161 = arith.constant 9 : i32
      %get3A_2162 = arith.index_cast %get3A_2161 : i32 to index
      %get3A_2163 = arith.index_cast %and3A_2145 : i32 to index
      %get3A_2164 = arith.constant 16 : index
      %get3A_2165 = tpu.vector_load %arg8[%get3A_2162, %get3A_2163, %get3A_2164] {strides = array<i32>} : memref<16x8x64xf32, #tpu.memory_space<vmem>>, vector<1x1x16xf32>,
      %get3A_2166 = vector.shape_cast %get3A_2165 : vector<1x1x16xf32> to vector<16xf32>
      %swap3A_2167 = arith.index_cast %add3A_2149 : i32 to index
      %swap3A_2168 = arith.constant 16 : index
      %swap3A_2169 = tpu.vector_load %arg9[%swap3A_2167, %swap3A_2168] {strides = array<i32>} : memref<512x64xf32, #tpu.memory_space<vmem>>, vector<1x16xf32>,
      %swap3A_2170 = vector.shape_cast %swap3A_2169 : vector<1x16xf32> to vector<16xf32>
      %swap3A_2171 = vector.shape_cast %get3A_2166 : vector<16xf32> to vector<1x16xf32>
      tpu.vector_store %arg9[%swap3A_2167, %swap3A_2168], %swap3A_2171 {add = true, strides = array<i32>} : memref<512x64xf32, #tpu.memory_space<vmem>>, vector<1x16xf32>,
      %get3A_2172 = arith.constant 9 : i32
      %get3A_2173 = arith.index_cast %get3A_2172 : i32 to index
      %get3A_2174 = arith.index_cast %and3A_2145 : i32 to index
      %get3A_2175 = arith.constant 32 : index
      %get3A_2176 = tpu.vector_load %arg8[%get3A_2173, %get3A_2174, %get3A_2175] {strides = array<i32>} : memref<16x8x64xf32, #tpu.memory_space<vmem>>, vector<1x1x16xf32>,
      %get3A_2177 = vector.shape_cast %get3A_2176 : vector<1x1x16xf32> to vector<16xf32>
      %swap3A_2178 = arith.index_cast %add3A_2149 : i32 to index
      %swap3A_2179 = arith.constant 32 : index
      %swap3A_2180 = tpu.vector_load %arg9[%swap3A_2178, %swap3A_2179] {strides = array<i32>} : memref<512x64xf32, #tpu.memory_space<vmem>>, vector<1x16xf32>,
      %swap3A_2181 = vector.shape_cast %swap3A_2180 : vector<1x16xf32> to vector<16xf32>
      %swap3A_2182 = vector.shape_cast %get3A_2177 : vector<16xf32> to vector<1x16xf32>
      tpu.vector_store %arg9[%swap3A_2178, %swap3A_2179], %swap3A_2182 {add = true, strides = array<i32>} : memref<512x64xf32, #tpu.memory_space<vmem>>, vector<1x16xf32>,
      %get3A_2183 = arith.constant 9 : i32
      %get3A_2184 = arith.index_cast %get3A_2183 : i32 to index
      %get3A_2185 = arith.index_cast %and3A_2145 : i32 to index
      %get3A_2186 = arith.constant 48 : index
      %get3A_2187 = tpu.vector_load %arg8[%get3A_2184, %get3A_2185, %get3A_2186] {strides = array<i32>} : memref<16x8x64xf32, #tpu.memory_space<vmem>>, vector<1x1x16xf32>,
      %get3A_2188 = vector.shape_cast %get3A_2187 : vector<1x1x16xf32> to vector<16xf32>
      %swap3A_2189 = arith.index_cast %add3A_2149 : i32 to index
      %swap3A_2190 = arith.constant 48 : index
      %swap3A_2191 = tpu.vector_load %arg9[%swap3A_2189, %swap3A_2190] {strides = array<i32>} : memref<512x64xf32, #tpu.memory_space<vmem>>, vector<1x16xf32>,
      %swap3A_2192 = vector.shape_cast %swap3A_2191 : vector<1x16xf32> to vector<16xf32>
      %swap3A_2193 = vector.shape_cast %get3A_2188 : vector<16xf32> to vector<1x16xf32>
      tpu.vector_store %arg9[%swap3A_2189, %swap3A_2190], %swap3A_2193 {add = true, strides = array<i32>} : memref<512x64xf32, #tpu.memory_space<vmem>>, vector<1x16xf32>,
      %slice3A_2194 = vector.extract_strided_slice %get3A_1673 {offsets = [10], sizes = [1], strides = [1]} : vector<16xi32> to vector<1xi32>
      %squeeze3A_2195 = vector.extract %slice3A_2194[0] : i32 from vector<1xi32>
      %and3A_2196 = arith.constant 7 : i32
      %and3A_2197 = arith.andi %squeeze3A_2195, %and3A_2196 : i32
      %mul3A_2198 = arith.constant 16 : i32
      %mul3A_2199 = arith.muli %add3A_1619, %mul3A_2198 : i32
      %add3A_2200 = arith.constant 10 : i32
      %add3A_2201 = arith.addi %mul3A_2199, %add3A_2200 : i32
      %get3A_2202 = arith.constant 10 : i32
      %get3A_2203 = arith.index_cast %get3A_2202 : i32 to index
      %get3A_2204 = arith.index_cast %and3A_2197 : i32 to index
      %get3A_2205 = arith.constant 0 : index
      %get3A_2206 = tpu.vector_load %arg8[%get3A_2203, %get3A_2204, %get3A_2205] {strides = array<i32>} : memref<16x8x64xf32, #tpu.memory_space<vmem>>, vector<1x1x16xf32>,
      %get3A_2207 = vector.shape_cast %get3A_2206 : vector<1x1x16xf32> to vector<16xf32>
      %swap3A_2208 = arith.index_cast %add3A_2201 : i32 to index
      %swap3A_2209 = arith.constant 0 : index
      %swap3A_2210 = tpu.vector_load %arg9[%swap3A_2208, %swap3A_2209] {strides = array<i32>} : memref<512x64xf32, #tpu.memory_space<vmem>>, vector<1x16xf32>,
      %swap3A_2211 = vector.shape_cast %swap3A_2210 : vector<1x16xf32> to vector<16xf32>
      %swap3A_2212 = vector.shape_cast %get3A_2207 : vector<16xf32> to vector<1x16xf32>
      tpu.vector_store %arg9[%swap3A_2208, %swap3A_2209], %swap3A_2212 {add = true, strides = array<i32>} : memref<512x64xf32, #tpu.memory_space<vmem>>, vector<1x16xf32>,
      %get3A_2213 = arith.constant 10 : i32
      %get3A_2214 = arith.index_cast %get3A_2213 : i32 to index
      %get3A_2215 = arith.index_cast %and3A_2197 : i32 to index
      %get3A_2216 = arith.constant 16 : index
      %get3A_2217 = tpu.vector_load %arg8[%get3A_2214, %get3A_2215, %get3A_2216] {strides = array<i32>} : memref<16x8x64xf32, #tpu.memory_space<vmem>>, vector<1x1x16xf32>,
      %get3A_2218 = vector.shape_cast %get3A_2217 : vector<1x1x16xf32> to vector<16xf32>
      %swap3A_2219 = arith.index_cast %add3A_2201 : i32 to index
      %swap3A_2220 = arith.constant 16 : index
      %swap3A_2221 = tpu.vector_load %arg9[%swap3A_2219, %swap3A_2220] {strides = array<i32>} : memref<512x64xf32, #tpu.memory_space<vmem>>, vector<1x16xf32>,
      %swap3A_2222 = vector.shape_cast %swap3A_2221 : vector<1x16xf32> to vector<16xf32>
      %swap3A_2223 = vector.shape_cast %get3A_2218 : vector<16xf32> to vector<1x16xf32>
      tpu.vector_store %arg9[%swap3A_2219, %swap3A_2220], %swap3A_2223 {add = true, strides = array<i32>} : memref<512x64xf32, #tpu.memory_space<vmem>>, vector<1x16xf32>,
      %get3A_2224 = arith.constant 10 : i32
      %get3A_2225 = arith.index_cast %get3A_2224 : i32 to index
      %get3A_2226 = arith.index_cast %and3A_2197 : i32 to index
      %get3A_2227 = arith.constant 32 : index
      %get3A_2228 = tpu.vector_load %arg8[%get3A_2225, %get3A_2226, %get3A_2227] {strides = array<i32>} : memref<16x8x64xf32, #tpu.memory_space<vmem>>, vector<1x1x16xf32>,
      %get3A_2229 = vector.shape_cast %get3A_2228 : vector<1x1x16xf32> to vector<16xf32>
      %swap3A_2230 = arith.index_cast %add3A_2201 : i32 to index
      %swap3A_2231 = arith.constant 32 : index
      %swap3A_2232 = tpu.vector_load %arg9[%swap3A_2230, %swap3A_2231] {strides = array<i32>} : memref<512x64xf32, #tpu.memory_space<vmem>>, vector<1x16xf32>,
      %swap3A_2233 = vector.shape_cast %swap3A_2232 : vector<1x16xf32> to vector<16xf32>
      %swap3A_2234 = vector.shape_cast %get3A_2229 : vector<16xf32> to vector<1x16xf32>
      tpu.vector_store %arg9[%swap3A_2230, %swap3A_2231], %swap3A_2234 {add = true, strides = array<i32>} : memref<512x64xf32, #tpu.memory_space<vmem>>, vector<1x16xf32>,
      %get3A_2235 = arith.constant 10 : i32
      %get3A_2236 = arith.index_cast %get3A_2235 : i32 to index
      %get3A_2237 = arith.index_cast %and3A_2197 : i32 to index
      %get3A_2238 = arith.constant 48 : index
      %get3A_2239 = tpu.vector_load %arg8[%get3A_2236, %get3A_2237, %get3A_2238] {strides = array<i32>} : memref<16x8x64xf32, #tpu.memory_space<vmem>>, vector<1x1x16xf32>,
      %get3A_2240 = vector.shape_cast %get3A_2239 : vector<1x1x16xf32> to vector<16xf32>
      %swap3A_2241 = arith.index_cast %add3A_2201 : i32 to index
      %swap3A_2242 = arith.constant 48 : index
      %swap3A_2243 = tpu.vector_load %arg9[%swap3A_2241, %swap3A_2242] {strides = array<i32>} : memref<512x64xf32, #tpu.memory_space<vmem>>, vector<1x16xf32>,
      %swap3A_2244 = vector.shape_cast %swap3A_2243 : vector<1x16xf32> to vector<16xf32>
      %swap3A_2245 = vector.shape_cast %get3A_2240 : vector<16xf32> to vector<1x16xf32>
      tpu.vector_store %arg9[%swap3A_2241, %swap3A_2242], %swap3A_2245 {add = true, strides = array<i32>} : memref<512x64xf32, #tpu.memory_space<vmem>>, vector<1x16xf32>,
      %slice3A_2246 = vector.extract_strided_slice %get3A_1673 {offsets = [11], sizes = [1], strides = [1]} : vector<16xi32> to vector<1xi32>
      %squeeze3A_2247 = vector.extract %slice3A_2246[0] : i32 from vector<1xi32>
      %and3A_2248 = arith.constant 7 : i32
      %and3A_2249 = arith.andi %squeeze3A_2247, %and3A_2248 : i32
      %mul3A_2250 = arith.constant 16 : i32
      %mul3A_2251 = arith.muli %add3A_1619, %mul3A_2250 : i32
      %add3A_2252 = arith.constant 11 : i32
      %add3A_2253 = arith.addi %mul3A_2251, %add3A_2252 : i32
      %get3A_2254 = arith.constant 11 : i32
      %get3A_2255 = arith.index_cast %get3A_2254 : i32 to index
      %get3A_2256 = arith.index_cast %and3A_2249 : i32 to index
      %get3A_2257 = arith.constant 0 : index
      %get3A_2258 = tpu.vector_load %arg8[%get3A_2255, %get3A_2256, %get3A_2257] {strides = array<i32>} : memref<16x8x64xf32, #tpu.memory_space<vmem>>, vector<1x1x16xf32>,
      %get3A_2259 = vector.shape_cast %get3A_2258 : vector<1x1x16xf32> to vector<16xf32>
      %swap3A_2260 = arith.index_cast %add3A_2253 : i32 to index
      %swap3A_2261 = arith.constant 0 : index
      %swap3A_2262 = tpu.vector_load %arg9[%swap3A_2260, %swap3A_2261] {strides = array<i32>} : memref<512x64xf32, #tpu.memory_space<vmem>>, vector<1x16xf32>,
      %swap3A_2263 = vector.shape_cast %swap3A_2262 : vector<1x16xf32> to vector<16xf32>
      %swap3A_2264 = vector.shape_cast %get3A_2259 : vector<16xf32> to vector<1x16xf32>
      tpu.vector_store %arg9[%swap3A_2260, %swap3A_2261], %swap3A_2264 {add = true, strides = array<i32>} : memref<512x64xf32, #tpu.memory_space<vmem>>, vector<1x16xf32>,
      %get3A_2265 = arith.constant 11 : i32
      %get3A_2266 = arith.index_cast %get3A_2265 : i32 to index
      %get3A_2267 = arith.index_cast %and3A_2249 : i32 to index
      %get3A_2268 = arith.constant 16 : index
      %get3A_2269 = tpu.vector_load %arg8[%get3A_2266, %get3A_2267, %get3A_2268] {strides = array<i32>} : memref<16x8x64xf32, #tpu.memory_space<vmem>>, vector<1x1x16xf32>,
      %get3A_2270 = vector.shape_cast %get3A_2269 : vector<1x1x16xf32> to vector<16xf32>
      %swap3A_2271 = arith.index_cast %add3A_2253 : i32 to index
      %swap3A_2272 = arith.constant 16 : index
      %swap3A_2273 = tpu.vector_load %arg9[%swap3A_2271, %swap3A_2272] {strides = array<i32>} : memref<512x64xf32, #tpu.memory_space<vmem>>, vector<1x16xf32>,
      %swap3A_2274 = vector.shape_cast %swap3A_2273 : vector<1x16xf32> to vector<16xf32>
      %swap3A_2275 = vector.shape_cast %get3A_2270 : vector<16xf32> to vector<1x16xf32>
      tpu.vector_store %arg9[%swap3A_2271, %swap3A_2272], %swap3A_2275 {add = true, strides = array<i32>} : memref<512x64xf32, #tpu.memory_space<vmem>>, vector<1x16xf32>,
      %get3A_2276 = arith.constant 11 : i32
      %get3A_2277 = arith.index_cast %get3A_2276 : i32 to index
      %get3A_2278 = arith.index_cast %and3A_2249 : i32 to index
      %get3A_2279 = arith.constant 32 : index
      %get3A_2280 = tpu.vector_load %arg8[%get3A_2277, %get3A_2278, %get3A_2279] {strides = array<i32>} : memref<16x8x64xf32, #tpu.memory_space<vmem>>, vector<1x1x16xf32>,
      %get3A_2281 = vector.shape_cast %get3A_2280 : vector<1x1x16xf32> to vector<16xf32>
      %swap3A_2282 = arith.index_cast %add3A_2253 : i32 to index
      %swap3A_2283 = arith.constant 32 : index
      %swap3A_2284 = tpu.vector_load %arg9[%swap3A_2282, %swap3A_2283] {strides = array<i32>} : memref<512x64xf32, #tpu.memory_space<vmem>>, vector<1x16xf32>,
      %swap3A_2285 = vector.shape_cast %swap3A_2284 : vector<1x16xf32> to vector<16xf32>
      %swap3A_2286 = vector.shape_cast %get3A_2281 : vector<16xf32> to vector<1x16xf32>
      tpu.vector_store %arg9[%swap3A_2282, %swap3A_2283], %swap3A_2286 {add = true, strides = array<i32>} : memref<512x64xf32, #tpu.memory_space<vmem>>, vector<1x16xf32>,
      %get3A_2287 = arith.constant 11 : i32
      %get3A_2288 = arith.index_cast %get3A_2287 : i32 to index
      %get3A_2289 = arith.index_cast %and3A_2249 : i32 to index
      %get3A_2290 = arith.constant 48 : index
      %get3A_2291 = tpu.vector_load %arg8[%get3A_2288, %get3A_2289, %get3A_2290] {strides = array<i32>} : memref<16x8x64xf32, #tpu.memory_space<vmem>>, vector<1x1x16xf32>,
      %get3A_2292 = vector.shape_cast %get3A_2291 : vector<1x1x16xf32> to vector<16xf32>
      %swap3A_2293 = arith.index_cast %add3A_2253 : i32 to index
      %swap3A_2294 = arith.constant 48 : index
      %swap3A_2295 = tpu.vector_load %arg9[%swap3A_2293, %swap3A_2294] {strides = array<i32>} : memref<512x64xf32, #tpu.memory_space<vmem>>, vector<1x16xf32>,
      %swap3A_2296 = vector.shape_cast %swap3A_2295 : vector<1x16xf32> to vector<16xf32>
      %swap3A_2297 = vector.shape_cast %get3A_2292 : vector<16xf32> to vector<1x16xf32>
      tpu.vector_store %arg9[%swap3A_2293, %swap3A_2294], %swap3A_2297 {add = true, strides = array<i32>} : memref<512x64xf32, #tpu.memory_space<vmem>>, vector<1x16xf32>,
      %slice3A_2298 = vector.extract_strided_slice %get3A_1673 {offsets = [12], sizes = [1], strides = [1]} : vector<16xi32> to vector<1xi32>
      %squeeze3A_2299 = vector.extract %slice3A_2298[0] : i32 from vector<1xi32>
      %and3A_2300 = arith.constant 7 : i32
      %and3A_2301 = arith.andi %squeeze3A_2299, %and3A_2300 : i32
      %mul3A_2302 = arith.constant 16 : i32
      %mul3A_2303 = arith.muli %add3A_1619, %mul3A_2302 : i32
      %add3A_2304 = arith.constant 12 : i32
      %add3A_2305 = arith.addi %mul3A_2303, %add3A_2304 : i32
      %get3A_2306 = arith.constant 12 : i32
      %get3A_2307 = arith.index_cast %get3A_2306 : i32 to index
      %get3A_2308 = arith.index_cast %and3A_2301 : i32 to index
      %get3A_2309 = arith.constant 0 : index
      %get3A_2310 = tpu.vector_load %arg8[%get3A_2307, %get3A_2308, %get3A_2309] {strides = array<i32>} : memref<16x8x64xf32, #tpu.memory_space<vmem>>, vector<1x1x16xf32>,
      %get3A_2311 = vector.shape_cast %get3A_2310 : vector<1x1x16xf32> to vector<16xf32>
      %swap3A_2312 = arith.index_cast %add3A_2305 : i32 to index
      %swap3A_2313 = arith.constant 0 : index
      %swap3A_2314 = tpu.vector_load %arg9[%swap3A_2312, %swap3A_2313] {strides = array<i32>} : memref<512x64xf32, #tpu.memory_space<vmem>>, vector<1x16xf32>,
      %swap3A_2315 = vector.shape_cast %swap3A_2314 : vector<1x16xf32> to vector<16xf32>
      %swap3A_2316 = vector.shape_cast %get3A_2311 : vector<16xf32> to vector<1x16xf32>
      tpu.vector_store %arg9[%swap3A_2312, %swap3A_2313], %swap3A_2316 {add = true, strides = array<i32>} : memref<512x64xf32, #tpu.memory_space<vmem>>, vector<1x16xf32>,
      %get3A_2317 = arith.constant 12 : i32
      %get3A_2318 = arith.index_cast %get3A_2317 : i32 to index
      %get3A_2319 = arith.index_cast %and3A_2301 : i32 to index
      %get3A_2320 = arith.constant 16 : index
      %get3A_2321 = tpu.vector_load %arg8[%get3A_2318, %get3A_2319, %get3A_2320] {strides = array<i32>} : memref<16x8x64xf32, #tpu.memory_space<vmem>>, vector<1x1x16xf32>,
      %get3A_2322 = vector.shape_cast %get3A_2321 : vector<1x1x16xf32> to vector<16xf32>
      %swap3A_2323 = arith.index_cast %add3A_2305 : i32 to index
      %swap3A_2324 = arith.constant 16 : index
      %swap3A_2325 = tpu.vector_load %arg9[%swap3A_2323, %swap3A_2324] {strides = array<i32>} : memref<512x64xf32, #tpu.memory_space<vmem>>, vector<1x16xf32>,
      %swap3A_2326 = vector.shape_cast %swap3A_2325 : vector<1x16xf32> to vector<16xf32>
      %swap3A_2327 = vector.shape_cast %get3A_2322 : vector<16xf32> to vector<1x16xf32>
      tpu.vector_store %arg9[%swap3A_2323, %swap3A_2324], %swap3A_2327 {add = true, strides = array<i32>} : memref<512x64xf32, #tpu.memory_space<vmem>>, vector<1x16xf32>,
      %get3A_2328 = arith.constant 12 : i32
      %get3A_2329 = arith.index_cast %get3A_2328 : i32 to index
      %get3A_2330 = arith.index_cast %and3A_2301 : i32 to index
      %get3A_2331 = arith.constant 32 : index
      %get3A_2332 = tpu.vector_load %arg8[%get3A_2329, %get3A_2330, %get3A_2331] {strides = array<i32>} : memref<16x8x64xf32, #tpu.memory_space<vmem>>, vector<1x1x16xf32>,
      %get3A_2333 = vector.shape_cast %get3A_2332 : vector<1x1x16xf32> to vector<16xf32>
      %swap3A_2334 = arith.index_cast %add3A_2305 : i32 to index
      %swap3A_2335 = arith.constant 32 : index
      %swap3A_2336 = tpu.vector_load %arg9[%swap3A_2334, %swap3A_2335] {strides = array<i32>} : memref<512x64xf32, #tpu.memory_space<vmem>>, vector<1x16xf32>,
      %swap3A_2337 = vector.shape_cast %swap3A_2336 : vector<1x16xf32> to vector<16xf32>
      %swap3A_2338 = vector.shape_cast %get3A_2333 : vector<16xf32> to vector<1x16xf32>
      tpu.vector_store %arg9[%swap3A_2334, %swap3A_2335], %swap3A_2338 {add = true, strides = array<i32>} : memref<512x64xf32, #tpu.memory_space<vmem>>, vector<1x16xf32>,
      %get3A_2339 = arith.constant 12 : i32
      %get3A_2340 = arith.index_cast %get3A_2339 : i32 to index
      %get3A_2341 = arith.index_cast %and3A_2301 : i32 to index
      %get3A_2342 = arith.constant 48 : index
      %get3A_2343 = tpu.vector_load %arg8[%get3A_2340, %get3A_2341, %get3A_2342] {strides = array<i32>} : memref<16x8x64xf32, #tpu.memory_space<vmem>>, vector<1x1x16xf32>,
      %get3A_2344 = vector.shape_cast %get3A_2343 : vector<1x1x16xf32> to vector<16xf32>
      %swap3A_2345 = arith.index_cast %add3A_2305 : i32 to index
      %swap3A_2346 = arith.constant 48 : index
      %swap3A_2347 = tpu.vector_load %arg9[%swap3A_2345, %swap3A_2346] {strides = array<i32>} : memref<512x64xf32, #tpu.memory_space<vmem>>, vector<1x16xf32>,
      %swap3A_2348 = vector.shape_cast %swap3A_2347 : vector<1x16xf32> to vector<16xf32>
      %swap3A_2349 = vector.shape_cast %get3A_2344 : vector<16xf32> to vector<1x16xf32>
      tpu.vector_store %arg9[%swap3A_2345, %swap3A_2346], %swap3A_2349 {add = true, strides = array<i32>} : memref<512x64xf32, #tpu.memory_space<vmem>>, vector<1x16xf32>,
      %slice3A_2350 = vector.extract_strided_slice %get3A_1673 {offsets = [13], sizes = [1], strides = [1]} : vector<16xi32> to vector<1xi32>
      %squeeze3A_2351 = vector.extract %slice3A_2350[0] : i32 from vector<1xi32>
      %and3A_2352 = arith.constant 7 : i32
      %and3A_2353 = arith.andi %squeeze3A_2351, %and3A_2352 : i32
      %mul3A_2354 = arith.constant 16 : i32
      %mul3A_2355 = arith.muli %add3A_1619, %mul3A_2354 : i32
      %add3A_2356 = arith.constant 13 : i32
      %add3A_2357 = arith.addi %mul3A_2355, %add3A_2356 : i32
      %get3A_2358 = arith.constant 13 : i32
      %get3A_2359 = arith.index_cast %get3A_2358 : i32 to index
      %get3A_2360 = arith.index_cast %and3A_2353 : i32 to index
      %get3A_2361 = arith.constant 0 : index
      %get3A_2362 = tpu.vector_load %arg8[%get3A_2359, %get3A_2360, %get3A_2361] {strides = array<i32>} : memref<16x8x64xf32, #tpu.memory_space<vmem>>, vector<1x1x16xf32>,
      %get3A_2363 = vector.shape_cast %get3A_2362 : vector<1x1x16xf32> to vector<16xf32>
      %swap3A_2364 = arith.index_cast %add3A_2357 : i32 to index
      %swap3A_2365 = arith.constant 0 : index
      %swap3A_2366 = tpu.vector_load %arg9[%swap3A_2364, %swap3A_2365] {strides = array<i32>} : memref<512x64xf32, #tpu.memory_space<vmem>>, vector<1x16xf32>,
      %swap3A_2367 = vector.shape_cast %swap3A_2366 : vector<1x16xf32> to vector<16xf32>
      %swap3A_2368 = vector.shape_cast %get3A_2363 : vector<16xf32> to vector<1x16xf32>
      tpu.vector_store %arg9[%swap3A_2364, %swap3A_2365], %swap3A_2368 {add = true, strides = array<i32>} : memref<512x64xf32, #tpu.memory_space<vmem>>, vector<1x16xf32>,
      %get3A_2369 = arith.constant 13 : i32
      %get3A_2370 = arith.index_cast %get3A_2369 : i32 to index
      %get3A_2371 = arith.index_cast %and3A_2353 : i32 to index
      %get3A_2372 = arith.constant 16 : index
      %get3A_2373 = tpu.vector_load %arg8[%get3A_2370, %get3A_2371, %get3A_2372] {strides = array<i32>} : memref<16x8x64xf32, #tpu.memory_space<vmem>>, vector<1x1x16xf32>,
      %get3A_2374 = vector.shape_cast %get3A_2373 : vector<1x1x16xf32> to vector<16xf32>
      %swap3A_2375 = arith.index_cast %add3A_2357 : i32 to index
      %swap3A_2376 = arith.constant 16 : index
      %swap3A_2377 = tpu.vector_load %arg9[%swap3A_2375, %swap3A_2376] {strides = array<i32>} : memref<512x64xf32, #tpu.memory_space<vmem>>, vector<1x16xf32>,
      %swap3A_2378 = vector.shape_cast %swap3A_2377 : vector<1x16xf32> to vector<16xf32>
      %swap3A_2379 = vector.shape_cast %get3A_2374 : vector<16xf32> to vector<1x16xf32>
      tpu.vector_store %arg9[%swap3A_2375, %swap3A_2376], %swap3A_2379 {add = true, strides = array<i32>} : memref<512x64xf32, #tpu.memory_space<vmem>>, vector<1x16xf32>,
      %get3A_2380 = arith.constant 13 : i32
      %get3A_2381 = arith.index_cast %get3A_2380 : i32 to index
      %get3A_2382 = arith.index_cast %and3A_2353 : i32 to index
      %get3A_2383 = arith.constant 32 : index
      %get3A_2384 = tpu.vector_load %arg8[%get3A_2381, %get3A_2382, %get3A_2383] {strides = array<i32>} : memref<16x8x64xf32, #tpu.memory_space<vmem>>, vector<1x1x16xf32>,
      %get3A_2385 = vector.shape_cast %get3A_2384 : vector<1x1x16xf32> to vector<16xf32>
      %swap3A_2386 = arith.index_cast %add3A_2357 : i32 to index
      %swap3A_2387 = arith.constant 32 : index
      %swap3A_2388 = tpu.vector_load %arg9[%swap3A_2386, %swap3A_2387] {strides = array<i32>} : memref<512x64xf32, #tpu.memory_space<vmem>>, vector<1x16xf32>,
      %swap3A_2389 = vector.shape_cast %swap3A_2388 : vector<1x16xf32> to vector<16xf32>
      %swap3A_2390 = vector.shape_cast %get3A_2385 : vector<16xf32> to vector<1x16xf32>
      tpu.vector_store %arg9[%swap3A_2386, %swap3A_2387], %swap3A_2390 {add = true, strides = array<i32>} : memref<512x64xf32, #tpu.memory_space<vmem>>, vector<1x16xf32>,
      %get3A_2391 = arith.constant 13 : i32
      %get3A_2392 = arith.index_cast %get3A_2391 : i32 to index
      %get3A_2393 = arith.index_cast %and3A_2353 : i32 to index
      %get3A_2394 = arith.constant 48 : index
      %get3A_2395 = tpu.vector_load %arg8[%get3A_2392, %get3A_2393, %get3A_2394] {strides = array<i32>} : memref<16x8x64xf32, #tpu.memory_space<vmem>>, vector<1x1x16xf32>,
      %get3A_2396 = vector.shape_cast %get3A_2395 : vector<1x1x16xf32> to vector<16xf32>
      %swap3A_2397 = arith.index_cast %add3A_2357 : i32 to index
      %swap3A_2398 = arith.constant 48 : index
      %swap3A_2399 = tpu.vector_load %arg9[%swap3A_2397, %swap3A_2398] {strides = array<i32>} : memref<512x64xf32, #tpu.memory_space<vmem>>, vector<1x16xf32>,
      %swap3A_2400 = vector.shape_cast %swap3A_2399 : vector<1x16xf32> to vector<16xf32>
      %swap3A_2401 = vector.shape_cast %get3A_2396 : vector<16xf32> to vector<1x16xf32>
      tpu.vector_store %arg9[%swap3A_2397, %swap3A_2398], %swap3A_2401 {add = true, strides = array<i32>} : memref<512x64xf32, #tpu.memory_space<vmem>>, vector<1x16xf32>,
      %slice3A_2402 = vector.extract_strided_slice %get3A_1673 {offsets = [14], sizes = [1], strides = [1]} : vector<16xi32> to vector<1xi32>
      %squeeze3A_2403 = vector.extract %slice3A_2402[0] : i32 from vector<1xi32>
      %and3A_2404 = arith.constant 7 : i32
      %and3A_2405 = arith.andi %squeeze3A_2403, %and3A_2404 : i32
      %mul3A_2406 = arith.constant 16 : i32
      %mul3A_2407 = arith.muli %add3A_1619, %mul3A_2406 : i32
      %add3A_2408 = arith.constant 14 : i32
      %add3A_2409 = arith.addi %mul3A_2407, %add3A_2408 : i32
      %get3A_2410 = arith.constant 14 : i32
      %get3A_2411 = arith.index_cast %get3A_2410 : i32 to index
      %get3A_2412 = arith.index_cast %and3A_2405 : i32 to index
      %get3A_2413 = arith.constant 0 : index
      %get3A_2414 = tpu.vector_load %arg8[%get3A_2411, %get3A_2412, %get3A_2413] {strides = array<i32>} : memref<16x8x64xf32, #tpu.memory_space<vmem>>, vector<1x1x16xf32>,
      %get3A_2415 = vector.shape_cast %get3A_2414 : vector<1x1x16xf32> to vector<16xf32>
      %swap3A_2416 = arith.index_cast %add3A_2409 : i32 to index
      %swap3A_2417 = arith.constant 0 : index
      %swap3A_2418 = tpu.vector_load %arg9[%swap3A_2416, %swap3A_2417] {strides = array<i32>} : memref<512x64xf32, #tpu.memory_space<vmem>>, vector<1x16xf32>,
      %swap3A_2419 = vector.shape_cast %swap3A_2418 : vector<1x16xf32> to vector<16xf32>
      %swap3A_2420 = vector.shape_cast %get3A_2415 : vector<16xf32> to vector<1x16xf32>
      tpu.vector_store %arg9[%swap3A_2416, %swap3A_2417], %swap3A_2420 {add = true, strides = array<i32>} : memref<512x64xf32, #tpu.memory_space<vmem>>, vector<1x16xf32>,
      %get3A_2421 = arith.constant 14 : i32
      %get3A_2422 = arith.index_cast %get3A_2421 : i32 to index
      %get3A_2423 = arith.index_cast %and3A_2405 : i32 to index
      %get3A_2424 = arith.constant 16 : index
      %get3A_2425 = tpu.vector_load %arg8[%get3A_2422, %get3A_2423, %get3A_2424] {strides = array<i32>} : memref<16x8x64xf32, #tpu.memory_space<vmem>>, vector<1x1x16xf32>,
      %get3A_2426 = vector.shape_cast %get3A_2425 : vector<1x1x16xf32> to vector<16xf32>
      %swap3A_2427 = arith.index_cast %add3A_2409 : i32 to index
      %swap3A_2428 = arith.constant 16 : index
      %swap3A_2429 = tpu.vector_load %arg9[%swap3A_2427, %swap3A_2428] {strides = array<i32>} : memref<512x64xf32, #tpu.memory_space<vmem>>, vector<1x16xf32>,
      %swap3A_2430 = vector.shape_cast %swap3A_2429 : vector<1x16xf32> to vector<16xf32>
      %swap3A_2431 = vector.shape_cast %get3A_2426 : vector<16xf32> to vector<1x16xf32>
      tpu.vector_store %arg9[%swap3A_2427, %swap3A_2428], %swap3A_2431 {add = true, strides = array<i32>} : memref<512x64xf32, #tpu.memory_space<vmem>>, vector<1x16xf32>,
      %get3A_2432 = arith.constant 14 : i32
      %get3A_2433 = arith.index_cast %get3A_2432 : i32 to index
      %get3A_2434 = arith.index_cast %and3A_2405 : i32 to index
      %get3A_2435 = arith.constant 32 : index
      %get3A_2436 = tpu.vector_load %arg8[%get3A_2433, %get3A_2434, %get3A_2435] {strides = array<i32>} : memref<16x8x64xf32, #tpu.memory_space<vmem>>, vector<1x1x16xf32>,
      %get3A_2437 = vector.shape_cast %get3A_2436 : vector<1x1x16xf32> to vector<16xf32>
      %swap3A_2438 = arith.index_cast %add3A_2409 : i32 to index
      %swap3A_2439 = arith.constant 32 : index
      %swap3A_2440 = tpu.vector_load %arg9[%swap3A_2438, %swap3A_2439] {strides = array<i32>} : memref<512x64xf32, #tpu.memory_space<vmem>>, vector<1x16xf32>,
      %swap3A_2441 = vector.shape_cast %swap3A_2440 : vector<1x16xf32> to vector<16xf32>
      %swap3A_2442 = vector.shape_cast %get3A_2437 : vector<16xf32> to vector<1x16xf32>
      tpu.vector_store %arg9[%swap3A_2438, %swap3A_2439], %swap3A_2442 {add = true, strides = array<i32>} : memref<512x64xf32, #tpu.memory_space<vmem>>, vector<1x16xf32>,
      %get3A_2443 = arith.constant 14 : i32
      %get3A_2444 = arith.index_cast %get3A_2443 : i32 to index
      %get3A_2445 = arith.index_cast %and3A_2405 : i32 to index
      %get3A_2446 = arith.constant 48 : index
      %get3A_2447 = tpu.vector_load %arg8[%get3A_2444, %get3A_2445, %get3A_2446] {strides = array<i32>} : memref<16x8x64xf32, #tpu.memory_space<vmem>>, vector<1x1x16xf32>,
      %get3A_2448 = vector.shape_cast %get3A_2447 : vector<1x1x16xf32> to vector<16xf32>
      %swap3A_2449 = arith.index_cast %add3A_2409 : i32 to index
      %swap3A_2450 = arith.constant 48 : index
      %swap3A_2451 = tpu.vector_load %arg9[%swap3A_2449, %swap3A_2450] {strides = array<i32>} : memref<512x64xf32, #tpu.memory_space<vmem>>, vector<1x16xf32>,
      %swap3A_2452 = vector.shape_cast %swap3A_2451 : vector<1x16xf32> to vector<16xf32>
      %swap3A_2453 = vector.shape_cast %get3A_2448 : vector<16xf32> to vector<1x16xf32>
      tpu.vector_store %arg9[%swap3A_2449, %swap3A_2450], %swap3A_2453 {add = true, strides = array<i32>} : memref<512x64xf32, #tpu.memory_space<vmem>>, vector<1x16xf32>,
      %slice3A_2454 = vector.extract_strided_slice %get3A_1673 {offsets = [15], sizes = [1], strides = [1]} : vector<16xi32> to vector<1xi32>
      %squeeze3A_2455 = vector.extract %slice3A_2454[0] : i32 from vector<1xi32>
      %and3A_2456 = arith.constant 7 : i32
      %and3A_2457 = arith.andi %squeeze3A_2455, %and3A_2456 : i32
      %mul3A_2458 = arith.constant 16 : i32
      %mul3A_2459 = arith.muli %add3A_1619, %mul3A_2458 : i32
      %add3A_2460 = arith.constant 15 : i32
      %add3A_2461 = arith.addi %mul3A_2459, %add3A_2460 : i32
      %get3A_2462 = arith.constant 15 : i32
      %get3A_2463 = arith.index_cast %get3A_2462 : i32 to index
      %get3A_2464 = arith.index_cast %and3A_2457 : i32 to index
      %get3A_2465 = arith.constant 0 : index
      %get3A_2466 = tpu.vector_load %arg8[%get3A_2463, %get3A_2464, %get3A_2465] {strides = array<i32>} : memref<16x8x64xf32, #tpu.memory_space<vmem>>, vector<1x1x16xf32>,
      %get3A_2467 = vector.shape_cast %get3A_2466 : vector<1x1x16xf32> to vector<16xf32>
      %swap3A_2468 = arith.index_cast %add3A_2461 : i32 to index
      %swap3A_2469 = arith.constant 0 : index
      %swap3A_2470 = tpu.vector_load %arg9[%swap3A_2468, %swap3A_2469] {strides = array<i32>} : memref<512x64xf32, #tpu.memory_space<vmem>>, vector<1x16xf32>,
      %swap3A_2471 = vector.shape_cast %swap3A_2470 : vector<1x16xf32> to vector<16xf32>
      %swap3A_2472 = vector.shape_cast %get3A_2467 : vector<16xf32> to vector<1x16xf32>
      tpu.vector_store %arg9[%swap3A_2468, %swap3A_2469], %swap3A_2472 {add = true, strides = array<i32>} : memref<512x64xf32, #tpu.memory_space<vmem>>, vector<1x16xf32>,
      %get3A_2473 = arith.constant 15 : i32
      %get3A_2474 = arith.index_cast %get3A_2473 : i32 to index
      %get3A_2475 = arith.index_cast %and3A_2457 : i32 to index
      %get3A_2476 = arith.constant 16 : index
      %get3A_2477 = tpu.vector_load %arg8[%get3A_2474, %get3A_2475, %get3A_2476] {strides = array<i32>} : memref<16x8x64xf32, #tpu.memory_space<vmem>>, vector<1x1x16xf32>,
      %get3A_2478 = vector.shape_cast %get3A_2477 : vector<1x1x16xf32> to vector<16xf32>
      %swap3A_2479 = arith.index_cast %add3A_2461 : i32 to index
      %swap3A_2480 = arith.constant 16 : index
      %swap3A_2481 = tpu.vector_load %arg9[%swap3A_2479, %swap3A_2480] {strides = array<i32>} : memref<512x64xf32, #tpu.memory_space<vmem>>, vector<1x16xf32>,
      %swap3A_2482 = vector.shape_cast %swap3A_2481 : vector<1x16xf32> to vector<16xf32>
      %swap3A_2483 = vector.shape_cast %get3A_2478 : vector<16xf32> to vector<1x16xf32>
      tpu.vector_store %arg9[%swap3A_2479, %swap3A_2480], %swap3A_2483 {add = true, strides = array<i32>} : memref<512x64xf32, #tpu.memory_space<vmem>>, vector<1x16xf32>,
      %get3A_2484 = arith.constant 15 : i32
      %get3A_2485 = arith.index_cast %get3A_2484 : i32 to index
      %get3A_2486 = arith.index_cast %and3A_2457 : i32 to index
      %get3A_2487 = arith.constant 32 : index
      %get3A_2488 = tpu.vector_load %arg8[%get3A_2485, %get3A_2486, %get3A_2487] {strides = array<i32>} : memref<16x8x64xf32, #tpu.memory_space<vmem>>, vector<1x1x16xf32>,
      %get3A_2489 = vector.shape_cast %get3A_2488 : vector<1x1x16xf32> to vector<16xf32>
      %swap3A_2490 = arith.index_cast %add3A_2461 : i32 to index
      %swap3A_2491 = arith.constant 32 : index
      %swap3A_2492 = tpu.vector_load %arg9[%swap3A_2490, %swap3A_2491] {strides = array<i32>} : memref<512x64xf32, #tpu.memory_space<vmem>>, vector<1x16xf32>,
      %swap3A_2493 = vector.shape_cast %swap3A_2492 : vector<1x16xf32> to vector<16xf32>
      %swap3A_2494 = vector.shape_cast %get3A_2489 : vector<16xf32> to vector<1x16xf32>
      tpu.vector_store %arg9[%swap3A_2490, %swap3A_2491], %swap3A_2494 {add = true, strides = array<i32>} : memref<512x64xf32, #tpu.memory_space<vmem>>, vector<1x16xf32>,
      %get3A_2495 = arith.constant 15 : i32
      %get3A_2496 = arith.index_cast %get3A_2495 : i32 to index
      %get3A_2497 = arith.index_cast %and3A_2457 : i32 to index
      %get3A_2498 = arith.constant 48 : index
      %get3A_2499 = tpu.vector_load %arg8[%get3A_2496, %get3A_2497, %get3A_2498] {strides = array<i32>} : memref<16x8x64xf32, #tpu.memory_space<vmem>>, vector<1x1x16xf32>,
      %get3A_2500 = vector.shape_cast %get3A_2499 : vector<1x1x16xf32> to vector<16xf32>
      %swap3A_2501 = arith.index_cast %add3A_2461 : i32 to index
      %swap3A_2502 = arith.constant 48 : index
      %swap3A_2503 = tpu.vector_load %arg9[%swap3A_2501, %swap3A_2502] {strides = array<i32>} : memref<512x64xf32, #tpu.memory_space<vmem>>, vector<1x16xf32>,
      %swap3A_2504 = vector.shape_cast %swap3A_2503 : vector<1x16xf32> to vector<16xf32>
      %swap3A_2505 = vector.shape_cast %get3A_2500 : vector<16xf32> to vector<1x16xf32>
      tpu.vector_store %arg9[%swap3A_2501, %swap3A_2502], %swap3A_2505 {add = true, strides = array<i32>} : memref<512x64xf32, #tpu.memory_space<vmem>>, vector<1x16xf32>,
    }
    %scan3A_350 = arith.constant 16 : i32
    "tpu.region"() ({
      %run_scoped3A = tpu.sem_alloc : memref<!tpu.dma_semaphore, #tpu.memory_space<semaphore_mem>>
      %dma_start3A_351 = arith.constant 0 : i32
      %dma_start3A_352 = tpu.memref_slice %arg5[%mul3A_2, %dma_start3A_351] : memref<16384x64xf32, #tpu.memory_space<hbm>> -> memref<512x64xf32, #tpu.memory_space<hbm>>
      %dma_start3A_353 = arith.constant 0 : i32
      %dma_start3A_354 = tpu.memref_slice %arg5[%mul3A_2, %dma_start3A_353] : memref<16384x64xf32, #tpu.memory_space<hbm>> -> memref<512x64xf32, #tpu.memory_space<hbm>>
      tpu.enqueue_dma source(%arg9 : memref<512x64xf32, #tpu.memory_space<vmem>>) target(%dma_start3A_354 : memref<512x64xf32, #tpu.memory_space<hbm>>) target_semaphore(%run_scoped3A : memref<!tpu.dma_semaphore, #tpu.memory_space<semaphore_mem>>)
      %dma_wait3A_355 = arith.constant 0 : i32
      %dma_wait3A_356 = tpu.memref_slice %arg5[%mul3A_2, %dma_wait3A_355] : memref<16384x64xf32, #tpu.memory_space<hbm>> -> memref<512x64xf32, #tpu.memory_space<hbm>>
      %dma_wait3A_357 = arith.constant 0 : i32
      %dma_wait3A_358 = tpu.memref_slice %arg5[%mul3A_2, %dma_wait3A_357] : memref<16384x64xf32, #tpu.memory_space<hbm>> -> memref<512x64xf32, #tpu.memory_space<hbm>>
      tpu.wait_dma2 semaphore(%run_scoped3A : memref<!tpu.dma_semaphore, #tpu.memory_space<semaphore_mem>>) src(%arg9 : memref<512x64xf32, #tpu.memory_space<vmem>>) dst(%dma_wait3A_358 : memref<512x64xf32, #tpu.memory_space<hbm>>)
      tpu.yield
    }) : () -> ()
    return
  }
}

</mosaic_0001>

<sc_bundles>
// kernel: kernel.3.cloned.1.call-start
scs
__scs_entry_jumppad:
0x0: {  	(pc) =	sbr.rel $0x88, $3  }
0x1: {  	(tag) =	ssettag $0x0;
	lr =	simm.s32 $0x1  }
0x2: {  	[smem:$0x3F9E] =	sst lr;
	_ =	strace $0xD0000000  }
0x3: {  	_ = 	snop  }
0x4: {  	_ = 	snop  }
0x5: {  	_ = 	snop  }
0x6: {  	_ = 	snop  }
0x7: {  	_ = 	snop  }
__scs_overlays_trampoline_lowered:
0x8: {  	[smem:$0x3FAD] =	sst s0  }
0x9: {  	[smem:$0x3FAE] =	sst s1  }
0xa: {  	[smem:$0x3FAF] =	sst s2  }
0xb: {  	[smem:$0x3FB0] =	sst s3  }
0xc: {  	[smem:$0x3FB1] =	sst s4  }
0xd: {  	[smem:$0x3FB2] =	sst s5  }
0xe: {  	[smem:$0x3FB3] =	sst s6  }
0xf: {  	[smem:$0x3FB4] =	sst s7  }
0x10: {  	[smem:$0x3FB5] =	sst s8  }
0x11: {  	[smem:$0x3FB6] =	sst s9;
	s0 =	simm.s32 @!p0 $0x0  }
0x12: {  	s1 =	sld [smem:$0x3F9C];
	s0 =	simm.s32 @p0 $0x1  }
0x13: {  	[smem:$0x3FB7] =	sst s0;
	s0 =	simm.s32 @!p1 $0x0  }
0x14: {  	s2 =	sld [smem:$0x3F9B];
	s0 =	simm.s32 @p1 $0x1  }
0x15: {  	[smem:$0x3FB8] =	sst s0;
	s0 =	simm.s32 @!p2 $0x0  }
0x16: {  	s3 =	sld [smem:$0x3FDB];
	s0 =	simm.s32 @p2 $0x1  }
0x17: {  	s4 =	simm.s32 $0x1BF5;
	[smem:$0x3FBA] =	sst s0  }
0x18: {  	s0 =	sld [smem:$0x3F9D];
	_ =	swait.ge [sflag:s4], $0x0  }
0x19: {  	s7 =	sld [smem:$0x3F9E]  }
0x1a: {  	s8 =	sadd.s32 $0xFFFFE003, lr  }
0x1b: {  	s9 =	sadd.s32 $0xFFFFFEF7, lr;
	s5 =	simm.s32 $0xFFFFFFFF;
	p2 =	slt.u32 s8, $0xFFFFF086  }
0x1c: {  	p1 =	slt.u32 s9, $0xF7A;
	s5 =	simm.s32 @!p2 $0x0  }
0x1d: {  	s5 =	simm.s32 @p1 $0x1;
	p0 =	seq.s32 s7, s2  }
0x1e: {  	s7 =	smul.u32 @!p0 $0xF7A, s2;
	p2 =	seq.s32 @!p0 s5, $0x0  }
0x1f: {  	s9 =	smul.u32 $0xF7A, s1;
	s8 =	simm.s32 @!p0 $0x1BF5;
	p2 =	por !p2, p0  }
0x20: {  	[sflag:s8] =	ssyncset.s32 @!p0 $0xFFFFF086;
	s6 =	sadd.s32 @!p0 s3, s7;
	s7 =	simm.s32 @!p0 $0x108  }
0x21: {  	s3 =	sadd.s32 s3, s9;
	s6 =	sadd.s32 @!p0 $0x88, s6;
	s7 =	simm.s32 @p2 $0x1082  }
0x22: {  	[simem:s7], [sflag:s8] =	dma.local @!p0 [hbm:s6], $0xF7A  }
0x23: {  	s9 =	sor.u32 $0xD0000000, s2;
	s6 =	simm.s32 $0x108;
	_ =	swait.ge @!p0 [sflag:s8], $0x0  }
0x24: {  	s3 =	sadd.s32 $0x88, s3;
	s6 =	simm.s32 @!p1 $0x1082;
	[sflag:s4] =	ssyncset.s32 $0xFFFFF086  }
0x25: {  	[simem:s6], [sflag:s4] =	dma.local [hbm:s3], $0xF7A  }
0x26: {  	[smem:$0x3F9E] =	sst s1;
	(tag) =	ssettag s2;
	_ =	strace s9  }
0x27: {  	s1 =	sld [smem:$0x3FAE]  }
0x28: {  	s2 =	sld [smem:$0x3FAF]  }
0x29: {  	s4 =	sld [smem:$0x3FB1]  }
0x2a: {  	p0 =	seq.s32 s5, $0x0;
	s5 =	sld [smem:$0x3FB2]  }
0x2b: {  	s6 =	sld [smem:$0x3FB3]  }
0x2c: {  	s7 =	sld [smem:$0x3FB4]  }
0x2d: {  	s3 =	simm.s32 $0x108;
	s8 =	sld [smem:$0x3FB5]  }
0x2e: {  	s3 =	simm.s32 @!p0 $0x1082;
	s9 =	sld [smem:$0x3FB6]  }
0x2f: {  	lr =	sadd.s32 s0, s3;
	s0 =	sld [smem:$0x3FAD]  }
0x30: {  	s3 =	sld [smem:$0x3FB0]  }
0x31: {  	[smem:$0x3FB9] =	sst s10  }
0x32: {  	s10 =	sld [smem:$0x3FB7];
	_ =	sdelay $0x3  }
0x33: {  	p0 =	seq.s32 s10, $0x1;
	s10 =	sld [smem:$0x3FB9];
	_ =	sdelay $0x3  }
0x34: {  	[smem:$0x3FB9] =	sst s10  }
0x35: {  	s10 =	sld [smem:$0x3FB8];
	_ =	sdelay $0x3  }
0x36: {  	p1 =	seq.s32 s10, $0x1;
	s10 =	sld [smem:$0x3FB9];
	_ =	sdelay $0x3  }
0x37: {  	[smem:$0x3FB9] =	sst s10  }
0x38: {  	s10 =	sld [smem:$0x3FBA]  }
0x39: {  	_ = 	snop;
	(pc) =	sbr.ind lr, $3  }
0x3a: {  	_ = 	snop  }
0x3b: {  	_ = 	snop  }
0x3c: {  	p2 =	seq.s32 s10, $0x1;
	s10 =	sld [smem:$0x3FB9]  }
0x3d: {  	_ =	shalt  }
0x3e: {  	_ =	shalt  }
0x3f: {  	_ =	shalt  }
0x40: {  	_ =	shalt  }
0x41: {  	_ =	shalt  }
0x42: {  	_ =	shalt  }
0x43: {  	_ =	shalt  }
0x44: {  	_ =	shalt  }
0x45: {  	_ =	shalt  }
0x46: {  	_ =	shalt  }
0x47: {  	_ =	shalt  }
0x48: {  	_ =	shalt  }
0x49: {  	_ =	shalt  }
0x4a: {  	_ =	shalt  }
0x4b: {  	_ =	shalt  }
0x4c: {  	_ =	shalt  }
0x4d: {  	_ =	shalt  }
0x4e: {  	_ =	shalt  }
0x4f: {  	_ =	shalt  }
0x50: {  	_ =	shalt  }
0x51: {  	_ =	shalt  }
0x52: {  	_ =	shalt  }
0x53: {  	_ =	shalt  }
0x54: {  	_ =	shalt  }
0x55: {  	_ =	shalt  }
0x56: {  	_ =	shalt  }
0x57: {  	_ =	shalt  }
0x58: {  	_ =	shalt  }
0x59: {  	_ =	shalt  }
0x5a: {  	_ =	shalt  }
0x5b: {  	_ =	shalt  }
0x5c: {  	_ =	shalt  }
0x5d: {  	_ =	shalt  }
0x5e: {  	_ =	shalt  }
0x5f: {  	_ =	shalt  }
0x60: {  	_ =	shalt  }
0x61: {  	_ =	shalt  }
0x62: {  	_ =	shalt  }
0x63: {  	_ =	shalt  }
0x64: {  	_ =	shalt  }
0x65: {  	_ =	shalt  }
0x66: {  	_ =	shalt  }
0x67: {  	_ =	shalt  }
0x68: {  	_ =	shalt  }
0x69: {  	_ =	shalt  }
0x6a: {  	_ =	shalt  }
0x6b: {  	_ =	shalt  }
0x6c: {  	_ =	shalt  }
0x6d: {  	_ =	shalt  }
0x6e: {  	_ =	shalt  }
0x6f: {  	_ =	shalt  }
0x70: {  	_ =	shalt  }
0x71: {  	_ =	shalt  }
0x72: {  	_ =	shalt  }
0x73: {  	_ =	shalt  }
0x74: {  	_ =	shalt  }
0x75: {  	_ =	shalt  }
0x76: {  	_ =	shalt  }
0x77: {  	_ =	shalt  }
0x78: {  	_ =	shalt  }
0x79: {  	_ =	shalt  }
0x7a: {  	_ =	shalt  }
0x7b: {  	_ =	shalt  }
0x7c: {  	_ =	shalt  }
0x7d: {  	_ =	shalt  }
0x7e: {  	_ =	shalt  }
0x7f: {  	_ =	shalt  }
0x80: {  	_ =	shalt  }
0x81: {  	_ =	shalt  }
0x82: {  	_ =	shalt  }
0x83: {  	_ =	shalt  }
0x84: {  	_ =	shalt  }
0x85: {  	_ =	shalt  }
0x86: {  	_ =	shalt  }
0x87: {  	_ =	shalt  }
.Lfunc_end0:
.L_simem_size_0:
called_computation_lowered:
.L_overlay_start_0:
0x88: {  	s2 =	sld [smem:$0x3FD9]  }
0x89: {  	s3 =	sld [smem:$0x3FFE];
	_ =	sdelay $0x1  }
0x8a: {  	s1 =	srdreg.scid  }
0x8b: {  	s0 =	sand.u32 $0x1, s1  }
0x8c: {  	s17 =	sshll.u32 s0, $0xA;
	s2 =	sadd.s32 s3, s2  }
0x8d: {  	s2 =	sadd.s32 s2, s17  }
0x8e: {  	[smem:$0x3FC5] =	sst s2  }
0x8f: {  	_ = 	snop  }
0x90: {  	s2 =	sld [smem:$0x3FC8];
	(tm) =	ssettm $0x1  }
0x91: {  	s18 =	sld [smem:$0x3FFB];
	_ =	sdelay $0x3  }
0x92: {  	_ =	strace s18  }
0x93: {  	s3 =	sld [smem:$0x3FFC];
	_ =	sdelay $0x3  }
0x94: {  	_ =	strace s3  }
0x95: {  	s3 =	sld [smem:$0x3FFD];
	_ =	sdelay $0x3  }
0x96: {  	_ =	strace s3  }
0x97: {  	_ =	strace $0x8FFFFFFF  }
0x98: {  	s19 =	sld [smem:$0x3FDB];
	_ =	sdelay $0x1  }
0x99: {  	s4 =	simm.s32 $_scs_section_size  }
0x9a: {  	s5 =	simm.s32 $_size__tile_overlayer_lowered;
	s6 =	simm.s32 $_tile_overlayer_lowered  }
0x9b: {  	s22 =	simm.s32 $0x1BFF;
	s21 =	sshll.u32 s6, $0x1;
	s3 =	sadd.s32 s4, s19  }
0x9c: {  	s7 =	simm.s32 $0x0;
	s20 =	sshll.u32 s5, $0x1;
	s5 =	sadd.s32 s21, s3  }
0x9d: {  	[timem:s7], [sflag:s22] =	dma.local [hbm:s5], s20  }
0x9e: {  	_ =	swait.ge [sflag:s22], s20  }
0x9f: {  	s4 =	ssub.s32 $0x0, s20;
	[sflag:s22] =	ssyncset.done $0x0  }
0xa0: {  	[sflag:s22] =	ssyncadd.s32 s4;
	_ =	sdelay $0x1  }
0xa1: {  	s23 =	simm.s32 $0x1B8B  }
0xa2: {  	_ =	swait.ge [sflag:s23], $0x1  }
0xa3: {  	[sflag:s23] =	ssyncset.done $0x0  }
0xa4: {  	s25 =	simm.s32 $0x1B8E;
	s24 =	sld [smem:$0x3FFE];
	[sflag:s23] =	ssyncadd.s32 $0xFFFFFFFF  }
0xa5: {  	s26 =	simm.s32 $execute0_lowered;
	[smem:$0x3FD2] =	sst s25  }
0xa6: {  	s5 =	sshll.u32 s26, $0x1;
	_ =	strace $0x80000046;
	[dreg:$0x1] =	wrdreg $0xFFFFFFFF  }
0xa7: {  	s28 =	simm.s32 $_size_execute0_lowered;
	s3 =	sadd.s32 s3, s5;
	[dreg:$0x0] =	wrdreg $0x0  }
0xa8: {  	s5 =	sshll.u32 s28, $0x1;
	[dreg:$0x2] =	wrdreg s3  }
0xa9: {  	[dreg:$0x3] =	wrdreg s5  }
0xaa: {  	[dreg:$0x4] =	wrdreg $0xC0  }
0xab: {  	_ =	task [dreg:s7], $0x5FFFF  }
0xac: {  	[dreg:$0x1] =	wrdreg $0xFFFFFFFF  }
0xad: {  	[dreg:$0x0] =	wrdreg $0x60  }
0xae: {  	[dreg:$0x2] =	wrdreg s24  }
0xaf: {  	[dreg:$0x3] =	wrdreg s2  }
0xb0: {  	[dreg:$0x4] =	wrdreg $0x9  }
0xb1: {  	_ =	task.clear_ibuf [dreg:s7], $0x5FFFF;
	_ =	strace $0x90000046  }
0xb2: {  	s29 =	simm.s32 $0x9;
	_ =	strace $0x80000048  }
0xb3: {  	_ =	swait.ge [sflag:s29], $0x1  }
0xb4: {  	[sflag:s29] =	ssyncadd.s32 $0xFFFFFFFF  }
0xb5: {  	_ =	strace $0x90000048  }
0xb6: {  	_ =	sfence  }
0xb7: {  	s30 =	sld [smem:$0x0];
	_ =	sdelay $0x2  }
0xb8: {  	s31 =	sshll.u32 s1, $0xD;
	s1 =	sshrl.u32 s1, $0x2  }
0xb9: {  	s3 =	sand.u32 $0x4000, s31;
	s1 =	sadd.s32 s1, s30  }
0xba: {  	s0 =	sor.u32 s3, s0;
	s1 =	sshll.u32 s1, $0x11  }
0xbb: {  	s0 =	sor.u32 s1, s0  }
0xbc: {  	s0 =	sadd.s32 $0x8F2B, s0  }
0xbd: {  	[sflag:s0] =	ssyncadd.remote.s32 $0x1  }
0xbe: {  	_ =	sfence.sel $0xFFFF  }
0xbf: {  	[dreg:$0x0] =	wrdreg $0xFFFFFFFF;
	(pc) =	sbr.abs _section_cstart, $3  }
0xc0: {  	[dreg:$0x1] =	wrdreg $0xFFFFFFFF  }
0xc1: {  	_ =	task.clear_ibuf [dreg:s7], $0x2FFFF;
	_ =	strace $0x9FFFFFFF  }
0xc2: {  	(tm) =	ssettm $0x7FFFFFFF  }
0xc3: {  	_ =	shalt  }
tec
execute0_lowered:
.L_overlay_start_1:
0x0: {  	(tag) =	ssettag $0x1  }
0x1: {  	s0 =	rddreg [dreg:$0x0]  }
0x2: {  	s1 =	rddreg [dreg:$0x1];
	s3 =	srdreg.scid  }
0x3: {  	s2 =	simm.s32 $0x0;
	s4 =	stileid.u32;
	s16 =	simm.s32 $0x4  }
0x4: {  	s17 =	simm.s32 $0x8200;
	s23 =	simm.s32 $0x3600;
	s28 =	simm.s32 $0x4200  }
0x5: {  	s29 =	simm.s32 $0x4600;
	s30 =	simm.s32 $0x4A00;
	s31 =	simm.s32 $0x4E00  }
0x6: {  	s9 =	simm.s32 $0x5A00;
	s8 =	simm.s32 $0x7200;
	s10 =	simm.s32 $0x7600  }
0x7: {  	s11 =	simm.s32 $0x7A00;
	s12 =	simm.s32 $0x7E00;
	s13 =	simm.s32 $0x1  }
0x8: {  	s14 =	simm.s32 $0x2;
	s18 =	simm.s32 $0x0;
	s3 =	sand.u32 $0x1, s3  }
0x9: {  	[smem:$0x7FF] =	sst s2;
	s4 =	sshll.u32 s4, $0xA;
	s5 =	sshll.u32 s3, $0x9  }
0xa: {  	_ =	strace $0x80000047;
	s24 =	ssub.s32 $0x2, s3;
	s4 =	sor.u32 s5, s4  }
0xb: {  	s3 =	sadd.s32 $0x40400, s0;
	s7 =	sshrl.u32 s24, $0x1;
	s6 =	sshll.u32 s4, $0x4  }
0xc: {  	s5 =	ssub.s32 s24, s7;
	s4 =	sshrl.u32 s4, $0x3;
	s24 =	simm.s32 $0x3A00  }
0xd: {  	s7 =	simm.s32 $0x6A00;
	s0 =	sadd.s32 s6, s0;
	s1 =	sadd.s32 s1, s4  }
.Ltmp0:
0xe: {  	s26 =	smax.u32 s5, $0x1;
	s4 =	simm.s32 $0x5E00;
	(pc) =	sbr.rel .LBB2_1-.Ltmp0, $4  }
0xf: {  	s5 =	simm.s32 $0x6200;
	s6 =	simm.s32 $0x6600;
	[dreg:$0x3] =	wrdreg s1  }
0x10: {  	s25 =	sadd.s32 $0x400, s0;
	s0 =	sadd.s32 $0xF82800, s0;
	[dreg:$0x6] =	wrdreg s26  }
0x11: {  	s1 =	simm.s32 $0x5600;
	s26 =	simm.s32 $0x6E00;
	[dreg:$0x4] =	wrdreg s25  }
0x12: {  	[dreg:$0x5] =	wrdreg s0;
	s25 =	simm.s32 $0x3E00;
	s0 =	simm.s32 $0x5200  }
.LBB2_5:
0x13: {  	s15 =	rddreg [dreg:$0x5];
	s17 =	simm.s32 $0x8200;
	s16 =	simm.s32 $0x4  }
0x14: {  	[hbm4b:s15+s2] =	stream.linear.scatter [tilespmem:s17], [sflag:$0x4], $0x10000, $0x38;
	[tilespmem:$0x18200] =	vst v63  }
0x15: {  	_ =	swait.ge [sflag:s16], $0x10000  }
0x16: {  	s18 =	rddreg [dreg:$0x7]  }
0x17: {  	s22 =	rddreg [dreg:$0x6];
	s18 =	sadd.s32 $0x1, s18  }
0x18: {  	p0 =	sne.s32 s18, s22  }
.Ltmp1:
0x19: {  	_ = 	snop;
	(pc) =	sbr.rel @!p0 .LBB2_6-.Ltmp1, $3  }
0x1a: {  	_ =	sdelay $0x1  }
0x1b: {  	[sflag:s16] =	ssyncset.done $0x0  }
0x1c: {  	[sflag:s16] =	ssyncadd.s32 $0xFFFF0000  }
.LBB2_1:
0x1d: {  	[dreg:$0x7] =	wrdreg s18  }
0x1e: {  	s15 =	rddreg [dreg:$0x3]  }
0x1f: {  	[tilespmem:s2], [sflag:$0x4] =	stream.linear.gather [hbm4b:s15+s2], $0x200, $0x38;
	[tilespmem:$0x18200] =	vst v63  }
0x20: {  	_ =	swait.ge [sflag:s16], $0x200  }
0x21: {  	[sflag:s16] =	ssyncset.done $0x0  }
0x22: {  	s18 =	rddreg [dreg:$0x4];
	[sflag:s16] =	ssyncadd.s32 $0xFFFFFE00  }
0x23: {  	[tilespmem:s17], [sflag:$0x3] =	stream.linear.gather [hbm4b:s18+s2], $0x10000, $0x38;
	[tilespmem:$0x18200] =	vst v63  }
0x24: {  	v0 =	vld [tilespmem:$0x0];
	_ =	sdelay $0x4  }
0x25: {  	v0 =	vshll.u32 v0, $0x4  }
0x26: {  	(v2sf) =	vpush v0, $0x0  }
0x27: {  	(v2sf) =	vpush v0, $0x1;
	_ =	sdelay $0x5  }
0x28: {  	(v2sf) =	vpush v0, $0x2;
	_ =	sdelay $0x1  }
0x29: {  	(v2sf) =	vpush v0, $0x3;
	_ =	sdelay $0x5  }
0x2a: {  	s19 =	spop (v2sf);
	(v2sf) =	vpush v0, $0x4  }
0x2b: {  	s21 =	spop (v2sf);
	(v2sf) =	vpush v0, $0x5;
	_ =	sdelay $0x4  }
0x2c: {  	s15 =	sand.u32 $0x1FFFFF80, s19  }
0x2d: {  	s20 =	simm.s32 $0x200;
	s15 =	sadd.s32 s3, s15;
	s17 =	spop (v2sf);
	(v2sf) =	vpush v0, $0x6  }
0x2e: {  	[tilespmem:s20], [sflag:$0x1] =	stream.linear.gather [hbm4b:s15+s2], $0x400, $0x38;
	[tilespmem:$0x18200] =	vst v63  }
0x2f: {  	s15 =	sand.u32 $0x1FFFFF80, s21;
	s19 =	spop (v2sf);
	(v2sf) =	vpush v0, $0x7  }
0x30: {  	s22 =	simm.s32 $0x600;
	s15 =	sadd.s32 s3, s15  }
0x31: {  	[tilespmem:s22], [sflag:$0x1] =	stream.linear.gather [hbm4b:s15+s2], $0x400, $0x38;
	[tilespmem:$0x18200] =	vst v63  }
0x32: {  	s15 =	sand.u32 $0x1FFFFF80, s17  }
0x33: {  	s18 =	simm.s32 $0xA00;
	s15 =	sadd.s32 s3, s15  }
0x34: {  	[tilespmem:s18], [sflag:$0x1] =	stream.linear.gather [hbm4b:s15+s2], $0x400, $0x38;
	[tilespmem:$0x18200] =	vst v63  }
0x35: {  	s15 =	sand.u32 $0x1FFFFF80, s19;
	s21 =	spop (v2sf);
	(v2sf) =	vpush v0, $0x8  }
0x36: {  	s20 =	simm.s32 $0xE00;
	s15 =	sadd.s32 s3, s15;
	s17 =	spop (v2sf);
	(v2sf) =	vpush v0, $0x9  }
0x37: {  	[tilespmem:s20], [sflag:$0x1] =	stream.linear.gather [hbm4b:s15+s2], $0x400, $0x38;
	[tilespmem:$0x18200] =	vst v63  }
0x38: {  	s15 =	sand.u32 $0x1FFFFF80, s21;
	(v2sf) =	vpush v0, $0xA  }
0x39: {  	s22 =	simm.s32 $0x1200;
	s15 =	sadd.s32 s3, s15  }
0x3a: {  	[tilespmem:s22], [sflag:$0x1] =	stream.linear.gather [hbm4b:s15+s2], $0x400, $0x38;
	[tilespmem:$0x18200] =	vst v63  }
0x3b: {  	s15 =	sand.u32 $0x1FFFFF80, s17  }
0x3c: {  	s18 =	simm.s32 $0x1600;
	s19 =	spop (v2sf);
	s15 =	sadd.s32 s3, s15  }
0x3d: {  	(v2sf) =	vpush v0, $0xB;
	[tilespmem:s18], [sflag:$0x1] =	stream.linear.gather [hbm4b:s15+s2], $0x400, $0x38;
	[tilespmem:$0x18200] =	vst v63  }
0x3e: {  	s21 =	spop (v2sf);
	(v2sf) =	vpush v0, $0xC;
	s15 =	sand.u32 $0x1FFFFF80, s19  }
0x3f: {  	s20 =	simm.s32 $0x1A00;
	s15 =	sadd.s32 s3, s15  }
0x40: {  	[tilespmem:s20], [sflag:$0x1] =	stream.linear.gather [hbm4b:s15+s2], $0x400, $0x38;
	[tilespmem:$0x18200] =	vst v63  }
0x41: {  	s15 =	sand.u32 $0x1FFFFF80, s21  }
0x42: {  	s22 =	simm.s32 $0x1E00;
	s15 =	sadd.s32 s3, s15  }
0x43: {  	[tilespmem:s22], [sflag:$0x1] =	stream.linear.gather [hbm4b:s15+s2], $0x400, $0x38;
	[tilespmem:$0x18200] =	vst v63  }
0x44: {  	s16 =	spop (v2sf);
	(v2sf) =	vpush v0, $0xD  }
0x45: {  	s18 =	spop (v2sf);
	(v2sf) =	vpush v0, $0xE  }
0x46: {  	s15 =	sand.u32 $0x1FFFFF80, s16  }
0x47: {  	s17 =	simm.s32 $0x2200;
	s15 =	sadd.s32 s3, s15;
	s20 =	spop (v2sf)  }
0x48: {  	(v2sf) =	vpush v0, $0xF;
	[tilespmem:s17], [sflag:$0x1] =	stream.linear.gather [hbm4b:s15+s2], $0x400, $0x38;
	[tilespmem:$0x18200] =	vst v63  }
0x49: {  	s15 =	sand.u32 $0x1FFFFF80, s18  }
0x4a: {  	s19 =	simm.s32 $0x2600;
	s15 =	sadd.s32 s3, s15  }
0x4b: {  	[tilespmem:s19], [sflag:$0x1] =	stream.linear.gather [hbm4b:s15+s2], $0x400, $0x38;
	[tilespmem:$0x18200] =	vst v63  }
0x4c: {  	s22 =	simm.s32 $0x2A00;
	s21 =	spop (v2sf);
	s15 =	sand.u32 $0x1FFFFF80, s20  }
0x4d: {  	s17 =	sand.u32 $0x1FFFFF80, s21;
	s18 =	spop (v2sf);
	s15 =	sadd.s32 s3, s15  }
0x4e: {  	[tilespmem:s22], [sflag:$0x1] =	stream.linear.gather [hbm4b:s15+s2], $0x400, $0x38;
	[tilespmem:$0x18200] =	vst v63  }
0x4f: {  	s19 =	simm.s32 $0x2E00;
	s20 =	sand.u32 $0x1FFFFF80, s18;
	s15 =	sadd.s32 s3, s17  }
0x50: {  	[tilespmem:s19], [sflag:$0x1] =	stream.linear.gather [hbm4b:s15+s2], $0x400, $0x38;
	[tilespmem:$0x18200] =	vst v63  }
0x51: {  	s22 =	simm.s32 $0x3200;
	s15 =	sadd.s32 s3, s20  }
0x52: {  	[tilespmem:s22], [sflag:$0x1] =	stream.linear.gather [hbm4b:s15+s2], $0x400, $0x38;
	[tilespmem:$0x18200] =	vst v63  }
0x53: {  	s21 =	spop (v2sf)  }
0x54: {  	s18 =	sand.u32 $0x1FFFFF80, s21;
	s19 =	spop (v2sf)  }
0x55: {  	s15 =	sadd.s32 s3, s18;
	s20 =	sand.u32 $0x1FFFFF80, s19  }
0x56: {  	[tilespmem:s23], [sflag:$0x1] =	stream.linear.gather [hbm4b:s15+s2], $0x400, $0x38;
	[tilespmem:$0x18200] =	vst v63  }
0x57: {  	s21 =	spop (v2sf);
	s15 =	sadd.s32 s3, s20  }
0x58: {  	[tilespmem:s24], [sflag:$0x1] =	stream.linear.gather [hbm4b:s15+s2], $0x400, $0x38;
	[tilespmem:$0x18200] =	vst v63  }
0x59: {  	s15 =	sand.u32 $0x1FFFFF80, s21  }
.Ltmp2:
0x5a: {  	s22 =	simm.s32 $0x3;
	s15 =	sadd.s32 s3, s15;
	(pc) =	sbr.rel .LBB2_2-.Ltmp2, $4  }
0x5b: {  	[tilespmem:s25], [sflag:$0x1] =	stream.linear.gather [hbm4b:s15+s2], $0x400, $0x38;
	[tilespmem:$0x18200] =	vst v63  }
0x5c: {  	_ =	swait.ge [sflag:s22], $0x10000  }
0x5d: {  	s16 =	simm.s32 $0x0;
	[sflag:s22] =	ssyncset.done $0x0  }
0x5e: {  	s17 =	simm.s32 $0x0;
	s15 =	simm.s32 $0x80;
	[sflag:s22] =	ssyncadd.s32 $0xFFFF0000  }
.LBB2_4:
0x5f: {  	_ =	swait.ge [sflag:s14], $0x4000  }
0x60: {  	[sflag:s14] =	ssyncset.done $0x0  }
0x61: {  	[sflag:s14] =	ssyncadd.s32 $0xFFFFC000  }
0x62: {  	v0 =	vld [tilespmem:s19+$0x0];
	_ =	sdelay $0x4  }
0x63: {  	v0 =	vshll.u32 v0, $0x7  }
0x64: {  	(v2sf) =	vpush v0, $0x0;
	_ =	sdelay $0xe  }
0x65: {  	s22 =	spop (v2sf)  }
0x66: {  	s19 =	sand.u32 $0x380, s22  }
0x67: {  	v1 =	vld [tilespmem:s19+$0x4200];
	_ =	sdelay $0x4  }
0x68: {  	[tilespmem:s18+$0x8A00] =	vst.add.f32.msk $0xffff, v1  }
0x69: {  	v1 =	vld [tilespmem:s19+$0x4210]  }
0x6a: {  	(v2sf) =	vpush v0, $0x1;
	_ =	sdelay $0x3  }
0x6b: {  	[tilespmem:s18+$0x8A10] =	vst.add.f32.msk $0xffff, v1  }
0x6c: {  	v1 =	vld [tilespmem:s19+$0x4220];
	_ =	sdelay $0x4  }
0x6d: {  	[tilespmem:s18+$0x8A20] =	vst.add.f32.msk $0xffff, v1  }
0x6e: {  	v1 =	vld [tilespmem:s19+$0x4230];
	_ =	sdelay $0x3  }
0x6f: {  	s20 =	spop (v2sf)  }
0x70: {  	s19 =	sand.u32 $0x380, s20;
	[tilespmem:s18+$0x8A30] =	vst.add.f32.msk $0xffff, v1  }
0x71: {  	v1 =	vld [tilespmem:s19+$0x4600];
	_ =	sdelay $0x4  }
0x72: {  	[tilespmem:s18+$0x8A80] =	vst.add.f32.msk $0xffff, v1  }
0x73: {  	v1 =	vld [tilespmem:s19+$0x4610]  }
0x74: {  	(v2sf) =	vpush v0, $0x2;
	_ =	sdelay $0x3  }
0x75: {  	[tilespmem:s18+$0x8A90] =	vst.add.f32.msk $0xffff, v1  }
0x76: {  	v1 =	vld [tilespmem:s19+$0x4620];
	_ =	sdelay $0x4  }
0x77: {  	[tilespmem:s18+$0x8AA0] =	vst.add.f32.msk $0xffff, v1  }
0x78: {  	v1 =	vld [tilespmem:s19+$0x4630];
	_ =	sdelay $0x3  }
0x79: {  	s21 =	spop (v2sf)  }
0x7a: {  	s19 =	sand.u32 $0x380, s21;
	[tilespmem:s18+$0x8AB0] =	vst.add.f32.msk $0xffff, v1  }
0x7b: {  	v1 =	vld [tilespmem:s19+$0x4A00];
	_ =	sdelay $0x4  }
0x7c: {  	[tilespmem:s18+$0x8B00] =	vst.add.f32.msk $0xffff, v1  }
0x7d: {  	v1 =	vld [tilespmem:s19+$0x4A10]  }
0x7e: {  	(v2sf) =	vpush v0, $0x3;
	_ =	sdelay $0x3  }
0x7f: {  	[tilespmem:s18+$0x8B10] =	vst.add.f32.msk $0xffff, v1  }
0x80: {  	v1 =	vld [tilespmem:s19+$0x4A20];
	_ =	sdelay $0x4  }
0x81: {  	[tilespmem:s18+$0x8B20] =	vst.add.f32.msk $0xffff, v1  }
0x82: {  	v1 =	vld [tilespmem:s19+$0x4A30];
	_ =	sdelay $0x3  }
0x83: {  	s22 =	spop (v2sf)  }
0x84: {  	s19 =	sand.u32 $0x380, s22;
	[tilespmem:s18+$0x8B30] =	vst.add.f32.msk $0xffff, v1  }
0x85: {  	v1 =	vld [tilespmem:s19+$0x4E00];
	_ =	sdelay $0x4  }
0x86: {  	[tilespmem:s18+$0x8B80] =	vst.add.f32.msk $0xffff, v1  }
0x87: {  	v1 =	vld [tilespmem:s19+$0x4E10]  }
0x88: {  	(v2sf) =	vpush v0, $0x4;
	_ =	sdelay $0x3  }
0x89: {  	[tilespmem:s18+$0x8B90] =	vst.add.f32.msk $0xffff, v1  }
0x8a: {  	v1 =	vld [tilespmem:s19+$0x4E20];
	_ =	sdelay $0x4  }
0x8b: {  	[tilespmem:s18+$0x8BA0] =	vst.add.f32.msk $0xffff, v1  }
0x8c: {  	v1 =	vld [tilespmem:s19+$0x4E30];
	_ =	sdelay $0x3  }
0x8d: {  	s20 =	spop (v2sf)  }
0x8e: {  	s19 =	sand.u32 $0x380, s20;
	[tilespmem:s18+$0x8BB0] =	vst.add.f32.msk $0xffff, v1  }
0x8f: {  	v1 =	vld [tilespmem:s19+$0x5200];
	_ =	sdelay $0x4  }
0x90: {  	[tilespmem:s18+$0x8C00] =	vst.add.f32.msk $0xffff, v1  }
0x91: {  	v1 =	vld [tilespmem:s19+$0x5210]  }
0x92: {  	(v2sf) =	vpush v0, $0x5;
	_ =	sdelay $0x3  }
0x93: {  	[tilespmem:s18+$0x8C10] =	vst.add.f32.msk $0xffff, v1  }
0x94: {  	v1 =	vld [tilespmem:s19+$0x5220];
	_ =	sdelay $0x4  }
0x95: {  	[tilespmem:s18+$0x8C20] =	vst.add.f32.msk $0xffff, v1  }
0x96: {  	v1 =	vld [tilespmem:s19+$0x5230];
	_ =	sdelay $0x3  }
0x97: {  	s21 =	spop (v2sf)  }
0x98: {  	s19 =	sand.u32 $0x380, s21;
	[tilespmem:s18+$0x8C30] =	vst.add.f32.msk $0xffff, v1  }
0x99: {  	v1 =	vld [tilespmem:s19+$0x5600];
	_ =	sdelay $0x4  }
0x9a: {  	[tilespmem:s18+$0x8C80] =	vst.add.f32.msk $0xffff, v1  }
0x9b: {  	v1 =	vld [tilespmem:s19+$0x5610]  }
0x9c: {  	(v2sf) =	vpush v0, $0x6;
	_ =	sdelay $0x3  }
0x9d: {  	[tilespmem:s18+$0x8C90] =	vst.add.f32.msk $0xffff, v1  }
0x9e: {  	v1 =	vld [tilespmem:s19+$0x5620];
	_ =	sdelay $0x4  }
0x9f: {  	[tilespmem:s18+$0x8CA0] =	vst.add.f32.msk $0xffff, v1  }
0xa0: {  	v1 =	vld [tilespmem:s19+$0x5630];
	_ =	sdelay $0x3  }
0xa1: {  	s22 =	spop (v2sf)  }
0xa2: {  	s19 =	sand.u32 $0x380, s22;
	[tilespmem:s18+$0x8CB0] =	vst.add.f32.msk $0xffff, v1  }
0xa3: {  	v1 =	vld [tilespmem:s19+$0x5A00];
	_ =	sdelay $0x4  }
0xa4: {  	[tilespmem:s18+$0x8D00] =	vst.add.f32.msk $0xffff, v1  }
0xa5: {  	v1 =	vld [tilespmem:s19+$0x5A10]  }
0xa6: {  	(v2sf) =	vpush v0, $0x7;
	_ =	sdelay $0x3  }
0xa7: {  	[tilespmem:s18+$0x8D10] =	vst.add.f32.msk $0xffff, v1  }
0xa8: {  	v1 =	vld [tilespmem:s19+$0x5A20];
	_ =	sdelay $0x4  }
0xa9: {  	[tilespmem:s18+$0x8D20] =	vst.add.f32.msk $0xffff, v1  }
0xaa: {  	v1 =	vld [tilespmem:s19+$0x5A30];
	_ =	sdelay $0x3  }
0xab: {  	s20 =	spop (v2sf)  }
0xac: {  	s19 =	sand.u32 $0x380, s20;
	[tilespmem:s18+$0x8D30] =	vst.add.f32.msk $0xffff, v1  }
0xad: {  	v1 =	vld [tilespmem:s19+$0x5E00];
	_ =	sdelay $0x4  }
0xae: {  	[tilespmem:s18+$0x8D80] =	vst.add.f32.msk $0xffff, v1  }
0xaf: {  	v1 =	vld [tilespmem:s19+$0x5E10]  }
0xb0: {  	(v2sf) =	vpush v0, $0x8;
	_ =	sdelay $0x3  }
0xb1: {  	[tilespmem:s18+$0x8D90] =	vst.add.f32.msk $0xffff, v1  }
0xb2: {  	v1 =	vld [tilespmem:s19+$0x5E20];
	_ =	sdelay $0x4  }
0xb3: {  	[tilespmem:s18+$0x8DA0] =	vst.add.f32.msk $0xffff, v1  }
0xb4: {  	v1 =	vld [tilespmem:s19+$0x5E30];
	_ =	sdelay $0x3  }
0xb5: {  	s21 =	spop (v2sf)  }
0xb6: {  	s19 =	sand.u32 $0x380, s21;
	[tilespmem:s18+$0x8DB0] =	vst.add.f32.msk $0xffff, v1  }
0xb7: {  	v1 =	vld [tilespmem:s19+$0x6200];
	_ =	sdelay $0x4  }
0xb8: {  	[tilespmem:s18+$0x8E00] =	vst.add.f32.msk $0xffff, v1  }
0xb9: {  	v1 =	vld [tilespmem:s19+$0x6210]  }
0xba: {  	(v2sf) =	vpush v0, $0x9;
	_ =	sdelay $0x3  }
0xbb: {  	[tilespmem:s18+$0x8E10] =	vst.add.f32.msk $0xffff, v1  }
0xbc: {  	v1 =	vld [tilespmem:s19+$0x6220];
	_ =	sdelay $0x4  }
0xbd: {  	[tilespmem:s18+$0x8E20] =	vst.add.f32.msk $0xffff, v1  }
0xbe: {  	v1 =	vld [tilespmem:s19+$0x6230];
	_ =	sdelay $0x3  }
0xbf: {  	s22 =	spop (v2sf)  }
0xc0: {  	s19 =	sand.u32 $0x380, s22;
	[tilespmem:s18+$0x8E30] =	vst.add.f32.msk $0xffff, v1  }
0xc1: {  	v1 =	vld [tilespmem:s19+$0x6600];
	_ =	sdelay $0x4  }
0xc2: {  	[tilespmem:s18+$0x8E80] =	vst.add.f32.msk $0xffff, v1  }
0xc3: {  	v1 =	vld [tilespmem:s19+$0x6610]  }
0xc4: {  	(v2sf) =	vpush v0, $0xA;
	_ =	sdelay $0x3  }
0xc5: {  	[tilespmem:s18+$0x8E90] =	vst.add.f32.msk $0xffff, v1  }
0xc6: {  	v1 =	vld [tilespmem:s19+$0x6620];
	_ =	sdelay $0x4  }
0xc7: {  	[tilespmem:s18+$0x8EA0] =	vst.add.f32.msk $0xffff, v1  }
0xc8: {  	v1 =	vld [tilespmem:s19+$0x6630];
	_ =	sdelay $0x3  }
0xc9: {  	s20 =	spop (v2sf)  }
0xca: {  	s19 =	sand.u32 $0x380, s20;
	[tilespmem:s18+$0x8EB0] =	vst.add.f32.msk $0xffff, v1  }
0xcb: {  	v1 =	vld [tilespmem:s19+$0x6A00];
	_ =	sdelay $0x4  }
0xcc: {  	[tilespmem:s18+$0x8F00] =	vst.add.f32.msk $0xffff, v1  }
0xcd: {  	v1 =	vld [tilespmem:s19+$0x6A10]  }
0xce: {  	(v2sf) =	vpush v0, $0xB;
	_ =	sdelay $0x3  }
0xcf: {  	[tilespmem:s18+$0x8F10] =	vst.add.f32.msk $0xffff, v1  }
0xd0: {  	v1 =	vld [tilespmem:s19+$0x6A20];
	_ =	sdelay $0x4  }
0xd1: {  	[tilespmem:s18+$0x8F20] =	vst.add.f32.msk $0xffff, v1  }
0xd2: {  	v1 =	vld [tilespmem:s19+$0x6A30];
	_ =	sdelay $0x3  }
0xd3: {  	s21 =	spop (v2sf)  }
0xd4: {  	s19 =	sand.u32 $0x380, s21;
	[tilespmem:s18+$0x8F30] =	vst.add.f32.msk $0xffff, v1  }
0xd5: {  	v1 =	vld [tilespmem:s19+$0x6E00];
	_ =	sdelay $0x4  }
0xd6: {  	[tilespmem:s18+$0x8F80] =	vst.add.f32.msk $0xffff, v1  }
0xd7: {  	v1 =	vld [tilespmem:s19+$0x6E10]  }
0xd8: {  	(v2sf) =	vpush v0, $0xC;
	_ =	sdelay $0x3  }
0xd9: {  	[tilespmem:s18+$0x8F90] =	vst.add.f32.msk $0xffff, v1  }
0xda: {  	v1 =	vld [tilespmem:s19+$0x6E20];
	_ =	sdelay $0x4  }
0xdb: {  	[tilespmem:s18+$0x8FA0] =	vst.add.f32.msk $0xffff, v1  }
0xdc: {  	v1 =	vld [tilespmem:s19+$0x6E30];
	_ =	sdelay $0x3  }
0xdd: {  	s22 =	spop (v2sf)  }
0xde: {  	s19 =	sand.u32 $0x380, s22;
	[tilespmem:s18+$0x8FB0] =	vst.add.f32.msk $0xffff, v1  }
0xdf: {  	v1 =	vld [tilespmem:s19+$0x7200];
	_ =	sdelay $0x4  }
0xe0: {  	[tilespmem:s18+$0x9000] =	vst.add.f32.msk $0xffff, v1  }
0xe1: {  	v1 =	vld [tilespmem:s19+$0x7210]  }
0xe2: {  	(v2sf) =	vpush v0, $0xD;
	_ =	sdelay $0x3  }
0xe3: {  	[tilespmem:s18+$0x9010] =	vst.add.f32.msk $0xffff, v1  }
0xe4: {  	v1 =	vld [tilespmem:s19+$0x7220];
	_ =	sdelay $0x4  }
0xe5: {  	[tilespmem:s18+$0x9020] =	vst.add.f32.msk $0xffff, v1  }
0xe6: {  	v1 =	vld [tilespmem:s19+$0x7230];
	_ =	sdelay $0x3  }
0xe7: {  	s20 =	spop (v2sf)  }
0xe8: {  	s19 =	sand.u32 $0x380, s20;
	[tilespmem:s18+$0x9030] =	vst.add.f32.msk $0xffff, v1  }
0xe9: {  	v1 =	vld [tilespmem:s19+$0x7600];
	_ =	sdelay $0x4  }
0xea: {  	[tilespmem:s18+$0x9080] =	vst.add.f32.msk $0xffff, v1  }
0xeb: {  	v1 =	vld [tilespmem:s19+$0x7610]  }
0xec: {  	(v2sf) =	vpush v0, $0xE;
	_ =	sdelay $0x3  }
0xed: {  	[tilespmem:s18+$0x9090] =	vst.add.f32.msk $0xffff, v1  }
0xee: {  	v1 =	vld [tilespmem:s19+$0x7620];
	_ =	sdelay $0x4  }
0xef: {  	[tilespmem:s18+$0x90A0] =	vst.add.f32.msk $0xffff, v1  }
0xf0: {  	v1 =	vld [tilespmem:s19+$0x7630];
	_ =	sdelay $0x3  }
0xf1: {  	s21 =	spop (v2sf)  }
0xf2: {  	s19 =	sand.u32 $0x380, s21;
	[tilespmem:s18+$0x90B0] =	vst.add.f32.msk $0xffff, v1  }
0xf3: {  	v1 =	vld [tilespmem:s19+$0x7A00];
	_ =	sdelay $0x4  }
0xf4: {  	[tilespmem:s18+$0x9100] =	vst.add.f32.msk $0xffff, v1  }
0xf5: {  	v1 =	vld [tilespmem:s19+$0x7A10]  }
0xf6: {  	(v2sf) =	vpush v0, $0xF;
	_ =	sdelay $0x3  }
0xf7: {  	[tilespmem:s18+$0x9110] =	vst.add.f32.msk $0xffff, v1  }
0xf8: {  	v63 =	vld [tilespmem:s19+$0x7A20];
	_ =	sdelay $0x4  }
0xf9: {  	[tilespmem:s18+$0x9120] =	vst.add.f32.msk $0xffff, v63  }
0xfa: {  	v0 =	vld [tilespmem:s19+$0x7A30];
	_ =	sdelay $0x3  }
0xfb: {  	s22 =	spop (v2sf)  }
0xfc: {  	s19 =	sand.u32 $0x380, s22;
	[tilespmem:s18+$0x9130] =	vst.add.f32.msk $0xffff, v0  }
0xfd: {  	v0 =	vld [tilespmem:s19+$0x7E00];
	_ =	sdelay $0x4  }
0xfe: {  	[tilespmem:s18+$0x9180] =	vst.add.f32.msk $0xffff, v0  }
0xff: {  	v0 =	vld [tilespmem:s19+$0x7E10];
	_ =	sdelay $0x4  }
0x100: {  	[tilespmem:s18+$0x9190] =	vst.add.f32.msk $0xffff, v0  }
0x101: {  	v0 =	vld [tilespmem:s19+$0x7E20];
	_ =	sdelay $0x4  }
0x102: {  	s17 =	sadd.s32 $0x4000, s17;
	[tilespmem:s18+$0x91A0] =	vst.add.f32.msk $0xffff, v0  }
0x103: {  	p0 =	sne.s32 s17, $0x40000;
	v0 =	vld [tilespmem:s19+$0x7E30]  }
.Ltmp3:
0x104: {  	_ = 	snop;
	(pc) =	sbr.rel @!p0 .LBB2_5-.Ltmp3, $2  }
0x105: {  	_ =	sdelay $0x2  }
0x106: {  	s16 =	sadd.s32 $0x20, s16;
	s15 =	sadd.s32 $0x80, s15;
	[tilespmem:s18+$0x91B0] =	vst.add.f32.msk $0xffff, v0  }
.LBB2_2:
0x107: {  	s18 =	sadd.s32 $0xFFFFFF80, s15  }
0x108: {  	s19 =	sadd.s32 $0x10, s16;
	s18 =	sand.u32 $0x600, s18  }
0x109: {  	s19 =	sand.u32 $0x70, s19;
	s18 =	sshrl.u32 s18, $0x2  }
0x10a: {  	s19 =	sor.u32 s19, s18  }
0x10b: {  	v0 =	vld [tilespmem:s19+$0x0];
	_ =	sdelay $0x4  }
0x10c: {  	v0 =	vshll.u32 v0, $0x4  }
0x10d: {  	(v2sf) =	vpush v0, $0x0;
	_ =	sdelay $0x1  }
0x10e: {  	(v2sf) =	vpush v0, $0x1;
	_ =	sdelay $0x1  }
0x10f: {  	(v2sf) =	vpush v0, $0x2;
	_ =	sdelay $0x2  }
0x110: {  	(v2sf) =	vpush v0, $0x3;
	_ =	sdelay $0x7  }
0x111: {  	s20 =	spop (v2sf);
	(v2sf) =	vpush v0, $0x4;
	_ =	sdelay $0x1  }
0x112: {  	s21 =	spop (v2sf);
	(v2sf) =	vpush v0, $0x5;
	_ =	sdelay $0x1  }
0x113: {  	s20 =	sand.u32 $0x1FFFFF80, s20;
	s22 =	spop (v2sf);
	(v2sf) =	vpush v0, $0x6  }
0x114: {  	s20 =	sadd.s32 s3, s20  }
0x115: {  	[tilespmem:s28], [sflag:$0x2] =	stream.linear.gather [hbm4b:s20+s2], $0x400, $0x38;
	[tilespmem:$0x18200] =	vst v63  }
0x116: {  	s20 =	sand.u32 $0x1FFFFF80, s21;
	s21 =	spop (v2sf);
	(v2sf) =	vpush v0, $0x7;
	_ =	sdelay $0x2  }
0x117: {  	s20 =	sadd.s32 s3, s20  }
0x118: {  	[tilespmem:s29], [sflag:$0x2] =	stream.linear.gather [hbm4b:s20+s2], $0x400, $0x38;
	[tilespmem:$0x18200] =	vst v63  }
0x119: {  	s20 =	sand.u32 $0x1FFFFF80, s22  }
0x11a: {  	s20 =	sadd.s32 s3, s20  }
0x11b: {  	[tilespmem:s30], [sflag:$0x2] =	stream.linear.gather [hbm4b:s20+s2], $0x400, $0x38;
	[tilespmem:$0x18200] =	vst v63  }
0x11c: {  	s22 =	spop (v2sf);
	(v2sf) =	vpush v0, $0x8  }
0x11d: {  	s20 =	sand.u32 $0x1FFFFF80, s21  }
0x11e: {  	s20 =	sadd.s32 s3, s20;
	s21 =	spop (v2sf);
	(v2sf) =	vpush v0, $0x9  }
0x11f: {  	[tilespmem:s31], [sflag:$0x2] =	stream.linear.gather [hbm4b:s20+s2], $0x400, $0x38;
	[tilespmem:$0x18200] =	vst v63  }
0x120: {  	s20 =	sand.u32 $0x1FFFFF80, s22;
	s22 =	spop (v2sf);
	(v2sf) =	vpush v0, $0xA  }
0x121: {  	s20 =	sadd.s32 s3, s20  }
0x122: {  	[tilespmem:s0], [sflag:$0x2] =	stream.linear.gather [hbm4b:s20+s2], $0x400, $0x38;
	[tilespmem:$0x18200] =	vst v63  }
0x123: {  	s20 =	sand.u32 $0x1FFFFF80, s21;
	s21 =	spop (v2sf);
	(v2sf) =	vpush v0, $0xB;
	_ =	sdelay $0x1  }
0x124: {  	s20 =	sadd.s32 s3, s20  }
0x125: {  	[tilespmem:s1], [sflag:$0x2] =	stream.linear.gather [hbm4b:s20+s2], $0x400, $0x38;
	[tilespmem:$0x18200] =	vst v63  }
0x126: {  	s20 =	sand.u32 $0x1FFFFF80, s22  }
0x127: {  	s20 =	sadd.s32 s3, s20  }
0x128: {  	[tilespmem:s9], [sflag:$0x2] =	stream.linear.gather [hbm4b:s20+s2], $0x400, $0x38;
	[tilespmem:$0x18200] =	vst v63  }
0x129: {  	s20 =	sand.u32 $0x1FFFFF80, s21  }
0x12a: {  	s20 =	sadd.s32 s3, s20;
	s22 =	spop (v2sf);
	(v2sf) =	vpush v0, $0xC  }
0x12b: {  	[tilespmem:s4], [sflag:$0x2] =	stream.linear.gather [hbm4b:s20+s2], $0x400, $0x38;
	[tilespmem:$0x18200] =	vst v63  }
0x12c: {  	s21 =	spop (v2sf);
	(v2sf) =	vpush v0, $0xD  }
0x12d: {  	s20 =	sand.u32 $0x1FFFFF80, s22  }
0x12e: {  	s20 =	sadd.s32 s3, s20;
	s22 =	spop (v2sf)  }
0x12f: {  	(v2sf) =	vpush v0, $0xE;
	[tilespmem:s5], [sflag:$0x2] =	stream.linear.gather [hbm4b:s20+s2], $0x400, $0x38;
	[tilespmem:$0x18200] =	vst v63  }
0x130: {  	s20 =	sand.u32 $0x1FFFFF80, s21  }
0x131: {  	s21 =	spop (v2sf);
	s20 =	sadd.s32 s3, s20  }
0x132: {  	(v2sf) =	vpush v0, $0xF;
	[tilespmem:s6], [sflag:$0x2] =	stream.linear.gather [hbm4b:s20+s2], $0x400, $0x38;
	[tilespmem:$0x18200] =	vst v63  }
0x133: {  	s20 =	sand.u32 $0x1FFFFF80, s22  }
0x134: {  	s20 =	sadd.s32 s3, s20  }
0x135: {  	[tilespmem:s7], [sflag:$0x2] =	stream.linear.gather [hbm4b:s20+s2], $0x400, $0x38;
	[tilespmem:$0x18200] =	vst v63  }
0x136: {  	s20 =	sand.u32 $0x1FFFFF80, s21  }
0x137: {  	s20 =	sadd.s32 s3, s20  }
0x138: {  	[tilespmem:s26], [sflag:$0x2] =	stream.linear.gather [hbm4b:s20+s2], $0x400, $0x38;
	[tilespmem:$0x18200] =	vst v63  }
0x139: {  	s22 =	spop (v2sf)  }
0x13a: {  	s20 =	sand.u32 $0x1FFFFF80, s22  }
0x13b: {  	s21 =	spop (v2sf);
	s20 =	sadd.s32 s3, s20  }
0x13c: {  	[tilespmem:s8], [sflag:$0x2] =	stream.linear.gather [hbm4b:s20+s2], $0x400, $0x38;
	[tilespmem:$0x18200] =	vst v63  }
0x13d: {  	s20 =	sand.u32 $0x1FFFFF80, s21  }
0x13e: {  	s22 =	spop (v2sf);
	s20 =	sadd.s32 s3, s20  }
0x13f: {  	[tilespmem:s10], [sflag:$0x2] =	stream.linear.gather [hbm4b:s20+s2], $0x400, $0x38;
	[tilespmem:$0x18200] =	vst v63  }
0x140: {  	s20 =	sand.u32 $0x1FFFFF80, s22  }
0x141: {  	s21 =	spop (v2sf);
	s20 =	sadd.s32 s3, s20  }
0x142: {  	[tilespmem:s11], [sflag:$0x2] =	stream.linear.gather [hbm4b:s20+s2], $0x400, $0x38;
	[tilespmem:$0x18200] =	vst v63  }
0x143: {  	s20 =	sand.u32 $0x1FFFFF80, s21  }
0x144: {  	s20 =	sadd.s32 s3, s20  }
0x145: {  	[tilespmem:s12], [sflag:$0x2] =	stream.linear.gather [hbm4b:s20+s2], $0x400, $0x38;
	[tilespmem:$0x18200] =	vst v63  }
0x146: {  	_ =	swait.ge [sflag:s13], $0x4000  }
0x147: {  	s22 =	sand.u32 $0x60, s16;
	[sflag:s13] =	ssyncset.done $0x0  }
0x148: {  	s18 =	sor.u32 s22, s18;
	[sflag:s13] =	ssyncadd.s32 $0xFFFFC000  }
0x149: {  	v62 =	vld [tilespmem:s18+$0x0];
	_ =	sdelay $0x4  }
0x14a: {  	v0 =	vshll.u32 v62, $0x7  }
0x14b: {  	(v2sf) =	vpush v0, $0x0;
	_ =	sdelay $0xe  }
0x14c: {  	s20 =	spop (v2sf)  }
0x14d: {  	s21 =	sand.u32 $0x380, s20  }
0x14e: {  	v1 =	vld [tilespmem:s21+$0x200];
	_ =	sdelay $0x3  }
0x14f: {  	s18 =	sshra.s32 s17, $0x2  }
0x150: {  	[tilespmem:s18+$0x8200] =	vst.add.f32.msk $0xffff, v1  }
0x151: {  	v1 =	vld [tilespmem:s21+$0x210]  }
0x152: {  	(v2sf) =	vpush v0, $0x1;
	_ =	sdelay $0x3  }
0x153: {  	[tilespmem:s18+$0x8210] =	vst.add.f32.msk $0xffff, v1  }
0x154: {  	v1 =	vld [tilespmem:s21+$0x220];
	_ =	sdelay $0x4  }
0x155: {  	[tilespmem:s18+$0x8220] =	vst.add.f32.msk $0xffff, v1  }
0x156: {  	v1 =	vld [tilespmem:s21+$0x230];
	_ =	sdelay $0x3  }
0x157: {  	s22 =	spop (v2sf)  }
0x158: {  	s20 =	sand.u32 $0x380, s22;
	[tilespmem:s18+$0x8230] =	vst.add.f32.msk $0xffff, v1  }
0x159: {  	v1 =	vld [tilespmem:s20+$0x600];
	_ =	sdelay $0x4  }
0x15a: {  	[tilespmem:s18+$0x8280] =	vst.add.f32.msk $0xffff, v1  }
0x15b: {  	v1 =	vld [tilespmem:s20+$0x610]  }
0x15c: {  	(v2sf) =	vpush v0, $0x2;
	_ =	sdelay $0x3  }
0x15d: {  	[tilespmem:s18+$0x8290] =	vst.add.f32.msk $0xffff, v1  }
0x15e: {  	v1 =	vld [tilespmem:s20+$0x620];
	_ =	sdelay $0x4  }
0x15f: {  	[tilespmem:s18+$0x82A0] =	vst.add.f32.msk $0xffff, v1  }
0x160: {  	v1 =	vld [tilespmem:s20+$0x630];
	_ =	sdelay $0x3  }
0x161: {  	s21 =	spop (v2sf)  }
0x162: {  	s20 =	sand.u32 $0x380, s21;
	[tilespmem:s18+$0x82B0] =	vst.add.f32.msk $0xffff, v1  }
0x163: {  	v1 =	vld [tilespmem:s20+$0xA00];
	_ =	sdelay $0x4  }
0x164: {  	[tilespmem:s18+$0x8300] =	vst.add.f32.msk $0xffff, v1  }
0x165: {  	v1 =	vld [tilespmem:s20+$0xA10]  }
0x166: {  	(v2sf) =	vpush v0, $0x3;
	_ =	sdelay $0x3  }
0x167: {  	[tilespmem:s18+$0x8310] =	vst.add.f32.msk $0xffff, v1  }
0x168: {  	v1 =	vld [tilespmem:s20+$0xA20];
	_ =	sdelay $0x4  }
0x169: {  	[tilespmem:s18+$0x8320] =	vst.add.f32.msk $0xffff, v1  }
0x16a: {  	v1 =	vld [tilespmem:s20+$0xA30];
	_ =	sdelay $0x3  }
0x16b: {  	s22 =	spop (v2sf)  }
0x16c: {  	s20 =	sand.u32 $0x380, s22;
	[tilespmem:s18+$0x8330] =	vst.add.f32.msk $0xffff, v1  }
0x16d: {  	v1 =	vld [tilespmem:s20+$0xE00];
	_ =	sdelay $0x4  }
0x16e: {  	[tilespmem:s18+$0x8380] =	vst.add.f32.msk $0xffff, v1  }
0x16f: {  	v1 =	vld [tilespmem:s20+$0xE10]  }
0x170: {  	(v2sf) =	vpush v0, $0x4;
	_ =	sdelay $0x3  }
0x171: {  	[tilespmem:s18+$0x8390] =	vst.add.f32.msk $0xffff, v1  }
0x172: {  	v1 =	vld [tilespmem:s20+$0xE20];
	_ =	sdelay $0x4  }
0x173: {  	[tilespmem:s18+$0x83A0] =	vst.add.f32.msk $0xffff, v1  }
0x174: {  	v1 =	vld [tilespmem:s20+$0xE30];
	_ =	sdelay $0x3  }
0x175: {  	s21 =	spop (v2sf)  }
0x176: {  	s20 =	sand.u32 $0x380, s21;
	[tilespmem:s18+$0x83B0] =	vst.add.f32.msk $0xffff, v1  }
0x177: {  	v1 =	vld [tilespmem:s20+$0x1200];
	_ =	sdelay $0x4  }
0x178: {  	[tilespmem:s18+$0x8400] =	vst.add.f32.msk $0xffff, v1  }
0x179: {  	v1 =	vld [tilespmem:s20+$0x1210]  }
0x17a: {  	(v2sf) =	vpush v0, $0x5;
	_ =	sdelay $0x3  }
0x17b: {  	[tilespmem:s18+$0x8410] =	vst.add.f32.msk $0xffff, v1  }
0x17c: {  	v1 =	vld [tilespmem:s20+$0x1220];
	_ =	sdelay $0x4  }
0x17d: {  	[tilespmem:s18+$0x8420] =	vst.add.f32.msk $0xffff, v1  }
0x17e: {  	v1 =	vld [tilespmem:s20+$0x1230];
	_ =	sdelay $0x3  }
0x17f: {  	s22 =	spop (v2sf)  }
0x180: {  	s20 =	sand.u32 $0x380, s22;
	[tilespmem:s18+$0x8430] =	vst.add.f32.msk $0xffff, v1  }
0x181: {  	v1 =	vld [tilespmem:s20+$0x1600];
	_ =	sdelay $0x4  }
0x182: {  	[tilespmem:s18+$0x8480] =	vst.add.f32.msk $0xffff, v1  }
0x183: {  	v1 =	vld [tilespmem:s20+$0x1610]  }
0x184: {  	(v2sf) =	vpush v0, $0x6;
	_ =	sdelay $0x3  }
0x185: {  	[tilespmem:s18+$0x8490] =	vst.add.f32.msk $0xffff, v1  }
0x186: {  	v1 =	vld [tilespmem:s20+$0x1620];
	_ =	sdelay $0x4  }
0x187: {  	[tilespmem:s18+$0x84A0] =	vst.add.f32.msk $0xffff, v1  }
0x188: {  	v1 =	vld [tilespmem:s20+$0x1630];
	_ =	sdelay $0x3  }
0x189: {  	s21 =	spop (v2sf)  }
0x18a: {  	s20 =	sand.u32 $0x380, s21;
	[tilespmem:s18+$0x84B0] =	vst.add.f32.msk $0xffff, v1  }
0x18b: {  	v1 =	vld [tilespmem:s20+$0x1A00];
	_ =	sdelay $0x4  }
0x18c: {  	[tilespmem:s18+$0x8500] =	vst.add.f32.msk $0xffff, v1  }
0x18d: {  	v1 =	vld [tilespmem:s20+$0x1A10]  }
0x18e: {  	(v2sf) =	vpush v0, $0x7;
	_ =	sdelay $0x3  }
0x18f: {  	[tilespmem:s18+$0x8510] =	vst.add.f32.msk $0xffff, v1  }
0x190: {  	v1 =	vld [tilespmem:s20+$0x1A20];
	_ =	sdelay $0x4  }
0x191: {  	[tilespmem:s18+$0x8520] =	vst.add.f32.msk $0xffff, v1  }
0x192: {  	v1 =	vld [tilespmem:s20+$0x1A30];
	_ =	sdelay $0x3  }
0x193: {  	s22 =	spop (v2sf)  }
0x194: {  	s20 =	sand.u32 $0x380, s22;
	[tilespmem:s18+$0x8530] =	vst.add.f32.msk $0xffff, v1  }
0x195: {  	v1 =	vld [tilespmem:s20+$0x1E00];
	_ =	sdelay $0x4  }
0x196: {  	[tilespmem:s18+$0x8580] =	vst.add.f32.msk $0xffff, v1  }
0x197: {  	v1 =	vld [tilespmem:s20+$0x1E10]  }
0x198: {  	(v2sf) =	vpush v0, $0x8;
	_ =	sdelay $0x3  }
0x199: {  	[tilespmem:s18+$0x8590] =	vst.add.f32.msk $0xffff, v1  }
0x19a: {  	v1 =	vld [tilespmem:s20+$0x1E20];
	_ =	sdelay $0x4  }
0x19b: {  	[tilespmem:s18+$0x85A0] =	vst.add.f32.msk $0xffff, v1  }
0x19c: {  	v1 =	vld [tilespmem:s20+$0x1E30];
	_ =	sdelay $0x3  }
0x19d: {  	s21 =	spop (v2sf)  }
0x19e: {  	s20 =	sand.u32 $0x380, s21;
	[tilespmem:s18+$0x85B0] =	vst.add.f32.msk $0xffff, v1  }
0x19f: {  	v1 =	vld [tilespmem:s20+$0x2200];
	_ =	sdelay $0x4  }
0x1a0: {  	[tilespmem:s18+$0x8600] =	vst.add.f32.msk $0xffff, v1  }
0x1a1: {  	v1 =	vld [tilespmem:s20+$0x2210]  }
0x1a2: {  	(v2sf) =	vpush v0, $0x9;
	_ =	sdelay $0x3  }
0x1a3: {  	[tilespmem:s18+$0x8610] =	vst.add.f32.msk $0xffff, v1  }
0x1a4: {  	v1 =	vld [tilespmem:s20+$0x2220];
	_ =	sdelay $0x4  }
0x1a5: {  	[tilespmem:s18+$0x8620] =	vst.add.f32.msk $0xffff, v1  }
0x1a6: {  	v1 =	vld [tilespmem:s20+$0x2230];
	_ =	sdelay $0x3  }
0x1a7: {  	s22 =	spop (v2sf)  }
0x1a8: {  	s20 =	sand.u32 $0x380, s22;
	[tilespmem:s18+$0x8630] =	vst.add.f32.msk $0xffff, v1  }
0x1a9: {  	v1 =	vld [tilespmem:s20+$0x2600];
	_ =	sdelay $0x4  }
0x1aa: {  	[tilespmem:s18+$0x8680] =	vst.add.f32.msk $0xffff, v1  }
0x1ab: {  	v1 =	vld [tilespmem:s20+$0x2610]  }
0x1ac: {  	(v2sf) =	vpush v0, $0xA;
	_ =	sdelay $0x3  }
0x1ad: {  	[tilespmem:s18+$0x8690] =	vst.add.f32.msk $0xffff, v1  }
0x1ae: {  	v1 =	vld [tilespmem:s20+$0x2620];
	_ =	sdelay $0x4  }
0x1af: {  	[tilespmem:s18+$0x86A0] =	vst.add.f32.msk $0xffff, v1  }
0x1b0: {  	v1 =	vld [tilespmem:s20+$0x2630];
	_ =	sdelay $0x3  }
0x1b1: {  	s21 =	spop (v2sf)  }
0x1b2: {  	s20 =	sand.u32 $0x380, s21;
	[tilespmem:s18+$0x86B0] =	vst.add.f32.msk $0xffff, v1  }
0x1b3: {  	v1 =	vld [tilespmem:s20+$0x2A00];
	_ =	sdelay $0x4  }
0x1b4: {  	[tilespmem:s18+$0x8700] =	vst.add.f32.msk $0xffff, v1  }
0x1b5: {  	v1 =	vld [tilespmem:s20+$0x2A10]  }
0x1b6: {  	(v2sf) =	vpush v0, $0xB;
	_ =	sdelay $0x3  }
0x1b7: {  	[tilespmem:s18+$0x8710] =	vst.add.f32.msk $0xffff, v1  }
0x1b8: {  	v1 =	vld [tilespmem:s20+$0x2A20];
	_ =	sdelay $0x4  }
0x1b9: {  	[tilespmem:s18+$0x8720] =	vst.add.f32.msk $0xffff, v1  }
0x1ba: {  	v1 =	vld [tilespmem:s20+$0x2A30];
	_ =	sdelay $0x3  }
0x1bb: {  	s22 =	spop (v2sf)  }
0x1bc: {  	s20 =	sand.u32 $0x380, s22;
	[tilespmem:s18+$0x8730] =	vst.add.f32.msk $0xffff, v1  }
0x1bd: {  	v1 =	vld [tilespmem:s20+$0x2E00];
	_ =	sdelay $0x4  }
0x1be: {  	[tilespmem:s18+$0x8780] =	vst.add.f32.msk $0xffff, v1  }
0x1bf: {  	v1 =	vld [tilespmem:s20+$0x2E10]  }
0x1c0: {  	(v2sf) =	vpush v0, $0xC;
	_ =	sdelay $0x3  }
0x1c1: {  	[tilespmem:s18+$0x8790] =	vst.add.f32.msk $0xffff, v1  }
0x1c2: {  	v1 =	vld [tilespmem:s20+$0x2E20];
	_ =	sdelay $0x4  }
0x1c3: {  	[tilespmem:s18+$0x87A0] =	vst.add.f32.msk $0xffff, v1  }
0x1c4: {  	v1 =	vld [tilespmem:s20+$0x2E30];
	_ =	sdelay $0x3  }
0x1c5: {  	s21 =	spop (v2sf)  }
0x1c6: {  	s20 =	sand.u32 $0x380, s21;
	[tilespmem:s18+$0x87B0] =	vst.add.f32.msk $0xffff, v1  }
0x1c7: {  	v1 =	vld [tilespmem:s20+$0x3200];
	_ =	sdelay $0x4  }
0x1c8: {  	[tilespmem:s18+$0x8800] =	vst.add.f32.msk $0xffff, v1  }
0x1c9: {  	v1 =	vld [tilespmem:s20+$0x3210]  }
0x1ca: {  	(v2sf) =	vpush v0, $0xD;
	_ =	sdelay $0x3  }
0x1cb: {  	[tilespmem:s18+$0x8810] =	vst.add.f32.msk $0xffff, v1  }
0x1cc: {  	v1 =	vld [tilespmem:s20+$0x3220];
	_ =	sdelay $0x4  }
0x1cd: {  	[tilespmem:s18+$0x8820] =	vst.add.f32.msk $0xffff, v1  }
0x1ce: {  	v1 =	vld [tilespmem:s20+$0x3230];
	_ =	sdelay $0x3  }
0x1cf: {  	s22 =	spop (v2sf)  }
0x1d0: {  	s20 =	sand.u32 $0x380, s22;
	[tilespmem:s18+$0x8830] =	vst.add.f32.msk $0xffff, v1  }
0x1d1: {  	v1 =	vld [tilespmem:s20+$0x3600];
	_ =	sdelay $0x4  }
0x1d2: {  	[tilespmem:s18+$0x8880] =	vst.add.f32.msk $0xffff, v1  }
0x1d3: {  	v1 =	vld [tilespmem:s20+$0x3610]  }
0x1d4: {  	(v2sf) =	vpush v0, $0xE;
	_ =	sdelay $0x3  }
0x1d5: {  	[tilespmem:s18+$0x8890] =	vst.add.f32.msk $0xffff, v1  }
0x1d6: {  	v1 =	vld [tilespmem:s20+$0x3620];
	_ =	sdelay $0x4  }
0x1d7: {  	[tilespmem:s18+$0x88A0] =	vst.add.f32.msk $0xffff, v1  }
0x1d8: {  	v1 =	vld [tilespmem:s20+$0x3630];
	_ =	sdelay $0x3  }
0x1d9: {  	s21 =	spop (v2sf)  }
0x1da: {  	s20 =	sand.u32 $0x380, s21;
	[tilespmem:s18+$0x88B0] =	vst.add.f32.msk $0xffff, v1  }
0x1db: {  	v1 =	vld [tilespmem:s20+$0x3A00];
	_ =	sdelay $0x4  }
0x1dc: {  	[tilespmem:s18+$0x8900] =	vst.add.f32.msk $0xffff, v1  }
0x1dd: {  	v1 =	vld [tilespmem:s20+$0x3A10]  }
0x1de: {  	(v2sf) =	vpush v0, $0xF;
	_ =	sdelay $0x3  }
0x1df: {  	[tilespmem:s18+$0x8910] =	vst.add.f32.msk $0xffff, v1  }
0x1e0: {  	v63 =	vld [tilespmem:s20+$0x3A20];
	_ =	sdelay $0x4  }
0x1e1: {  	[tilespmem:s18+$0x8920] =	vst.add.f32.msk $0xffff, v63  }
0x1e2: {  	v0 =	vld [tilespmem:s20+$0x3A30];
	_ =	sdelay $0x3  }
0x1e3: {  	s22 =	spop (v2sf)  }
0x1e4: {  	s20 =	sand.u32 $0x380, s22;
	[tilespmem:s18+$0x8930] =	vst.add.f32.msk $0xffff, v0  }
0x1e5: {  	v0 =	vld [tilespmem:s20+$0x3E00];
	_ =	sdelay $0x4  }
0x1e6: {  	[tilespmem:s18+$0x8980] =	vst.add.f32.msk $0xffff, v0  }
0x1e7: {  	v0 =	vld [tilespmem:s20+$0x3E10];
	_ =	sdelay $0x4  }
0x1e8: {  	[tilespmem:s18+$0x8990] =	vst.add.f32.msk $0xffff, v0  }
0x1e9: {  	v0 =	vld [tilespmem:s20+$0x3E20];
	_ =	sdelay $0x4  }
0x1ea: {  	[tilespmem:s18+$0x89A0] =	vst.add.f32.msk $0xffff, v0  }
0x1eb: {  	p0 =	seq.s32 s17, $0x3C000;
	v0 =	vld [tilespmem:s20+$0x3E30]  }
.Ltmp4:
0x1ec: {  	_ = 	snop;
	(pc) =	sbr.rel @p0 .LBB2_4-.Ltmp4, $2  }
0x1ed: {  	_ =	sdelay $0x2  }
0x1ee: {  	[tilespmem:s18+$0x89B0] =	vst.add.f32.msk $0xffff, v0  }
0x1ef: {  	s20 =	sadd.s32 $0x20, s16;
	s21 =	sand.u32 $0xE00, s15  }
0x1f0: {  	s20 =	sand.u32 $0x60, s20;
	s21 =	sshrl.u32 s21, $0x2  }
0x1f1: {  	s20 =	sor.u32 s20, s21  }
0x1f2: {  	v0 =	vld [tilespmem:s20+$0x0];
	_ =	sdelay $0x4  }
0x1f3: {  	v0 =	vshll.u32 v0, $0x4  }
0x1f4: {  	(v2sf) =	vpush v0, $0x0;
	_ =	sdelay $0x1  }
0x1f5: {  	(v2sf) =	vpush v0, $0x1;
	_ =	sdelay $0x5  }
0x1f6: {  	(v2sf) =	vpush v0, $0x2;
	_ =	sdelay $0x1  }
0x1f7: {  	(v2sf) =	vpush v0, $0x3;
	_ =	sdelay $0x4  }
0x1f8: {  	s21 =	spop (v2sf);
	(v2sf) =	vpush v0, $0x4;
	_ =	sdelay $0x1  }
0x1f9: {  	s20 =	sand.u32 $0x1FFFFF80, s21;
	s21 =	spop (v2sf);
	(v2sf) =	vpush v0, $0x5;
	_ =	sdelay $0x2  }
0x1fa: {  	s22 =	simm.s32 $0x200;
	s20 =	sadd.s32 s3, s20  }
0x1fb: {  	[tilespmem:s22], [sflag:$0x1] =	stream.linear.gather [hbm4b:s20+s2], $0x400, $0x38;
	[tilespmem:$0x18200] =	vst v63  }
0x1fc: {  	(v2sf) =	vpush v0, $0x6;
	s20 =	sand.u32 $0x1FFFFF80, s21  }
0x1fd: {  	s22 =	simm.s32 $0x600;
	s21 =	spop (v2sf);
	s20 =	sadd.s32 s3, s20  }
0x1fe: {  	[tilespmem:s22], [sflag:$0x1] =	stream.linear.gather [hbm4b:s20+s2], $0x400, $0x38;
	[tilespmem:$0x18200] =	vst v63  }
0x1ff: {  	s20 =	sand.u32 $0x1FFFFF80, s21;
	s21 =	spop (v2sf);
	(v2sf) =	vpush v0, $0x7;
	_ =	sdelay $0x1  }
0x200: {  	s22 =	simm.s32 $0xA00;
	s20 =	sadd.s32 s3, s20  }
0x201: {  	[tilespmem:s22], [sflag:$0x1] =	stream.linear.gather [hbm4b:s20+s2], $0x400, $0x38;
	[tilespmem:$0x18200] =	vst v63  }
0x202: {  	s20 =	sand.u32 $0x1FFFFF80, s21  }
0x203: {  	s22 =	simm.s32 $0xE00;
	s20 =	sadd.s32 s3, s20;
	s21 =	spop (v2sf);
	(v2sf) =	vpush v0, $0x8  }
0x204: {  	[tilespmem:s22], [sflag:$0x1] =	stream.linear.gather [hbm4b:s20+s2], $0x400, $0x38;
	[tilespmem:$0x18200] =	vst v63  }
0x205: {  	s20 =	sand.u32 $0x1FFFFF80, s21;
	s21 =	spop (v2sf);
	(v2sf) =	vpush v0, $0x9;
	_ =	sdelay $0x1  }
0x206: {  	s22 =	simm.s32 $0x1200;
	s20 =	sadd.s32 s3, s20  }
0x207: {  	(v2sf) =	vpush v0, $0xA;
	[tilespmem:s22], [sflag:$0x1] =	stream.linear.gather [hbm4b:s20+s2], $0x400, $0x38;
	[tilespmem:$0x18200] =	vst v63  }
0x208: {  	s20 =	sand.u32 $0x1FFFFF80, s21  }
0x209: {  	s22 =	simm.s32 $0x1600;
	s21 =	spop (v2sf);
	s20 =	sadd.s32 s3, s20  }
0x20a: {  	(v2sf) =	vpush v0, $0xB;
	[tilespmem:s22], [sflag:$0x1] =	stream.linear.gather [hbm4b:s20+s2], $0x400, $0x38;
	[tilespmem:$0x18200] =	vst v63  }
0x20b: {  	s20 =	sand.u32 $0x1FFFFF80, s21  }
0x20c: {  	s22 =	simm.s32 $0x1A00;
	s21 =	spop (v2sf);
	s20 =	sadd.s32 s3, s20  }
0x20d: {  	(v2sf) =	vpush v0, $0xC;
	[tilespmem:s22], [sflag:$0x1] =	stream.linear.gather [hbm4b:s20+s2], $0x400, $0x38;
	[tilespmem:$0x18200] =	vst v63  }
0x20e: {  	s20 =	sand.u32 $0x1FFFFF80, s21  }
0x20f: {  	s22 =	simm.s32 $0x1E00;
	s20 =	sadd.s32 s3, s20  }
0x210: {  	[tilespmem:s22], [sflag:$0x1] =	stream.linear.gather [hbm4b:s20+s2], $0x400, $0x38;
	[tilespmem:$0x18200] =	vst v63  }
0x211: {  	s21 =	spop (v2sf)  }
0x212: {  	(v2sf) =	vpush v0, $0xD;
	s20 =	sand.u32 $0x1FFFFF80, s21  }
0x213: {  	s22 =	simm.s32 $0x2200;
	s21 =	spop (v2sf);
	(v2sf) =	vpush v0, $0xE;
	s20 =	sadd.s32 s3, s20  }
0x214: {  	[tilespmem:s22], [sflag:$0x1] =	stream.linear.gather [hbm4b:s20+s2], $0x400, $0x38;
	[tilespmem:$0x18200] =	vst v63  }
0x215: {  	s20 =	sand.u32 $0x1FFFFF80, s21  }
0x216: {  	s22 =	simm.s32 $0x2600;
	s21 =	spop (v2sf);
	(v2sf) =	vpush v0, $0xF;
	s20 =	sadd.s32 s3, s20  }
0x217: {  	[tilespmem:s22], [sflag:$0x1] =	stream.linear.gather [hbm4b:s20+s2], $0x400, $0x38;
	[tilespmem:$0x18200] =	vst v63  }
0x218: {  	s20 =	sand.u32 $0x1FFFFF80, s21  }
0x219: {  	s21 =	spop (v2sf);
	s22 =	simm.s32 $0x2A00;
	s20 =	sadd.s32 s3, s20  }
0x21a: {  	[tilespmem:s22], [sflag:$0x1] =	stream.linear.gather [hbm4b:s20+s2], $0x400, $0x38;
	[tilespmem:$0x18200] =	vst v63  }
0x21b: {  	s22 =	sand.u32 $0x1FFFFF80, s21  }
0x21c: {  	s21 =	spop (v2sf);
	s20 =	sadd.s32 s3, s22;
	s22 =	simm.s32 $0x2E00  }
0x21d: {  	[tilespmem:s22], [sflag:$0x1] =	stream.linear.gather [hbm4b:s20+s2], $0x400, $0x38;
	[tilespmem:$0x18200] =	vst v63  }
0x21e: {  	s22 =	sand.u32 $0x1FFFFF80, s21  }
0x21f: {  	s20 =	sadd.s32 s3, s22;
	s22 =	simm.s32 $0x3200  }
0x220: {  	[tilespmem:s22], [sflag:$0x1] =	stream.linear.gather [hbm4b:s20+s2], $0x400, $0x38;
	[tilespmem:$0x18200] =	vst v63  }
0x221: {  	s21 =	spop (v2sf)  }
0x222: {  	s21 =	sand.u32 $0x1FFFFF80, s21;
	s22 =	spop (v2sf)  }
0x223: {  	s20 =	sadd.s32 s3, s21;
	s21 =	sand.u32 $0x1FFFFF80, s22  }
0x224: {  	[tilespmem:s23], [sflag:$0x1] =	stream.linear.gather [hbm4b:s20+s2], $0x400, $0x38;
	[tilespmem:$0x18200] =	vst v63  }
.Ltmp5:
0x225: {  	s20 =	sadd.s32 s3, s21;
	s22 =	spop (v2sf);
	(pc) =	sbr.rel .LBB2_4-.Ltmp5, $4  }
0x226: {  	[tilespmem:s24], [sflag:$0x1] =	stream.linear.gather [hbm4b:s20+s2], $0x400, $0x38;
	[tilespmem:$0x18200] =	vst v63  }
0x227: {  	s20 =	sand.u32 $0x1FFFFF80, s22  }
0x228: {  	s20 =	sadd.s32 s3, s20  }
0x229: {  	[tilespmem:s25], [sflag:$0x1] =	stream.linear.gather [hbm4b:s20+s2], $0x400, $0x38;
	[tilespmem:$0x18200] =	vst v63  }
.LBB2_6:
0x22a: {  	_ =	sfence.sel $0x180000  }
0x22b: {  	[bflag:$0x0] =	sbarrier.arrive $0xFFFF  }
0x22c: {  	_ =	strace $0x90000047  }
0x22d: {  	s0 =	stileid.u32;
	[bflag:$0x2] =	sbarrier.arrive $0xFFFF  }
0x22e: {  	p0 =	sne.s32 s0, $0x0;
	s0 =	rddreg [dreg:$0x2]  }
0x22f: {  	s0 =	sadd.s32 @!p0 $0x100000, s0  }
0x230: {  	[sflag:s0] =	ssyncadd.tile.s32 @!p0 $0x1;
	_ =	shalt  }
.Lfunc_end2:
_tile_overlayer_lowered:
.L_overlay_start_2:
0x231: {  	(tag) =	ssettag $0x2  }
0x232: {  	s0 =	rddreg [dreg:$0x0];
	s2 =	stileid.u32  }
0x233: {  	s1 =	rddreg [dreg:$0x1];
	p0 =	sne.s32 s2, $0x0  }
0x234: {  	s3 =	rddreg [dreg:$0x2];
	[bflag:$0x3] =	sbarrier.arrive $0xFFFF;
	s2 =	simm.s32 @!p0 $0x1C04  }
0x235: {  	[timem:s3], [sflag:s2] =	dma.local @!p0 [hbm:s0], s1  }
0x236: {  	s0 =	simm.s32 @!p0 $0x4  }
0x237: {  	_ =	swait.ge @!p0 [sflag:s0], s1  }
0x238: {  	s1 =	ssub.s32 @!p0 $0x0, s1;
	[sflag:s0] =	ssyncset.done @!p0 $0x0  }
0x239: {  	[sflag:s0] =	ssyncadd.s32 @!p0 s1  }
0x23a: {  	[bflag:$0x3] =	sbarrier.arrive $0xFFFF  }
0x23b: {  	_ =	shalt  }

</sc_bundles>
